<compile_context>
chip_gen: v7x
topology: tpu7x:2x2x1
jax: 0.10.2.dev20260603
libtpu: 0.0.44.dev20260713+nightly
codegen_flags: <defaults>
</compile_context>

<pallas_src>
import functools
import math

import jax
import jax.numpy as jnp
from jax import lax
from jax.experimental import pallas as pl
from jax.experimental.pallas import tpu as pltpu
from jax.experimental.pallas import tpu_sc as plsc

N, K, IDIM, HDIM = 10000, 16, 128, 64
C1 = 64
CLAMP = 1.9

NP = 10240
NSLICE = 2
SP = NP // NSLICE
BN = 1024
NB = SP // BN
NW = 32
CHUNK = 128
SROWS = K * SP
CPW = SROWS // (NW * CHUNK)
NBUF = 4
ROUNDS = CPW // NBUF - 1
PPW = SP // NW
PLOAD = PPW // 2


def _make_sc(point_base):
    def body(table_hbm, idx_hbm, out_hbm, stage_v, idx_v, rows_v, table_sh,
             gsem, ssem):
        sid = lax.axis_index("s")
        wid = sid * 2 + lax.axis_index("c")

        @pl.when(sid == 0)
        def _load_table():
            pltpu.sync_copy(table_hbm, table_sh)

        plsc.subcore_barrier()

        def load_l(L, carry):
            pltpu.sync_copy(
                idx_hbm.at[pl.ds(point_base + wid * PPW + L * PLOAD, PLOAD)],
                stage_v)
            for j in range(PLOAD // 8):
                for r in range(8):
                    idx_v[L * (PLOAD // 8) + j, r * K:(r + 1) * K] = (
                        stage_v[8 * j + r, :K])
            return carry

        lax.fori_loop(0, PPW // PLOAD, load_l, 0)

        def gather(c, b):
            pltpu.async_copy(table_sh.at[idx_v.at[c]], rows_v.at[b],
                             gsem.at[b])

        def store(chalf, b):
            row0 = (wid * (CPW // 2) + chalf) * CHUNK
            pltpu.async_copy(rows_v.at[b],
                             out_hbm.at[pl.ds(row0, CHUNK),
                                        pl.ds((b % 2) * C1, C1)],
                             ssem.at[b])

        def wait_g(b):
            pltpu.make_async_copy(table_sh.at[idx_v.at[0]], rows_v.at[b],
                                  gsem.at[b]).wait()

        def wait_s(b):
            pltpu.make_async_copy(rows_v.at[b],
                                  out_hbm.at[pl.ds(0, CHUNK), pl.ds(0, C1)],
                                  ssem.at[b]).wait()

        for b in range(NBUF):
            gather(b, b)

        def round_body(t, carry):
            for b in range(NBUF):
                wait_g(b)
                store(t * (NBUF // 2) + b // 2, b)
            for b in range(NBUF):
                wait_s(b)
                gather((t + 1) * NBUF + b, b)
            return carry

        lax.fori_loop(0, ROUNDS, round_body, 0)

        for b in range(NBUF):
            wait_g(b)
            store(ROUNDS * (NBUF // 2) + b // 2, b)
        for b in range(NBUF):
            wait_s(b)

    return functools.partial(
        pl.kernel,
        out_type=jax.ShapeDtypeStruct((SROWS // 2, 128), jnp.float32),
        mesh=plsc.VectorSubcoreMesh(core_axis_name="c", subcore_axis_name="s"),
        scratch_types=[
            pltpu.VMEM((PLOAD, 128), jnp.int32),
            pltpu.VMEM((CPW, CHUNK), jnp.int32),
            pltpu.VMEM((NBUF, CHUNK, C1), jnp.float32),
            pltpu.VMEM_SHARED((N, C1), jnp.float32),
            pltpu.SemaphoreType.DMA((NBUF,)),
            pltpu.SemaphoreType.DMA((NBUF,)),
        ],
        compiler_params=pltpu.CompilerParams(use_tc_tiling_on_sc=False),
    )(body)


_sc_gathers = [_make_sc(s * SP) for s in range(NSLICE)]


def _atan(y):
    t = jnp.abs(y)
    inv = t > 1.0
    r = jnp.where(inv, 1.0 / jnp.maximum(t, 1e-30), t)
    u = r / (1.0 + jnp.sqrt(1.0 + r * r))
    s = u * u
    p = u * (1.0 + s * (-1.0 / 3.0 + s * (1.0 / 5.0 + s * (-1.0 / 7.0 + s * (1.0 / 9.0)))))
    a = 2.0 * p
    a = jnp.where(inv, (math.pi / 2.0) - a, a)
    return jnp.sign(y) * a


def _sclamp(s):
    return CLAMP * 0.636 * _atan(s / CLAMP)


def _make_mlp_body(point_base):
    def body(x_ref, g_ref, mf_ref, bf_ref, wp_ref, b1_ref, wq_ref,
             w2_ref, b2_ref, w3_ref, b3_ref, z_ref, ld_ref):
        i = pl.program_id(0)
        f32 = jnp.float32
        z = (jnp.dot(x_ref[...], mf_ref[...], preferred_element_type=f32)
             + bf_ref[...])
        h1 = z[:, :C1]
        P = jnp.dot(h1, wp_ref[...], preferred_element_type=f32) + b1_ref[...]
        P3 = P.reshape(BN // 16, 16, 4 * HDIM)
        z3 = z.reshape(BN // 16, 16, IDIM)

        A2 = jnp.dot(g_ref[...], wq_ref[...], preferred_element_type=f32)

        n3 = (point_base + i * BN
              + 16 * lax.broadcasted_iota(jnp.int32, (BN // 16, 8, 1), 0)
              + lax.broadcasted_iota(jnp.int32, (BN // 16, 8, 1), 1))

        z_halves = []
        ld_part = jnp.zeros((1, 1), f32)
        for h in range(2):
            Ph = P3[:, 8 * h:8 * h + 8, :].reshape(BN // 2, 4 * HDIM)
            Ah = A2[:, h * 4 * HDIM:(h + 1) * 4 * HDIM]
            Ah = jnp.maximum(
                Ah.reshape(BN // 2, K, 4 * HDIM) + Ph[:, None, :], 0.0)
            Hh = jnp.maximum(
                jnp.dot(Ah.reshape(BN * K // 2, 4 * HDIM), w2_ref[...],
                        preferred_element_type=f32) + b2_ref[...], 0.0)
            acc = jnp.max(Hh.reshape(BN // 2, K, 4 * HDIM), axis=1)
            out = (jnp.dot(acc, w3_ref[...], preferred_element_type=f32)
                   + b3_ref[...])
            s1 = _sclamp(out[:, 0:64])
            t1 = out[:, 64:128]
            s2 = _sclamp(out[:, 128:192])
            t2 = out[:, 192:256]
            zh = z3[:, 8 * h:8 * h + 8, :].reshape(BN // 2, IDIM)
            h2h = zh[:, C1:]
            h2h = h2h * jnp.exp(s1) + t1
            h2h = h2h * jnp.exp(s2) + t2
            z_halves.append(
                jnp.concatenate([zh[:, :C1], h2h],
                                axis=1).reshape(BN // 16, 8, IDIM))
            valid = (n3 + 8 * h) < N
            masked = jnp.where(valid, (s1 + s2).reshape(BN // 16, 8, C1), 0.0)
            ld_part = ld_part + jnp.reshape(jnp.sum(masked), (1, 1))

        z_ref[...] = jnp.concatenate(z_halves, axis=1).reshape(BN, IDIM)

        @pl.when(i == 0)
        def _init():
            ld_ref[...] = ld_part

        @pl.when(i != 0)
        def _acc():
            ld_ref[...] = ld_ref[...] + ld_part

    return body


def _full(shape):
    return pl.BlockSpec(shape, lambda i: tuple(0 for _ in shape))


def _make_mlp(s):
    xoff = s * NB
    return pl.pallas_call(
        _make_mlp_body(s * SP),
        grid=(NB,),
        in_specs=[
            pl.BlockSpec((BN, IDIM), lambda i: (i + xoff, 0)),
            pl.BlockSpec((BN * K // 2, 2 * C1), lambda i: (i, 0)),
            _full((IDIM, IDIM)),
            _full((1, IDIM)),
            _full((C1, 4 * HDIM)),
            _full((1, 4 * HDIM)),
            _full((2 * C1, 8 * HDIM)),
            _full((4 * HDIM, 4 * HDIM)),
            _full((1, 4 * HDIM)),
            _full((4 * HDIM, 4 * HDIM)),
            _full((1, 4 * HDIM)),
        ],
        out_specs=[
            pl.BlockSpec((BN, IDIM), lambda i: (i, 0)),
            pl.BlockSpec((1, 1), lambda i: (0, 0)),
        ],
        out_shape=[
            jax.ShapeDtypeStruct((SP, IDIM), jnp.float32),
            jax.ShapeDtypeStruct((1, 1), jnp.float32),
        ],
    )


_tc_mlps = [_make_mlp(s) for s in range(NSLICE)]


def kernel(x, c, knn_idx, params):
    del c
    logs = params["actnorm_logs"].reshape(IDIM)
    biasv = params["actnorm_bias"].reshape(IDIM)
    E = jnp.exp(logs)
    E1, B1 = E[:C1], biasv[:C1]
    MF = E[None, :] * jnp.flip(jnp.eye(IDIM, dtype=jnp.float32), axis=0)

    WPs, WQfs, b1s, W2s, b2s, W3s, b3s = [], [], [], [], [], [], []
    for p in (params["c1_scale"], params["c1_shift"],
              params["c2_scale"], params["c2_shift"]):
        w1a, w1b, w1c = p["w1"][:C1], p["w1"][C1:2 * C1], p["w1"][2 * C1:]
        WQ = w1b + w1c
        WPs.append(w1a - w1b)
        WQfs.append(jnp.flip(E1[:, None] * WQ, axis=0))
        b1s.append(p["b1"] + B1 @ WQ)
        W2s.append(p["w2"]); b2s.append(p["b2"])
        W3s.append(p["w3"]); b3s.append(p["b3"])
    WP = jnp.concatenate(WPs, axis=1)
    WQf = jnp.concatenate(WQfs, axis=1)
    eye2 = jnp.eye(2, dtype=jnp.float32)
    WQ2 = (eye2[:, None, :, None]
           * jnp.stack([WQf, WQf])[:, :, None, :]).reshape(2 * C1, 8 * HDIM)
    eye4 = jnp.eye(4, dtype=jnp.float32)
    W2BD = (eye4[:, None, :, None]
            * jnp.stack(W2s)[:, :, None, :]).reshape(4 * HDIM, 4 * HDIM)
    W3BD = (eye4[:, None, :, None]
            * jnp.stack(W3s)[:, :, None, :]).reshape(4 * HDIM, 4 * HDIM)
    b1cat = jnp.concatenate(b1s)[None, :]
    b2cat = jnp.concatenate(b2s)[None, :]
    b3cat = jnp.concatenate(b3s)[None, :]

    xs = x[0, :, C1:]
    idxp = jnp.pad(knn_idx[0].astype(jnp.int32), ((0, NP - N), (0, 128 - K)))
    x_pad = jnp.pad(x[0], ((0, NP - N), (0, 0)))

    zs, ld_total = [], jnp.sum(logs) * N
    for s in range(NSLICE):
        G = _sc_gathers[s](xs, idxp)
        zout, ld = _tc_mlps[s](x_pad, G, MF, biasv[None, :], WP, b1cat, WQ2,
                               W2BD, b2cat, W3BD, b3cat)
        zs.append(zout)
        ld_total = ld_total + ld[0, 0]
    z = jnp.concatenate(zs, axis=0)[:N].reshape(1, N, IDIM)
    return z, jnp.reshape(ld_total, (1,))

# --- scband reference (transcript-rebuilt; emitter-appended) ---
"""Pipeline reference for scband-flow-assembly-61048665145728 (READ-ONLY COPY).

The authoritative reference and input builder live on the scoring server;
editing this copy changes nothing except your own understanding.
"""

import jax, jax.numpy as jnp
import numpy as np

B, N, K = 1, 10000, 16
IDIM, HDIM = 128, 64
C1 = IDIM - IDIM // 2
C2 = IDIM // 2
CLAMP = 1.9


def _knn_conv_params(key, in_ch, hid, out_ch):
    k1, k2, k3 = jax.random.split(key, 3)
    return {
        "w1": jax.random.normal(k1, (in_ch * 3, hid), dtype=jnp.float32) * 0.02,
        "b1": jnp.zeros((hid,), dtype=jnp.float32),
        "w2": jax.random.normal(k2, (hid, hid), dtype=jnp.float32) * 0.02,
        "b2": jnp.zeros((hid,), dtype=jnp.float32),
        "w3": jax.random.normal(k3, (hid, out_ch), dtype=jnp.float32) * 0.05,
        "b3": jnp.zeros((out_ch,), dtype=jnp.float32),
    }


def setup_inputs(seed: int = 0) -> dict:
    key = jax.random.key(seed)
    ks = jax.random.split(key, 8)
    x = jax.random.normal(ks[0], (B, N, IDIM), dtype=jnp.float32)
    c = jnp.zeros((B, N, 32), dtype=jnp.float32)
    knn_idx = jax.random.randint(ks[1], (B, N, K), 0, N)
    params = {
        "actnorm_logs": jax.random.normal(ks[2], (1, 1, IDIM), dtype=jnp.float32) * 0.01,
        "actnorm_bias": jax.random.normal(ks[3], (1, 1, IDIM), dtype=jnp.float32) * 0.01,
        "c1_scale": _knn_conv_params(ks[4], C1, HDIM, C2),
        "c1_shift": _knn_conv_params(ks[5], C1, HDIM, C2),
        "c2_scale": _knn_conv_params(ks[6], C1, HDIM, C2),
        "c2_shift": _knn_conv_params(ks[7], C1, HDIM, C2),
    }
    return {"x": x, "c": c, "knn_idx": knn_idx, "params": params}


def _knn_conv(p, h, knn_idx):
    # h: [B, N, C], knn_idx: [B, N, K] -> gather neighbor features [B, N, K, C]
    knn_feat = jax.vmap(lambda xi, ii: xi[ii])(h, knn_idx)
    tiled = jnp.broadcast_to(h[:, :, None, :], knn_feat.shape)
    f = jnp.concatenate([tiled, knn_feat - tiled, knn_feat], axis=-1)
    f = jax.nn.relu(f @ p["w1"] + p["b1"])
    f = jax.nn.relu(f @ p["w2"] + p["b2"])
    f = jnp.max(f, axis=2)
    return f @ p["w3"] + p["b3"]


def _soft_clamp(s):
    return CLAMP * 0.636 * jnp.arctan(s / CLAMP)


def _affine_coupling(p_scale, p_shift, x, knn_idx):
    h1 = x[:, :, :C1]
    h2 = x[:, :, C1:]
    scale = _soft_clamp(_knn_conv(p_scale, h1, knn_idx))
    shift = _knn_conv(p_shift, h1, knn_idx)
    h2 = h2 * jnp.exp(scale) + shift
    log_det = jnp.sum(scale, axis=(1, 2))
    return jnp.concatenate([h1, h2], axis=2), log_det


def reference(x, c, knn_idx, params):
    # Permutation('reverse', idim, dim=2)
    z = jnp.flip(x, axis=2)
    # ActNorm over channel dim 2
    z = z * jnp.exp(params["actnorm_logs"]) + params["actnorm_bias"]
    log_det0 = jnp.sum(params["actnorm_logs"]) * z.shape[1]
    log_det0 = jnp.full((z.shape[0],), log_det0, dtype=z.dtype)
    # coupling1
    z, log_det1 = _affine_coupling(params["c1_scale"], params["c1_shift"], z, knn_idx)
    # coupling2
    z, log_det3 = _affine_coupling(params["c2_scale"], params["c2_shift"], z, knn_idx)
    return z, log_det0 + log_det1 + log_det3

if __name__ == "__main__":
    import jax
    _d = setup_inputs()
    print(jax.jit(kernel)(*tuple(_d.values())))

</pallas_src>

<mosaic_0001>
#map = affine_map<(d0, d1) -> (0, 0)>
module attributes {stable_mosaic.version = 14 : i64} {
  func.func @body(%arg0: i32, %arg1: i32, %arg2: memref<10000x64xf32, #tpu.memory_space<hbm>>, %arg3: memref<10240x128xi32, #tpu.memory_space<hbm>>, %arg4: memref<40960x128xf32, #tpu.memory_space<hbm>>, %arg5: memref<80x128xi32, #tpu.memory_space<vmem>>, %arg6: memref<20x128xi32, #tpu.memory_space<vmem>>, %arg7: memref<4x128x64xf32, #tpu.memory_space<vmem>>, %arg8: memref<10000x64xf32, #tpu.memory_space<vmem_shared>>, %arg9: memref<4x!tpu.dma_semaphore, #tpu.memory_space<semaphore_mem>>, %arg10: memref<4x!tpu.dma_semaphore, #tpu.memory_space<semaphore_mem>>) attributes {dimension_semantics = [#tpu.dimension_semantics<core_parallel>, #tpu.dimension_semantics<subcore_parallel>], iteration_bounds = array<i64: 2, 16>, scalar_prefetch = 0 : i64, scratch_operands = 6 : i64, tpu.core_type = #tpu.core_type<sc_vector_subcore>, window_params = [{transform_indices = #map}, {transform_indices = #map}, {transform_indices = #map}]} {
    %mul3A = arith.constant 2 : i32
    %mul3A_0 = arith.muli %arg1, %mul3A : i32
    %add3A = arith.addi %mul3A_0, %arg0 : i32
    %eq3A = arith.constant 0 : i32
    %eq3A_1 = arith.cmpi eq, %arg1, %eq3A : i32
    %convert_element_type3A = arith.extui %eq3A_1 : i1 to i32
    %cond3A = arith.constant 0 : i32
    %cond3A_2 = arith.cmpi ne, %convert_element_type3A, %cond3A : i32
    scf.if %cond3A_2 {
      "tpu.region"() ({
        %run_scoped3A = tpu.sem_alloc : memref<!tpu.dma_semaphore, #tpu.memory_space<semaphore_mem>>
        tpu.enqueue_dma source(%arg2 : memref<10000x64xf32, #tpu.memory_space<hbm>>) target(%arg8 : memref<10000x64xf32, #tpu.memory_space<vmem_shared>>) target_semaphore(%run_scoped3A : memref<!tpu.dma_semaphore, #tpu.memory_space<semaphore_mem>>)
        tpu.wait_dma2 semaphore(%run_scoped3A : memref<!tpu.dma_semaphore, #tpu.memory_space<semaphore_mem>>) src(%arg2 : memref<10000x64xf32, #tpu.memory_space<hbm>>) dst(%arg8 : memref<10000x64xf32, #tpu.memory_space<vmem_shared>>)
        tpu.yield
      }) : () -> ()
    } else {
    }
    %barrier3A = arith.constant 0 : index
    tpu.barrier barrier_id(%barrier3A)
    %scan3A = arith.constant 0 : i32
    %scan3A_3 = arith.constant 0 : i32
    %scan3A_4 = arith.constant 2 : i32
    %scan3A_5 = arith.addi %scan3A_3, %scan3A_4 : i32
    %scan3A_6 = arith.constant 1 : i32
    scf.for %scan3A_292 = %scan3A_3 to %scan3A_5 step %scan3A_6  : i32 {
      %mul3A_293 = arith.constant 160 : i32
      %mul3A_294 = arith.muli %add3A, %mul3A_293 : i32
      %add3A_295 = arith.constant 5120 : i32
      %add3A_296 = arith.addi %add3A_295, %mul3A_294 : i32
      %mul3A_297 = arith.constant 80 : i32
      %mul3A_298 = arith.muli %scan3A_292, %mul3A_297 : i32
      %add3A_299 = arith.addi %add3A_296, %mul3A_298 : i32
      "tpu.region"() ({
        %run_scoped3A = tpu.sem_alloc : memref<!tpu.dma_semaphore, #tpu.memory_space<semaphore_mem>>
        %dma_start3A_1418 = arith.constant 0 : i32
        %dma_start3A_1419 = tpu.memref_slice %arg3[%add3A_299, %dma_start3A_1418] : memref<10240x128xi32, #tpu.memory_space<hbm>> -> memref<80x128xi32, #tpu.memory_space<hbm>>
        %dma_start3A_1420 = arith.constant 0 : i32
        %dma_start3A_1421 = tpu.memref_slice %arg3[%add3A_299, %dma_start3A_1420] : memref<10240x128xi32, #tpu.memory_space<hbm>> -> memref<80x128xi32, #tpu.memory_space<hbm>>
        tpu.enqueue_dma source(%dma_start3A_1421 : memref<80x128xi32, #tpu.memory_space<hbm>>) target(%arg5 : memref<80x128xi32, #tpu.memory_space<vmem>>) target_semaphore(%run_scoped3A : memref<!tpu.dma_semaphore, #tpu.memory_space<semaphore_mem>>)
        %dma_wait3A_1422 = arith.constant 0 : i32
        %dma_wait3A_1423 = tpu.memref_slice %arg3[%add3A_299, %dma_wait3A_1422] : memref<10240x128xi32, #tpu.memory_space<hbm>> -> memref<80x128xi32, #tpu.memory_space<hbm>>
        %dma_wait3A_1424 = arith.constant 0 : i32
        %dma_wait3A_1425 = tpu.memref_slice %arg3[%add3A_299, %dma_wait3A_1424] : memref<10240x128xi32, #tpu.memory_space<hbm>> -> memref<80x128xi32, #tpu.memory_space<hbm>>
        tpu.wait_dma2 semaphore(%run_scoped3A : memref<!tpu.dma_semaphore, #tpu.memory_space<semaphore_mem>>) src(%dma_wait3A_1425 : memref<80x128xi32, #tpu.memory_space<hbm>>) dst(%arg5 : memref<80x128xi32, #tpu.memory_space<vmem>>)
        tpu.yield
      }) : () -> ()
      %get3A = arith.constant 0 : i32
      %get3A_300 = arith.index_cast %get3A : i32 to index
      %get3A_301 = arith.constant 0 : index
      %get3A_302 = tpu.vector_load %arg5[%get3A_300, %get3A_301] {strides = array<i32>} : memref<80x128xi32, #tpu.memory_space<vmem>>, vector<1x16xi32>,
      %get3A_303 = vector.shape_cast %get3A_302 : vector<1x16xi32> to vector<16xi32>
      %mul3A_304 = arith.constant 10 : i32
      %mul3A_305 = arith.muli %scan3A_292, %mul3A_304 : i32
      %add3A_306 = arith.constant 0 : i32
      %add3A_307 = arith.addi %mul3A_305, %add3A_306 : i32
      %swap3A = arith.index_cast %add3A_307 : i32 to index
      %swap3A_308 = arith.constant 0 : index
      %swap3A_309 = tpu.vector_load %arg6[%swap3A, %swap3A_308] {strides = array<i32>} : memref<20x128xi32, #tpu.memory_space<vmem>>, vector<1x16xi32>,
      %swap3A_310 = vector.shape_cast %swap3A_309 : vector<1x16xi32> to vector<16xi32>
      %swap3A_311 = vector.shape_cast %get3A_303 : vector<16xi32> to vector<1x16xi32>
      tpu.vector_store %arg6[%swap3A, %swap3A_308], %swap3A_311 {strides = array<i32>} : memref<20x128xi32, #tpu.memory_space<vmem>>, vector<1x16xi32>,
      %get3A_312 = arith.constant 1 : i32
      %get3A_313 = arith.index_cast %get3A_312 : i32 to index
      %get3A_314 = arith.constant 0 : index
      %get3A_315 = tpu.vector_load %arg5[%get3A_313, %get3A_314] {strides = array<i32>} : memref<80x128xi32, #tpu.memory_space<vmem>>, vector<1x16xi32>,
      %get3A_316 = vector.shape_cast %get3A_315 : vector<1x16xi32> to vector<16xi32>
      %mul3A_317 = arith.constant 10 : i32
      %mul3A_318 = arith.muli %scan3A_292, %mul3A_317 : i32
      %add3A_319 = arith.constant 0 : i32
      %add3A_320 = arith.addi %mul3A_318, %add3A_319 : i32
      %swap3A_321 = arith.index_cast %add3A_320 : i32 to index
      %swap3A_322 = arith.constant 16 : index
      %swap3A_323 = tpu.vector_load %arg6[%swap3A_321, %swap3A_322] {strides = array<i32>} : memref<20x128xi32, #tpu.memory_space<vmem>>, vector<1x16xi32>,
      %swap3A_324 = vector.shape_cast %swap3A_323 : vector<1x16xi32> to vector<16xi32>
      %swap3A_325 = vector.shape_cast %get3A_316 : vector<16xi32> to vector<1x16xi32>
      tpu.vector_store %arg6[%swap3A_321, %swap3A_322], %swap3A_325 {strides = array<i32>} : memref<20x128xi32, #tpu.memory_space<vmem>>, vector<1x16xi32>,
      %get3A_326 = arith.constant 2 : i32
      %get3A_327 = arith.index_cast %get3A_326 : i32 to index
      %get3A_328 = arith.constant 0 : index
      %get3A_329 = tpu.vector_load %arg5[%get3A_327, %get3A_328] {strides = array<i32>} : memref<80x128xi32, #tpu.memory_space<vmem>>, vector<1x16xi32>,
      %get3A_330 = vector.shape_cast %get3A_329 : vector<1x16xi32> to vector<16xi32>
      %mul3A_331 = arith.constant 10 : i32
      %mul3A_332 = arith.muli %scan3A_292, %mul3A_331 : i32
      %add3A_333 = arith.constant 0 : i32
      %add3A_334 = arith.addi %mul3A_332, %add3A_333 : i32
      %swap3A_335 = arith.index_cast %add3A_334 : i32 to index
      %swap3A_336 = arith.constant 32 : index
      %swap3A_337 = tpu.vector_load %arg6[%swap3A_335, %swap3A_336] {strides = array<i32>} : memref<20x128xi32, #tpu.memory_space<vmem>>, vector<1x16xi32>,
      %swap3A_338 = vector.shape_cast %swap3A_337 : vector<1x16xi32> to vector<16xi32>
      %swap3A_339 = vector.shape_cast %get3A_330 : vector<16xi32> to vector<1x16xi32>
      tpu.vector_store %arg6[%swap3A_335, %swap3A_336], %swap3A_339 {strides = array<i32>} : memref<20x128xi32, #tpu.memory_space<vmem>>, vector<1x16xi32>,
      %get3A_340 = arith.constant 3 : i32
      %get3A_341 = arith.index_cast %get3A_340 : i32 to index
      %get3A_342 = arith.constant 0 : index
      %get3A_343 = tpu.vector_load %arg5[%get3A_341, %get3A_342] {strides = array<i32>} : memref<80x128xi32, #tpu.memory_space<vmem>>, vector<1x16xi32>,
      %get3A_344 = vector.shape_cast %get3A_343 : vector<1x16xi32> to vector<16xi32>
      %mul3A_345 = arith.constant 10 : i32
      %mul3A_346 = arith.muli %scan3A_292, %mul3A_345 : i32
      %add3A_347 = arith.constant 0 : i32
      %add3A_348 = arith.addi %mul3A_346, %add3A_347 : i32
      %swap3A_349 = arith.index_cast %add3A_348 : i32 to index
      %swap3A_350 = arith.constant 48 : index
      %swap3A_351 = tpu.vector_load %arg6[%swap3A_349, %swap3A_350] {strides = array<i32>} : memref<20x128xi32, #tpu.memory_space<vmem>>, vector<1x16xi32>,
      %swap3A_352 = vector.shape_cast %swap3A_351 : vector<1x16xi32> to vector<16xi32>
      %swap3A_353 = vector.shape_cast %get3A_344 : vector<16xi32> to vector<1x16xi32>
      tpu.vector_store %arg6[%swap3A_349, %swap3A_350], %swap3A_353 {strides = array<i32>} : memref<20x128xi32, #tpu.memory_space<vmem>>, vector<1x16xi32>,
      %get3A_354 = arith.constant 4 : i32
      %get3A_355 = arith.index_cast %get3A_354 : i32 to index
      %get3A_356 = arith.constant 0 : index
      %get3A_357 = tpu.vector_load %arg5[%get3A_355, %get3A_356] {strides = array<i32>} : memref<80x128xi32, #tpu.memory_space<vmem>>, vector<1x16xi32>,
      %get3A_358 = vector.shape_cast %get3A_357 : vector<1x16xi32> to vector<16xi32>
      %mul3A_359 = arith.constant 10 : i32
      %mul3A_360 = arith.muli %scan3A_292, %mul3A_359 : i32
      %add3A_361 = arith.constant 0 : i32
      %add3A_362 = arith.addi %mul3A_360, %add3A_361 : i32
      %swap3A_363 = arith.index_cast %add3A_362 : i32 to index
      %swap3A_364 = arith.constant 64 : index
      %swap3A_365 = tpu.vector_load %arg6[%swap3A_363, %swap3A_364] {strides = array<i32>} : memref<20x128xi32, #tpu.memory_space<vmem>>, vector<1x16xi32>,
      %swap3A_366 = vector.shape_cast %swap3A_365 : vector<1x16xi32> to vector<16xi32>
      %swap3A_367 = vector.shape_cast %get3A_358 : vector<16xi32> to vector<1x16xi32>
      tpu.vector_store %arg6[%swap3A_363, %swap3A_364], %swap3A_367 {strides = array<i32>} : memref<20x128xi32, #tpu.memory_space<vmem>>, vector<1x16xi32>,
      %get3A_368 = arith.constant 5 : i32
      %get3A_369 = arith.index_cast %get3A_368 : i32 to index
      %get3A_370 = arith.constant 0 : index
      %get3A_371 = tpu.vector_load %arg5[%get3A_369, %get3A_370] {strides = array<i32>} : memref<80x128xi32, #tpu.memory_space<vmem>>, vector<1x16xi32>,
      %get3A_372 = vector.shape_cast %get3A_371 : vector<1x16xi32> to vector<16xi32>
      %mul3A_373 = arith.constant 10 : i32
      %mul3A_374 = arith.muli %scan3A_292, %mul3A_373 : i32
      %add3A_375 = arith.constant 0 : i32
      %add3A_376 = arith.addi %mul3A_374, %add3A_375 : i32
      %swap3A_377 = arith.index_cast %add3A_376 : i32 to index
      %swap3A_378 = arith.constant 80 : index
      %swap3A_379 = tpu.vector_load %arg6[%swap3A_377, %swap3A_378] {strides = array<i32>} : memref<20x128xi32, #tpu.memory_space<vmem>>, vector<1x16xi32>,
      %swap3A_380 = vector.shape_cast %swap3A_379 : vector<1x16xi32> to vector<16xi32>
      %swap3A_381 = vector.shape_cast %get3A_372 : vector<16xi32> to vector<1x16xi32>
      tpu.vector_store %arg6[%swap3A_377, %swap3A_378], %swap3A_381 {strides = array<i32>} : memref<20x128xi32, #tpu.memory_space<vmem>>, vector<1x16xi32>,
      %get3A_382 = arith.constant 6 : i32
      %get3A_383 = arith.index_cast %get3A_382 : i32 to index
      %get3A_384 = arith.constant 0 : index
      %get3A_385 = tpu.vector_load %arg5[%get3A_383, %get3A_384] {strides = array<i32>} : memref<80x128xi32, #tpu.memory_space<vmem>>, vector<1x16xi32>,
      %get3A_386 = vector.shape_cast %get3A_385 : vector<1x16xi32> to vector<16xi32>
      %mul3A_387 = arith.constant 10 : i32
      %mul3A_388 = arith.muli %scan3A_292, %mul3A_387 : i32
      %add3A_389 = arith.constant 0 : i32
      %add3A_390 = arith.addi %mul3A_388, %add3A_389 : i32
      %swap3A_391 = arith.index_cast %add3A_390 : i32 to index
      %swap3A_392 = arith.constant 96 : index
      %swap3A_393 = tpu.vector_load %arg6[%swap3A_391, %swap3A_392] {strides = array<i32>} : memref<20x128xi32, #tpu.memory_space<vmem>>, vector<1x16xi32>,
      %swap3A_394 = vector.shape_cast %swap3A_393 : vector<1x16xi32> to vector<16xi32>
      %swap3A_395 = vector.shape_cast %get3A_386 : vector<16xi32> to vector<1x16xi32>
      tpu.vector_store %arg6[%swap3A_391, %swap3A_392], %swap3A_395 {strides = array<i32>} : memref<20x128xi32, #tpu.memory_space<vmem>>, vector<1x16xi32>,
      %get3A_396 = arith.constant 7 : i32
      %get3A_397 = arith.index_cast %get3A_396 : i32 to index
      %get3A_398 = arith.constant 0 : index
      %get3A_399 = tpu.vector_load %arg5[%get3A_397, %get3A_398] {strides = array<i32>} : memref<80x128xi32, #tpu.memory_space<vmem>>, vector<1x16xi32>,
      %get3A_400 = vector.shape_cast %get3A_399 : vector<1x16xi32> to vector<16xi32>
      %mul3A_401 = arith.constant 10 : i32
      %mul3A_402 = arith.muli %scan3A_292, %mul3A_401 : i32
      %add3A_403 = arith.constant 0 : i32
      %add3A_404 = arith.addi %mul3A_402, %add3A_403 : i32
      %swap3A_405 = arith.index_cast %add3A_404 : i32 to index
      %swap3A_406 = arith.constant 112 : index
      %swap3A_407 = tpu.vector_load %arg6[%swap3A_405, %swap3A_406] {strides = array<i32>} : memref<20x128xi32, #tpu.memory_space<vmem>>, vector<1x16xi32>,
      %swap3A_408 = vector.shape_cast %swap3A_407 : vector<1x16xi32> to vector<16xi32>
      %swap3A_409 = vector.shape_cast %get3A_400 : vector<16xi32> to vector<1x16xi32>
      tpu.vector_store %arg6[%swap3A_405, %swap3A_406], %swap3A_409 {strides = array<i32>} : memref<20x128xi32, #tpu.memory_space<vmem>>, vector<1x16xi32>,
      %get3A_410 = arith.constant 8 : i32
      %get3A_411 = arith.index_cast %get3A_410 : i32 to index
      %get3A_412 = arith.constant 0 : index
      %get3A_413 = tpu.vector_load %arg5[%get3A_411, %get3A_412] {strides = array<i32>} : memref<80x128xi32, #tpu.memory_space<vmem>>, vector<1x16xi32>,
      %get3A_414 = vector.shape_cast %get3A_413 : vector<1x16xi32> to vector<16xi32>
      %mul3A_415 = arith.constant 10 : i32
      %mul3A_416 = arith.muli %scan3A_292, %mul3A_415 : i32
      %add3A_417 = arith.constant 1 : i32
      %add3A_418 = arith.addi %mul3A_416, %add3A_417 : i32
      %swap3A_419 = arith.index_cast %add3A_418 : i32 to index
      %swap3A_420 = arith.constant 0 : index
      %swap3A_421 = tpu.vector_load %arg6[%swap3A_419, %swap3A_420] {strides = array<i32>} : memref<20x128xi32, #tpu.memory_space<vmem>>, vector<1x16xi32>,
      %swap3A_422 = vector.shape_cast %swap3A_421 : vector<1x16xi32> to vector<16xi32>
      %swap3A_423 = vector.shape_cast %get3A_414 : vector<16xi32> to vector<1x16xi32>
      tpu.vector_store %arg6[%swap3A_419, %swap3A_420], %swap3A_423 {strides = array<i32>} : memref<20x128xi32, #tpu.memory_space<vmem>>, vector<1x16xi32>,
      %get3A_424 = arith.constant 9 : i32
      %get3A_425 = arith.index_cast %get3A_424 : i32 to index
      %get3A_426 = arith.constant 0 : index
      %get3A_427 = tpu.vector_load %arg5[%get3A_425, %get3A_426] {strides = array<i32>} : memref<80x128xi32, #tpu.memory_space<vmem>>, vector<1x16xi32>,
      %get3A_428 = vector.shape_cast %get3A_427 : vector<1x16xi32> to vector<16xi32>
      %mul3A_429 = arith.constant 10 : i32
      %mul3A_430 = arith.muli %scan3A_292, %mul3A_429 : i32
      %add3A_431 = arith.constant 1 : i32
      %add3A_432 = arith.addi %mul3A_430, %add3A_431 : i32
      %swap3A_433 = arith.index_cast %add3A_432 : i32 to index
      %swap3A_434 = arith.constant 16 : index
      %swap3A_435 = tpu.vector_load %arg6[%swap3A_433, %swap3A_434] {strides = array<i32>} : memref<20x128xi32, #tpu.memory_space<vmem>>, vector<1x16xi32>,
      %swap3A_436 = vector.shape_cast %swap3A_435 : vector<1x16xi32> to vector<16xi32>
      %swap3A_437 = vector.shape_cast %get3A_428 : vector<16xi32> to vector<1x16xi32>
      tpu.vector_store %arg6[%swap3A_433, %swap3A_434], %swap3A_437 {strides = array<i32>} : memref<20x128xi32, #tpu.memory_space<vmem>>, vector<1x16xi32>,
      %get3A_438 = arith.constant 10 : i32
      %get3A_439 = arith.index_cast %get3A_438 : i32 to index
      %get3A_440 = arith.constant 0 : index
      %get3A_441 = tpu.vector_load %arg5[%get3A_439, %get3A_440] {strides = array<i32>} : memref<80x128xi32, #tpu.memory_space<vmem>>, vector<1x16xi32>,
      %get3A_442 = vector.shape_cast %get3A_441 : vector<1x16xi32> to vector<16xi32>
      %mul3A_443 = arith.constant 10 : i32
      %mul3A_444 = arith.muli %scan3A_292, %mul3A_443 : i32
      %add3A_445 = arith.constant 1 : i32
      %add3A_446 = arith.addi %mul3A_444, %add3A_445 : i32
      %swap3A_447 = arith.index_cast %add3A_446 : i32 to index
      %swap3A_448 = arith.constant 32 : index
      %swap3A_449 = tpu.vector_load %arg6[%swap3A_447, %swap3A_448] {strides = array<i32>} : memref<20x128xi32, #tpu.memory_space<vmem>>, vector<1x16xi32>,
      %swap3A_450 = vector.shape_cast %swap3A_449 : vector<1x16xi32> to vector<16xi32>
      %swap3A_451 = vector.shape_cast %get3A_442 : vector<16xi32> to vector<1x16xi32>
      tpu.vector_store %arg6[%swap3A_447, %swap3A_448], %swap3A_451 {strides = array<i32>} : memref<20x128xi32, #tpu.memory_space<vmem>>, vector<1x16xi32>,
      %get3A_452 = arith.constant 11 : i32
      %get3A_453 = arith.index_cast %get3A_452 : i32 to index
      %get3A_454 = arith.constant 0 : index
      %get3A_455 = tpu.vector_load %arg5[%get3A_453, %get3A_454] {strides = array<i32>} : memref<80x128xi32, #tpu.memory_space<vmem>>, vector<1x16xi32>,
      %get3A_456 = vector.shape_cast %get3A_455 : vector<1x16xi32> to vector<16xi32>
      %mul3A_457 = arith.constant 10 : i32
      %mul3A_458 = arith.muli %scan3A_292, %mul3A_457 : i32
      %add3A_459 = arith.constant 1 : i32
      %add3A_460 = arith.addi %mul3A_458, %add3A_459 : i32
      %swap3A_461 = arith.index_cast %add3A_460 : i32 to index
      %swap3A_462 = arith.constant 48 : index
      %swap3A_463 = tpu.vector_load %arg6[%swap3A_461, %swap3A_462] {strides = array<i32>} : memref<20x128xi32, #tpu.memory_space<vmem>>, vector<1x16xi32>,
      %swap3A_464 = vector.shape_cast %swap3A_463 : vector<1x16xi32> to vector<16xi32>
      %swap3A_465 = vector.shape_cast %get3A_456 : vector<16xi32> to vector<1x16xi32>
      tpu.vector_store %arg6[%swap3A_461, %swap3A_462], %swap3A_465 {strides = array<i32>} : memref<20x128xi32, #tpu.memory_space<vmem>>, vector<1x16xi32>,
      %get3A_466 = arith.constant 12 : i32
      %get3A_467 = arith.index_cast %get3A_466 : i32 to index
      %get3A_468 = arith.constant 0 : index
      %get3A_469 = tpu.vector_load %arg5[%get3A_467, %get3A_468] {strides = array<i32>} : memref<80x128xi32, #tpu.memory_space<vmem>>, vector<1x16xi32>,
      %get3A_470 = vector.shape_cast %get3A_469 : vector<1x16xi32> to vector<16xi32>
      %mul3A_471 = arith.constant 10 : i32
      %mul3A_472 = arith.muli %scan3A_292, %mul3A_471 : i32
      %add3A_473 = arith.constant 1 : i32
      %add3A_474 = arith.addi %mul3A_472, %add3A_473 : i32
      %swap3A_475 = arith.index_cast %add3A_474 : i32 to index
      %swap3A_476 = arith.constant 64 : index
      %swap3A_477 = tpu.vector_load %arg6[%swap3A_475, %swap3A_476] {strides = array<i32>} : memref<20x128xi32, #tpu.memory_space<vmem>>, vector<1x16xi32>,
      %swap3A_478 = vector.shape_cast %swap3A_477 : vector<1x16xi32> to vector<16xi32>
      %swap3A_479 = vector.shape_cast %get3A_470 : vector<16xi32> to vector<1x16xi32>
      tpu.vector_store %arg6[%swap3A_475, %swap3A_476], %swap3A_479 {strides = array<i32>} : memref<20x128xi32, #tpu.memory_space<vmem>>, vector<1x16xi32>,
      %get3A_480 = arith.constant 13 : i32
      %get3A_481 = arith.index_cast %get3A_480 : i32 to index
      %get3A_482 = arith.constant 0 : index
      %get3A_483 = tpu.vector_load %arg5[%get3A_481, %get3A_482] {strides = array<i32>} : memref<80x128xi32, #tpu.memory_space<vmem>>, vector<1x16xi32>,
      %get3A_484 = vector.shape_cast %get3A_483 : vector<1x16xi32> to vector<16xi32>
      %mul3A_485 = arith.constant 10 : i32
      %mul3A_486 = arith.muli %scan3A_292, %mul3A_485 : i32
      %add3A_487 = arith.constant 1 : i32
      %add3A_488 = arith.addi %mul3A_486, %add3A_487 : i32
      %swap3A_489 = arith.index_cast %add3A_488 : i32 to index
      %swap3A_490 = arith.constant 80 : index
      %swap3A_491 = tpu.vector_load %arg6[%swap3A_489, %swap3A_490] {strides = array<i32>} : memref<20x128xi32, #tpu.memory_space<vmem>>, vector<1x16xi32>,
      %swap3A_492 = vector.shape_cast %swap3A_491 : vector<1x16xi32> to vector<16xi32>
      %swap3A_493 = vector.shape_cast %get3A_484 : vector<16xi32> to vector<1x16xi32>
      tpu.vector_store %arg6[%swap3A_489, %swap3A_490], %swap3A_493 {strides = array<i32>} : memref<20x128xi32, #tpu.memory_space<vmem>>, vector<1x16xi32>,
      %get3A_494 = arith.constant 14 : i32
      %get3A_495 = arith.index_cast %get3A_494 : i32 to index
      %get3A_496 = arith.constant 0 : index
      %get3A_497 = tpu.vector_load %arg5[%get3A_495, %get3A_496] {strides = array<i32>} : memref<80x128xi32, #tpu.memory_space<vmem>>, vector<1x16xi32>,
      %get3A_498 = vector.shape_cast %get3A_497 : vector<1x16xi32> to vector<16xi32>
      %mul3A_499 = arith.constant 10 : i32
      %mul3A_500 = arith.muli %scan3A_292, %mul3A_499 : i32
      %add3A_501 = arith.constant 1 : i32
      %add3A_502 = arith.addi %mul3A_500, %add3A_501 : i32
      %swap3A_503 = arith.index_cast %add3A_502 : i32 to index
      %swap3A_504 = arith.constant 96 : index
      %swap3A_505 = tpu.vector_load %arg6[%swap3A_503, %swap3A_504] {strides = array<i32>} : memref<20x128xi32, #tpu.memory_space<vmem>>, vector<1x16xi32>,
      %swap3A_506 = vector.shape_cast %swap3A_505 : vector<1x16xi32> to vector<16xi32>
      %swap3A_507 = vector.shape_cast %get3A_498 : vector<16xi32> to vector<1x16xi32>
      tpu.vector_store %arg6[%swap3A_503, %swap3A_504], %swap3A_507 {strides = array<i32>} : memref<20x128xi32, #tpu.memory_space<vmem>>, vector<1x16xi32>,
      %get3A_508 = arith.constant 15 : i32
      %get3A_509 = arith.index_cast %get3A_508 : i32 to index
      %get3A_510 = arith.constant 0 : index
      %get3A_511 = tpu.vector_load %arg5[%get3A_509, %get3A_510] {strides = array<i32>} : memref<80x128xi32, #tpu.memory_space<vmem>>, vector<1x16xi32>,
      %get3A_512 = vector.shape_cast %get3A_511 : vector<1x16xi32> to vector<16xi32>
      %mul3A_513 = arith.constant 10 : i32
      %mul3A_514 = arith.muli %scan3A_292, %mul3A_513 : i32
      %add3A_515 = arith.constant 1 : i32
      %add3A_516 = arith.addi %mul3A_514, %add3A_515 : i32
      %swap3A_517 = arith.index_cast %add3A_516 : i32 to index
      %swap3A_518 = arith.constant 112 : index
      %swap3A_519 = tpu.vector_load %arg6[%swap3A_517, %swap3A_518] {strides = array<i32>} : memref<20x128xi32, #tpu.memory_space<vmem>>, vector<1x16xi32>,
      %swap3A_520 = vector.shape_cast %swap3A_519 : vector<1x16xi32> to vector<16xi32>
      %swap3A_521 = vector.shape_cast %get3A_512 : vector<16xi32> to vector<1x16xi32>
      tpu.vector_store %arg6[%swap3A_517, %swap3A_518], %swap3A_521 {strides = array<i32>} : memref<20x128xi32, #tpu.memory_space<vmem>>, vector<1x16xi32>,
      %get3A_522 = arith.constant 16 : i32
      %get3A_523 = arith.index_cast %get3A_522 : i32 to index
      %get3A_524 = arith.constant 0 : index
      %get3A_525 = tpu.vector_load %arg5[%get3A_523, %get3A_524] {strides = array<i32>} : memref<80x128xi32, #tpu.memory_space<vmem>>, vector<1x16xi32>,
      %get3A_526 = vector.shape_cast %get3A_525 : vector<1x16xi32> to vector<16xi32>
      %mul3A_527 = arith.constant 10 : i32
      %mul3A_528 = arith.muli %scan3A_292, %mul3A_527 : i32
      %add3A_529 = arith.constant 2 : i32
      %add3A_530 = arith.addi %mul3A_528, %add3A_529 : i32
      %swap3A_531 = arith.index_cast %add3A_530 : i32 to index
      %swap3A_532 = arith.constant 0 : index
      %swap3A_533 = tpu.vector_load %arg6[%swap3A_531, %swap3A_532] {strides = array<i32>} : memref<20x128xi32, #tpu.memory_space<vmem>>, vector<1x16xi32>,
      %swap3A_534 = vector.shape_cast %swap3A_533 : vector<1x16xi32> to vector<16xi32>
      %swap3A_535 = vector.shape_cast %get3A_526 : vector<16xi32> to vector<1x16xi32>
      tpu.vector_store %arg6[%swap3A_531, %swap3A_532], %swap3A_535 {strides = array<i32>} : memref<20x128xi32, #tpu.memory_space<vmem>>, vector<1x16xi32>,
      %get3A_536 = arith.constant 17 : i32
      %get3A_537 = arith.index_cast %get3A_536 : i32 to index
      %get3A_538 = arith.constant 0 : index
      %get3A_539 = tpu.vector_load %arg5[%get3A_537, %get3A_538] {strides = array<i32>} : memref<80x128xi32, #tpu.memory_space<vmem>>, vector<1x16xi32>,
      %get3A_540 = vector.shape_cast %get3A_539 : vector<1x16xi32> to vector<16xi32>
      %mul3A_541 = arith.constant 10 : i32
      %mul3A_542 = arith.muli %scan3A_292, %mul3A_541 : i32
      %add3A_543 = arith.constant 2 : i32
      %add3A_544 = arith.addi %mul3A_542, %add3A_543 : i32
      %swap3A_545 = arith.index_cast %add3A_544 : i32 to index
      %swap3A_546 = arith.constant 16 : index
      %swap3A_547 = tpu.vector_load %arg6[%swap3A_545, %swap3A_546] {strides = array<i32>} : memref<20x128xi32, #tpu.memory_space<vmem>>, vector<1x16xi32>,
      %swap3A_548 = vector.shape_cast %swap3A_547 : vector<1x16xi32> to vector<16xi32>
      %swap3A_549 = vector.shape_cast %get3A_540 : vector<16xi32> to vector<1x16xi32>
      tpu.vector_store %arg6[%swap3A_545, %swap3A_546], %swap3A_549 {strides = array<i32>} : memref<20x128xi32, #tpu.memory_space<vmem>>, vector<1x16xi32>,
      %get3A_550 = arith.constant 18 : i32
      %get3A_551 = arith.index_cast %get3A_550 : i32 to index
      %get3A_552 = arith.constant 0 : index
      %get3A_553 = tpu.vector_load %arg5[%get3A_551, %get3A_552] {strides = array<i32>} : memref<80x128xi32, #tpu.memory_space<vmem>>, vector<1x16xi32>,
      %get3A_554 = vector.shape_cast %get3A_553 : vector<1x16xi32> to vector<16xi32>
      %mul3A_555 = arith.constant 10 : i32
      %mul3A_556 = arith.muli %scan3A_292, %mul3A_555 : i32
      %add3A_557 = arith.constant 2 : i32
      %add3A_558 = arith.addi %mul3A_556, %add3A_557 : i32
      %swap3A_559 = arith.index_cast %add3A_558 : i32 to index
      %swap3A_560 = arith.constant 32 : index
      %swap3A_561 = tpu.vector_load %arg6[%swap3A_559, %swap3A_560] {strides = array<i32>} : memref<20x128xi32, #tpu.memory_space<vmem>>, vector<1x16xi32>,
      %swap3A_562 = vector.shape_cast %swap3A_561 : vector<1x16xi32> to vector<16xi32>
      %swap3A_563 = vector.shape_cast %get3A_554 : vector<16xi32> to vector<1x16xi32>
      tpu.vector_store %arg6[%swap3A_559, %swap3A_560], %swap3A_563 {strides = array<i32>} : memref<20x128xi32, #tpu.memory_space<vmem>>, vector<1x16xi32>,
      %get3A_564 = arith.constant 19 : i32
      %get3A_565 = arith.index_cast %get3A_564 : i32 to index
      %get3A_566 = arith.constant 0 : index
      %get3A_567 = tpu.vector_load %arg5[%get3A_565, %get3A_566] {strides = array<i32>} : memref<80x128xi32, #tpu.memory_space<vmem>>, vector<1x16xi32>,
      %get3A_568 = vector.shape_cast %get3A_567 : vector<1x16xi32> to vector<16xi32>
      %mul3A_569 = arith.constant 10 : i32
      %mul3A_570 = arith.muli %scan3A_292, %mul3A_569 : i32
      %add3A_571 = arith.constant 2 : i32
      %add3A_572 = arith.addi %mul3A_570, %add3A_571 : i32
      %swap3A_573 = arith.index_cast %add3A_572 : i32 to index
      %swap3A_574 = arith.constant 48 : index
      %swap3A_575 = tpu.vector_load %arg6[%swap3A_573, %swap3A_574] {strides = array<i32>} : memref<20x128xi32, #tpu.memory_space<vmem>>, vector<1x16xi32>,
      %swap3A_576 = vector.shape_cast %swap3A_575 : vector<1x16xi32> to vector<16xi32>
      %swap3A_577 = vector.shape_cast %get3A_568 : vector<16xi32> to vector<1x16xi32>
      tpu.vector_store %arg6[%swap3A_573, %swap3A_574], %swap3A_577 {strides = array<i32>} : memref<20x128xi32, #tpu.memory_space<vmem>>, vector<1x16xi32>,
      %get3A_578 = arith.constant 20 : i32
      %get3A_579 = arith.index_cast %get3A_578 : i32 to index
      %get3A_580 = arith.constant 0 : index
      %get3A_581 = tpu.vector_load %arg5[%get3A_579, %get3A_580] {strides = array<i32>} : memref<80x128xi32, #tpu.memory_space<vmem>>, vector<1x16xi32>,
      %get3A_582 = vector.shape_cast %get3A_581 : vector<1x16xi32> to vector<16xi32>
      %mul3A_583 = arith.constant 10 : i32
      %mul3A_584 = arith.muli %scan3A_292, %mul3A_583 : i32
      %add3A_585 = arith.constant 2 : i32
      %add3A_586 = arith.addi %mul3A_584, %add3A_585 : i32
      %swap3A_587 = arith.index_cast %add3A_586 : i32 to index
      %swap3A_588 = arith.constant 64 : index
      %swap3A_589 = tpu.vector_load %arg6[%swap3A_587, %swap3A_588] {strides = array<i32>} : memref<20x128xi32, #tpu.memory_space<vmem>>, vector<1x16xi32>,
      %swap3A_590 = vector.shape_cast %swap3A_589 : vector<1x16xi32> to vector<16xi32>
      %swap3A_591 = vector.shape_cast %get3A_582 : vector<16xi32> to vector<1x16xi32>
      tpu.vector_store %arg6[%swap3A_587, %swap3A_588], %swap3A_591 {strides = array<i32>} : memref<20x128xi32, #tpu.memory_space<vmem>>, vector<1x16xi32>,
      %get3A_592 = arith.constant 21 : i32
      %get3A_593 = arith.index_cast %get3A_592 : i32 to index
      %get3A_594 = arith.constant 0 : index
      %get3A_595 = tpu.vector_load %arg5[%get3A_593, %get3A_594] {strides = array<i32>} : memref<80x128xi32, #tpu.memory_space<vmem>>, vector<1x16xi32>,
      %get3A_596 = vector.shape_cast %get3A_595 : vector<1x16xi32> to vector<16xi32>
      %mul3A_597 = arith.constant 10 : i32
      %mul3A_598 = arith.muli %scan3A_292, %mul3A_597 : i32
      %add3A_599 = arith.constant 2 : i32
      %add3A_600 = arith.addi %mul3A_598, %add3A_599 : i32
      %swap3A_601 = arith.index_cast %add3A_600 : i32 to index
      %swap3A_602 = arith.constant 80 : index
      %swap3A_603 = tpu.vector_load %arg6[%swap3A_601, %swap3A_602] {strides = array<i32>} : memref<20x128xi32, #tpu.memory_space<vmem>>, vector<1x16xi32>,
      %swap3A_604 = vector.shape_cast %swap3A_603 : vector<1x16xi32> to vector<16xi32>
      %swap3A_605 = vector.shape_cast %get3A_596 : vector<16xi32> to vector<1x16xi32>
      tpu.vector_store %arg6[%swap3A_601, %swap3A_602], %swap3A_605 {strides = array<i32>} : memref<20x128xi32, #tpu.memory_space<vmem>>, vector<1x16xi32>,
      %get3A_606 = arith.constant 22 : i32
      %get3A_607 = arith.index_cast %get3A_606 : i32 to index
      %get3A_608 = arith.constant 0 : index
      %get3A_609 = tpu.vector_load %arg5[%get3A_607, %get3A_608] {strides = array<i32>} : memref<80x128xi32, #tpu.memory_space<vmem>>, vector<1x16xi32>,
      %get3A_610 = vector.shape_cast %get3A_609 : vector<1x16xi32> to vector<16xi32>
      %mul3A_611 = arith.constant 10 : i32
      %mul3A_612 = arith.muli %scan3A_292, %mul3A_611 : i32
      %add3A_613 = arith.constant 2 : i32
      %add3A_614 = arith.addi %mul3A_612, %add3A_613 : i32
      %swap3A_615 = arith.index_cast %add3A_614 : i32 to index
      %swap3A_616 = arith.constant 96 : index
      %swap3A_617 = tpu.vector_load %arg6[%swap3A_615, %swap3A_616] {strides = array<i32>} : memref<20x128xi32, #tpu.memory_space<vmem>>, vector<1x16xi32>,
      %swap3A_618 = vector.shape_cast %swap3A_617 : vector<1x16xi32> to vector<16xi32>
      %swap3A_619 = vector.shape_cast %get3A_610 : vector<16xi32> to vector<1x16xi32>
      tpu.vector_store %arg6[%swap3A_615, %swap3A_616], %swap3A_619 {strides = array<i32>} : memref<20x128xi32, #tpu.memory_space<vmem>>, vector<1x16xi32>,
      %get3A_620 = arith.constant 23 : i32
      %get3A_621 = arith.index_cast %get3A_620 : i32 to index
      %get3A_622 = arith.constant 0 : index
      %get3A_623 = tpu.vector_load %arg5[%get3A_621, %get3A_622] {strides = array<i32>} : memref<80x128xi32, #tpu.memory_space<vmem>>, vector<1x16xi32>,
      %get3A_624 = vector.shape_cast %get3A_623 : vector<1x16xi32> to vector<16xi32>
      %mul3A_625 = arith.constant 10 : i32
      %mul3A_626 = arith.muli %scan3A_292, %mul3A_625 : i32
      %add3A_627 = arith.constant 2 : i32
      %add3A_628 = arith.addi %mul3A_626, %add3A_627 : i32
      %swap3A_629 = arith.index_cast %add3A_628 : i32 to index
      %swap3A_630 = arith.constant 112 : index
      %swap3A_631 = tpu.vector_load %arg6[%swap3A_629, %swap3A_630] {strides = array<i32>} : memref<20x128xi32, #tpu.memory_space<vmem>>, vector<1x16xi32>,
      %swap3A_632 = vector.shape_cast %swap3A_631 : vector<1x16xi32> to vector<16xi32>
      %swap3A_633 = vector.shape_cast %get3A_624 : vector<16xi32> to vector<1x16xi32>
      tpu.vector_store %arg6[%swap3A_629, %swap3A_630], %swap3A_633 {strides = array<i32>} : memref<20x128xi32, #tpu.memory_space<vmem>>, vector<1x16xi32>,
      %get3A_634 = arith.constant 24 : i32
      %get3A_635 = arith.index_cast %get3A_634 : i32 to index
      %get3A_636 = arith.constant 0 : index
      %get3A_637 = tpu.vector_load %arg5[%get3A_635, %get3A_636] {strides = array<i32>} : memref<80x128xi32, #tpu.memory_space<vmem>>, vector<1x16xi32>,
      %get3A_638 = vector.shape_cast %get3A_637 : vector<1x16xi32> to vector<16xi32>
      %mul3A_639 = arith.constant 10 : i32
      %mul3A_640 = arith.muli %scan3A_292, %mul3A_639 : i32
      %add3A_641 = arith.constant 3 : i32
      %add3A_642 = arith.addi %mul3A_640, %add3A_641 : i32
      %swap3A_643 = arith.index_cast %add3A_642 : i32 to index
      %swap3A_644 = arith.constant 0 : index
      %swap3A_645 = tpu.vector_load %arg6[%swap3A_643, %swap3A_644] {strides = array<i32>} : memref<20x128xi32, #tpu.memory_space<vmem>>, vector<1x16xi32>,
      %swap3A_646 = vector.shape_cast %swap3A_645 : vector<1x16xi32> to vector<16xi32>
      %swap3A_647 = vector.shape_cast %get3A_638 : vector<16xi32> to vector<1x16xi32>
      tpu.vector_store %arg6[%swap3A_643, %swap3A_644], %swap3A_647 {strides = array<i32>} : memref<20x128xi32, #tpu.memory_space<vmem>>, vector<1x16xi32>,
      %get3A_648 = arith.constant 25 : i32
      %get3A_649 = arith.index_cast %get3A_648 : i32 to index
      %get3A_650 = arith.constant 0 : index
      %get3A_651 = tpu.vector_load %arg5[%get3A_649, %get3A_650] {strides = array<i32>} : memref<80x128xi32, #tpu.memory_space<vmem>>, vector<1x16xi32>,
      %get3A_652 = vector.shape_cast %get3A_651 : vector<1x16xi32> to vector<16xi32>
      %mul3A_653 = arith.constant 10 : i32
      %mul3A_654 = arith.muli %scan3A_292, %mul3A_653 : i32
      %add3A_655 = arith.constant 3 : i32
      %add3A_656 = arith.addi %mul3A_654, %add3A_655 : i32
      %swap3A_657 = arith.index_cast %add3A_656 : i32 to index
      %swap3A_658 = arith.constant 16 : index
      %swap3A_659 = tpu.vector_load %arg6[%swap3A_657, %swap3A_658] {strides = array<i32>} : memref<20x128xi32, #tpu.memory_space<vmem>>, vector<1x16xi32>,
      %swap3A_660 = vector.shape_cast %swap3A_659 : vector<1x16xi32> to vector<16xi32>
      %swap3A_661 = vector.shape_cast %get3A_652 : vector<16xi32> to vector<1x16xi32>
      tpu.vector_store %arg6[%swap3A_657, %swap3A_658], %swap3A_661 {strides = array<i32>} : memref<20x128xi32, #tpu.memory_space<vmem>>, vector<1x16xi32>,
      %get3A_662 = arith.constant 26 : i32
      %get3A_663 = arith.index_cast %get3A_662 : i32 to index
      %get3A_664 = arith.constant 0 : index
      %get3A_665 = tpu.vector_load %arg5[%get3A_663, %get3A_664] {strides = array<i32>} : memref<80x128xi32, #tpu.memory_space<vmem>>, vector<1x16xi32>,
      %get3A_666 = vector.shape_cast %get3A_665 : vector<1x16xi32> to vector<16xi32>
      %mul3A_667 = arith.constant 10 : i32
      %mul3A_668 = arith.muli %scan3A_292, %mul3A_667 : i32
      %add3A_669 = arith.constant 3 : i32
      %add3A_670 = arith.addi %mul3A_668, %add3A_669 : i32
      %swap3A_671 = arith.index_cast %add3A_670 : i32 to index
      %swap3A_672 = arith.constant 32 : index
      %swap3A_673 = tpu.vector_load %arg6[%swap3A_671, %swap3A_672] {strides = array<i32>} : memref<20x128xi32, #tpu.memory_space<vmem>>, vector<1x16xi32>,
      %swap3A_674 = vector.shape_cast %swap3A_673 : vector<1x16xi32> to vector<16xi32>
      %swap3A_675 = vector.shape_cast %get3A_666 : vector<16xi32> to vector<1x16xi32>
      tpu.vector_store %arg6[%swap3A_671, %swap3A_672], %swap3A_675 {strides = array<i32>} : memref<20x128xi32, #tpu.memory_space<vmem>>, vector<1x16xi32>,
      %get3A_676 = arith.constant 27 : i32
      %get3A_677 = arith.index_cast %get3A_676 : i32 to index
      %get3A_678 = arith.constant 0 : index
      %get3A_679 = tpu.vector_load %arg5[%get3A_677, %get3A_678] {strides = array<i32>} : memref<80x128xi32, #tpu.memory_space<vmem>>, vector<1x16xi32>,
      %get3A_680 = vector.shape_cast %get3A_679 : vector<1x16xi32> to vector<16xi32>
      %mul3A_681 = arith.constant 10 : i32
      %mul3A_682 = arith.muli %scan3A_292, %mul3A_681 : i32
      %add3A_683 = arith.constant 3 : i32
      %add3A_684 = arith.addi %mul3A_682, %add3A_683 : i32
      %swap3A_685 = arith.index_cast %add3A_684 : i32 to index
      %swap3A_686 = arith.constant 48 : index
      %swap3A_687 = tpu.vector_load %arg6[%swap3A_685, %swap3A_686] {strides = array<i32>} : memref<20x128xi32, #tpu.memory_space<vmem>>, vector<1x16xi32>,
      %swap3A_688 = vector.shape_cast %swap3A_687 : vector<1x16xi32> to vector<16xi32>
      %swap3A_689 = vector.shape_cast %get3A_680 : vector<16xi32> to vector<1x16xi32>
      tpu.vector_store %arg6[%swap3A_685, %swap3A_686], %swap3A_689 {strides = array<i32>} : memref<20x128xi32, #tpu.memory_space<vmem>>, vector<1x16xi32>,
      %get3A_690 = arith.constant 28 : i32
      %get3A_691 = arith.index_cast %get3A_690 : i32 to index
      %get3A_692 = arith.constant 0 : index
      %get3A_693 = tpu.vector_load %arg5[%get3A_691, %get3A_692] {strides = array<i32>} : memref<80x128xi32, #tpu.memory_space<vmem>>, vector<1x16xi32>,
      %get3A_694 = vector.shape_cast %get3A_693 : vector<1x16xi32> to vector<16xi32>
      %mul3A_695 = arith.constant 10 : i32
      %mul3A_696 = arith.muli %scan3A_292, %mul3A_695 : i32
      %add3A_697 = arith.constant 3 : i32
      %add3A_698 = arith.addi %mul3A_696, %add3A_697 : i32
      %swap3A_699 = arith.index_cast %add3A_698 : i32 to index
      %swap3A_700 = arith.constant 64 : index
      %swap3A_701 = tpu.vector_load %arg6[%swap3A_699, %swap3A_700] {strides = array<i32>} : memref<20x128xi32, #tpu.memory_space<vmem>>, vector<1x16xi32>,
      %swap3A_702 = vector.shape_cast %swap3A_701 : vector<1x16xi32> to vector<16xi32>
      %swap3A_703 = vector.shape_cast %get3A_694 : vector<16xi32> to vector<1x16xi32>
      tpu.vector_store %arg6[%swap3A_699, %swap3A_700], %swap3A_703 {strides = array<i32>} : memref<20x128xi32, #tpu.memory_space<vmem>>, vector<1x16xi32>,
      %get3A_704 = arith.constant 29 : i32
      %get3A_705 = arith.index_cast %get3A_704 : i32 to index
      %get3A_706 = arith.constant 0 : index
      %get3A_707 = tpu.vector_load %arg5[%get3A_705, %get3A_706] {strides = array<i32>} : memref<80x128xi32, #tpu.memory_space<vmem>>, vector<1x16xi32>,
      %get3A_708 = vector.shape_cast %get3A_707 : vector<1x16xi32> to vector<16xi32>
      %mul3A_709 = arith.constant 10 : i32
      %mul3A_710 = arith.muli %scan3A_292, %mul3A_709 : i32
      %add3A_711 = arith.constant 3 : i32
      %add3A_712 = arith.addi %mul3A_710, %add3A_711 : i32
      %swap3A_713 = arith.index_cast %add3A_712 : i32 to index
      %swap3A_714 = arith.constant 80 : index
      %swap3A_715 = tpu.vector_load %arg6[%swap3A_713, %swap3A_714] {strides = array<i32>} : memref<20x128xi32, #tpu.memory_space<vmem>>, vector<1x16xi32>,
      %swap3A_716 = vector.shape_cast %swap3A_715 : vector<1x16xi32> to vector<16xi32>
      %swap3A_717 = vector.shape_cast %get3A_708 : vector<16xi32> to vector<1x16xi32>
      tpu.vector_store %arg6[%swap3A_713, %swap3A_714], %swap3A_717 {strides = array<i32>} : memref<20x128xi32, #tpu.memory_space<vmem>>, vector<1x16xi32>,
      %get3A_718 = arith.constant 30 : i32
      %get3A_719 = arith.index_cast %get3A_718 : i32 to index
      %get3A_720 = arith.constant 0 : index
      %get3A_721 = tpu.vector_load %arg5[%get3A_719, %get3A_720] {strides = array<i32>} : memref<80x128xi32, #tpu.memory_space<vmem>>, vector<1x16xi32>,
      %get3A_722 = vector.shape_cast %get3A_721 : vector<1x16xi32> to vector<16xi32>
      %mul3A_723 = arith.constant 10 : i32
      %mul3A_724 = arith.muli %scan3A_292, %mul3A_723 : i32
      %add3A_725 = arith.constant 3 : i32
      %add3A_726 = arith.addi %mul3A_724, %add3A_725 : i32
      %swap3A_727 = arith.index_cast %add3A_726 : i32 to index
      %swap3A_728 = arith.constant 96 : index
      %swap3A_729 = tpu.vector_load %arg6[%swap3A_727, %swap3A_728] {strides = array<i32>} : memref<20x128xi32, #tpu.memory_space<vmem>>, vector<1x16xi32>,
      %swap3A_730 = vector.shape_cast %swap3A_729 : vector<1x16xi32> to vector<16xi32>
      %swap3A_731 = vector.shape_cast %get3A_722 : vector<16xi32> to vector<1x16xi32>
      tpu.vector_store %arg6[%swap3A_727, %swap3A_728], %swap3A_731 {strides = array<i32>} : memref<20x128xi32, #tpu.memory_space<vmem>>, vector<1x16xi32>,
      %get3A_732 = arith.constant 31 : i32
      %get3A_733 = arith.index_cast %get3A_732 : i32 to index
      %get3A_734 = arith.constant 0 : index
      %get3A_735 = tpu.vector_load %arg5[%get3A_733, %get3A_734] {strides = array<i32>} : memref<80x128xi32, #tpu.memory_space<vmem>>, vector<1x16xi32>,
      %get3A_736 = vector.shape_cast %get3A_735 : vector<1x16xi32> to vector<16xi32>
      %mul3A_737 = arith.constant 10 : i32
      %mul3A_738 = arith.muli %scan3A_292, %mul3A_737 : i32
      %add3A_739 = arith.constant 3 : i32
      %add3A_740 = arith.addi %mul3A_738, %add3A_739 : i32
      %swap3A_741 = arith.index_cast %add3A_740 : i32 to index
      %swap3A_742 = arith.constant 112 : index
      %swap3A_743 = tpu.vector_load %arg6[%swap3A_741, %swap3A_742] {strides = array<i32>} : memref<20x128xi32, #tpu.memory_space<vmem>>, vector<1x16xi32>,
      %swap3A_744 = vector.shape_cast %swap3A_743 : vector<1x16xi32> to vector<16xi32>
      %swap3A_745 = vector.shape_cast %get3A_736 : vector<16xi32> to vector<1x16xi32>
      tpu.vector_store %arg6[%swap3A_741, %swap3A_742], %swap3A_745 {strides = array<i32>} : memref<20x128xi32, #tpu.memory_space<vmem>>, vector<1x16xi32>,
      %get3A_746 = arith.constant 32 : i32
      %get3A_747 = arith.index_cast %get3A_746 : i32 to index
      %get3A_748 = arith.constant 0 : index
      %get3A_749 = tpu.vector_load %arg5[%get3A_747, %get3A_748] {strides = array<i32>} : memref<80x128xi32, #tpu.memory_space<vmem>>, vector<1x16xi32>,
      %get3A_750 = vector.shape_cast %get3A_749 : vector<1x16xi32> to vector<16xi32>
      %mul3A_751 = arith.constant 10 : i32
      %mul3A_752 = arith.muli %scan3A_292, %mul3A_751 : i32
      %add3A_753 = arith.constant 4 : i32
      %add3A_754 = arith.addi %mul3A_752, %add3A_753 : i32
      %swap3A_755 = arith.index_cast %add3A_754 : i32 to index
      %swap3A_756 = arith.constant 0 : index
      %swap3A_757 = tpu.vector_load %arg6[%swap3A_755, %swap3A_756] {strides = array<i32>} : memref<20x128xi32, #tpu.memory_space<vmem>>, vector<1x16xi32>,
      %swap3A_758 = vector.shape_cast %swap3A_757 : vector<1x16xi32> to vector<16xi32>
      %swap3A_759 = vector.shape_cast %get3A_750 : vector<16xi32> to vector<1x16xi32>
      tpu.vector_store %arg6[%swap3A_755, %swap3A_756], %swap3A_759 {strides = array<i32>} : memref<20x128xi32, #tpu.memory_space<vmem>>, vector<1x16xi32>,
      %get3A_760 = arith.constant 33 : i32
      %get3A_761 = arith.index_cast %get3A_760 : i32 to index
      %get3A_762 = arith.constant 0 : index
      %get3A_763 = tpu.vector_load %arg5[%get3A_761, %get3A_762] {strides = array<i32>} : memref<80x128xi32, #tpu.memory_space<vmem>>, vector<1x16xi32>,
      %get3A_764 = vector.shape_cast %get3A_763 : vector<1x16xi32> to vector<16xi32>
      %mul3A_765 = arith.constant 10 : i32
      %mul3A_766 = arith.muli %scan3A_292, %mul3A_765 : i32
      %add3A_767 = arith.constant 4 : i32
      %add3A_768 = arith.addi %mul3A_766, %add3A_767 : i32
      %swap3A_769 = arith.index_cast %add3A_768 : i32 to index
      %swap3A_770 = arith.constant 16 : index
      %swap3A_771 = tpu.vector_load %arg6[%swap3A_769, %swap3A_770] {strides = array<i32>} : memref<20x128xi32, #tpu.memory_space<vmem>>, vector<1x16xi32>,
      %swap3A_772 = vector.shape_cast %swap3A_771 : vector<1x16xi32> to vector<16xi32>
      %swap3A_773 = vector.shape_cast %get3A_764 : vector<16xi32> to vector<1x16xi32>
      tpu.vector_store %arg6[%swap3A_769, %swap3A_770], %swap3A_773 {strides = array<i32>} : memref<20x128xi32, #tpu.memory_space<vmem>>, vector<1x16xi32>,
      %get3A_774 = arith.constant 34 : i32
      %get3A_775 = arith.index_cast %get3A_774 : i32 to index
      %get3A_776 = arith.constant 0 : index
      %get3A_777 = tpu.vector_load %arg5[%get3A_775, %get3A_776] {strides = array<i32>} : memref<80x128xi32, #tpu.memory_space<vmem>>, vector<1x16xi32>,
      %get3A_778 = vector.shape_cast %get3A_777 : vector<1x16xi32> to vector<16xi32>
      %mul3A_779 = arith.constant 10 : i32
      %mul3A_780 = arith.muli %scan3A_292, %mul3A_779 : i32
      %add3A_781 = arith.constant 4 : i32
      %add3A_782 = arith.addi %mul3A_780, %add3A_781 : i32
      %swap3A_783 = arith.index_cast %add3A_782 : i32 to index
      %swap3A_784 = arith.constant 32 : index
      %swap3A_785 = tpu.vector_load %arg6[%swap3A_783, %swap3A_784] {strides = array<i32>} : memref<20x128xi32, #tpu.memory_space<vmem>>, vector<1x16xi32>,
      %swap3A_786 = vector.shape_cast %swap3A_785 : vector<1x16xi32> to vector<16xi32>
      %swap3A_787 = vector.shape_cast %get3A_778 : vector<16xi32> to vector<1x16xi32>
      tpu.vector_store %arg6[%swap3A_783, %swap3A_784], %swap3A_787 {strides = array<i32>} : memref<20x128xi32, #tpu.memory_space<vmem>>, vector<1x16xi32>,
      %get3A_788 = arith.constant 35 : i32
      %get3A_789 = arith.index_cast %get3A_788 : i32 to index
      %get3A_790 = arith.constant 0 : index
      %get3A_791 = tpu.vector_load %arg5[%get3A_789, %get3A_790] {strides = array<i32>} : memref<80x128xi32, #tpu.memory_space<vmem>>, vector<1x16xi32>,
      %get3A_792 = vector.shape_cast %get3A_791 : vector<1x16xi32> to vector<16xi32>
      %mul3A_793 = arith.constant 10 : i32
      %mul3A_794 = arith.muli %scan3A_292, %mul3A_793 : i32
      %add3A_795 = arith.constant 4 : i32
      %add3A_796 = arith.addi %mul3A_794, %add3A_795 : i32
      %swap3A_797 = arith.index_cast %add3A_796 : i32 to index
      %swap3A_798 = arith.constant 48 : index
      %swap3A_799 = tpu.vector_load %arg6[%swap3A_797, %swap3A_798] {strides = array<i32>} : memref<20x128xi32, #tpu.memory_space<vmem>>, vector<1x16xi32>,
      %swap3A_800 = vector.shape_cast %swap3A_799 : vector<1x16xi32> to vector<16xi32>
      %swap3A_801 = vector.shape_cast %get3A_792 : vector<16xi32> to vector<1x16xi32>
      tpu.vector_store %arg6[%swap3A_797, %swap3A_798], %swap3A_801 {strides = array<i32>} : memref<20x128xi32, #tpu.memory_space<vmem>>, vector<1x16xi32>,
      %get3A_802 = arith.constant 36 : i32
      %get3A_803 = arith.index_cast %get3A_802 : i32 to index
      %get3A_804 = arith.constant 0 : index
      %get3A_805 = tpu.vector_load %arg5[%get3A_803, %get3A_804] {strides = array<i32>} : memref<80x128xi32, #tpu.memory_space<vmem>>, vector<1x16xi32>,
      %get3A_806 = vector.shape_cast %get3A_805 : vector<1x16xi32> to vector<16xi32>
      %mul3A_807 = arith.constant 10 : i32
      %mul3A_808 = arith.muli %scan3A_292, %mul3A_807 : i32
      %add3A_809 = arith.constant 4 : i32
      %add3A_810 = arith.addi %mul3A_808, %add3A_809 : i32
      %swap3A_811 = arith.index_cast %add3A_810 : i32 to index
      %swap3A_812 = arith.constant 64 : index
      %swap3A_813 = tpu.vector_load %arg6[%swap3A_811, %swap3A_812] {strides = array<i32>} : memref<20x128xi32, #tpu.memory_space<vmem>>, vector<1x16xi32>,
      %swap3A_814 = vector.shape_cast %swap3A_813 : vector<1x16xi32> to vector<16xi32>
      %swap3A_815 = vector.shape_cast %get3A_806 : vector<16xi32> to vector<1x16xi32>
      tpu.vector_store %arg6[%swap3A_811, %swap3A_812], %swap3A_815 {strides = array<i32>} : memref<20x128xi32, #tpu.memory_space<vmem>>, vector<1x16xi32>,
      %get3A_816 = arith.constant 37 : i32
      %get3A_817 = arith.index_cast %get3A_816 : i32 to index
      %get3A_818 = arith.constant 0 : index
      %get3A_819 = tpu.vector_load %arg5[%get3A_817, %get3A_818] {strides = array<i32>} : memref<80x128xi32, #tpu.memory_space<vmem>>, vector<1x16xi32>,
      %get3A_820 = vector.shape_cast %get3A_819 : vector<1x16xi32> to vector<16xi32>
      %mul3A_821 = arith.constant 10 : i32
      %mul3A_822 = arith.muli %scan3A_292, %mul3A_821 : i32
      %add3A_823 = arith.constant 4 : i32
      %add3A_824 = arith.addi %mul3A_822, %add3A_823 : i32
      %swap3A_825 = arith.index_cast %add3A_824 : i32 to index
      %swap3A_826 = arith.constant 80 : index
      %swap3A_827 = tpu.vector_load %arg6[%swap3A_825, %swap3A_826] {strides = array<i32>} : memref<20x128xi32, #tpu.memory_space<vmem>>, vector<1x16xi32>,
      %swap3A_828 = vector.shape_cast %swap3A_827 : vector<1x16xi32> to vector<16xi32>
      %swap3A_829 = vector.shape_cast %get3A_820 : vector<16xi32> to vector<1x16xi32>
      tpu.vector_store %arg6[%swap3A_825, %swap3A_826], %swap3A_829 {strides = array<i32>} : memref<20x128xi32, #tpu.memory_space<vmem>>, vector<1x16xi32>,
      %get3A_830 = arith.constant 38 : i32
      %get3A_831 = arith.index_cast %get3A_830 : i32 to index
      %get3A_832 = arith.constant 0 : index
      %get3A_833 = tpu.vector_load %arg5[%get3A_831, %get3A_832] {strides = array<i32>} : memref<80x128xi32, #tpu.memory_space<vmem>>, vector<1x16xi32>,
      %get3A_834 = vector.shape_cast %get3A_833 : vector<1x16xi32> to vector<16xi32>
      %mul3A_835 = arith.constant 10 : i32
      %mul3A_836 = arith.muli %scan3A_292, %mul3A_835 : i32
      %add3A_837 = arith.constant 4 : i32
      %add3A_838 = arith.addi %mul3A_836, %add3A_837 : i32
      %swap3A_839 = arith.index_cast %add3A_838 : i32 to index
      %swap3A_840 = arith.constant 96 : index
      %swap3A_841 = tpu.vector_load %arg6[%swap3A_839, %swap3A_840] {strides = array<i32>} : memref<20x128xi32, #tpu.memory_space<vmem>>, vector<1x16xi32>,
      %swap3A_842 = vector.shape_cast %swap3A_841 : vector<1x16xi32> to vector<16xi32>
      %swap3A_843 = vector.shape_cast %get3A_834 : vector<16xi32> to vector<1x16xi32>
      tpu.vector_store %arg6[%swap3A_839, %swap3A_840], %swap3A_843 {strides = array<i32>} : memref<20x128xi32, #tpu.memory_space<vmem>>, vector<1x16xi32>,
      %get3A_844 = arith.constant 39 : i32
      %get3A_845 = arith.index_cast %get3A_844 : i32 to index
      %get3A_846 = arith.constant 0 : index
      %get3A_847 = tpu.vector_load %arg5[%get3A_845, %get3A_846] {strides = array<i32>} : memref<80x128xi32, #tpu.memory_space<vmem>>, vector<1x16xi32>,
      %get3A_848 = vector.shape_cast %get3A_847 : vector<1x16xi32> to vector<16xi32>
      %mul3A_849 = arith.constant 10 : i32
      %mul3A_850 = arith.muli %scan3A_292, %mul3A_849 : i32
      %add3A_851 = arith.constant 4 : i32
      %add3A_852 = arith.addi %mul3A_850, %add3A_851 : i32
      %swap3A_853 = arith.index_cast %add3A_852 : i32 to index
      %swap3A_854 = arith.constant 112 : index
      %swap3A_855 = tpu.vector_load %arg6[%swap3A_853, %swap3A_854] {strides = array<i32>} : memref<20x128xi32, #tpu.memory_space<vmem>>, vector<1x16xi32>,
      %swap3A_856 = vector.shape_cast %swap3A_855 : vector<1x16xi32> to vector<16xi32>
      %swap3A_857 = vector.shape_cast %get3A_848 : vector<16xi32> to vector<1x16xi32>
      tpu.vector_store %arg6[%swap3A_853, %swap3A_854], %swap3A_857 {strides = array<i32>} : memref<20x128xi32, #tpu.memory_space<vmem>>, vector<1x16xi32>,
      %get3A_858 = arith.constant 40 : i32
      %get3A_859 = arith.index_cast %get3A_858 : i32 to index
      %get3A_860 = arith.constant 0 : index
      %get3A_861 = tpu.vector_load %arg5[%get3A_859, %get3A_860] {strides = array<i32>} : memref<80x128xi32, #tpu.memory_space<vmem>>, vector<1x16xi32>,
      %get3A_862 = vector.shape_cast %get3A_861 : vector<1x16xi32> to vector<16xi32>
      %mul3A_863 = arith.constant 10 : i32
      %mul3A_864 = arith.muli %scan3A_292, %mul3A_863 : i32
      %add3A_865 = arith.constant 5 : i32
      %add3A_866 = arith.addi %mul3A_864, %add3A_865 : i32
      %swap3A_867 = arith.index_cast %add3A_866 : i32 to index
      %swap3A_868 = arith.constant 0 : index
      %swap3A_869 = tpu.vector_load %arg6[%swap3A_867, %swap3A_868] {strides = array<i32>} : memref<20x128xi32, #tpu.memory_space<vmem>>, vector<1x16xi32>,
      %swap3A_870 = vector.shape_cast %swap3A_869 : vector<1x16xi32> to vector<16xi32>
      %swap3A_871 = vector.shape_cast %get3A_862 : vector<16xi32> to vector<1x16xi32>
      tpu.vector_store %arg6[%swap3A_867, %swap3A_868], %swap3A_871 {strides = array<i32>} : memref<20x128xi32, #tpu.memory_space<vmem>>, vector<1x16xi32>,
      %get3A_872 = arith.constant 41 : i32
      %get3A_873 = arith.index_cast %get3A_872 : i32 to index
      %get3A_874 = arith.constant 0 : index
      %get3A_875 = tpu.vector_load %arg5[%get3A_873, %get3A_874] {strides = array<i32>} : memref<80x128xi32, #tpu.memory_space<vmem>>, vector<1x16xi32>,
      %get3A_876 = vector.shape_cast %get3A_875 : vector<1x16xi32> to vector<16xi32>
      %mul3A_877 = arith.constant 10 : i32
      %mul3A_878 = arith.muli %scan3A_292, %mul3A_877 : i32
      %add3A_879 = arith.constant 5 : i32
      %add3A_880 = arith.addi %mul3A_878, %add3A_879 : i32
      %swap3A_881 = arith.index_cast %add3A_880 : i32 to index
      %swap3A_882 = arith.constant 16 : index
      %swap3A_883 = tpu.vector_load %arg6[%swap3A_881, %swap3A_882] {strides = array<i32>} : memref<20x128xi32, #tpu.memory_space<vmem>>, vector<1x16xi32>,
      %swap3A_884 = vector.shape_cast %swap3A_883 : vector<1x16xi32> to vector<16xi32>
      %swap3A_885 = vector.shape_cast %get3A_876 : vector<16xi32> to vector<1x16xi32>
      tpu.vector_store %arg6[%swap3A_881, %swap3A_882], %swap3A_885 {strides = array<i32>} : memref<20x128xi32, #tpu.memory_space<vmem>>, vector<1x16xi32>,
      %get3A_886 = arith.constant 42 : i32
      %get3A_887 = arith.index_cast %get3A_886 : i32 to index
      %get3A_888 = arith.constant 0 : index
      %get3A_889 = tpu.vector_load %arg5[%get3A_887, %get3A_888] {strides = array<i32>} : memref<80x128xi32, #tpu.memory_space<vmem>>, vector<1x16xi32>,
      %get3A_890 = vector.shape_cast %get3A_889 : vector<1x16xi32> to vector<16xi32>
      %mul3A_891 = arith.constant 10 : i32
      %mul3A_892 = arith.muli %scan3A_292, %mul3A_891 : i32
      %add3A_893 = arith.constant 5 : i32
      %add3A_894 = arith.addi %mul3A_892, %add3A_893 : i32
      %swap3A_895 = arith.index_cast %add3A_894 : i32 to index
      %swap3A_896 = arith.constant 32 : index
      %swap3A_897 = tpu.vector_load %arg6[%swap3A_895, %swap3A_896] {strides = array<i32>} : memref<20x128xi32, #tpu.memory_space<vmem>>, vector<1x16xi32>,
      %swap3A_898 = vector.shape_cast %swap3A_897 : vector<1x16xi32> to vector<16xi32>
      %swap3A_899 = vector.shape_cast %get3A_890 : vector<16xi32> to vector<1x16xi32>
      tpu.vector_store %arg6[%swap3A_895, %swap3A_896], %swap3A_899 {strides = array<i32>} : memref<20x128xi32, #tpu.memory_space<vmem>>, vector<1x16xi32>,
      %get3A_900 = arith.constant 43 : i32
      %get3A_901 = arith.index_cast %get3A_900 : i32 to index
      %get3A_902 = arith.constant 0 : index
      %get3A_903 = tpu.vector_load %arg5[%get3A_901, %get3A_902] {strides = array<i32>} : memref<80x128xi32, #tpu.memory_space<vmem>>, vector<1x16xi32>,
      %get3A_904 = vector.shape_cast %get3A_903 : vector<1x16xi32> to vector<16xi32>
      %mul3A_905 = arith.constant 10 : i32
      %mul3A_906 = arith.muli %scan3A_292, %mul3A_905 : i32
      %add3A_907 = arith.constant 5 : i32
      %add3A_908 = arith.addi %mul3A_906, %add3A_907 : i32
      %swap3A_909 = arith.index_cast %add3A_908 : i32 to index
      %swap3A_910 = arith.constant 48 : index
      %swap3A_911 = tpu.vector_load %arg6[%swap3A_909, %swap3A_910] {strides = array<i32>} : memref<20x128xi32, #tpu.memory_space<vmem>>, vector<1x16xi32>,
      %swap3A_912 = vector.shape_cast %swap3A_911 : vector<1x16xi32> to vector<16xi32>
      %swap3A_913 = vector.shape_cast %get3A_904 : vector<16xi32> to vector<1x16xi32>
      tpu.vector_store %arg6[%swap3A_909, %swap3A_910], %swap3A_913 {strides = array<i32>} : memref<20x128xi32, #tpu.memory_space<vmem>>, vector<1x16xi32>,
      %get3A_914 = arith.constant 44 : i32
      %get3A_915 = arith.index_cast %get3A_914 : i32 to index
      %get3A_916 = arith.constant 0 : index
      %get3A_917 = tpu.vector_load %arg5[%get3A_915, %get3A_916] {strides = array<i32>} : memref<80x128xi32, #tpu.memory_space<vmem>>, vector<1x16xi32>,
      %get3A_918 = vector.shape_cast %get3A_917 : vector<1x16xi32> to vector<16xi32>
      %mul3A_919 = arith.constant 10 : i32
      %mul3A_920 = arith.muli %scan3A_292, %mul3A_919 : i32
      %add3A_921 = arith.constant 5 : i32
      %add3A_922 = arith.addi %mul3A_920, %add3A_921 : i32
      %swap3A_923 = arith.index_cast %add3A_922 : i32 to index
      %swap3A_924 = arith.constant 64 : index
      %swap3A_925 = tpu.vector_load %arg6[%swap3A_923, %swap3A_924] {strides = array<i32>} : memref<20x128xi32, #tpu.memory_space<vmem>>, vector<1x16xi32>,
      %swap3A_926 = vector.shape_cast %swap3A_925 : vector<1x16xi32> to vector<16xi32>
      %swap3A_927 = vector.shape_cast %get3A_918 : vector<16xi32> to vector<1x16xi32>
      tpu.vector_store %arg6[%swap3A_923, %swap3A_924], %swap3A_927 {strides = array<i32>} : memref<20x128xi32, #tpu.memory_space<vmem>>, vector<1x16xi32>,
      %get3A_928 = arith.constant 45 : i32
      %get3A_929 = arith.index_cast %get3A_928 : i32 to index
      %get3A_930 = arith.constant 0 : index
      %get3A_931 = tpu.vector_load %arg5[%get3A_929, %get3A_930] {strides = array<i32>} : memref<80x128xi32, #tpu.memory_space<vmem>>, vector<1x16xi32>,
      %get3A_932 = vector.shape_cast %get3A_931 : vector<1x16xi32> to vector<16xi32>
      %mul3A_933 = arith.constant 10 : i32
      %mul3A_934 = arith.muli %scan3A_292, %mul3A_933 : i32
      %add3A_935 = arith.constant 5 : i32
      %add3A_936 = arith.addi %mul3A_934, %add3A_935 : i32
      %swap3A_937 = arith.index_cast %add3A_936 : i32 to index
      %swap3A_938 = arith.constant 80 : index
      %swap3A_939 = tpu.vector_load %arg6[%swap3A_937, %swap3A_938] {strides = array<i32>} : memref<20x128xi32, #tpu.memory_space<vmem>>, vector<1x16xi32>,
      %swap3A_940 = vector.shape_cast %swap3A_939 : vector<1x16xi32> to vector<16xi32>
      %swap3A_941 = vector.shape_cast %get3A_932 : vector<16xi32> to vector<1x16xi32>
      tpu.vector_store %arg6[%swap3A_937, %swap3A_938], %swap3A_941 {strides = array<i32>} : memref<20x128xi32, #tpu.memory_space<vmem>>, vector<1x16xi32>,
      %get3A_942 = arith.constant 46 : i32
      %get3A_943 = arith.index_cast %get3A_942 : i32 to index
      %get3A_944 = arith.constant 0 : index
      %get3A_945 = tpu.vector_load %arg5[%get3A_943, %get3A_944] {strides = array<i32>} : memref<80x128xi32, #tpu.memory_space<vmem>>, vector<1x16xi32>,
      %get3A_946 = vector.shape_cast %get3A_945 : vector<1x16xi32> to vector<16xi32>
      %mul3A_947 = arith.constant 10 : i32
      %mul3A_948 = arith.muli %scan3A_292, %mul3A_947 : i32
      %add3A_949 = arith.constant 5 : i32
      %add3A_950 = arith.addi %mul3A_948, %add3A_949 : i32
      %swap3A_951 = arith.index_cast %add3A_950 : i32 to index
      %swap3A_952 = arith.constant 96 : index
      %swap3A_953 = tpu.vector_load %arg6[%swap3A_951, %swap3A_952] {strides = array<i32>} : memref<20x128xi32, #tpu.memory_space<vmem>>, vector<1x16xi32>,
      %swap3A_954 = vector.shape_cast %swap3A_953 : vector<1x16xi32> to vector<16xi32>
      %swap3A_955 = vector.shape_cast %get3A_946 : vector<16xi32> to vector<1x16xi32>
      tpu.vector_store %arg6[%swap3A_951, %swap3A_952], %swap3A_955 {strides = array<i32>} : memref<20x128xi32, #tpu.memory_space<vmem>>, vector<1x16xi32>,
      %get3A_956 = arith.constant 47 : i32
      %get3A_957 = arith.index_cast %get3A_956 : i32 to index
      %get3A_958 = arith.constant 0 : index
      %get3A_959 = tpu.vector_load %arg5[%get3A_957, %get3A_958] {strides = array<i32>} : memref<80x128xi32, #tpu.memory_space<vmem>>, vector<1x16xi32>,
      %get3A_960 = vector.shape_cast %get3A_959 : vector<1x16xi32> to vector<16xi32>
      %mul3A_961 = arith.constant 10 : i32
      %mul3A_962 = arith.muli %scan3A_292, %mul3A_961 : i32
      %add3A_963 = arith.constant 5 : i32
      %add3A_964 = arith.addi %mul3A_962, %add3A_963 : i32
      %swap3A_965 = arith.index_cast %add3A_964 : i32 to index
      %swap3A_966 = arith.constant 112 : index
      %swap3A_967 = tpu.vector_load %arg6[%swap3A_965, %swap3A_966] {strides = array<i32>} : memref<20x128xi32, #tpu.memory_space<vmem>>, vector<1x16xi32>,
      %swap3A_968 = vector.shape_cast %swap3A_967 : vector<1x16xi32> to vector<16xi32>
      %swap3A_969 = vector.shape_cast %get3A_960 : vector<16xi32> to vector<1x16xi32>
      tpu.vector_store %arg6[%swap3A_965, %swap3A_966], %swap3A_969 {strides = array<i32>} : memref<20x128xi32, #tpu.memory_space<vmem>>, vector<1x16xi32>,
      %get3A_970 = arith.constant 48 : i32
      %get3A_971 = arith.index_cast %get3A_970 : i32 to index
      %get3A_972 = arith.constant 0 : index
      %get3A_973 = tpu.vector_load %arg5[%get3A_971, %get3A_972] {strides = array<i32>} : memref<80x128xi32, #tpu.memory_space<vmem>>, vector<1x16xi32>,
      %get3A_974 = vector.shape_cast %get3A_973 : vector<1x16xi32> to vector<16xi32>
      %mul3A_975 = arith.constant 10 : i32
      %mul3A_976 = arith.muli %scan3A_292, %mul3A_975 : i32
      %add3A_977 = arith.constant 6 : i32
      %add3A_978 = arith.addi %mul3A_976, %add3A_977 : i32
      %swap3A_979 = arith.index_cast %add3A_978 : i32 to index
      %swap3A_980 = arith.constant 0 : index
      %swap3A_981 = tpu.vector_load %arg6[%swap3A_979, %swap3A_980] {strides = array<i32>} : memref<20x128xi32, #tpu.memory_space<vmem>>, vector<1x16xi32>,
      %swap3A_982 = vector.shape_cast %swap3A_981 : vector<1x16xi32> to vector<16xi32>
      %swap3A_983 = vector.shape_cast %get3A_974 : vector<16xi32> to vector<1x16xi32>
      tpu.vector_store %arg6[%swap3A_979, %swap3A_980], %swap3A_983 {strides = array<i32>} : memref<20x128xi32, #tpu.memory_space<vmem>>, vector<1x16xi32>,
      %get3A_984 = arith.constant 49 : i32
      %get3A_985 = arith.index_cast %get3A_984 : i32 to index
      %get3A_986 = arith.constant 0 : index
      %get3A_987 = tpu.vector_load %arg5[%get3A_985, %get3A_986] {strides = array<i32>} : memref<80x128xi32, #tpu.memory_space<vmem>>, vector<1x16xi32>,
      %get3A_988 = vector.shape_cast %get3A_987 : vector<1x16xi32> to vector<16xi32>
      %mul3A_989 = arith.constant 10 : i32
      %mul3A_990 = arith.muli %scan3A_292, %mul3A_989 : i32
      %add3A_991 = arith.constant 6 : i32
      %add3A_992 = arith.addi %mul3A_990, %add3A_991 : i32
      %swap3A_993 = arith.index_cast %add3A_992 : i32 to index
      %swap3A_994 = arith.constant 16 : index
      %swap3A_995 = tpu.vector_load %arg6[%swap3A_993, %swap3A_994] {strides = array<i32>} : memref<20x128xi32, #tpu.memory_space<vmem>>, vector<1x16xi32>,
      %swap3A_996 = vector.shape_cast %swap3A_995 : vector<1x16xi32> to vector<16xi32>
      %swap3A_997 = vector.shape_cast %get3A_988 : vector<16xi32> to vector<1x16xi32>
      tpu.vector_store %arg6[%swap3A_993, %swap3A_994], %swap3A_997 {strides = array<i32>} : memref<20x128xi32, #tpu.memory_space<vmem>>, vector<1x16xi32>,
      %get3A_998 = arith.constant 50 : i32
      %get3A_999 = arith.index_cast %get3A_998 : i32 to index
      %get3A_1000 = arith.constant 0 : index
      %get3A_1001 = tpu.vector_load %arg5[%get3A_999, %get3A_1000] {strides = array<i32>} : memref<80x128xi32, #tpu.memory_space<vmem>>, vector<1x16xi32>,
      %get3A_1002 = vector.shape_cast %get3A_1001 : vector<1x16xi32> to vector<16xi32>
      %mul3A_1003 = arith.constant 10 : i32
      %mul3A_1004 = arith.muli %scan3A_292, %mul3A_1003 : i32
      %add3A_1005 = arith.constant 6 : i32
      %add3A_1006 = arith.addi %mul3A_1004, %add3A_1005 : i32
      %swap3A_1007 = arith.index_cast %add3A_1006 : i32 to index
      %swap3A_1008 = arith.constant 32 : index
      %swap3A_1009 = tpu.vector_load %arg6[%swap3A_1007, %swap3A_1008] {strides = array<i32>} : memref<20x128xi32, #tpu.memory_space<vmem>>, vector<1x16xi32>,
      %swap3A_1010 = vector.shape_cast %swap3A_1009 : vector<1x16xi32> to vector<16xi32>
      %swap3A_1011 = vector.shape_cast %get3A_1002 : vector<16xi32> to vector<1x16xi32>
      tpu.vector_store %arg6[%swap3A_1007, %swap3A_1008], %swap3A_1011 {strides = array<i32>} : memref<20x128xi32, #tpu.memory_space<vmem>>, vector<1x16xi32>,
      %get3A_1012 = arith.constant 51 : i32
      %get3A_1013 = arith.index_cast %get3A_1012 : i32 to index
      %get3A_1014 = arith.constant 0 : index
      %get3A_1015 = tpu.vector_load %arg5[%get3A_1013, %get3A_1014] {strides = array<i32>} : memref<80x128xi32, #tpu.memory_space<vmem>>, vector<1x16xi32>,
      %get3A_1016 = vector.shape_cast %get3A_1015 : vector<1x16xi32> to vector<16xi32>
      %mul3A_1017 = arith.constant 10 : i32
      %mul3A_1018 = arith.muli %scan3A_292, %mul3A_1017 : i32
      %add3A_1019 = arith.constant 6 : i32
      %add3A_1020 = arith.addi %mul3A_1018, %add3A_1019 : i32
      %swap3A_1021 = arith.index_cast %add3A_1020 : i32 to index
      %swap3A_1022 = arith.constant 48 : index
      %swap3A_1023 = tpu.vector_load %arg6[%swap3A_1021, %swap3A_1022] {strides = array<i32>} : memref<20x128xi32, #tpu.memory_space<vmem>>, vector<1x16xi32>,
      %swap3A_1024 = vector.shape_cast %swap3A_1023 : vector<1x16xi32> to vector<16xi32>
      %swap3A_1025 = vector.shape_cast %get3A_1016 : vector<16xi32> to vector<1x16xi32>
      tpu.vector_store %arg6[%swap3A_1021, %swap3A_1022], %swap3A_1025 {strides = array<i32>} : memref<20x128xi32, #tpu.memory_space<vmem>>, vector<1x16xi32>,
      %get3A_1026 = arith.constant 52 : i32
      %get3A_1027 = arith.index_cast %get3A_1026 : i32 to index
      %get3A_1028 = arith.constant 0 : index
      %get3A_1029 = tpu.vector_load %arg5[%get3A_1027, %get3A_1028] {strides = array<i32>} : memref<80x128xi32, #tpu.memory_space<vmem>>, vector<1x16xi32>,
      %get3A_1030 = vector.shape_cast %get3A_1029 : vector<1x16xi32> to vector<16xi32>
      %mul3A_1031 = arith.constant 10 : i32
      %mul3A_1032 = arith.muli %scan3A_292, %mul3A_1031 : i32
      %add3A_1033 = arith.constant 6 : i32
      %add3A_1034 = arith.addi %mul3A_1032, %add3A_1033 : i32
      %swap3A_1035 = arith.index_cast %add3A_1034 : i32 to index
      %swap3A_1036 = arith.constant 64 : index
      %swap3A_1037 = tpu.vector_load %arg6[%swap3A_1035, %swap3A_1036] {strides = array<i32>} : memref<20x128xi32, #tpu.memory_space<vmem>>, vector<1x16xi32>,
      %swap3A_1038 = vector.shape_cast %swap3A_1037 : vector<1x16xi32> to vector<16xi32>
      %swap3A_1039 = vector.shape_cast %get3A_1030 : vector<16xi32> to vector<1x16xi32>
      tpu.vector_store %arg6[%swap3A_1035, %swap3A_1036], %swap3A_1039 {strides = array<i32>} : memref<20x128xi32, #tpu.memory_space<vmem>>, vector<1x16xi32>,
      %get3A_1040 = arith.constant 53 : i32
      %get3A_1041 = arith.index_cast %get3A_1040 : i32 to index
      %get3A_1042 = arith.constant 0 : index
      %get3A_1043 = tpu.vector_load %arg5[%get3A_1041, %get3A_1042] {strides = array<i32>} : memref<80x128xi32, #tpu.memory_space<vmem>>, vector<1x16xi32>,
      %get3A_1044 = vector.shape_cast %get3A_1043 : vector<1x16xi32> to vector<16xi32>
      %mul3A_1045 = arith.constant 10 : i32
      %mul3A_1046 = arith.muli %scan3A_292, %mul3A_1045 : i32
      %add3A_1047 = arith.constant 6 : i32
      %add3A_1048 = arith.addi %mul3A_1046, %add3A_1047 : i32
      %swap3A_1049 = arith.index_cast %add3A_1048 : i32 to index
      %swap3A_1050 = arith.constant 80 : index
      %swap3A_1051 = tpu.vector_load %arg6[%swap3A_1049, %swap3A_1050] {strides = array<i32>} : memref<20x128xi32, #tpu.memory_space<vmem>>, vector<1x16xi32>,
      %swap3A_1052 = vector.shape_cast %swap3A_1051 : vector<1x16xi32> to vector<16xi32>
      %swap3A_1053 = vector.shape_cast %get3A_1044 : vector<16xi32> to vector<1x16xi32>
      tpu.vector_store %arg6[%swap3A_1049, %swap3A_1050], %swap3A_1053 {strides = array<i32>} : memref<20x128xi32, #tpu.memory_space<vmem>>, vector<1x16xi32>,
      %get3A_1054 = arith.constant 54 : i32
      %get3A_1055 = arith.index_cast %get3A_1054 : i32 to index
      %get3A_1056 = arith.constant 0 : index
      %get3A_1057 = tpu.vector_load %arg5[%get3A_1055, %get3A_1056] {strides = array<i32>} : memref<80x128xi32, #tpu.memory_space<vmem>>, vector<1x16xi32>,
      %get3A_1058 = vector.shape_cast %get3A_1057 : vector<1x16xi32> to vector<16xi32>
      %mul3A_1059 = arith.constant 10 : i32
      %mul3A_1060 = arith.muli %scan3A_292, %mul3A_1059 : i32
      %add3A_1061 = arith.constant 6 : i32
      %add3A_1062 = arith.addi %mul3A_1060, %add3A_1061 : i32
      %swap3A_1063 = arith.index_cast %add3A_1062 : i32 to index
      %swap3A_1064 = arith.constant 96 : index
      %swap3A_1065 = tpu.vector_load %arg6[%swap3A_1063, %swap3A_1064] {strides = array<i32>} : memref<20x128xi32, #tpu.memory_space<vmem>>, vector<1x16xi32>,
      %swap3A_1066 = vector.shape_cast %swap3A_1065 : vector<1x16xi32> to vector<16xi32>
      %swap3A_1067 = vector.shape_cast %get3A_1058 : vector<16xi32> to vector<1x16xi32>
      tpu.vector_store %arg6[%swap3A_1063, %swap3A_1064], %swap3A_1067 {strides = array<i32>} : memref<20x128xi32, #tpu.memory_space<vmem>>, vector<1x16xi32>,
      %get3A_1068 = arith.constant 55 : i32
      %get3A_1069 = arith.index_cast %get3A_1068 : i32 to index
      %get3A_1070 = arith.constant 0 : index
      %get3A_1071 = tpu.vector_load %arg5[%get3A_1069, %get3A_1070] {strides = array<i32>} : memref<80x128xi32, #tpu.memory_space<vmem>>, vector<1x16xi32>,
      %get3A_1072 = vector.shape_cast %get3A_1071 : vector<1x16xi32> to vector<16xi32>
      %mul3A_1073 = arith.constant 10 : i32
      %mul3A_1074 = arith.muli %scan3A_292, %mul3A_1073 : i32
      %add3A_1075 = arith.constant 6 : i32
      %add3A_1076 = arith.addi %mul3A_1074, %add3A_1075 : i32
      %swap3A_1077 = arith.index_cast %add3A_1076 : i32 to index
      %swap3A_1078 = arith.constant 112 : index
      %swap3A_1079 = tpu.vector_load %arg6[%swap3A_1077, %swap3A_1078] {strides = array<i32>} : memref<20x128xi32, #tpu.memory_space<vmem>>, vector<1x16xi32>,
      %swap3A_1080 = vector.shape_cast %swap3A_1079 : vector<1x16xi32> to vector<16xi32>
      %swap3A_1081 = vector.shape_cast %get3A_1072 : vector<16xi32> to vector<1x16xi32>
      tpu.vector_store %arg6[%swap3A_1077, %swap3A_1078], %swap3A_1081 {strides = array<i32>} : memref<20x128xi32, #tpu.memory_space<vmem>>, vector<1x16xi32>,
      %get3A_1082 = arith.constant 56 : i32
      %get3A_1083 = arith.index_cast %get3A_1082 : i32 to index
      %get3A_1084 = arith.constant 0 : index
      %get3A_1085 = tpu.vector_load %arg5[%get3A_1083, %get3A_1084] {strides = array<i32>} : memref<80x128xi32, #tpu.memory_space<vmem>>, vector<1x16xi32>,
      %get3A_1086 = vector.shape_cast %get3A_1085 : vector<1x16xi32> to vector<16xi32>
      %mul3A_1087 = arith.constant 10 : i32
      %mul3A_1088 = arith.muli %scan3A_292, %mul3A_1087 : i32
      %add3A_1089 = arith.constant 7 : i32
      %add3A_1090 = arith.addi %mul3A_1088, %add3A_1089 : i32
      %swap3A_1091 = arith.index_cast %add3A_1090 : i32 to index
      %swap3A_1092 = arith.constant 0 : index
      %swap3A_1093 = tpu.vector_load %arg6[%swap3A_1091, %swap3A_1092] {strides = array<i32>} : memref<20x128xi32, #tpu.memory_space<vmem>>, vector<1x16xi32>,
      %swap3A_1094 = vector.shape_cast %swap3A_1093 : vector<1x16xi32> to vector<16xi32>
      %swap3A_1095 = vector.shape_cast %get3A_1086 : vector<16xi32> to vector<1x16xi32>
      tpu.vector_store %arg6[%swap3A_1091, %swap3A_1092], %swap3A_1095 {strides = array<i32>} : memref<20x128xi32, #tpu.memory_space<vmem>>, vector<1x16xi32>,
      %get3A_1096 = arith.constant 57 : i32
      %get3A_1097 = arith.index_cast %get3A_1096 : i32 to index
      %get3A_1098 = arith.constant 0 : index
      %get3A_1099 = tpu.vector_load %arg5[%get3A_1097, %get3A_1098] {strides = array<i32>} : memref<80x128xi32, #tpu.memory_space<vmem>>, vector<1x16xi32>,
      %get3A_1100 = vector.shape_cast %get3A_1099 : vector<1x16xi32> to vector<16xi32>
      %mul3A_1101 = arith.constant 10 : i32
      %mul3A_1102 = arith.muli %scan3A_292, %mul3A_1101 : i32
      %add3A_1103 = arith.constant 7 : i32
      %add3A_1104 = arith.addi %mul3A_1102, %add3A_1103 : i32
      %swap3A_1105 = arith.index_cast %add3A_1104 : i32 to index
      %swap3A_1106 = arith.constant 16 : index
      %swap3A_1107 = tpu.vector_load %arg6[%swap3A_1105, %swap3A_1106] {strides = array<i32>} : memref<20x128xi32, #tpu.memory_space<vmem>>, vector<1x16xi32>,
      %swap3A_1108 = vector.shape_cast %swap3A_1107 : vector<1x16xi32> to vector<16xi32>
      %swap3A_1109 = vector.shape_cast %get3A_1100 : vector<16xi32> to vector<1x16xi32>
      tpu.vector_store %arg6[%swap3A_1105, %swap3A_1106], %swap3A_1109 {strides = array<i32>} : memref<20x128xi32, #tpu.memory_space<vmem>>, vector<1x16xi32>,
      %get3A_1110 = arith.constant 58 : i32
      %get3A_1111 = arith.index_cast %get3A_1110 : i32 to index
      %get3A_1112 = arith.constant 0 : index
      %get3A_1113 = tpu.vector_load %arg5[%get3A_1111, %get3A_1112] {strides = array<i32>} : memref<80x128xi32, #tpu.memory_space<vmem>>, vector<1x16xi32>,
      %get3A_1114 = vector.shape_cast %get3A_1113 : vector<1x16xi32> to vector<16xi32>
      %mul3A_1115 = arith.constant 10 : i32
      %mul3A_1116 = arith.muli %scan3A_292, %mul3A_1115 : i32
      %add3A_1117 = arith.constant 7 : i32
      %add3A_1118 = arith.addi %mul3A_1116, %add3A_1117 : i32
      %swap3A_1119 = arith.index_cast %add3A_1118 : i32 to index
      %swap3A_1120 = arith.constant 32 : index
      %swap3A_1121 = tpu.vector_load %arg6[%swap3A_1119, %swap3A_1120] {strides = array<i32>} : memref<20x128xi32, #tpu.memory_space<vmem>>, vector<1x16xi32>,
      %swap3A_1122 = vector.shape_cast %swap3A_1121 : vector<1x16xi32> to vector<16xi32>
      %swap3A_1123 = vector.shape_cast %get3A_1114 : vector<16xi32> to vector<1x16xi32>
      tpu.vector_store %arg6[%swap3A_1119, %swap3A_1120], %swap3A_1123 {strides = array<i32>} : memref<20x128xi32, #tpu.memory_space<vmem>>, vector<1x16xi32>,
      %get3A_1124 = arith.constant 59 : i32
      %get3A_1125 = arith.index_cast %get3A_1124 : i32 to index
      %get3A_1126 = arith.constant 0 : index
      %get3A_1127 = tpu.vector_load %arg5[%get3A_1125, %get3A_1126] {strides = array<i32>} : memref<80x128xi32, #tpu.memory_space<vmem>>, vector<1x16xi32>,
      %get3A_1128 = vector.shape_cast %get3A_1127 : vector<1x16xi32> to vector<16xi32>
      %mul3A_1129 = arith.constant 10 : i32
      %mul3A_1130 = arith.muli %scan3A_292, %mul3A_1129 : i32
      %add3A_1131 = arith.constant 7 : i32
      %add3A_1132 = arith.addi %mul3A_1130, %add3A_1131 : i32
      %swap3A_1133 = arith.index_cast %add3A_1132 : i32 to index
      %swap3A_1134 = arith.constant 48 : index
      %swap3A_1135 = tpu.vector_load %arg6[%swap3A_1133, %swap3A_1134] {strides = array<i32>} : memref<20x128xi32, #tpu.memory_space<vmem>>, vector<1x16xi32>,
      %swap3A_1136 = vector.shape_cast %swap3A_1135 : vector<1x16xi32> to vector<16xi32>
      %swap3A_1137 = vector.shape_cast %get3A_1128 : vector<16xi32> to vector<1x16xi32>
      tpu.vector_store %arg6[%swap3A_1133, %swap3A_1134], %swap3A_1137 {strides = array<i32>} : memref<20x128xi32, #tpu.memory_space<vmem>>, vector<1x16xi32>,
      %get3A_1138 = arith.constant 60 : i32
      %get3A_1139 = arith.index_cast %get3A_1138 : i32 to index
      %get3A_1140 = arith.constant 0 : index
      %get3A_1141 = tpu.vector_load %arg5[%get3A_1139, %get3A_1140] {strides = array<i32>} : memref<80x128xi32, #tpu.memory_space<vmem>>, vector<1x16xi32>,
      %get3A_1142 = vector.shape_cast %get3A_1141 : vector<1x16xi32> to vector<16xi32>
      %mul3A_1143 = arith.constant 10 : i32
      %mul3A_1144 = arith.muli %scan3A_292, %mul3A_1143 : i32
      %add3A_1145 = arith.constant 7 : i32
      %add3A_1146 = arith.addi %mul3A_1144, %add3A_1145 : i32
      %swap3A_1147 = arith.index_cast %add3A_1146 : i32 to index
      %swap3A_1148 = arith.constant 64 : index
      %swap3A_1149 = tpu.vector_load %arg6[%swap3A_1147, %swap3A_1148] {strides = array<i32>} : memref<20x128xi32, #tpu.memory_space<vmem>>, vector<1x16xi32>,
      %swap3A_1150 = vector.shape_cast %swap3A_1149 : vector<1x16xi32> to vector<16xi32>
      %swap3A_1151 = vector.shape_cast %get3A_1142 : vector<16xi32> to vector<1x16xi32>
      tpu.vector_store %arg6[%swap3A_1147, %swap3A_1148], %swap3A_1151 {strides = array<i32>} : memref<20x128xi32, #tpu.memory_space<vmem>>, vector<1x16xi32>,
      %get3A_1152 = arith.constant 61 : i32
      %get3A_1153 = arith.index_cast %get3A_1152 : i32 to index
      %get3A_1154 = arith.constant 0 : index
      %get3A_1155 = tpu.vector_load %arg5[%get3A_1153, %get3A_1154] {strides = array<i32>} : memref<80x128xi32, #tpu.memory_space<vmem>>, vector<1x16xi32>,
      %get3A_1156 = vector.shape_cast %get3A_1155 : vector<1x16xi32> to vector<16xi32>
      %mul3A_1157 = arith.constant 10 : i32
      %mul3A_1158 = arith.muli %scan3A_292, %mul3A_1157 : i32
      %add3A_1159 = arith.constant 7 : i32
      %add3A_1160 = arith.addi %mul3A_1158, %add3A_1159 : i32
      %swap3A_1161 = arith.index_cast %add3A_1160 : i32 to index
      %swap3A_1162 = arith.constant 80 : index
      %swap3A_1163 = tpu.vector_load %arg6[%swap3A_1161, %swap3A_1162] {strides = array<i32>} : memref<20x128xi32, #tpu.memory_space<vmem>>, vector<1x16xi32>,
      %swap3A_1164 = vector.shape_cast %swap3A_1163 : vector<1x16xi32> to vector<16xi32>
      %swap3A_1165 = vector.shape_cast %get3A_1156 : vector<16xi32> to vector<1x16xi32>
      tpu.vector_store %arg6[%swap3A_1161, %swap3A_1162], %swap3A_1165 {strides = array<i32>} : memref<20x128xi32, #tpu.memory_space<vmem>>, vector<1x16xi32>,
      %get3A_1166 = arith.constant 62 : i32
      %get3A_1167 = arith.index_cast %get3A_1166 : i32 to index
      %get3A_1168 = arith.constant 0 : index
      %get3A_1169 = tpu.vector_load %arg5[%get3A_1167, %get3A_1168] {strides = array<i32>} : memref<80x128xi32, #tpu.memory_space<vmem>>, vector<1x16xi32>,
      %get3A_1170 = vector.shape_cast %get3A_1169 : vector<1x16xi32> to vector<16xi32>
      %mul3A_1171 = arith.constant 10 : i32
      %mul3A_1172 = arith.muli %scan3A_292, %mul3A_1171 : i32
      %add3A_1173 = arith.constant 7 : i32
      %add3A_1174 = arith.addi %mul3A_1172, %add3A_1173 : i32
      %swap3A_1175 = arith.index_cast %add3A_1174 : i32 to index
      %swap3A_1176 = arith.constant 96 : index
      %swap3A_1177 = tpu.vector_load %arg6[%swap3A_1175, %swap3A_1176] {strides = array<i32>} : memref<20x128xi32, #tpu.memory_space<vmem>>, vector<1x16xi32>,
      %swap3A_1178 = vector.shape_cast %swap3A_1177 : vector<1x16xi32> to vector<16xi32>
      %swap3A_1179 = vector.shape_cast %get3A_1170 : vector<16xi32> to vector<1x16xi32>
      tpu.vector_store %arg6[%swap3A_1175, %swap3A_1176], %swap3A_1179 {strides = array<i32>} : memref<20x128xi32, #tpu.memory_space<vmem>>, vector<1x16xi32>,
      %get3A_1180 = arith.constant 63 : i32
      %get3A_1181 = arith.index_cast %get3A_1180 : i32 to index
      %get3A_1182 = arith.constant 0 : index
      %get3A_1183 = tpu.vector_load %arg5[%get3A_1181, %get3A_1182] {strides = array<i32>} : memref<80x128xi32, #tpu.memory_space<vmem>>, vector<1x16xi32>,
      %get3A_1184 = vector.shape_cast %get3A_1183 : vector<1x16xi32> to vector<16xi32>
      %mul3A_1185 = arith.constant 10 : i32
      %mul3A_1186 = arith.muli %scan3A_292, %mul3A_1185 : i32
      %add3A_1187 = arith.constant 7 : i32
      %add3A_1188 = arith.addi %mul3A_1186, %add3A_1187 : i32
      %swap3A_1189 = arith.index_cast %add3A_1188 : i32 to index
      %swap3A_1190 = arith.constant 112 : index
      %swap3A_1191 = tpu.vector_load %arg6[%swap3A_1189, %swap3A_1190] {strides = array<i32>} : memref<20x128xi32, #tpu.memory_space<vmem>>, vector<1x16xi32>,
      %swap3A_1192 = vector.shape_cast %swap3A_1191 : vector<1x16xi32> to vector<16xi32>
      %swap3A_1193 = vector.shape_cast %get3A_1184 : vector<16xi32> to vector<1x16xi32>
      tpu.vector_store %arg6[%swap3A_1189, %swap3A_1190], %swap3A_1193 {strides = array<i32>} : memref<20x128xi32, #tpu.memory_space<vmem>>, vector<1x16xi32>,
      %get3A_1194 = arith.constant 64 : i32
      %get3A_1195 = arith.index_cast %get3A_1194 : i32 to index
      %get3A_1196 = arith.constant 0 : index
      %get3A_1197 = tpu.vector_load %arg5[%get3A_1195, %get3A_1196] {strides = array<i32>} : memref<80x128xi32, #tpu.memory_space<vmem>>, vector<1x16xi32>,
      %get3A_1198 = vector.shape_cast %get3A_1197 : vector<1x16xi32> to vector<16xi32>
      %mul3A_1199 = arith.constant 10 : i32
      %mul3A_1200 = arith.muli %scan3A_292, %mul3A_1199 : i32
      %add3A_1201 = arith.constant 8 : i32
      %add3A_1202 = arith.addi %mul3A_1200, %add3A_1201 : i32
      %swap3A_1203 = arith.index_cast %add3A_1202 : i32 to index
      %swap3A_1204 = arith.constant 0 : index
      %swap3A_1205 = tpu.vector_load %arg6[%swap3A_1203, %swap3A_1204] {strides = array<i32>} : memref<20x128xi32, #tpu.memory_space<vmem>>, vector<1x16xi32>,
      %swap3A_1206 = vector.shape_cast %swap3A_1205 : vector<1x16xi32> to vector<16xi32>
      %swap3A_1207 = vector.shape_cast %get3A_1198 : vector<16xi32> to vector<1x16xi32>
      tpu.vector_store %arg6[%swap3A_1203, %swap3A_1204], %swap3A_1207 {strides = array<i32>} : memref<20x128xi32, #tpu.memory_space<vmem>>, vector<1x16xi32>,
      %get3A_1208 = arith.constant 65 : i32
      %get3A_1209 = arith.index_cast %get3A_1208 : i32 to index
      %get3A_1210 = arith.constant 0 : index
      %get3A_1211 = tpu.vector_load %arg5[%get3A_1209, %get3A_1210] {strides = array<i32>} : memref<80x128xi32, #tpu.memory_space<vmem>>, vector<1x16xi32>,
      %get3A_1212 = vector.shape_cast %get3A_1211 : vector<1x16xi32> to vector<16xi32>
      %mul3A_1213 = arith.constant 10 : i32
      %mul3A_1214 = arith.muli %scan3A_292, %mul3A_1213 : i32
      %add3A_1215 = arith.constant 8 : i32
      %add3A_1216 = arith.addi %mul3A_1214, %add3A_1215 : i32
      %swap3A_1217 = arith.index_cast %add3A_1216 : i32 to index
      %swap3A_1218 = arith.constant 16 : index
      %swap3A_1219 = tpu.vector_load %arg6[%swap3A_1217, %swap3A_1218] {strides = array<i32>} : memref<20x128xi32, #tpu.memory_space<vmem>>, vector<1x16xi32>,
      %swap3A_1220 = vector.shape_cast %swap3A_1219 : vector<1x16xi32> to vector<16xi32>
      %swap3A_1221 = vector.shape_cast %get3A_1212 : vector<16xi32> to vector<1x16xi32>
      tpu.vector_store %arg6[%swap3A_1217, %swap3A_1218], %swap3A_1221 {strides = array<i32>} : memref<20x128xi32, #tpu.memory_space<vmem>>, vector<1x16xi32>,
      %get3A_1222 = arith.constant 66 : i32
      %get3A_1223 = arith.index_cast %get3A_1222 : i32 to index
      %get3A_1224 = arith.constant 0 : index
      %get3A_1225 = tpu.vector_load %arg5[%get3A_1223, %get3A_1224] {strides = array<i32>} : memref<80x128xi32, #tpu.memory_space<vmem>>, vector<1x16xi32>,
      %get3A_1226 = vector.shape_cast %get3A_1225 : vector<1x16xi32> to vector<16xi32>
      %mul3A_1227 = arith.constant 10 : i32
      %mul3A_1228 = arith.muli %scan3A_292, %mul3A_1227 : i32
      %add3A_1229 = arith.constant 8 : i32
      %add3A_1230 = arith.addi %mul3A_1228, %add3A_1229 : i32
      %swap3A_1231 = arith.index_cast %add3A_1230 : i32 to index
      %swap3A_1232 = arith.constant 32 : index
      %swap3A_1233 = tpu.vector_load %arg6[%swap3A_1231, %swap3A_1232] {strides = array<i32>} : memref<20x128xi32, #tpu.memory_space<vmem>>, vector<1x16xi32>,
      %swap3A_1234 = vector.shape_cast %swap3A_1233 : vector<1x16xi32> to vector<16xi32>
      %swap3A_1235 = vector.shape_cast %get3A_1226 : vector<16xi32> to vector<1x16xi32>
      tpu.vector_store %arg6[%swap3A_1231, %swap3A_1232], %swap3A_1235 {strides = array<i32>} : memref<20x128xi32, #tpu.memory_space<vmem>>, vector<1x16xi32>,
      %get3A_1236 = arith.constant 67 : i32
      %get3A_1237 = arith.index_cast %get3A_1236 : i32 to index
      %get3A_1238 = arith.constant 0 : index
      %get3A_1239 = tpu.vector_load %arg5[%get3A_1237, %get3A_1238] {strides = array<i32>} : memref<80x128xi32, #tpu.memory_space<vmem>>, vector<1x16xi32>,
      %get3A_1240 = vector.shape_cast %get3A_1239 : vector<1x16xi32> to vector<16xi32>
      %mul3A_1241 = arith.constant 10 : i32
      %mul3A_1242 = arith.muli %scan3A_292, %mul3A_1241 : i32
      %add3A_1243 = arith.constant 8 : i32
      %add3A_1244 = arith.addi %mul3A_1242, %add3A_1243 : i32
      %swap3A_1245 = arith.index_cast %add3A_1244 : i32 to index
      %swap3A_1246 = arith.constant 48 : index
      %swap3A_1247 = tpu.vector_load %arg6[%swap3A_1245, %swap3A_1246] {strides = array<i32>} : memref<20x128xi32, #tpu.memory_space<vmem>>, vector<1x16xi32>,
      %swap3A_1248 = vector.shape_cast %swap3A_1247 : vector<1x16xi32> to vector<16xi32>
      %swap3A_1249 = vector.shape_cast %get3A_1240 : vector<16xi32> to vector<1x16xi32>
      tpu.vector_store %arg6[%swap3A_1245, %swap3A_1246], %swap3A_1249 {strides = array<i32>} : memref<20x128xi32, #tpu.memory_space<vmem>>, vector<1x16xi32>,
      %get3A_1250 = arith.constant 68 : i32
      %get3A_1251 = arith.index_cast %get3A_1250 : i32 to index
      %get3A_1252 = arith.constant 0 : index
      %get3A_1253 = tpu.vector_load %arg5[%get3A_1251, %get3A_1252] {strides = array<i32>} : memref<80x128xi32, #tpu.memory_space<vmem>>, vector<1x16xi32>,
      %get3A_1254 = vector.shape_cast %get3A_1253 : vector<1x16xi32> to vector<16xi32>
      %mul3A_1255 = arith.constant 10 : i32
      %mul3A_1256 = arith.muli %scan3A_292, %mul3A_1255 : i32
      %add3A_1257 = arith.constant 8 : i32
      %add3A_1258 = arith.addi %mul3A_1256, %add3A_1257 : i32
      %swap3A_1259 = arith.index_cast %add3A_1258 : i32 to index
      %swap3A_1260 = arith.constant 64 : index
      %swap3A_1261 = tpu.vector_load %arg6[%swap3A_1259, %swap3A_1260] {strides = array<i32>} : memref<20x128xi32, #tpu.memory_space<vmem>>, vector<1x16xi32>,
      %swap3A_1262 = vector.shape_cast %swap3A_1261 : vector<1x16xi32> to vector<16xi32>
      %swap3A_1263 = vector.shape_cast %get3A_1254 : vector<16xi32> to vector<1x16xi32>
      tpu.vector_store %arg6[%swap3A_1259, %swap3A_1260], %swap3A_1263 {strides = array<i32>} : memref<20x128xi32, #tpu.memory_space<vmem>>, vector<1x16xi32>,
      %get3A_1264 = arith.constant 69 : i32
      %get3A_1265 = arith.index_cast %get3A_1264 : i32 to index
      %get3A_1266 = arith.constant 0 : index
      %get3A_1267 = tpu.vector_load %arg5[%get3A_1265, %get3A_1266] {strides = array<i32>} : memref<80x128xi32, #tpu.memory_space<vmem>>, vector<1x16xi32>,
      %get3A_1268 = vector.shape_cast %get3A_1267 : vector<1x16xi32> to vector<16xi32>
      %mul3A_1269 = arith.constant 10 : i32
      %mul3A_1270 = arith.muli %scan3A_292, %mul3A_1269 : i32
      %add3A_1271 = arith.constant 8 : i32
      %add3A_1272 = arith.addi %mul3A_1270, %add3A_1271 : i32
      %swap3A_1273 = arith.index_cast %add3A_1272 : i32 to index
      %swap3A_1274 = arith.constant 80 : index
      %swap3A_1275 = tpu.vector_load %arg6[%swap3A_1273, %swap3A_1274] {strides = array<i32>} : memref<20x128xi32, #tpu.memory_space<vmem>>, vector<1x16xi32>,
      %swap3A_1276 = vector.shape_cast %swap3A_1275 : vector<1x16xi32> to vector<16xi32>
      %swap3A_1277 = vector.shape_cast %get3A_1268 : vector<16xi32> to vector<1x16xi32>
      tpu.vector_store %arg6[%swap3A_1273, %swap3A_1274], %swap3A_1277 {strides = array<i32>} : memref<20x128xi32, #tpu.memory_space<vmem>>, vector<1x16xi32>,
      %get3A_1278 = arith.constant 70 : i32
      %get3A_1279 = arith.index_cast %get3A_1278 : i32 to index
      %get3A_1280 = arith.constant 0 : index
      %get3A_1281 = tpu.vector_load %arg5[%get3A_1279, %get3A_1280] {strides = array<i32>} : memref<80x128xi32, #tpu.memory_space<vmem>>, vector<1x16xi32>,
      %get3A_1282 = vector.shape_cast %get3A_1281 : vector<1x16xi32> to vector<16xi32>
      %mul3A_1283 = arith.constant 10 : i32
      %mul3A_1284 = arith.muli %scan3A_292, %mul3A_1283 : i32
      %add3A_1285 = arith.constant 8 : i32
      %add3A_1286 = arith.addi %mul3A_1284, %add3A_1285 : i32
      %swap3A_1287 = arith.index_cast %add3A_1286 : i32 to index
      %swap3A_1288 = arith.constant 96 : index
      %swap3A_1289 = tpu.vector_load %arg6[%swap3A_1287, %swap3A_1288] {strides = array<i32>} : memref<20x128xi32, #tpu.memory_space<vmem>>, vector<1x16xi32>,
      %swap3A_1290 = vector.shape_cast %swap3A_1289 : vector<1x16xi32> to vector<16xi32>
      %swap3A_1291 = vector.shape_cast %get3A_1282 : vector<16xi32> to vector<1x16xi32>
      tpu.vector_store %arg6[%swap3A_1287, %swap3A_1288], %swap3A_1291 {strides = array<i32>} : memref<20x128xi32, #tpu.memory_space<vmem>>, vector<1x16xi32>,
      %get3A_1292 = arith.constant 71 : i32
      %get3A_1293 = arith.index_cast %get3A_1292 : i32 to index
      %get3A_1294 = arith.constant 0 : index
      %get3A_1295 = tpu.vector_load %arg5[%get3A_1293, %get3A_1294] {strides = array<i32>} : memref<80x128xi32, #tpu.memory_space<vmem>>, vector<1x16xi32>,
      %get3A_1296 = vector.shape_cast %get3A_1295 : vector<1x16xi32> to vector<16xi32>
      %mul3A_1297 = arith.constant 10 : i32
      %mul3A_1298 = arith.muli %scan3A_292, %mul3A_1297 : i32
      %add3A_1299 = arith.constant 8 : i32
      %add3A_1300 = arith.addi %mul3A_1298, %add3A_1299 : i32
      %swap3A_1301 = arith.index_cast %add3A_1300 : i32 to index
      %swap3A_1302 = arith.constant 112 : index
      %swap3A_1303 = tpu.vector_load %arg6[%swap3A_1301, %swap3A_1302] {strides = array<i32>} : memref<20x128xi32, #tpu.memory_space<vmem>>, vector<1x16xi32>,
      %swap3A_1304 = vector.shape_cast %swap3A_1303 : vector<1x16xi32> to vector<16xi32>
      %swap3A_1305 = vector.shape_cast %get3A_1296 : vector<16xi32> to vector<1x16xi32>
      tpu.vector_store %arg6[%swap3A_1301, %swap3A_1302], %swap3A_1305 {strides = array<i32>} : memref<20x128xi32, #tpu.memory_space<vmem>>, vector<1x16xi32>,
      %get3A_1306 = arith.constant 72 : i32
      %get3A_1307 = arith.index_cast %get3A_1306 : i32 to index
      %get3A_1308 = arith.constant 0 : index
      %get3A_1309 = tpu.vector_load %arg5[%get3A_1307, %get3A_1308] {strides = array<i32>} : memref<80x128xi32, #tpu.memory_space<vmem>>, vector<1x16xi32>,
      %get3A_1310 = vector.shape_cast %get3A_1309 : vector<1x16xi32> to vector<16xi32>
      %mul3A_1311 = arith.constant 10 : i32
      %mul3A_1312 = arith.muli %scan3A_292, %mul3A_1311 : i32
      %add3A_1313 = arith.constant 9 : i32
      %add3A_1314 = arith.addi %mul3A_1312, %add3A_1313 : i32
      %swap3A_1315 = arith.index_cast %add3A_1314 : i32 to index
      %swap3A_1316 = arith.constant 0 : index
      %swap3A_1317 = tpu.vector_load %arg6[%swap3A_1315, %swap3A_1316] {strides = array<i32>} : memref<20x128xi32, #tpu.memory_space<vmem>>, vector<1x16xi32>,
      %swap3A_1318 = vector.shape_cast %swap3A_1317 : vector<1x16xi32> to vector<16xi32>
      %swap3A_1319 = vector.shape_cast %get3A_1310 : vector<16xi32> to vector<1x16xi32>
      tpu.vector_store %arg6[%swap3A_1315, %swap3A_1316], %swap3A_1319 {strides = array<i32>} : memref<20x128xi32, #tpu.memory_space<vmem>>, vector<1x16xi32>,
      %get3A_1320 = arith.constant 73 : i32
      %get3A_1321 = arith.index_cast %get3A_1320 : i32 to index
      %get3A_1322 = arith.constant 0 : index
      %get3A_1323 = tpu.vector_load %arg5[%get3A_1321, %get3A_1322] {strides = array<i32>} : memref<80x128xi32, #tpu.memory_space<vmem>>, vector<1x16xi32>,
      %get3A_1324 = vector.shape_cast %get3A_1323 : vector<1x16xi32> to vector<16xi32>
      %mul3A_1325 = arith.constant 10 : i32
      %mul3A_1326 = arith.muli %scan3A_292, %mul3A_1325 : i32
      %add3A_1327 = arith.constant 9 : i32
      %add3A_1328 = arith.addi %mul3A_1326, %add3A_1327 : i32
      %swap3A_1329 = arith.index_cast %add3A_1328 : i32 to index
      %swap3A_1330 = arith.constant 16 : index
      %swap3A_1331 = tpu.vector_load %arg6[%swap3A_1329, %swap3A_1330] {strides = array<i32>} : memref<20x128xi32, #tpu.memory_space<vmem>>, vector<1x16xi32>,
      %swap3A_1332 = vector.shape_cast %swap3A_1331 : vector<1x16xi32> to vector<16xi32>
      %swap3A_1333 = vector.shape_cast %get3A_1324 : vector<16xi32> to vector<1x16xi32>
      tpu.vector_store %arg6[%swap3A_1329, %swap3A_1330], %swap3A_1333 {strides = array<i32>} : memref<20x128xi32, #tpu.memory_space<vmem>>, vector<1x16xi32>,
      %get3A_1334 = arith.constant 74 : i32
      %get3A_1335 = arith.index_cast %get3A_1334 : i32 to index
      %get3A_1336 = arith.constant 0 : index
      %get3A_1337 = tpu.vector_load %arg5[%get3A_1335, %get3A_1336] {strides = array<i32>} : memref<80x128xi32, #tpu.memory_space<vmem>>, vector<1x16xi32>,
      %get3A_1338 = vector.shape_cast %get3A_1337 : vector<1x16xi32> to vector<16xi32>
      %mul3A_1339 = arith.constant 10 : i32
      %mul3A_1340 = arith.muli %scan3A_292, %mul3A_1339 : i32
      %add3A_1341 = arith.constant 9 : i32
      %add3A_1342 = arith.addi %mul3A_1340, %add3A_1341 : i32
      %swap3A_1343 = arith.index_cast %add3A_1342 : i32 to index
      %swap3A_1344 = arith.constant 32 : index
      %swap3A_1345 = tpu.vector_load %arg6[%swap3A_1343, %swap3A_1344] {strides = array<i32>} : memref<20x128xi32, #tpu.memory_space<vmem>>, vector<1x16xi32>,
      %swap3A_1346 = vector.shape_cast %swap3A_1345 : vector<1x16xi32> to vector<16xi32>
      %swap3A_1347 = vector.shape_cast %get3A_1338 : vector<16xi32> to vector<1x16xi32>
      tpu.vector_store %arg6[%swap3A_1343, %swap3A_1344], %swap3A_1347 {strides = array<i32>} : memref<20x128xi32, #tpu.memory_space<vmem>>, vector<1x16xi32>,
      %get3A_1348 = arith.constant 75 : i32
      %get3A_1349 = arith.index_cast %get3A_1348 : i32 to index
      %get3A_1350 = arith.constant 0 : index
      %get3A_1351 = tpu.vector_load %arg5[%get3A_1349, %get3A_1350] {strides = array<i32>} : memref<80x128xi32, #tpu.memory_space<vmem>>, vector<1x16xi32>,
      %get3A_1352 = vector.shape_cast %get3A_1351 : vector<1x16xi32> to vector<16xi32>
      %mul3A_1353 = arith.constant 10 : i32
      %mul3A_1354 = arith.muli %scan3A_292, %mul3A_1353 : i32
      %add3A_1355 = arith.constant 9 : i32
      %add3A_1356 = arith.addi %mul3A_1354, %add3A_1355 : i32
      %swap3A_1357 = arith.index_cast %add3A_1356 : i32 to index
      %swap3A_1358 = arith.constant 48 : index
      %swap3A_1359 = tpu.vector_load %arg6[%swap3A_1357, %swap3A_1358] {strides = array<i32>} : memref<20x128xi32, #tpu.memory_space<vmem>>, vector<1x16xi32>,
      %swap3A_1360 = vector.shape_cast %swap3A_1359 : vector<1x16xi32> to vector<16xi32>
      %swap3A_1361 = vector.shape_cast %get3A_1352 : vector<16xi32> to vector<1x16xi32>
      tpu.vector_store %arg6[%swap3A_1357, %swap3A_1358], %swap3A_1361 {strides = array<i32>} : memref<20x128xi32, #tpu.memory_space<vmem>>, vector<1x16xi32>,
      %get3A_1362 = arith.constant 76 : i32
      %get3A_1363 = arith.index_cast %get3A_1362 : i32 to index
      %get3A_1364 = arith.constant 0 : index
      %get3A_1365 = tpu.vector_load %arg5[%get3A_1363, %get3A_1364] {strides = array<i32>} : memref<80x128xi32, #tpu.memory_space<vmem>>, vector<1x16xi32>,
      %get3A_1366 = vector.shape_cast %get3A_1365 : vector<1x16xi32> to vector<16xi32>
      %mul3A_1367 = arith.constant 10 : i32
      %mul3A_1368 = arith.muli %scan3A_292, %mul3A_1367 : i32
      %add3A_1369 = arith.constant 9 : i32
      %add3A_1370 = arith.addi %mul3A_1368, %add3A_1369 : i32
      %swap3A_1371 = arith.index_cast %add3A_1370 : i32 to index
      %swap3A_1372 = arith.constant 64 : index
      %swap3A_1373 = tpu.vector_load %arg6[%swap3A_1371, %swap3A_1372] {strides = array<i32>} : memref<20x128xi32, #tpu.memory_space<vmem>>, vector<1x16xi32>,
      %swap3A_1374 = vector.shape_cast %swap3A_1373 : vector<1x16xi32> to vector<16xi32>
      %swap3A_1375 = vector.shape_cast %get3A_1366 : vector<16xi32> to vector<1x16xi32>
      tpu.vector_store %arg6[%swap3A_1371, %swap3A_1372], %swap3A_1375 {strides = array<i32>} : memref<20x128xi32, #tpu.memory_space<vmem>>, vector<1x16xi32>,
      %get3A_1376 = arith.constant 77 : i32
      %get3A_1377 = arith.index_cast %get3A_1376 : i32 to index
      %get3A_1378 = arith.constant 0 : index
      %get3A_1379 = tpu.vector_load %arg5[%get3A_1377, %get3A_1378] {strides = array<i32>} : memref<80x128xi32, #tpu.memory_space<vmem>>, vector<1x16xi32>,
      %get3A_1380 = vector.shape_cast %get3A_1379 : vector<1x16xi32> to vector<16xi32>
      %mul3A_1381 = arith.constant 10 : i32
      %mul3A_1382 = arith.muli %scan3A_292, %mul3A_1381 : i32
      %add3A_1383 = arith.constant 9 : i32
      %add3A_1384 = arith.addi %mul3A_1382, %add3A_1383 : i32
      %swap3A_1385 = arith.index_cast %add3A_1384 : i32 to index
      %swap3A_1386 = arith.constant 80 : index
      %swap3A_1387 = tpu.vector_load %arg6[%swap3A_1385, %swap3A_1386] {strides = array<i32>} : memref<20x128xi32, #tpu.memory_space<vmem>>, vector<1x16xi32>,
      %swap3A_1388 = vector.shape_cast %swap3A_1387 : vector<1x16xi32> to vector<16xi32>
      %swap3A_1389 = vector.shape_cast %get3A_1380 : vector<16xi32> to vector<1x16xi32>
      tpu.vector_store %arg6[%swap3A_1385, %swap3A_1386], %swap3A_1389 {strides = array<i32>} : memref<20x128xi32, #tpu.memory_space<vmem>>, vector<1x16xi32>,
      %get3A_1390 = arith.constant 78 : i32
      %get3A_1391 = arith.index_cast %get3A_1390 : i32 to index
      %get3A_1392 = arith.constant 0 : index
      %get3A_1393 = tpu.vector_load %arg5[%get3A_1391, %get3A_1392] {strides = array<i32>} : memref<80x128xi32, #tpu.memory_space<vmem>>, vector<1x16xi32>,
      %get3A_1394 = vector.shape_cast %get3A_1393 : vector<1x16xi32> to vector<16xi32>
      %mul3A_1395 = arith.constant 10 : i32
      %mul3A_1396 = arith.muli %scan3A_292, %mul3A_1395 : i32
      %add3A_1397 = arith.constant 9 : i32
      %add3A_1398 = arith.addi %mul3A_1396, %add3A_1397 : i32
      %swap3A_1399 = arith.index_cast %add3A_1398 : i32 to index
      %swap3A_1400 = arith.constant 96 : index
      %swap3A_1401 = tpu.vector_load %arg6[%swap3A_1399, %swap3A_1400] {strides = array<i32>} : memref<20x128xi32, #tpu.memory_space<vmem>>, vector<1x16xi32>,
      %swap3A_1402 = vector.shape_cast %swap3A_1401 : vector<1x16xi32> to vector<16xi32>
      %swap3A_1403 = vector.shape_cast %get3A_1394 : vector<16xi32> to vector<1x16xi32>
      tpu.vector_store %arg6[%swap3A_1399, %swap3A_1400], %swap3A_1403 {strides = array<i32>} : memref<20x128xi32, #tpu.memory_space<vmem>>, vector<1x16xi32>,
      %get3A_1404 = arith.constant 79 : i32
      %get3A_1405 = arith.index_cast %get3A_1404 : i32 to index
      %get3A_1406 = arith.constant 0 : index
      %get3A_1407 = tpu.vector_load %arg5[%get3A_1405, %get3A_1406] {strides = array<i32>} : memref<80x128xi32, #tpu.memory_space<vmem>>, vector<1x16xi32>,
      %get3A_1408 = vector.shape_cast %get3A_1407 : vector<1x16xi32> to vector<16xi32>
      %mul3A_1409 = arith.constant 10 : i32
      %mul3A_1410 = arith.muli %scan3A_292, %mul3A_1409 : i32
      %add3A_1411 = arith.constant 9 : i32
      %add3A_1412 = arith.addi %mul3A_1410, %add3A_1411 : i32
      %swap3A_1413 = arith.index_cast %add3A_1412 : i32 to index
      %swap3A_1414 = arith.constant 112 : index
      %swap3A_1415 = tpu.vector_load %arg6[%swap3A_1413, %swap3A_1414] {strides = array<i32>} : memref<20x128xi32, #tpu.memory_space<vmem>>, vector<1x16xi32>,
      %swap3A_1416 = vector.shape_cast %swap3A_1415 : vector<1x16xi32> to vector<16xi32>
      %swap3A_1417 = vector.shape_cast %get3A_1408 : vector<16xi32> to vector<1x16xi32>
      tpu.vector_store %arg6[%swap3A_1413, %swap3A_1414], %swap3A_1417 {strides = array<i32>} : memref<20x128xi32, #tpu.memory_space<vmem>>, vector<1x16xi32>,
    }
    %scan3A_7 = arith.constant 2 : i32
    %dma_start3A = arith.constant 0 : i32
    %dma_start3A_8 = arith.constant 0 : i32
    %dma_start3A_9 = arith.constant 0 : i32
    %dma_start3A_10 = arith.constant 0 : i32
    %dma_start3A_11 = arith.constant 0 : i32
    %dma_start3A_12 = tpu.memref_slice %arg7[%dma_start3A_8, %dma_start3A_10, %dma_start3A_11] : memref<4x128x64xf32, #tpu.memory_space<vmem>> -> memref<1x128x64xf32, #tpu.memory_space<vmem>>
    %dma_start3A_13 = tpu.memref_squeeze %dma_start3A_12 : memref<1x128x64xf32, #tpu.memory_space<vmem>> -> memref<128x64xf32, #tpu.memory_space<vmem>>
    %dma_start3A_14 = arith.constant 0 : i32
    %dma_start3A_15 = tpu.memref_slice %arg6[%dma_start3A, %dma_start3A_14] : memref<20x128xi32, #tpu.memory_space<vmem>> -> memref<1x128xi32, #tpu.memory_space<vmem>>
    %dma_start3A_16 = tpu.memref_squeeze %dma_start3A_15 : memref<1x128xi32, #tpu.memory_space<vmem>> -> memref<128xi32, #tpu.memory_space<vmem>>
    %dma_start3A_17 = arith.constant 0 : i32
    %dma_start3A_18 = arith.constant 0 : i32
    %dma_start3A_19 = tpu.memref_slice %arg8[%dma_start3A_17, %dma_start3A_18] : memref<10000x64xf32, #tpu.memory_space<vmem_shared>> -> memref<10000x64xf32, #tpu.memory_space<vmem_shared>>
    %dma_start3A_20 = tpu.memref_slice %arg9[%dma_start3A_9] : memref<4x!tpu.dma_semaphore, #tpu.memory_space<semaphore_mem>> -> memref<1x!tpu.dma_semaphore, #tpu.memory_space<semaphore_mem>>
    %dma_start3A_21 = tpu.memref_squeeze %dma_start3A_20 : memref<1x!tpu.dma_semaphore, #tpu.memory_space<semaphore_mem>> -> memref<!tpu.dma_semaphore, #tpu.memory_space<semaphore_mem>>
    tpu.enqueue_indirect_dma source(%dma_start3A_19 : memref<10000x64xf32, #tpu.memory_space<vmem_shared>>) target(%dma_start3A_13 : memref<128x64xf32, #tpu.memory_space<vmem>>) offsets(%dma_start3A_16 : memref<128xi32, #tpu.memory_space<vmem>>) semaphore(%dma_start3A_21 : memref<!tpu.dma_semaphore, #tpu.memory_space<semaphore_mem>>)
    %dma_start3A_22 = arith.constant 1 : i32
    %dma_start3A_23 = arith.constant 1 : i32
    %dma_start3A_24 = arith.constant 1 : i32
    %dma_start3A_25 = arith.constant 0 : i32
    %dma_start3A_26 = arith.constant 0 : i32
    %dma_start3A_27 = tpu.memref_slice %arg7[%dma_start3A_23, %dma_start3A_25, %dma_start3A_26] : memref<4x128x64xf32, #tpu.memory_space<vmem>> -> memref<1x128x64xf32, #tpu.memory_space<vmem>>
    %dma_start3A_28 = tpu.memref_squeeze %dma_start3A_27 : memref<1x128x64xf32, #tpu.memory_space<vmem>> -> memref<128x64xf32, #tpu.memory_space<vmem>>
    %dma_start3A_29 = arith.constant 0 : i32
    %dma_start3A_30 = tpu.memref_slice %arg6[%dma_start3A_22, %dma_start3A_29] : memref<20x128xi32, #tpu.memory_space<vmem>> -> memref<1x128xi32, #tpu.memory_space<vmem>>
    %dma_start3A_31 = tpu.memref_squeeze %dma_start3A_30 : memref<1x128xi32, #tpu.memory_space<vmem>> -> memref<128xi32, #tpu.memory_space<vmem>>
    %dma_start3A_32 = arith.constant 0 : i32
    %dma_start3A_33 = arith.constant 0 : i32
    %dma_start3A_34 = tpu.memref_slice %arg8[%dma_start3A_32, %dma_start3A_33] : memref<10000x64xf32, #tpu.memory_space<vmem_shared>> -> memref<10000x64xf32, #tpu.memory_space<vmem_shared>>
    %dma_start3A_35 = tpu.memref_slice %arg9[%dma_start3A_24] : memref<4x!tpu.dma_semaphore, #tpu.memory_space<semaphore_mem>> -> memref<1x!tpu.dma_semaphore, #tpu.memory_space<semaphore_mem>>
    %dma_start3A_36 = tpu.memref_squeeze %dma_start3A_35 : memref<1x!tpu.dma_semaphore, #tpu.memory_space<semaphore_mem>> -> memref<!tpu.dma_semaphore, #tpu.memory_space<semaphore_mem>>
    tpu.enqueue_indirect_dma source(%dma_start3A_34 : memref<10000x64xf32, #tpu.memory_space<vmem_shared>>) target(%dma_start3A_28 : memref<128x64xf32, #tpu.memory_space<vmem>>) offsets(%dma_start3A_31 : memref<128xi32, #tpu.memory_space<vmem>>) semaphore(%dma_start3A_36 : memref<!tpu.dma_semaphore, #tpu.memory_space<semaphore_mem>>)
    %dma_start3A_37 = arith.constant 2 : i32
    %dma_start3A_38 = arith.constant 2 : i32
    %dma_start3A_39 = arith.constant 2 : i32
    %dma_start3A_40 = arith.constant 0 : i32
    %dma_start3A_41 = arith.constant 0 : i32
    %dma_start3A_42 = tpu.memref_slice %arg7[%dma_start3A_38, %dma_start3A_40, %dma_start3A_41] : memref<4x128x64xf32, #tpu.memory_space<vmem>> -> memref<1x128x64xf32, #tpu.memory_space<vmem>>
    %dma_start3A_43 = tpu.memref_squeeze %dma_start3A_42 : memref<1x128x64xf32, #tpu.memory_space<vmem>> -> memref<128x64xf32, #tpu.memory_space<vmem>>
    %dma_start3A_44 = arith.constant 0 : i32
    %dma_start3A_45 = tpu.memref_slice %arg6[%dma_start3A_37, %dma_start3A_44] : memref<20x128xi32, #tpu.memory_space<vmem>> -> memref<1x128xi32, #tpu.memory_space<vmem>>
    %dma_start3A_46 = tpu.memref_squeeze %dma_start3A_45 : memref<1x128xi32, #tpu.memory_space<vmem>> -> memref<128xi32, #tpu.memory_space<vmem>>
    %dma_start3A_47 = arith.constant 0 : i32
    %dma_start3A_48 = arith.constant 0 : i32
    %dma_start3A_49 = tpu.memref_slice %arg8[%dma_start3A_47, %dma_start3A_48] : memref<10000x64xf32, #tpu.memory_space<vmem_shared>> -> memref<10000x64xf32, #tpu.memory_space<vmem_shared>>
    %dma_start3A_50 = tpu.memref_slice %arg9[%dma_start3A_39] : memref<4x!tpu.dma_semaphore, #tpu.memory_space<semaphore_mem>> -> memref<1x!tpu.dma_semaphore, #tpu.memory_space<semaphore_mem>>
    %dma_start3A_51 = tpu.memref_squeeze %dma_start3A_50 : memref<1x!tpu.dma_semaphore, #tpu.memory_space<semaphore_mem>> -> memref<!tpu.dma_semaphore, #tpu.memory_space<semaphore_mem>>
    tpu.enqueue_indirect_dma source(%dma_start3A_49 : memref<10000x64xf32, #tpu.memory_space<vmem_shared>>) target(%dma_start3A_43 : memref<128x64xf32, #tpu.memory_space<vmem>>) offsets(%dma_start3A_46 : memref<128xi32, #tpu.memory_space<vmem>>) semaphore(%dma_start3A_51 : memref<!tpu.dma_semaphore, #tpu.memory_space<semaphore_mem>>)
    %dma_start3A_52 = arith.constant 3 : i32
    %dma_start3A_53 = arith.constant 3 : i32
    %dma_start3A_54 = arith.constant 3 : i32
    %dma_start3A_55 = arith.constant 0 : i32
    %dma_start3A_56 = arith.constant 0 : i32
    %dma_start3A_57 = tpu.memref_slice %arg7[%dma_start3A_53, %dma_start3A_55, %dma_start3A_56] : memref<4x128x64xf32, #tpu.memory_space<vmem>> -> memref<1x128x64xf32, #tpu.memory_space<vmem>>
    %dma_start3A_58 = tpu.memref_squeeze %dma_start3A_57 : memref<1x128x64xf32, #tpu.memory_space<vmem>> -> memref<128x64xf32, #tpu.memory_space<vmem>>
    %dma_start3A_59 = arith.constant 0 : i32
    %dma_start3A_60 = tpu.memref_slice %arg6[%dma_start3A_52, %dma_start3A_59] : memref<20x128xi32, #tpu.memory_space<vmem>> -> memref<1x128xi32, #tpu.memory_space<vmem>>
    %dma_start3A_61 = tpu.memref_squeeze %dma_start3A_60 : memref<1x128xi32, #tpu.memory_space<vmem>> -> memref<128xi32, #tpu.memory_space<vmem>>
    %dma_start3A_62 = arith.constant 0 : i32
    %dma_start3A_63 = arith.constant 0 : i32
    %dma_start3A_64 = tpu.memref_slice %arg8[%dma_start3A_62, %dma_start3A_63] : memref<10000x64xf32, #tpu.memory_space<vmem_shared>> -> memref<10000x64xf32, #tpu.memory_space<vmem_shared>>
    %dma_start3A_65 = tpu.memref_slice %arg9[%dma_start3A_54] : memref<4x!tpu.dma_semaphore, #tpu.memory_space<semaphore_mem>> -> memref<1x!tpu.dma_semaphore, #tpu.memory_space<semaphore_mem>>
    %dma_start3A_66 = tpu.memref_squeeze %dma_start3A_65 : memref<1x!tpu.dma_semaphore, #tpu.memory_space<semaphore_mem>> -> memref<!tpu.dma_semaphore, #tpu.memory_space<semaphore_mem>>
    tpu.enqueue_indirect_dma source(%dma_start3A_64 : memref<10000x64xf32, #tpu.memory_space<vmem_shared>>) target(%dma_start3A_58 : memref<128x64xf32, #tpu.memory_space<vmem>>) offsets(%dma_start3A_61 : memref<128xi32, #tpu.memory_space<vmem>>) semaphore(%dma_start3A_66 : memref<!tpu.dma_semaphore, #tpu.memory_space<semaphore_mem>>)
    %scan3A_67 = arith.constant 0 : i32
    %scan3A_68 = arith.constant 0 : i32
    %scan3A_69 = arith.constant 4 : i32
    %scan3A_70 = arith.addi %scan3A_68, %scan3A_69 : i32
    %scan3A_71 = arith.constant 1 : i32
    scf.for %scan3A_292 = %scan3A_68 to %scan3A_70 step %scan3A_71  : i32 {
      %dma_wait3A_293 = arith.constant 0 : i32
      %dma_wait3A_294 = arith.constant 0 : i32
      %dma_wait3A_295 = arith.constant 0 : i32
      %dma_wait3A_296 = arith.constant 0 : i32
      %dma_wait3A_297 = arith.constant 0 : i32
      %dma_wait3A_298 = tpu.memref_slice %arg7[%dma_wait3A_294, %dma_wait3A_296, %dma_wait3A_297] : memref<4x128x64xf32, #tpu.memory_space<vmem>> -> memref<1x128x64xf32, #tpu.memory_space<vmem>>
      %dma_wait3A_299 = tpu.memref_squeeze %dma_wait3A_298 : memref<1x128x64xf32, #tpu.memory_space<vmem>> -> memref<128x64xf32, #tpu.memory_space<vmem>>
      %dma_wait3A_300 = arith.constant 0 : i32
      %dma_wait3A_301 = tpu.memref_slice %arg6[%dma_wait3A_293, %dma_wait3A_300] : memref<20x128xi32, #tpu.memory_space<vmem>> -> memref<1x128xi32, #tpu.memory_space<vmem>>
      %dma_wait3A_302 = tpu.memref_squeeze %dma_wait3A_301 : memref<1x128xi32, #tpu.memory_space<vmem>> -> memref<128xi32, #tpu.memory_space<vmem>>
      %dma_wait3A_303 = arith.constant 0 : i32
      %dma_wait3A_304 = arith.constant 0 : i32
      %dma_wait3A_305 = tpu.memref_slice %arg8[%dma_wait3A_303, %dma_wait3A_304] : memref<10000x64xf32, #tpu.memory_space<vmem_shared>> -> memref<10000x64xf32, #tpu.memory_space<vmem_shared>>
      %dma_wait3A_306 = tpu.memref_slice %arg9[%dma_wait3A_295] : memref<4x!tpu.dma_semaphore, #tpu.memory_space<semaphore_mem>> -> memref<1x!tpu.dma_semaphore, #tpu.memory_space<semaphore_mem>>
      %dma_wait3A_307 = tpu.memref_squeeze %dma_wait3A_306 : memref<1x!tpu.dma_semaphore, #tpu.memory_space<semaphore_mem>> -> memref<!tpu.dma_semaphore, #tpu.memory_space<semaphore_mem>>
      tpu.wait_indirect_dma semaphore(%dma_wait3A_307 : memref<!tpu.dma_semaphore, #tpu.memory_space<semaphore_mem>>) src(%dma_wait3A_305 : memref<10000x64xf32, #tpu.memory_space<vmem_shared>>) dst(%dma_wait3A_299 : memref<128x64xf32, #tpu.memory_space<vmem>>)
      %mul3A_308 = arith.constant 2 : i32
      %mul3A_309 = arith.muli %scan3A_292, %mul3A_308 : i32
      %add3A_310 = arith.constant 0 : i32
      %add3A_311 = arith.addi %mul3A_309, %add3A_310 : i32
      %mul3A_312 = arith.constant 10 : i32
      %mul3A_313 = arith.muli %add3A, %mul3A_312 : i32
      %add3A_314 = arith.addi %mul3A_313, %add3A_311 : i32
      %mul3A_315 = arith.constant 128 : i32
      %mul3A_316 = arith.muli %add3A_314, %mul3A_315 : i32
      %dma_start3A_317 = arith.constant 0 : i32
      %dma_start3A_318 = arith.constant 0 : i32
      %dma_start3A_319 = arith.constant 0 : i32
      %dma_start3A_320 = arith.constant 0 : i32
      %dma_start3A_321 = tpu.memref_slice %arg7[%dma_start3A_317, %dma_start3A_319, %dma_start3A_320] : memref<4x128x64xf32, #tpu.memory_space<vmem>> -> memref<1x128x64xf32, #tpu.memory_space<vmem>>
      %dma_start3A_322 = tpu.memref_squeeze %dma_start3A_321 : memref<1x128x64xf32, #tpu.memory_space<vmem>> -> memref<128x64xf32, #tpu.memory_space<vmem>>
      %dma_start3A_323 = arith.constant 0 : i32
      %dma_start3A_324 = tpu.memref_slice %arg4[%mul3A_316, %dma_start3A_323] : memref<40960x128xf32, #tpu.memory_space<hbm>> -> memref<128x64xf32, #tpu.memory_space<hbm>>
      %dma_start3A_325 = tpu.memref_slice %arg10[%dma_start3A_318] : memref<4x!tpu.dma_semaphore, #tpu.memory_space<semaphore_mem>> -> memref<1x!tpu.dma_semaphore, #tpu.memory_space<semaphore_mem>>
      %dma_start3A_326 = tpu.memref_squeeze %dma_start3A_325 : memref<1x!tpu.dma_semaphore, #tpu.memory_space<semaphore_mem>> -> memref<!tpu.dma_semaphore, #tpu.memory_space<semaphore_mem>>
      %dma_start3A_327 = arith.constant 0 : i32
      %dma_start3A_328 = tpu.memref_slice %arg4[%mul3A_316, %dma_start3A_327] : memref<40960x128xf32, #tpu.memory_space<hbm>> -> memref<128x64xf32, #tpu.memory_space<hbm>>
      %dma_start3A_329 = arith.constant 0 : i32
      %dma_start3A_330 = arith.constant 0 : i32
      %dma_start3A_331 = tpu.memref_slice %arg7[%dma_start3A_317, %dma_start3A_329, %dma_start3A_330] : memref<4x128x64xf32, #tpu.memory_space<vmem>> -> memref<1x128x64xf32, #tpu.memory_space<vmem>>
      %dma_start3A_332 = tpu.memref_squeeze %dma_start3A_331 : memref<1x128x64xf32, #tpu.memory_space<vmem>> -> memref<128x64xf32, #tpu.memory_space<vmem>>
      tpu.enqueue_dma source(%dma_start3A_332 : memref<128x64xf32, #tpu.memory_space<vmem>>) target(%dma_start3A_328 : memref<128x64xf32, #tpu.memory_space<hbm>>) target_semaphore(%dma_start3A_326 : memref<!tpu.dma_semaphore, #tpu.memory_space<semaphore_mem>>)
      %dma_wait3A_333 = arith.constant 0 : i32
      %dma_wait3A_334 = arith.constant 1 : i32
      %dma_wait3A_335 = arith.constant 1 : i32
      %dma_wait3A_336 = arith.constant 0 : i32
      %dma_wait3A_337 = arith.constant 0 : i32
      %dma_wait3A_338 = tpu.memref_slice %arg7[%dma_wait3A_334, %dma_wait3A_336, %dma_wait3A_337] : memref<4x128x64xf32, #tpu.memory_space<vmem>> -> memref<1x128x64xf32, #tpu.memory_space<vmem>>
      %dma_wait3A_339 = tpu.memref_squeeze %dma_wait3A_338 : memref<1x128x64xf32, #tpu.memory_space<vmem>> -> memref<128x64xf32, #tpu.memory_space<vmem>>
      %dma_wait3A_340 = arith.constant 0 : i32
      %dma_wait3A_341 = tpu.memref_slice %arg6[%dma_wait3A_333, %dma_wait3A_340] : memref<20x128xi32, #tpu.memory_space<vmem>> -> memref<1x128xi32, #tpu.memory_space<vmem>>
      %dma_wait3A_342 = tpu.memref_squeeze %dma_wait3A_341 : memref<1x128xi32, #tpu.memory_space<vmem>> -> memref<128xi32, #tpu.memory_space<vmem>>
      %dma_wait3A_343 = arith.constant 0 : i32
      %dma_wait3A_344 = arith.constant 0 : i32
      %dma_wait3A_345 = tpu.memref_slice %arg8[%dma_wait3A_343, %dma_wait3A_344] : memref<10000x64xf32, #tpu.memory_space<vmem_shared>> -> memref<10000x64xf32, #tpu.memory_space<vmem_shared>>
      %dma_wait3A_346 = tpu.memref_slice %arg9[%dma_wait3A_335] : memref<4x!tpu.dma_semaphore, #tpu.memory_space<semaphore_mem>> -> memref<1x!tpu.dma_semaphore, #tpu.memory_space<semaphore_mem>>
      %dma_wait3A_347 = tpu.memref_squeeze %dma_wait3A_346 : memref<1x!tpu.dma_semaphore, #tpu.memory_space<semaphore_mem>> -> memref<!tpu.dma_semaphore, #tpu.memory_space<semaphore_mem>>
      tpu.wait_indirect_dma semaphore(%dma_wait3A_347 : memref<!tpu.dma_semaphore, #tpu.memory_space<semaphore_mem>>) src(%dma_wait3A_345 : memref<10000x64xf32, #tpu.memory_space<vmem_shared>>) dst(%dma_wait3A_339 : memref<128x64xf32, #tpu.memory_space<vmem>>)
      %mul3A_348 = arith.constant 2 : i32
      %mul3A_349 = arith.muli %scan3A_292, %mul3A_348 : i32
      %add3A_350 = arith.constant 0 : i32
      %add3A_351 = arith.addi %mul3A_349, %add3A_350 : i32
      %mul3A_352 = arith.constant 10 : i32
      %mul3A_353 = arith.muli %add3A, %mul3A_352 : i32
      %add3A_354 = arith.addi %mul3A_353, %add3A_351 : i32
      %mul3A_355 = arith.constant 128 : i32
      %mul3A_356 = arith.muli %add3A_354, %mul3A_355 : i32
      %dma_start3A_357 = arith.constant 1 : i32
      %dma_start3A_358 = arith.constant 1 : i32
      %dma_start3A_359 = arith.constant 0 : i32
      %dma_start3A_360 = arith.constant 0 : i32
      %dma_start3A_361 = tpu.memref_slice %arg7[%dma_start3A_357, %dma_start3A_359, %dma_start3A_360] : memref<4x128x64xf32, #tpu.memory_space<vmem>> -> memref<1x128x64xf32, #tpu.memory_space<vmem>>
      %dma_start3A_362 = tpu.memref_squeeze %dma_start3A_361 : memref<1x128x64xf32, #tpu.memory_space<vmem>> -> memref<128x64xf32, #tpu.memory_space<vmem>>
      %dma_start3A_363 = arith.constant 64 : i32
      %dma_start3A_364 = tpu.memref_slice %arg4[%mul3A_356, %dma_start3A_363] : memref<40960x128xf32, #tpu.memory_space<hbm>> -> memref<128x64xf32, #tpu.memory_space<hbm>>
      %dma_start3A_365 = tpu.memref_slice %arg10[%dma_start3A_358] : memref<4x!tpu.dma_semaphore, #tpu.memory_space<semaphore_mem>> -> memref<1x!tpu.dma_semaphore, #tpu.memory_space<semaphore_mem>>
      %dma_start3A_366 = tpu.memref_squeeze %dma_start3A_365 : memref<1x!tpu.dma_semaphore, #tpu.memory_space<semaphore_mem>> -> memref<!tpu.dma_semaphore, #tpu.memory_space<semaphore_mem>>
      %dma_start3A_367 = arith.constant 64 : i32
      %dma_start3A_368 = tpu.memref_slice %arg4[%mul3A_356, %dma_start3A_367] : memref<40960x128xf32, #tpu.memory_space<hbm>> -> memref<128x64xf32, #tpu.memory_space<hbm>>
      %dma_start3A_369 = arith.constant 0 : i32
      %dma_start3A_370 = arith.constant 0 : i32
      %dma_start3A_371 = tpu.memref_slice %arg7[%dma_start3A_357, %dma_start3A_369, %dma_start3A_370] : memref<4x128x64xf32, #tpu.memory_space<vmem>> -> memref<1x128x64xf32, #tpu.memory_space<vmem>>
      %dma_start3A_372 = tpu.memref_squeeze %dma_start3A_371 : memref<1x128x64xf32, #tpu.memory_space<vmem>> -> memref<128x64xf32, #tpu.memory_space<vmem>>
      tpu.enqueue_dma source(%dma_start3A_372 : memref<128x64xf32, #tpu.memory_space<vmem>>) target(%dma_start3A_368 : memref<128x64xf32, #tpu.memory_space<hbm>>) target_semaphore(%dma_start3A_366 : memref<!tpu.dma_semaphore, #tpu.memory_space<semaphore_mem>>)
      %dma_wait3A_373 = arith.constant 0 : i32
      %dma_wait3A_374 = arith.constant 2 : i32
      %dma_wait3A_375 = arith.constant 2 : i32
      %dma_wait3A_376 = arith.constant 0 : i32
      %dma_wait3A_377 = arith.constant 0 : i32
      %dma_wait3A_378 = tpu.memref_slice %arg7[%dma_wait3A_374, %dma_wait3A_376, %dma_wait3A_377] : memref<4x128x64xf32, #tpu.memory_space<vmem>> -> memref<1x128x64xf32, #tpu.memory_space<vmem>>
      %dma_wait3A_379 = tpu.memref_squeeze %dma_wait3A_378 : memref<1x128x64xf32, #tpu.memory_space<vmem>> -> memref<128x64xf32, #tpu.memory_space<vmem>>
      %dma_wait3A_380 = arith.constant 0 : i32
      %dma_wait3A_381 = tpu.memref_slice %arg6[%dma_wait3A_373, %dma_wait3A_380] : memref<20x128xi32, #tpu.memory_space<vmem>> -> memref<1x128xi32, #tpu.memory_space<vmem>>
      %dma_wait3A_382 = tpu.memref_squeeze %dma_wait3A_381 : memref<1x128xi32, #tpu.memory_space<vmem>> -> memref<128xi32, #tpu.memory_space<vmem>>
      %dma_wait3A_383 = arith.constant 0 : i32
      %dma_wait3A_384 = arith.constant 0 : i32
      %dma_wait3A_385 = tpu.memref_slice %arg8[%dma_wait3A_383, %dma_wait3A_384] : memref<10000x64xf32, #tpu.memory_space<vmem_shared>> -> memref<10000x64xf32, #tpu.memory_space<vmem_shared>>
      %dma_wait3A_386 = tpu.memref_slice %arg9[%dma_wait3A_375] : memref<4x!tpu.dma_semaphore, #tpu.memory_space<semaphore_mem>> -> memref<1x!tpu.dma_semaphore, #tpu.memory_space<semaphore_mem>>
      %dma_wait3A_387 = tpu.memref_squeeze %dma_wait3A_386 : memref<1x!tpu.dma_semaphore, #tpu.memory_space<semaphore_mem>> -> memref<!tpu.dma_semaphore, #tpu.memory_space<semaphore_mem>>
      tpu.wait_indirect_dma semaphore(%dma_wait3A_387 : memref<!tpu.dma_semaphore, #tpu.memory_space<semaphore_mem>>) src(%dma_wait3A_385 : memref<10000x64xf32, #tpu.memory_space<vmem_shared>>) dst(%dma_wait3A_379 : memref<128x64xf32, #tpu.memory_space<vmem>>)
      %mul3A_388 = arith.constant 2 : i32
      %mul3A_389 = arith.muli %scan3A_292, %mul3A_388 : i32
      %add3A_390 = arith.constant 1 : i32
      %add3A_391 = arith.addi %mul3A_389, %add3A_390 : i32
      %mul3A_392 = arith.constant 10 : i32
      %mul3A_393 = arith.muli %add3A, %mul3A_392 : i32
      %add3A_394 = arith.addi %mul3A_393, %add3A_391 : i32
      %mul3A_395 = arith.constant 128 : i32
      %mul3A_396 = arith.muli %add3A_394, %mul3A_395 : i32
      %dma_start3A_397 = arith.constant 2 : i32
      %dma_start3A_398 = arith.constant 2 : i32
      %dma_start3A_399 = arith.constant 0 : i32
      %dma_start3A_400 = arith.constant 0 : i32
      %dma_start3A_401 = tpu.memref_slice %arg7[%dma_start3A_397, %dma_start3A_399, %dma_start3A_400] : memref<4x128x64xf32, #tpu.memory_space<vmem>> -> memref<1x128x64xf32, #tpu.memory_space<vmem>>
      %dma_start3A_402 = tpu.memref_squeeze %dma_start3A_401 : memref<1x128x64xf32, #tpu.memory_space<vmem>> -> memref<128x64xf32, #tpu.memory_space<vmem>>
      %dma_start3A_403 = arith.constant 0 : i32
      %dma_start3A_404 = tpu.memref_slice %arg4[%mul3A_396, %dma_start3A_403] : memref<40960x128xf32, #tpu.memory_space<hbm>> -> memref<128x64xf32, #tpu.memory_space<hbm>>
      %dma_start3A_405 = tpu.memref_slice %arg10[%dma_start3A_398] : memref<4x!tpu.dma_semaphore, #tpu.memory_space<semaphore_mem>> -> memref<1x!tpu.dma_semaphore, #tpu.memory_space<semaphore_mem>>
      %dma_start3A_406 = tpu.memref_squeeze %dma_start3A_405 : memref<1x!tpu.dma_semaphore, #tpu.memory_space<semaphore_mem>> -> memref<!tpu.dma_semaphore, #tpu.memory_space<semaphore_mem>>
      %dma_start3A_407 = arith.constant 0 : i32
      %dma_start3A_408 = tpu.memref_slice %arg4[%mul3A_396, %dma_start3A_407] : memref<40960x128xf32, #tpu.memory_space<hbm>> -> memref<128x64xf32, #tpu.memory_space<hbm>>
      %dma_start3A_409 = arith.constant 0 : i32
      %dma_start3A_410 = arith.constant 0 : i32
      %dma_start3A_411 = tpu.memref_slice %arg7[%dma_start3A_397, %dma_start3A_409, %dma_start3A_410] : memref<4x128x64xf32, #tpu.memory_space<vmem>> -> memref<1x128x64xf32, #tpu.memory_space<vmem>>
      %dma_start3A_412 = tpu.memref_squeeze %dma_start3A_411 : memref<1x128x64xf32, #tpu.memory_space<vmem>> -> memref<128x64xf32, #tpu.memory_space<vmem>>
      tpu.enqueue_dma source(%dma_start3A_412 : memref<128x64xf32, #tpu.memory_space<vmem>>) target(%dma_start3A_408 : memref<128x64xf32, #tpu.memory_space<hbm>>) target_semaphore(%dma_start3A_406 : memref<!tpu.dma_semaphore, #tpu.memory_space<semaphore_mem>>)
      %dma_wait3A_413 = arith.constant 0 : i32
      %dma_wait3A_414 = arith.constant 3 : i32
      %dma_wait3A_415 = arith.constant 3 : i32
      %dma_wait3A_416 = arith.constant 0 : i32
      %dma_wait3A_417 = arith.constant 0 : i32
      %dma_wait3A_418 = tpu.memref_slice %arg7[%dma_wait3A_414, %dma_wait3A_416, %dma_wait3A_417] : memref<4x128x64xf32, #tpu.memory_space<vmem>> -> memref<1x128x64xf32, #tpu.memory_space<vmem>>
      %dma_wait3A_419 = tpu.memref_squeeze %dma_wait3A_418 : memref<1x128x64xf32, #tpu.memory_space<vmem>> -> memref<128x64xf32, #tpu.memory_space<vmem>>
      %dma_wait3A_420 = arith.constant 0 : i32
      %dma_wait3A_421 = tpu.memref_slice %arg6[%dma_wait3A_413, %dma_wait3A_420] : memref<20x128xi32, #tpu.memory_space<vmem>> -> memref<1x128xi32, #tpu.memory_space<vmem>>
      %dma_wait3A_422 = tpu.memref_squeeze %dma_wait3A_421 : memref<1x128xi32, #tpu.memory_space<vmem>> -> memref<128xi32, #tpu.memory_space<vmem>>
      %dma_wait3A_423 = arith.constant 0 : i32
      %dma_wait3A_424 = arith.constant 0 : i32
      %dma_wait3A_425 = tpu.memref_slice %arg8[%dma_wait3A_423, %dma_wait3A_424] : memref<10000x64xf32, #tpu.memory_space<vmem_shared>> -> memref<10000x64xf32, #tpu.memory_space<vmem_shared>>
      %dma_wait3A_426 = tpu.memref_slice %arg9[%dma_wait3A_415] : memref<4x!tpu.dma_semaphore, #tpu.memory_space<semaphore_mem>> -> memref<1x!tpu.dma_semaphore, #tpu.memory_space<semaphore_mem>>
      %dma_wait3A_427 = tpu.memref_squeeze %dma_wait3A_426 : memref<1x!tpu.dma_semaphore, #tpu.memory_space<semaphore_mem>> -> memref<!tpu.dma_semaphore, #tpu.memory_space<semaphore_mem>>
      tpu.wait_indirect_dma semaphore(%dma_wait3A_427 : memref<!tpu.dma_semaphore, #tpu.memory_space<semaphore_mem>>) src(%dma_wait3A_425 : memref<10000x64xf32, #tpu.memory_space<vmem_shared>>) dst(%dma_wait3A_419 : memref<128x64xf32, #tpu.memory_space<vmem>>)
      %mul3A_428 = arith.constant 2 : i32
      %mul3A_429 = arith.muli %scan3A_292, %mul3A_428 : i32
      %add3A_430 = arith.constant 1 : i32
      %add3A_431 = arith.addi %mul3A_429, %add3A_430 : i32
      %mul3A_432 = arith.constant 10 : i32
      %mul3A_433 = arith.muli %add3A, %mul3A_432 : i32
      %add3A_434 = arith.addi %mul3A_433, %add3A_431 : i32
      %mul3A_435 = arith.constant 128 : i32
      %mul3A_436 = arith.muli %add3A_434, %mul3A_435 : i32
      %dma_start3A_437 = arith.constant 3 : i32
      %dma_start3A_438 = arith.constant 3 : i32
      %dma_start3A_439 = arith.constant 0 : i32
      %dma_start3A_440 = arith.constant 0 : i32
      %dma_start3A_441 = tpu.memref_slice %arg7[%dma_start3A_437, %dma_start3A_439, %dma_start3A_440] : memref<4x128x64xf32, #tpu.memory_space<vmem>> -> memref<1x128x64xf32, #tpu.memory_space<vmem>>
      %dma_start3A_442 = tpu.memref_squeeze %dma_start3A_441 : memref<1x128x64xf32, #tpu.memory_space<vmem>> -> memref<128x64xf32, #tpu.memory_space<vmem>>
      %dma_start3A_443 = arith.constant 64 : i32
      %dma_start3A_444 = tpu.memref_slice %arg4[%mul3A_436, %dma_start3A_443] : memref<40960x128xf32, #tpu.memory_space<hbm>> -> memref<128x64xf32, #tpu.memory_space<hbm>>
      %dma_start3A_445 = tpu.memref_slice %arg10[%dma_start3A_438] : memref<4x!tpu.dma_semaphore, #tpu.memory_space<semaphore_mem>> -> memref<1x!tpu.dma_semaphore, #tpu.memory_space<semaphore_mem>>
      %dma_start3A_446 = tpu.memref_squeeze %dma_start3A_445 : memref<1x!tpu.dma_semaphore, #tpu.memory_space<semaphore_mem>> -> memref<!tpu.dma_semaphore, #tpu.memory_space<semaphore_mem>>
      %dma_start3A_447 = arith.constant 64 : i32
      %dma_start3A_448 = tpu.memref_slice %arg4[%mul3A_436, %dma_start3A_447] : memref<40960x128xf32, #tpu.memory_space<hbm>> -> memref<128x64xf32, #tpu.memory_space<hbm>>
      %dma_start3A_449 = arith.constant 0 : i32
      %dma_start3A_450 = arith.constant 0 : i32
      %dma_start3A_451 = tpu.memref_slice %arg7[%dma_start3A_437, %dma_start3A_449, %dma_start3A_450] : memref<4x128x64xf32, #tpu.memory_space<vmem>> -> memref<1x128x64xf32, #tpu.memory_space<vmem>>
      %dma_start3A_452 = tpu.memref_squeeze %dma_start3A_451 : memref<1x128x64xf32, #tpu.memory_space<vmem>> -> memref<128x64xf32, #tpu.memory_space<vmem>>
      tpu.enqueue_dma source(%dma_start3A_452 : memref<128x64xf32, #tpu.memory_space<vmem>>) target(%dma_start3A_448 : memref<128x64xf32, #tpu.memory_space<hbm>>) target_semaphore(%dma_start3A_446 : memref<!tpu.dma_semaphore, #tpu.memory_space<semaphore_mem>>)
      %dma_wait3A_453 = arith.constant 0 : i32
      %dma_wait3A_454 = arith.constant 0 : i32
      %dma_wait3A_455 = arith.constant 0 : i32
      %dma_wait3A_456 = arith.constant 0 : i32
      %dma_wait3A_457 = tpu.memref_slice %arg7[%dma_wait3A_453, %dma_wait3A_455, %dma_wait3A_456] : memref<4x128x64xf32, #tpu.memory_space<vmem>> -> memref<1x128x64xf32, #tpu.memory_space<vmem>>
      %dma_wait3A_458 = tpu.memref_squeeze %dma_wait3A_457 : memref<1x128x64xf32, #tpu.memory_space<vmem>> -> memref<128x64xf32, #tpu.memory_space<vmem>>
      %dma_wait3A_459 = arith.constant 0 : i32
      %dma_wait3A_460 = arith.constant 0 : i32
      %dma_wait3A_461 = tpu.memref_slice %arg4[%dma_wait3A_459, %dma_wait3A_460] : memref<40960x128xf32, #tpu.memory_space<hbm>> -> memref<128x64xf32, #tpu.memory_space<hbm>>
      %dma_wait3A_462 = tpu.memref_slice %arg10[%dma_wait3A_454] : memref<4x!tpu.dma_semaphore, #tpu.memory_space<semaphore_mem>> -> memref<1x!tpu.dma_semaphore, #tpu.memory_space<semaphore_mem>>
      %dma_wait3A_463 = tpu.memref_squeeze %dma_wait3A_462 : memref<1x!tpu.dma_semaphore, #tpu.memory_space<semaphore_mem>> -> memref<!tpu.dma_semaphore, #tpu.memory_space<semaphore_mem>>
      %dma_wait3A_464 = arith.constant 0 : i32
      %dma_wait3A_465 = arith.constant 0 : i32
      %dma_wait3A_466 = tpu.memref_slice %arg4[%dma_wait3A_464, %dma_wait3A_465] : memref<40960x128xf32, #tpu.memory_space<hbm>> -> memref<128x64xf32, #tpu.memory_space<hbm>>
      %dma_wait3A_467 = arith.constant 0 : i32
      %dma_wait3A_468 = arith.constant 0 : i32
      %dma_wait3A_469 = tpu.memref_slice %arg7[%dma_wait3A_453, %dma_wait3A_467, %dma_wait3A_468] : memref<4x128x64xf32, #tpu.memory_space<vmem>> -> memref<1x128x64xf32, #tpu.memory_space<vmem>>
      %dma_wait3A_470 = tpu.memref_squeeze %dma_wait3A_469 : memref<1x128x64xf32, #tpu.memory_space<vmem>> -> memref<128x64xf32, #tpu.memory_space<vmem>>
      tpu.wait_dma2 semaphore(%dma_wait3A_463 : memref<!tpu.dma_semaphore, #tpu.memory_space<semaphore_mem>>) src(%dma_wait3A_470 : memref<128x64xf32, #tpu.memory_space<vmem>>) dst(%dma_wait3A_466 : memref<128x64xf32, #tpu.memory_space<hbm>>)
      %add3A_471 = arith.constant 1 : i32
      %add3A_472 = arith.addi %scan3A_292, %add3A_471 : i32
      %mul3A_473 = arith.constant 4 : i32
      %mul3A_474 = arith.muli %add3A_472, %mul3A_473 : i32
      %add3A_475 = arith.constant 0 : i32
      %add3A_476 = arith.addi %mul3A_474, %add3A_475 : i32
      %dma_start3A_477 = arith.constant 0 : i32
      %dma_start3A_478 = arith.constant 0 : i32
      %dma_start3A_479 = arith.constant 0 : i32
      %dma_start3A_480 = arith.constant 0 : i32
      %dma_start3A_481 = tpu.memref_slice %arg7[%dma_start3A_477, %dma_start3A_479, %dma_start3A_480] : memref<4x128x64xf32, #tpu.memory_space<vmem>> -> memref<1x128x64xf32, #tpu.memory_space<vmem>>
      %dma_start3A_482 = tpu.memref_squeeze %dma_start3A_481 : memref<1x128x64xf32, #tpu.memory_space<vmem>> -> memref<128x64xf32, #tpu.memory_space<vmem>>
      %dma_start3A_483 = arith.constant 0 : i32
      %dma_start3A_484 = tpu.memref_slice %arg6[%add3A_476, %dma_start3A_483] : memref<20x128xi32, #tpu.memory_space<vmem>> -> memref<1x128xi32, #tpu.memory_space<vmem>>
      %dma_start3A_485 = tpu.memref_squeeze %dma_start3A_484 : memref<1x128xi32, #tpu.memory_space<vmem>> -> memref<128xi32, #tpu.memory_space<vmem>>
      %dma_start3A_486 = arith.constant 0 : i32
      %dma_start3A_487 = arith.constant 0 : i32
      %dma_start3A_488 = tpu.memref_slice %arg8[%dma_start3A_486, %dma_start3A_487] : memref<10000x64xf32, #tpu.memory_space<vmem_shared>> -> memref<10000x64xf32, #tpu.memory_space<vmem_shared>>
      %dma_start3A_489 = tpu.memref_slice %arg9[%dma_start3A_478] : memref<4x!tpu.dma_semaphore, #tpu.memory_space<semaphore_mem>> -> memref<1x!tpu.dma_semaphore, #tpu.memory_space<semaphore_mem>>
      %dma_start3A_490 = tpu.memref_squeeze %dma_start3A_489 : memref<1x!tpu.dma_semaphore, #tpu.memory_space<semaphore_mem>> -> memref<!tpu.dma_semaphore, #tpu.memory_space<semaphore_mem>>
      tpu.enqueue_indirect_dma source(%dma_start3A_488 : memref<10000x64xf32, #tpu.memory_space<vmem_shared>>) target(%dma_start3A_482 : memref<128x64xf32, #tpu.memory_space<vmem>>) offsets(%dma_start3A_485 : memref<128xi32, #tpu.memory_space<vmem>>) semaphore(%dma_start3A_490 : memref<!tpu.dma_semaphore, #tpu.memory_space<semaphore_mem>>)
      %dma_wait3A_491 = arith.constant 1 : i32
      %dma_wait3A_492 = arith.constant 1 : i32
      %dma_wait3A_493 = arith.constant 0 : i32
      %dma_wait3A_494 = arith.constant 0 : i32
      %dma_wait3A_495 = tpu.memref_slice %arg7[%dma_wait3A_491, %dma_wait3A_493, %dma_wait3A_494] : memref<4x128x64xf32, #tpu.memory_space<vmem>> -> memref<1x128x64xf32, #tpu.memory_space<vmem>>
      %dma_wait3A_496 = tpu.memref_squeeze %dma_wait3A_495 : memref<1x128x64xf32, #tpu.memory_space<vmem>> -> memref<128x64xf32, #tpu.memory_space<vmem>>
      %dma_wait3A_497 = arith.constant 0 : i32
      %dma_wait3A_498 = arith.constant 0 : i32
      %dma_wait3A_499 = tpu.memref_slice %arg4[%dma_wait3A_497, %dma_wait3A_498] : memref<40960x128xf32, #tpu.memory_space<hbm>> -> memref<128x64xf32, #tpu.memory_space<hbm>>
      %dma_wait3A_500 = tpu.memref_slice %arg10[%dma_wait3A_492] : memref<4x!tpu.dma_semaphore, #tpu.memory_space<semaphore_mem>> -> memref<1x!tpu.dma_semaphore, #tpu.memory_space<semaphore_mem>>
      %dma_wait3A_501 = tpu.memref_squeeze %dma_wait3A_500 : memref<1x!tpu.dma_semaphore, #tpu.memory_space<semaphore_mem>> -> memref<!tpu.dma_semaphore, #tpu.memory_space<semaphore_mem>>
      %dma_wait3A_502 = arith.constant 0 : i32
      %dma_wait3A_503 = arith.constant 0 : i32
      %dma_wait3A_504 = tpu.memref_slice %arg4[%dma_wait3A_502, %dma_wait3A_503] : memref<40960x128xf32, #tpu.memory_space<hbm>> -> memref<128x64xf32, #tpu.memory_space<hbm>>
      %dma_wait3A_505 = arith.constant 0 : i32
      %dma_wait3A_506 = arith.constant 0 : i32
      %dma_wait3A_507 = tpu.memref_slice %arg7[%dma_wait3A_491, %dma_wait3A_505, %dma_wait3A_506] : memref<4x128x64xf32, #tpu.memory_space<vmem>> -> memref<1x128x64xf32, #tpu.memory_space<vmem>>
      %dma_wait3A_508 = tpu.memref_squeeze %dma_wait3A_507 : memref<1x128x64xf32, #tpu.memory_space<vmem>> -> memref<128x64xf32, #tpu.memory_space<vmem>>
      tpu.wait_dma2 semaphore(%dma_wait3A_501 : memref<!tpu.dma_semaphore, #tpu.memory_space<semaphore_mem>>) src(%dma_wait3A_508 : memref<128x64xf32, #tpu.memory_space<vmem>>) dst(%dma_wait3A_504 : memref<128x64xf32, #tpu.memory_space<hbm>>)
      %add3A_509 = arith.constant 1 : i32
      %add3A_510 = arith.addi %scan3A_292, %add3A_509 : i32
      %mul3A_511 = arith.constant 4 : i32
      %mul3A_512 = arith.muli %add3A_510, %mul3A_511 : i32
      %add3A_513 = arith.constant 1 : i32
      %add3A_514 = arith.addi %mul3A_512, %add3A_513 : i32
      %dma_start3A_515 = arith.constant 1 : i32
      %dma_start3A_516 = arith.constant 1 : i32
      %dma_start3A_517 = arith.constant 0 : i32
      %dma_start3A_518 = arith.constant 0 : i32
      %dma_start3A_519 = tpu.memref_slice %arg7[%dma_start3A_515, %dma_start3A_517, %dma_start3A_518] : memref<4x128x64xf32, #tpu.memory_space<vmem>> -> memref<1x128x64xf32, #tpu.memory_space<vmem>>
      %dma_start3A_520 = tpu.memref_squeeze %dma_start3A_519 : memref<1x128x64xf32, #tpu.memory_space<vmem>> -> memref<128x64xf32, #tpu.memory_space<vmem>>
      %dma_start3A_521 = arith.constant 0 : i32
      %dma_start3A_522 = tpu.memref_slice %arg6[%add3A_514, %dma_start3A_521] : memref<20x128xi32, #tpu.memory_space<vmem>> -> memref<1x128xi32, #tpu.memory_space<vmem>>
      %dma_start3A_523 = tpu.memref_squeeze %dma_start3A_522 : memref<1x128xi32, #tpu.memory_space<vmem>> -> memref<128xi32, #tpu.memory_space<vmem>>
      %dma_start3A_524 = arith.constant 0 : i32
      %dma_start3A_525 = arith.constant 0 : i32
      %dma_start3A_526 = tpu.memref_slice %arg8[%dma_start3A_524, %dma_start3A_525] : memref<10000x64xf32, #tpu.memory_space<vmem_shared>> -> memref<10000x64xf32, #tpu.memory_space<vmem_shared>>
      %dma_start3A_527 = tpu.memref_slice %arg9[%dma_start3A_516] : memref<4x!tpu.dma_semaphore, #tpu.memory_space<semaphore_mem>> -> memref<1x!tpu.dma_semaphore, #tpu.memory_space<semaphore_mem>>
      %dma_start3A_528 = tpu.memref_squeeze %dma_start3A_527 : memref<1x!tpu.dma_semaphore, #tpu.memory_space<semaphore_mem>> -> memref<!tpu.dma_semaphore, #tpu.memory_space<semaphore_mem>>
      tpu.enqueue_indirect_dma source(%dma_start3A_526 : memref<10000x64xf32, #tpu.memory_space<vmem_shared>>) target(%dma_start3A_520 : memref<128x64xf32, #tpu.memory_space<vmem>>) offsets(%dma_start3A_523 : memref<128xi32, #tpu.memory_space<vmem>>) semaphore(%dma_start3A_528 : memref<!tpu.dma_semaphore, #tpu.memory_space<semaphore_mem>>)
      %dma_wait3A_529 = arith.constant 2 : i32
      %dma_wait3A_530 = arith.constant 2 : i32
      %dma_wait3A_531 = arith.constant 0 : i32
      %dma_wait3A_532 = arith.constant 0 : i32
      %dma_wait3A_533 = tpu.memref_slice %arg7[%dma_wait3A_529, %dma_wait3A_531, %dma_wait3A_532] : memref<4x128x64xf32, #tpu.memory_space<vmem>> -> memref<1x128x64xf32, #tpu.memory_space<vmem>>
      %dma_wait3A_534 = tpu.memref_squeeze %dma_wait3A_533 : memref<1x128x64xf32, #tpu.memory_space<vmem>> -> memref<128x64xf32, #tpu.memory_space<vmem>>
      %dma_wait3A_535 = arith.constant 0 : i32
      %dma_wait3A_536 = arith.constant 0 : i32
      %dma_wait3A_537 = tpu.memref_slice %arg4[%dma_wait3A_535, %dma_wait3A_536] : memref<40960x128xf32, #tpu.memory_space<hbm>> -> memref<128x64xf32, #tpu.memory_space<hbm>>
      %dma_wait3A_538 = tpu.memref_slice %arg10[%dma_wait3A_530] : memref<4x!tpu.dma_semaphore, #tpu.memory_space<semaphore_mem>> -> memref<1x!tpu.dma_semaphore, #tpu.memory_space<semaphore_mem>>
      %dma_wait3A_539 = tpu.memref_squeeze %dma_wait3A_538 : memref<1x!tpu.dma_semaphore, #tpu.memory_space<semaphore_mem>> -> memref<!tpu.dma_semaphore, #tpu.memory_space<semaphore_mem>>
      %dma_wait3A_540 = arith.constant 0 : i32
      %dma_wait3A_541 = arith.constant 0 : i32
      %dma_wait3A_542 = tpu.memref_slice %arg4[%dma_wait3A_540, %dma_wait3A_541] : memref<40960x128xf32, #tpu.memory_space<hbm>> -> memref<128x64xf32, #tpu.memory_space<hbm>>
      %dma_wait3A_543 = arith.constant 0 : i32
      %dma_wait3A_544 = arith.constant 0 : i32
      %dma_wait3A_545 = tpu.memref_slice %arg7[%dma_wait3A_529, %dma_wait3A_543, %dma_wait3A_544] : memref<4x128x64xf32, #tpu.memory_space<vmem>> -> memref<1x128x64xf32, #tpu.memory_space<vmem>>
      %dma_wait3A_546 = tpu.memref_squeeze %dma_wait3A_545 : memref<1x128x64xf32, #tpu.memory_space<vmem>> -> memref<128x64xf32, #tpu.memory_space<vmem>>
      tpu.wait_dma2 semaphore(%dma_wait3A_539 : memref<!tpu.dma_semaphore, #tpu.memory_space<semaphore_mem>>) src(%dma_wait3A_546 : memref<128x64xf32, #tpu.memory_space<vmem>>) dst(%dma_wait3A_542 : memref<128x64xf32, #tpu.memory_space<hbm>>)
      %add3A_547 = arith.constant 1 : i32
      %add3A_548 = arith.addi %scan3A_292, %add3A_547 : i32
      %mul3A_549 = arith.constant 4 : i32
      %mul3A_550 = arith.muli %add3A_548, %mul3A_549 : i32
      %add3A_551 = arith.constant 2 : i32
      %add3A_552 = arith.addi %mul3A_550, %add3A_551 : i32
      %dma_start3A_553 = arith.constant 2 : i32
      %dma_start3A_554 = arith.constant 2 : i32
      %dma_start3A_555 = arith.constant 0 : i32
      %dma_start3A_556 = arith.constant 0 : i32
      %dma_start3A_557 = tpu.memref_slice %arg7[%dma_start3A_553, %dma_start3A_555, %dma_start3A_556] : memref<4x128x64xf32, #tpu.memory_space<vmem>> -> memref<1x128x64xf32, #tpu.memory_space<vmem>>
      %dma_start3A_558 = tpu.memref_squeeze %dma_start3A_557 : memref<1x128x64xf32, #tpu.memory_space<vmem>> -> memref<128x64xf32, #tpu.memory_space<vmem>>
      %dma_start3A_559 = arith.constant 0 : i32
      %dma_start3A_560 = tpu.memref_slice %arg6[%add3A_552, %dma_start3A_559] : memref<20x128xi32, #tpu.memory_space<vmem>> -> memref<1x128xi32, #tpu.memory_space<vmem>>
      %dma_start3A_561 = tpu.memref_squeeze %dma_start3A_560 : memref<1x128xi32, #tpu.memory_space<vmem>> -> memref<128xi32, #tpu.memory_space<vmem>>
      %dma_start3A_562 = arith.constant 0 : i32
      %dma_start3A_563 = arith.constant 0 : i32
      %dma_start3A_564 = tpu.memref_slice %arg8[%dma_start3A_562, %dma_start3A_563] : memref<10000x64xf32, #tpu.memory_space<vmem_shared>> -> memref<10000x64xf32, #tpu.memory_space<vmem_shared>>
      %dma_start3A_565 = tpu.memref_slice %arg9[%dma_start3A_554] : memref<4x!tpu.dma_semaphore, #tpu.memory_space<semaphore_mem>> -> memref<1x!tpu.dma_semaphore, #tpu.memory_space<semaphore_mem>>
      %dma_start3A_566 = tpu.memref_squeeze %dma_start3A_565 : memref<1x!tpu.dma_semaphore, #tpu.memory_space<semaphore_mem>> -> memref<!tpu.dma_semaphore, #tpu.memory_space<semaphore_mem>>
      tpu.enqueue_indirect_dma source(%dma_start3A_564 : memref<10000x64xf32, #tpu.memory_space<vmem_shared>>) target(%dma_start3A_558 : memref<128x64xf32, #tpu.memory_space<vmem>>) offsets(%dma_start3A_561 : memref<128xi32, #tpu.memory_space<vmem>>) semaphore(%dma_start3A_566 : memref<!tpu.dma_semaphore, #tpu.memory_space<semaphore_mem>>)
      %dma_wait3A_567 = arith.constant 3 : i32
      %dma_wait3A_568 = arith.constant 3 : i32
      %dma_wait3A_569 = arith.constant 0 : i32
      %dma_wait3A_570 = arith.constant 0 : i32
      %dma_wait3A_571 = tpu.memref_slice %arg7[%dma_wait3A_567, %dma_wait3A_569, %dma_wait3A_570] : memref<4x128x64xf32, #tpu.memory_space<vmem>> -> memref<1x128x64xf32, #tpu.memory_space<vmem>>
      %dma_wait3A_572 = tpu.memref_squeeze %dma_wait3A_571 : memref<1x128x64xf32, #tpu.memory_space<vmem>> -> memref<128x64xf32, #tpu.memory_space<vmem>>
      %dma_wait3A_573 = arith.constant 0 : i32
      %dma_wait3A_574 = arith.constant 0 : i32
      %dma_wait3A_575 = tpu.memref_slice %arg4[%dma_wait3A_573, %dma_wait3A_574] : memref<40960x128xf32, #tpu.memory_space<hbm>> -> memref<128x64xf32, #tpu.memory_space<hbm>>
      %dma_wait3A_576 = tpu.memref_slice %arg10[%dma_wait3A_568] : memref<4x!tpu.dma_semaphore, #tpu.memory_space<semaphore_mem>> -> memref<1x!tpu.dma_semaphore, #tpu.memory_space<semaphore_mem>>
      %dma_wait3A_577 = tpu.memref_squeeze %dma_wait3A_576 : memref<1x!tpu.dma_semaphore, #tpu.memory_space<semaphore_mem>> -> memref<!tpu.dma_semaphore, #tpu.memory_space<semaphore_mem>>
      %dma_wait3A_578 = arith.constant 0 : i32
      %dma_wait3A_579 = arith.constant 0 : i32
      %dma_wait3A_580 = tpu.memref_slice %arg4[%dma_wait3A_578, %dma_wait3A_579] : memref<40960x128xf32, #tpu.memory_space<hbm>> -> memref<128x64xf32, #tpu.memory_space<hbm>>
      %dma_wait3A_581 = arith.constant 0 : i32
      %dma_wait3A_582 = arith.constant 0 : i32
      %dma_wait3A_583 = tpu.memref_slice %arg7[%dma_wait3A_567, %dma_wait3A_581, %dma_wait3A_582] : memref<4x128x64xf32, #tpu.memory_space<vmem>> -> memref<1x128x64xf32, #tpu.memory_space<vmem>>
      %dma_wait3A_584 = tpu.memref_squeeze %dma_wait3A_583 : memref<1x128x64xf32, #tpu.memory_space<vmem>> -> memref<128x64xf32, #tpu.memory_space<vmem>>
      tpu.wait_dma2 semaphore(%dma_wait3A_577 : memref<!tpu.dma_semaphore, #tpu.memory_space<semaphore_mem>>) src(%dma_wait3A_584 : memref<128x64xf32, #tpu.memory_space<vmem>>) dst(%dma_wait3A_580 : memref<128x64xf32, #tpu.memory_space<hbm>>)
      %add3A_585 = arith.constant 1 : i32
      %add3A_586 = arith.addi %scan3A_292, %add3A_585 : i32
      %mul3A_587 = arith.constant 4 : i32
      %mul3A_588 = arith.muli %add3A_586, %mul3A_587 : i32
      %add3A_589 = arith.constant 3 : i32
      %add3A_590 = arith.addi %mul3A_588, %add3A_589 : i32
      %dma_start3A_591 = arith.constant 3 : i32
      %dma_start3A_592 = arith.constant 3 : i32
      %dma_start3A_593 = arith.constant 0 : i32
      %dma_start3A_594 = arith.constant 0 : i32
      %dma_start3A_595 = tpu.memref_slice %arg7[%dma_start3A_591, %dma_start3A_593, %dma_start3A_594] : memref<4x128x64xf32, #tpu.memory_space<vmem>> -> memref<1x128x64xf32, #tpu.memory_space<vmem>>
      %dma_start3A_596 = tpu.memref_squeeze %dma_start3A_595 : memref<1x128x64xf32, #tpu.memory_space<vmem>> -> memref<128x64xf32, #tpu.memory_space<vmem>>
      %dma_start3A_597 = arith.constant 0 : i32
      %dma_start3A_598 = tpu.memref_slice %arg6[%add3A_590, %dma_start3A_597] : memref<20x128xi32, #tpu.memory_space<vmem>> -> memref<1x128xi32, #tpu.memory_space<vmem>>
      %dma_start3A_599 = tpu.memref_squeeze %dma_start3A_598 : memref<1x128xi32, #tpu.memory_space<vmem>> -> memref<128xi32, #tpu.memory_space<vmem>>
      %dma_start3A_600 = arith.constant 0 : i32
      %dma_start3A_601 = arith.constant 0 : i32
      %dma_start3A_602 = tpu.memref_slice %arg8[%dma_start3A_600, %dma_start3A_601] : memref<10000x64xf32, #tpu.memory_space<vmem_shared>> -> memref<10000x64xf32, #tpu.memory_space<vmem_shared>>
      %dma_start3A_603 = tpu.memref_slice %arg9[%dma_start3A_592] : memref<4x!tpu.dma_semaphore, #tpu.memory_space<semaphore_mem>> -> memref<1x!tpu.dma_semaphore, #tpu.memory_space<semaphore_mem>>
      %dma_start3A_604 = tpu.memref_squeeze %dma_start3A_603 : memref<1x!tpu.dma_semaphore, #tpu.memory_space<semaphore_mem>> -> memref<!tpu.dma_semaphore, #tpu.memory_space<semaphore_mem>>
      tpu.enqueue_indirect_dma source(%dma_start3A_602 : memref<10000x64xf32, #tpu.memory_space<vmem_shared>>) target(%dma_start3A_596 : memref<128x64xf32, #tpu.memory_space<vmem>>) offsets(%dma_start3A_599 : memref<128xi32, #tpu.memory_space<vmem>>) semaphore(%dma_start3A_604 : memref<!tpu.dma_semaphore, #tpu.memory_space<semaphore_mem>>)
    }
    %scan3A_72 = arith.constant 4 : i32
    %dma_wait3A = arith.constant 0 : i32
    %dma_wait3A_73 = arith.constant 0 : i32
    %dma_wait3A_74 = arith.constant 0 : i32
    %dma_wait3A_75 = arith.constant 0 : i32
    %dma_wait3A_76 = arith.constant 0 : i32
    %dma_wait3A_77 = tpu.memref_slice %arg7[%dma_wait3A_73, %dma_wait3A_75, %dma_wait3A_76] : memref<4x128x64xf32, #tpu.memory_space<vmem>> -> memref<1x128x64xf32, #tpu.memory_space<vmem>>
    %dma_wait3A_78 = tpu.memref_squeeze %dma_wait3A_77 : memref<1x128x64xf32, #tpu.memory_space<vmem>> -> memref<128x64xf32, #tpu.memory_space<vmem>>
    %dma_wait3A_79 = arith.constant 0 : i32
    %dma_wait3A_80 = tpu.memref_slice %arg6[%dma_wait3A, %dma_wait3A_79] : memref<20x128xi32, #tpu.memory_space<vmem>> -> memref<1x128xi32, #tpu.memory_space<vmem>>
    %dma_wait3A_81 = tpu.memref_squeeze %dma_wait3A_80 : memref<1x128xi32, #tpu.memory_space<vmem>> -> memref<128xi32, #tpu.memory_space<vmem>>
    %dma_wait3A_82 = arith.constant 0 : i32
    %dma_wait3A_83 = arith.constant 0 : i32
    %dma_wait3A_84 = tpu.memref_slice %arg8[%dma_wait3A_82, %dma_wait3A_83] : memref<10000x64xf32, #tpu.memory_space<vmem_shared>> -> memref<10000x64xf32, #tpu.memory_space<vmem_shared>>
    %dma_wait3A_85 = tpu.memref_slice %arg9[%dma_wait3A_74] : memref<4x!tpu.dma_semaphore, #tpu.memory_space<semaphore_mem>> -> memref<1x!tpu.dma_semaphore, #tpu.memory_space<semaphore_mem>>
    %dma_wait3A_86 = tpu.memref_squeeze %dma_wait3A_85 : memref<1x!tpu.dma_semaphore, #tpu.memory_space<semaphore_mem>> -> memref<!tpu.dma_semaphore, #tpu.memory_space<semaphore_mem>>
    tpu.wait_indirect_dma semaphore(%dma_wait3A_86 : memref<!tpu.dma_semaphore, #tpu.memory_space<semaphore_mem>>) src(%dma_wait3A_84 : memref<10000x64xf32, #tpu.memory_space<vmem_shared>>) dst(%dma_wait3A_78 : memref<128x64xf32, #tpu.memory_space<vmem>>)
    %mul3A_87 = arith.constant 10 : i32
    %mul3A_88 = arith.muli %add3A, %mul3A_87 : i32
    %add3A_89 = arith.constant 8 : i32
    %add3A_90 = arith.addi %mul3A_88, %add3A_89 : i32
    %mul3A_91 = arith.constant 128 : i32
    %mul3A_92 = arith.muli %add3A_90, %mul3A_91 : i32
    %dma_start3A_93 = arith.constant 0 : i32
    %dma_start3A_94 = arith.constant 0 : i32
    %dma_start3A_95 = arith.constant 0 : i32
    %dma_start3A_96 = arith.constant 0 : i32
    %dma_start3A_97 = tpu.memref_slice %arg7[%dma_start3A_93, %dma_start3A_95, %dma_start3A_96] : memref<4x128x64xf32, #tpu.memory_space<vmem>> -> memref<1x128x64xf32, #tpu.memory_space<vmem>>
    %dma_start3A_98 = tpu.memref_squeeze %dma_start3A_97 : memref<1x128x64xf32, #tpu.memory_space<vmem>> -> memref<128x64xf32, #tpu.memory_space<vmem>>
    %dma_start3A_99 = arith.constant 0 : i32
    %dma_start3A_100 = tpu.memref_slice %arg4[%mul3A_92, %dma_start3A_99] : memref<40960x128xf32, #tpu.memory_space<hbm>> -> memref<128x64xf32, #tpu.memory_space<hbm>>
    %dma_start3A_101 = tpu.memref_slice %arg10[%dma_start3A_94] : memref<4x!tpu.dma_semaphore, #tpu.memory_space<semaphore_mem>> -> memref<1x!tpu.dma_semaphore, #tpu.memory_space<semaphore_mem>>
    %dma_start3A_102 = tpu.memref_squeeze %dma_start3A_101 : memref<1x!tpu.dma_semaphore, #tpu.memory_space<semaphore_mem>> -> memref<!tpu.dma_semaphore, #tpu.memory_space<semaphore_mem>>
    %dma_start3A_103 = arith.constant 0 : i32
    %dma_start3A_104 = tpu.memref_slice %arg4[%mul3A_92, %dma_start3A_103] : memref<40960x128xf32, #tpu.memory_space<hbm>> -> memref<128x64xf32, #tpu.memory_space<hbm>>
    %dma_start3A_105 = arith.constant 0 : i32
    %dma_start3A_106 = arith.constant 0 : i32
    %dma_start3A_107 = tpu.memref_slice %arg7[%dma_start3A_93, %dma_start3A_105, %dma_start3A_106] : memref<4x128x64xf32, #tpu.memory_space<vmem>> -> memref<1x128x64xf32, #tpu.memory_space<vmem>>
    %dma_start3A_108 = tpu.memref_squeeze %dma_start3A_107 : memref<1x128x64xf32, #tpu.memory_space<vmem>> -> memref<128x64xf32, #tpu.memory_space<vmem>>
    tpu.enqueue_dma source(%dma_start3A_108 : memref<128x64xf32, #tpu.memory_space<vmem>>) target(%dma_start3A_104 : memref<128x64xf32, #tpu.memory_space<hbm>>) target_semaphore(%dma_start3A_102 : memref<!tpu.dma_semaphore, #tpu.memory_space<semaphore_mem>>)
    %dma_wait3A_109 = arith.constant 0 : i32
    %dma_wait3A_110 = arith.constant 1 : i32
    %dma_wait3A_111 = arith.constant 1 : i32
    %dma_wait3A_112 = arith.constant 0 : i32
    %dma_wait3A_113 = arith.constant 0 : i32
    %dma_wait3A_114 = tpu.memref_slice %arg7[%dma_wait3A_110, %dma_wait3A_112, %dma_wait3A_113] : memref<4x128x64xf32, #tpu.memory_space<vmem>> -> memref<1x128x64xf32, #tpu.memory_space<vmem>>
    %dma_wait3A_115 = tpu.memref_squeeze %dma_wait3A_114 : memref<1x128x64xf32, #tpu.memory_space<vmem>> -> memref<128x64xf32, #tpu.memory_space<vmem>>
    %dma_wait3A_116 = arith.constant 0 : i32
    %dma_wait3A_117 = tpu.memref_slice %arg6[%dma_wait3A_109, %dma_wait3A_116] : memref<20x128xi32, #tpu.memory_space<vmem>> -> memref<1x128xi32, #tpu.memory_space<vmem>>
    %dma_wait3A_118 = tpu.memref_squeeze %dma_wait3A_117 : memref<1x128xi32, #tpu.memory_space<vmem>> -> memref<128xi32, #tpu.memory_space<vmem>>
    %dma_wait3A_119 = arith.constant 0 : i32
    %dma_wait3A_120 = arith.constant 0 : i32
    %dma_wait3A_121 = tpu.memref_slice %arg8[%dma_wait3A_119, %dma_wait3A_120] : memref<10000x64xf32, #tpu.memory_space<vmem_shared>> -> memref<10000x64xf32, #tpu.memory_space<vmem_shared>>
    %dma_wait3A_122 = tpu.memref_slice %arg9[%dma_wait3A_111] : memref<4x!tpu.dma_semaphore, #tpu.memory_space<semaphore_mem>> -> memref<1x!tpu.dma_semaphore, #tpu.memory_space<semaphore_mem>>
    %dma_wait3A_123 = tpu.memref_squeeze %dma_wait3A_122 : memref<1x!tpu.dma_semaphore, #tpu.memory_space<semaphore_mem>> -> memref<!tpu.dma_semaphore, #tpu.memory_space<semaphore_mem>>
    tpu.wait_indirect_dma semaphore(%dma_wait3A_123 : memref<!tpu.dma_semaphore, #tpu.memory_space<semaphore_mem>>) src(%dma_wait3A_121 : memref<10000x64xf32, #tpu.memory_space<vmem_shared>>) dst(%dma_wait3A_115 : memref<128x64xf32, #tpu.memory_space<vmem>>)
    %mul3A_124 = arith.constant 10 : i32
    %mul3A_125 = arith.muli %add3A, %mul3A_124 : i32
    %add3A_126 = arith.constant 8 : i32
    %add3A_127 = arith.addi %mul3A_125, %add3A_126 : i32
    %mul3A_128 = arith.constant 128 : i32
    %mul3A_129 = arith.muli %add3A_127, %mul3A_128 : i32
    %dma_start3A_130 = arith.constant 1 : i32
    %dma_start3A_131 = arith.constant 1 : i32
    %dma_start3A_132 = arith.constant 0 : i32
    %dma_start3A_133 = arith.constant 0 : i32
    %dma_start3A_134 = tpu.memref_slice %arg7[%dma_start3A_130, %dma_start3A_132, %dma_start3A_133] : memref<4x128x64xf32, #tpu.memory_space<vmem>> -> memref<1x128x64xf32, #tpu.memory_space<vmem>>
    %dma_start3A_135 = tpu.memref_squeeze %dma_start3A_134 : memref<1x128x64xf32, #tpu.memory_space<vmem>> -> memref<128x64xf32, #tpu.memory_space<vmem>>
    %dma_start3A_136 = arith.constant 64 : i32
    %dma_start3A_137 = tpu.memref_slice %arg4[%mul3A_129, %dma_start3A_136] : memref<40960x128xf32, #tpu.memory_space<hbm>> -> memref<128x64xf32, #tpu.memory_space<hbm>>
    %dma_start3A_138 = tpu.memref_slice %arg10[%dma_start3A_131] : memref<4x!tpu.dma_semaphore, #tpu.memory_space<semaphore_mem>> -> memref<1x!tpu.dma_semaphore, #tpu.memory_space<semaphore_mem>>
    %dma_start3A_139 = tpu.memref_squeeze %dma_start3A_138 : memref<1x!tpu.dma_semaphore, #tpu.memory_space<semaphore_mem>> -> memref<!tpu.dma_semaphore, #tpu.memory_space<semaphore_mem>>
    %dma_start3A_140 = arith.constant 64 : i32
    %dma_start3A_141 = tpu.memref_slice %arg4[%mul3A_129, %dma_start3A_140] : memref<40960x128xf32, #tpu.memory_space<hbm>> -> memref<128x64xf32, #tpu.memory_space<hbm>>
    %dma_start3A_142 = arith.constant 0 : i32
    %dma_start3A_143 = arith.constant 0 : i32
    %dma_start3A_144 = tpu.memref_slice %arg7[%dma_start3A_130, %dma_start3A_142, %dma_start3A_143] : memref<4x128x64xf32, #tpu.memory_space<vmem>> -> memref<1x128x64xf32, #tpu.memory_space<vmem>>
    %dma_start3A_145 = tpu.memref_squeeze %dma_start3A_144 : memref<1x128x64xf32, #tpu.memory_space<vmem>> -> memref<128x64xf32, #tpu.memory_space<vmem>>
    tpu.enqueue_dma source(%dma_start3A_145 : memref<128x64xf32, #tpu.memory_space<vmem>>) target(%dma_start3A_141 : memref<128x64xf32, #tpu.memory_space<hbm>>) target_semaphore(%dma_start3A_139 : memref<!tpu.dma_semaphore, #tpu.memory_space<semaphore_mem>>)
    %dma_wait3A_146 = arith.constant 0 : i32
    %dma_wait3A_147 = arith.constant 2 : i32
    %dma_wait3A_148 = arith.constant 2 : i32
    %dma_wait3A_149 = arith.constant 0 : i32
    %dma_wait3A_150 = arith.constant 0 : i32
    %dma_wait3A_151 = tpu.memref_slice %arg7[%dma_wait3A_147, %dma_wait3A_149, %dma_wait3A_150] : memref<4x128x64xf32, #tpu.memory_space<vmem>> -> memref<1x128x64xf32, #tpu.memory_space<vmem>>
    %dma_wait3A_152 = tpu.memref_squeeze %dma_wait3A_151 : memref<1x128x64xf32, #tpu.memory_space<vmem>> -> memref<128x64xf32, #tpu.memory_space<vmem>>
    %dma_wait3A_153 = arith.constant 0 : i32
    %dma_wait3A_154 = tpu.memref_slice %arg6[%dma_wait3A_146, %dma_wait3A_153] : memref<20x128xi32, #tpu.memory_space<vmem>> -> memref<1x128xi32, #tpu.memory_space<vmem>>
    %dma_wait3A_155 = tpu.memref_squeeze %dma_wait3A_154 : memref<1x128xi32, #tpu.memory_space<vmem>> -> memref<128xi32, #tpu.memory_space<vmem>>
    %dma_wait3A_156 = arith.constant 0 : i32
    %dma_wait3A_157 = arith.constant 0 : i32
    %dma_wait3A_158 = tpu.memref_slice %arg8[%dma_wait3A_156, %dma_wait3A_157] : memref<10000x64xf32, #tpu.memory_space<vmem_shared>> -> memref<10000x64xf32, #tpu.memory_space<vmem_shared>>
    %dma_wait3A_159 = tpu.memref_slice %arg9[%dma_wait3A_148] : memref<4x!tpu.dma_semaphore, #tpu.memory_space<semaphore_mem>> -> memref<1x!tpu.dma_semaphore, #tpu.memory_space<semaphore_mem>>
    %dma_wait3A_160 = tpu.memref_squeeze %dma_wait3A_159 : memref<1x!tpu.dma_semaphore, #tpu.memory_space<semaphore_mem>> -> memref<!tpu.dma_semaphore, #tpu.memory_space<semaphore_mem>>
    tpu.wait_indirect_dma semaphore(%dma_wait3A_160 : memref<!tpu.dma_semaphore, #tpu.memory_space<semaphore_mem>>) src(%dma_wait3A_158 : memref<10000x64xf32, #tpu.memory_space<vmem_shared>>) dst(%dma_wait3A_152 : memref<128x64xf32, #tpu.memory_space<vmem>>)
    %mul3A_161 = arith.constant 10 : i32
    %mul3A_162 = arith.muli %add3A, %mul3A_161 : i32
    %add3A_163 = arith.constant 9 : i32
    %add3A_164 = arith.addi %mul3A_162, %add3A_163 : i32
    %mul3A_165 = arith.constant 128 : i32
    %mul3A_166 = arith.muli %add3A_164, %mul3A_165 : i32
    %dma_start3A_167 = arith.constant 2 : i32
    %dma_start3A_168 = arith.constant 2 : i32
    %dma_start3A_169 = arith.constant 0 : i32
    %dma_start3A_170 = arith.constant 0 : i32
    %dma_start3A_171 = tpu.memref_slice %arg7[%dma_start3A_167, %dma_start3A_169, %dma_start3A_170] : memref<4x128x64xf32, #tpu.memory_space<vmem>> -> memref<1x128x64xf32, #tpu.memory_space<vmem>>
    %dma_start3A_172 = tpu.memref_squeeze %dma_start3A_171 : memref<1x128x64xf32, #tpu.memory_space<vmem>> -> memref<128x64xf32, #tpu.memory_space<vmem>>
    %dma_start3A_173 = arith.constant 0 : i32
    %dma_start3A_174 = tpu.memref_slice %arg4[%mul3A_166, %dma_start3A_173] : memref<40960x128xf32, #tpu.memory_space<hbm>> -> memref<128x64xf32, #tpu.memory_space<hbm>>
    %dma_start3A_175 = tpu.memref_slice %arg10[%dma_start3A_168] : memref<4x!tpu.dma_semaphore, #tpu.memory_space<semaphore_mem>> -> memref<1x!tpu.dma_semaphore, #tpu.memory_space<semaphore_mem>>
    %dma_start3A_176 = tpu.memref_squeeze %dma_start3A_175 : memref<1x!tpu.dma_semaphore, #tpu.memory_space<semaphore_mem>> -> memref<!tpu.dma_semaphore, #tpu.memory_space<semaphore_mem>>
    %dma_start3A_177 = arith.constant 0 : i32
    %dma_start3A_178 = tpu.memref_slice %arg4[%mul3A_166, %dma_start3A_177] : memref<40960x128xf32, #tpu.memory_space<hbm>> -> memref<128x64xf32, #tpu.memory_space<hbm>>
    %dma_start3A_179 = arith.constant 0 : i32
    %dma_start3A_180 = arith.constant 0 : i32
    %dma_start3A_181 = tpu.memref_slice %arg7[%dma_start3A_167, %dma_start3A_179, %dma_start3A_180] : memref<4x128x64xf32, #tpu.memory_space<vmem>> -> memref<1x128x64xf32, #tpu.memory_space<vmem>>
    %dma_start3A_182 = tpu.memref_squeeze %dma_start3A_181 : memref<1x128x64xf32, #tpu.memory_space<vmem>> -> memref<128x64xf32, #tpu.memory_space<vmem>>
    tpu.enqueue_dma source(%dma_start3A_182 : memref<128x64xf32, #tpu.memory_space<vmem>>) target(%dma_start3A_178 : memref<128x64xf32, #tpu.memory_space<hbm>>) target_semaphore(%dma_start3A_176 : memref<!tpu.dma_semaphore, #tpu.memory_space<semaphore_mem>>)
    %dma_wait3A_183 = arith.constant 0 : i32
    %dma_wait3A_184 = arith.constant 3 : i32
    %dma_wait3A_185 = arith.constant 3 : i32
    %dma_wait3A_186 = arith.constant 0 : i32
    %dma_wait3A_187 = arith.constant 0 : i32
    %dma_wait3A_188 = tpu.memref_slice %arg7[%dma_wait3A_184, %dma_wait3A_186, %dma_wait3A_187] : memref<4x128x64xf32, #tpu.memory_space<vmem>> -> memref<1x128x64xf32, #tpu.memory_space<vmem>>
    %dma_wait3A_189 = tpu.memref_squeeze %dma_wait3A_188 : memref<1x128x64xf32, #tpu.memory_space<vmem>> -> memref<128x64xf32, #tpu.memory_space<vmem>>
    %dma_wait3A_190 = arith.constant 0 : i32
    %dma_wait3A_191 = tpu.memref_slice %arg6[%dma_wait3A_183, %dma_wait3A_190] : memref<20x128xi32, #tpu.memory_space<vmem>> -> memref<1x128xi32, #tpu.memory_space<vmem>>
    %dma_wait3A_192 = tpu.memref_squeeze %dma_wait3A_191 : memref<1x128xi32, #tpu.memory_space<vmem>> -> memref<128xi32, #tpu.memory_space<vmem>>
    %dma_wait3A_193 = arith.constant 0 : i32
    %dma_wait3A_194 = arith.constant 0 : i32
    %dma_wait3A_195 = tpu.memref_slice %arg8[%dma_wait3A_193, %dma_wait3A_194] : memref<10000x64xf32, #tpu.memory_space<vmem_shared>> -> memref<10000x64xf32, #tpu.memory_space<vmem_shared>>
    %dma_wait3A_196 = tpu.memref_slice %arg9[%dma_wait3A_185] : memref<4x!tpu.dma_semaphore, #tpu.memory_space<semaphore_mem>> -> memref<1x!tpu.dma_semaphore, #tpu.memory_space<semaphore_mem>>
    %dma_wait3A_197 = tpu.memref_squeeze %dma_wait3A_196 : memref<1x!tpu.dma_semaphore, #tpu.memory_space<semaphore_mem>> -> memref<!tpu.dma_semaphore, #tpu.memory_space<semaphore_mem>>
    tpu.wait_indirect_dma semaphore(%dma_wait3A_197 : memref<!tpu.dma_semaphore, #tpu.memory_space<semaphore_mem>>) src(%dma_wait3A_195 : memref<10000x64xf32, #tpu.memory_space<vmem_shared>>) dst(%dma_wait3A_189 : memref<128x64xf32, #tpu.memory_space<vmem>>)
    %mul3A_198 = arith.constant 10 : i32
    %mul3A_199 = arith.muli %add3A, %mul3A_198 : i32
    %add3A_200 = arith.constant 9 : i32
    %add3A_201 = arith.addi %mul3A_199, %add3A_200 : i32
    %mul3A_202 = arith.constant 128 : i32
    %mul3A_203 = arith.muli %add3A_201, %mul3A_202 : i32
    %dma_start3A_204 = arith.constant 3 : i32
    %dma_start3A_205 = arith.constant 3 : i32
    %dma_start3A_206 = arith.constant 0 : i32
    %dma_start3A_207 = arith.constant 0 : i32
    %dma_start3A_208 = tpu.memref_slice %arg7[%dma_start3A_204, %dma_start3A_206, %dma_start3A_207] : memref<4x128x64xf32, #tpu.memory_space<vmem>> -> memref<1x128x64xf32, #tpu.memory_space<vmem>>
    %dma_start3A_209 = tpu.memref_squeeze %dma_start3A_208 : memref<1x128x64xf32, #tpu.memory_space<vmem>> -> memref<128x64xf32, #tpu.memory_space<vmem>>
    %dma_start3A_210 = arith.constant 64 : i32
    %dma_start3A_211 = tpu.memref_slice %arg4[%mul3A_203, %dma_start3A_210] : memref<40960x128xf32, #tpu.memory_space<hbm>> -> memref<128x64xf32, #tpu.memory_space<hbm>>
    %dma_start3A_212 = tpu.memref_slice %arg10[%dma_start3A_205] : memref<4x!tpu.dma_semaphore, #tpu.memory_space<semaphore_mem>> -> memref<1x!tpu.dma_semaphore, #tpu.memory_space<semaphore_mem>>
    %dma_start3A_213 = tpu.memref_squeeze %dma_start3A_212 : memref<1x!tpu.dma_semaphore, #tpu.memory_space<semaphore_mem>> -> memref<!tpu.dma_semaphore, #tpu.memory_space<semaphore_mem>>
    %dma_start3A_214 = arith.constant 64 : i32
    %dma_start3A_215 = tpu.memref_slice %arg4[%mul3A_203, %dma_start3A_214] : memref<40960x128xf32, #tpu.memory_space<hbm>> -> memref<128x64xf32, #tpu.memory_space<hbm>>
    %dma_start3A_216 = arith.constant 0 : i32
    %dma_start3A_217 = arith.constant 0 : i32
    %dma_start3A_218 = tpu.memref_slice %arg7[%dma_start3A_204, %dma_start3A_216, %dma_start3A_217] : memref<4x128x64xf32, #tpu.memory_space<vmem>> -> memref<1x128x64xf32, #tpu.memory_space<vmem>>
    %dma_start3A_219 = tpu.memref_squeeze %dma_start3A_218 : memref<1x128x64xf32, #tpu.memory_space<vmem>> -> memref<128x64xf32, #tpu.memory_space<vmem>>
    tpu.enqueue_dma source(%dma_start3A_219 : memref<128x64xf32, #tpu.memory_space<vmem>>) target(%dma_start3A_215 : memref<128x64xf32, #tpu.memory_space<hbm>>) target_semaphore(%dma_start3A_213 : memref<!tpu.dma_semaphore, #tpu.memory_space<semaphore_mem>>)
    %dma_wait3A_220 = arith.constant 0 : i32
    %dma_wait3A_221 = arith.constant 0 : i32
    %dma_wait3A_222 = arith.constant 0 : i32
    %dma_wait3A_223 = arith.constant 0 : i32
    %dma_wait3A_224 = tpu.memref_slice %arg7[%dma_wait3A_220, %dma_wait3A_222, %dma_wait3A_223] : memref<4x128x64xf32, #tpu.memory_space<vmem>> -> memref<1x128x64xf32, #tpu.memory_space<vmem>>
    %dma_wait3A_225 = tpu.memref_squeeze %dma_wait3A_224 : memref<1x128x64xf32, #tpu.memory_space<vmem>> -> memref<128x64xf32, #tpu.memory_space<vmem>>
    %dma_wait3A_226 = arith.constant 0 : i32
    %dma_wait3A_227 = arith.constant 0 : i32
    %dma_wait3A_228 = tpu.memref_slice %arg4[%dma_wait3A_226, %dma_wait3A_227] : memref<40960x128xf32, #tpu.memory_space<hbm>> -> memref<128x64xf32, #tpu.memory_space<hbm>>
    %dma_wait3A_229 = tpu.memref_slice %arg10[%dma_wait3A_221] : memref<4x!tpu.dma_semaphore, #tpu.memory_space<semaphore_mem>> -> memref<1x!tpu.dma_semaphore, #tpu.memory_space<semaphore_mem>>
    %dma_wait3A_230 = tpu.memref_squeeze %dma_wait3A_229 : memref<1x!tpu.dma_semaphore, #tpu.memory_space<semaphore_mem>> -> memref<!tpu.dma_semaphore, #tpu.memory_space<semaphore_mem>>
    %dma_wait3A_231 = arith.constant 0 : i32
    %dma_wait3A_232 = arith.constant 0 : i32
    %dma_wait3A_233 = tpu.memref_slice %arg4[%dma_wait3A_231, %dma_wait3A_232] : memref<40960x128xf32, #tpu.memory_space<hbm>> -> memref<128x64xf32, #tpu.memory_space<hbm>>
    %dma_wait3A_234 = arith.constant 0 : i32
    %dma_wait3A_235 = arith.constant 0 : i32
    %dma_wait3A_236 = tpu.memref_slice %arg7[%dma_wait3A_220, %dma_wait3A_234, %dma_wait3A_235] : memref<4x128x64xf32, #tpu.memory_space<vmem>> -> memref<1x128x64xf32, #tpu.memory_space<vmem>>
    %dma_wait3A_237 = tpu.memref_squeeze %dma_wait3A_236 : memref<1x128x64xf32, #tpu.memory_space<vmem>> -> memref<128x64xf32, #tpu.memory_space<vmem>>
    tpu.wait_dma2 semaphore(%dma_wait3A_230 : memref<!tpu.dma_semaphore, #tpu.memory_space<semaphore_mem>>) src(%dma_wait3A_237 : memref<128x64xf32, #tpu.memory_space<vmem>>) dst(%dma_wait3A_233 : memref<128x64xf32, #tpu.memory_space<hbm>>)
    %dma_wait3A_238 = arith.constant 1 : i32
    %dma_wait3A_239 = arith.constant 1 : i32
    %dma_wait3A_240 = arith.constant 0 : i32
    %dma_wait3A_241 = arith.constant 0 : i32
    %dma_wait3A_242 = tpu.memref_slice %arg7[%dma_wait3A_238, %dma_wait3A_240, %dma_wait3A_241] : memref<4x128x64xf32, #tpu.memory_space<vmem>> -> memref<1x128x64xf32, #tpu.memory_space<vmem>>
    %dma_wait3A_243 = tpu.memref_squeeze %dma_wait3A_242 : memref<1x128x64xf32, #tpu.memory_space<vmem>> -> memref<128x64xf32, #tpu.memory_space<vmem>>
    %dma_wait3A_244 = arith.constant 0 : i32
    %dma_wait3A_245 = arith.constant 0 : i32
    %dma_wait3A_246 = tpu.memref_slice %arg4[%dma_wait3A_244, %dma_wait3A_245] : memref<40960x128xf32, #tpu.memory_space<hbm>> -> memref<128x64xf32, #tpu.memory_space<hbm>>
    %dma_wait3A_247 = tpu.memref_slice %arg10[%dma_wait3A_239] : memref<4x!tpu.dma_semaphore, #tpu.memory_space<semaphore_mem>> -> memref<1x!tpu.dma_semaphore, #tpu.memory_space<semaphore_mem>>
    %dma_wait3A_248 = tpu.memref_squeeze %dma_wait3A_247 : memref<1x!tpu.dma_semaphore, #tpu.memory_space<semaphore_mem>> -> memref<!tpu.dma_semaphore, #tpu.memory_space<semaphore_mem>>
    %dma_wait3A_249 = arith.constant 0 : i32
    %dma_wait3A_250 = arith.constant 0 : i32
    %dma_wait3A_251 = tpu.memref_slice %arg4[%dma_wait3A_249, %dma_wait3A_250] : memref<40960x128xf32, #tpu.memory_space<hbm>> -> memref<128x64xf32, #tpu.memory_space<hbm>>
    %dma_wait3A_252 = arith.constant 0 : i32
    %dma_wait3A_253 = arith.constant 0 : i32
    %dma_wait3A_254 = tpu.memref_slice %arg7[%dma_wait3A_238, %dma_wait3A_252, %dma_wait3A_253] : memref<4x128x64xf32, #tpu.memory_space<vmem>> -> memref<1x128x64xf32, #tpu.memory_space<vmem>>
    %dma_wait3A_255 = tpu.memref_squeeze %dma_wait3A_254 : memref<1x128x64xf32, #tpu.memory_space<vmem>> -> memref<128x64xf32, #tpu.memory_space<vmem>>
    tpu.wait_dma2 semaphore(%dma_wait3A_248 : memref<!tpu.dma_semaphore, #tpu.memory_space<semaphore_mem>>) src(%dma_wait3A_255 : memref<128x64xf32, #tpu.memory_space<vmem>>) dst(%dma_wait3A_251 : memref<128x64xf32, #tpu.memory_space<hbm>>)
    %dma_wait3A_256 = arith.constant 2 : i32
    %dma_wait3A_257 = arith.constant 2 : i32
    %dma_wait3A_258 = arith.constant 0 : i32
    %dma_wait3A_259 = arith.constant 0 : i32
    %dma_wait3A_260 = tpu.memref_slice %arg7[%dma_wait3A_256, %dma_wait3A_258, %dma_wait3A_259] : memref<4x128x64xf32, #tpu.memory_space<vmem>> -> memref<1x128x64xf32, #tpu.memory_space<vmem>>
    %dma_wait3A_261 = tpu.memref_squeeze %dma_wait3A_260 : memref<1x128x64xf32, #tpu.memory_space<vmem>> -> memref<128x64xf32, #tpu.memory_space<vmem>>
    %dma_wait3A_262 = arith.constant 0 : i32
    %dma_wait3A_263 = arith.constant 0 : i32
    %dma_wait3A_264 = tpu.memref_slice %arg4[%dma_wait3A_262, %dma_wait3A_263] : memref<40960x128xf32, #tpu.memory_space<hbm>> -> memref<128x64xf32, #tpu.memory_space<hbm>>
    %dma_wait3A_265 = tpu.memref_slice %arg10[%dma_wait3A_257] : memref<4x!tpu.dma_semaphore, #tpu.memory_space<semaphore_mem>> -> memref<1x!tpu.dma_semaphore, #tpu.memory_space<semaphore_mem>>
    %dma_wait3A_266 = tpu.memref_squeeze %dma_wait3A_265 : memref<1x!tpu.dma_semaphore, #tpu.memory_space<semaphore_mem>> -> memref<!tpu.dma_semaphore, #tpu.memory_space<semaphore_mem>>
    %dma_wait3A_267 = arith.constant 0 : i32
    %dma_wait3A_268 = arith.constant 0 : i32
    %dma_wait3A_269 = tpu.memref_slice %arg4[%dma_wait3A_267, %dma_wait3A_268] : memref<40960x128xf32, #tpu.memory_space<hbm>> -> memref<128x64xf32, #tpu.memory_space<hbm>>
    %dma_wait3A_270 = arith.constant 0 : i32
    %dma_wait3A_271 = arith.constant 0 : i32
    %dma_wait3A_272 = tpu.memref_slice %arg7[%dma_wait3A_256, %dma_wait3A_270, %dma_wait3A_271] : memref<4x128x64xf32, #tpu.memory_space<vmem>> -> memref<1x128x64xf32, #tpu.memory_space<vmem>>
    %dma_wait3A_273 = tpu.memref_squeeze %dma_wait3A_272 : memref<1x128x64xf32, #tpu.memory_space<vmem>> -> memref<128x64xf32, #tpu.memory_space<vmem>>
    tpu.wait_dma2 semaphore(%dma_wait3A_266 : memref<!tpu.dma_semaphore, #tpu.memory_space<semaphore_mem>>) src(%dma_wait3A_273 : memref<128x64xf32, #tpu.memory_space<vmem>>) dst(%dma_wait3A_269 : memref<128x64xf32, #tpu.memory_space<hbm>>)
    %dma_wait3A_274 = arith.constant 3 : i32
    %dma_wait3A_275 = arith.constant 3 : i32
    %dma_wait3A_276 = arith.constant 0 : i32
    %dma_wait3A_277 = arith.constant 0 : i32
    %dma_wait3A_278 = tpu.memref_slice %arg7[%dma_wait3A_274, %dma_wait3A_276, %dma_wait3A_277] : memref<4x128x64xf32, #tpu.memory_space<vmem>> -> memref<1x128x64xf32, #tpu.memory_space<vmem>>
    %dma_wait3A_279 = tpu.memref_squeeze %dma_wait3A_278 : memref<1x128x64xf32, #tpu.memory_space<vmem>> -> memref<128x64xf32, #tpu.memory_space<vmem>>
    %dma_wait3A_280 = arith.constant 0 : i32
    %dma_wait3A_281 = arith.constant 0 : i32
    %dma_wait3A_282 = tpu.memref_slice %arg4[%dma_wait3A_280, %dma_wait3A_281] : memref<40960x128xf32, #tpu.memory_space<hbm>> -> memref<128x64xf32, #tpu.memory_space<hbm>>
    %dma_wait3A_283 = tpu.memref_slice %arg10[%dma_wait3A_275] : memref<4x!tpu.dma_semaphore, #tpu.memory_space<semaphore_mem>> -> memref<1x!tpu.dma_semaphore, #tpu.memory_space<semaphore_mem>>
    %dma_wait3A_284 = tpu.memref_squeeze %dma_wait3A_283 : memref<1x!tpu.dma_semaphore, #tpu.memory_space<semaphore_mem>> -> memref<!tpu.dma_semaphore, #tpu.memory_space<semaphore_mem>>
    %dma_wait3A_285 = arith.constant 0 : i32
    %dma_wait3A_286 = arith.constant 0 : i32
    %dma_wait3A_287 = tpu.memref_slice %arg4[%dma_wait3A_285, %dma_wait3A_286] : memref<40960x128xf32, #tpu.memory_space<hbm>> -> memref<128x64xf32, #tpu.memory_space<hbm>>
    %dma_wait3A_288 = arith.constant 0 : i32
    %dma_wait3A_289 = arith.constant 0 : i32
    %dma_wait3A_290 = tpu.memref_slice %arg7[%dma_wait3A_274, %dma_wait3A_288, %dma_wait3A_289] : memref<4x128x64xf32, #tpu.memory_space<vmem>> -> memref<1x128x64xf32, #tpu.memory_space<vmem>>
    %dma_wait3A_291 = tpu.memref_squeeze %dma_wait3A_290 : memref<1x128x64xf32, #tpu.memory_space<vmem>> -> memref<128x64xf32, #tpu.memory_space<vmem>>
    tpu.wait_dma2 semaphore(%dma_wait3A_284 : memref<!tpu.dma_semaphore, #tpu.memory_space<semaphore_mem>>) src(%dma_wait3A_291 : memref<128x64xf32, #tpu.memory_space<vmem>>) dst(%dma_wait3A_287 : memref<128x64xf32, #tpu.memory_space<hbm>>)
    return
  }
}

#map = affine_map<(d0, d1) -> (0, 0)>
module attributes {stable_mosaic.version = 14 : i64} {
  func.func @body(%arg0: i32, %arg1: i32, %arg2: memref<10000x64xf32, #tpu.memory_space<hbm>>, %arg3: memref<10240x128xi32, #tpu.memory_space<hbm>>, %arg4: memref<40960x128xf32, #tpu.memory_space<hbm>>, %arg5: memref<80x128xi32, #tpu.memory_space<vmem>>, %arg6: memref<20x128xi32, #tpu.memory_space<vmem>>, %arg7: memref<4x128x64xf32, #tpu.memory_space<vmem>>, %arg8: memref<10000x64xf32, #tpu.memory_space<vmem_shared>>, %arg9: memref<4x!tpu.dma_semaphore, #tpu.memory_space<semaphore_mem>>, %arg10: memref<4x!tpu.dma_semaphore, #tpu.memory_space<semaphore_mem>>) attributes {dimension_semantics = [#tpu.dimension_semantics<core_parallel>, #tpu.dimension_semantics<subcore_parallel>], iteration_bounds = array<i64: 2, 16>, scalar_prefetch = 0 : i64, scratch_operands = 6 : i64, tpu.core_type = #tpu.core_type<sc_vector_subcore>, window_params = [{transform_indices = #map}, {transform_indices = #map}, {transform_indices = #map}]} {
    %mul3A = arith.constant 2 : i32
    %mul3A_0 = arith.muli %arg1, %mul3A : i32
    %add3A = arith.addi %mul3A_0, %arg0 : i32
    %eq3A = arith.constant 0 : i32
    %eq3A_1 = arith.cmpi eq, %arg1, %eq3A : i32
    %convert_element_type3A = arith.extui %eq3A_1 : i1 to i32
    %cond3A = arith.constant 0 : i32
    %cond3A_2 = arith.cmpi ne, %convert_element_type3A, %cond3A : i32
    scf.if %cond3A_2 {
      "tpu.region"() ({
        %run_scoped3A = tpu.sem_alloc : memref<!tpu.dma_semaphore, #tpu.memory_space<semaphore_mem>>
        tpu.enqueue_dma source(%arg2 : memref<10000x64xf32, #tpu.memory_space<hbm>>) target(%arg8 : memref<10000x64xf32, #tpu.memory_space<vmem_shared>>) target_semaphore(%run_scoped3A : memref<!tpu.dma_semaphore, #tpu.memory_space<semaphore_mem>>)
        tpu.wait_dma2 semaphore(%run_scoped3A : memref<!tpu.dma_semaphore, #tpu.memory_space<semaphore_mem>>) src(%arg2 : memref<10000x64xf32, #tpu.memory_space<hbm>>) dst(%arg8 : memref<10000x64xf32, #tpu.memory_space<vmem_shared>>)
        tpu.yield
      }) : () -> ()
    } else {
    }
    %barrier3A = arith.constant 0 : index
    tpu.barrier barrier_id(%barrier3A)
    %scan3A = arith.constant 0 : i32
    %scan3A_3 = arith.constant 0 : i32
    %scan3A_4 = arith.constant 2 : i32
    %scan3A_5 = arith.addi %scan3A_3, %scan3A_4 : i32
    %scan3A_6 = arith.constant 1 : i32
    scf.for %scan3A_292 = %scan3A_3 to %scan3A_5 step %scan3A_6  : i32 {
      %mul3A_293 = arith.constant 160 : i32
      %mul3A_294 = arith.muli %add3A, %mul3A_293 : i32
      %add3A_295 = arith.constant 0 : i32
      %add3A_296 = arith.addi %add3A_295, %mul3A_294 : i32
      %mul3A_297 = arith.constant 80 : i32
      %mul3A_298 = arith.muli %scan3A_292, %mul3A_297 : i32
      %add3A_299 = arith.addi %add3A_296, %mul3A_298 : i32
      "tpu.region"() ({
        %run_scoped3A = tpu.sem_alloc : memref<!tpu.dma_semaphore, #tpu.memory_space<semaphore_mem>>
        %dma_start3A_1418 = arith.constant 0 : i32
        %dma_start3A_1419 = tpu.memref_slice %arg3[%add3A_299, %dma_start3A_1418] : memref<10240x128xi32, #tpu.memory_space<hbm>> -> memref<80x128xi32, #tpu.memory_space<hbm>>
        %dma_start3A_1420 = arith.constant 0 : i32
        %dma_start3A_1421 = tpu.memref_slice %arg3[%add3A_299, %dma_start3A_1420] : memref<10240x128xi32, #tpu.memory_space<hbm>> -> memref<80x128xi32, #tpu.memory_space<hbm>>
        tpu.enqueue_dma source(%dma_start3A_1421 : memref<80x128xi32, #tpu.memory_space<hbm>>) target(%arg5 : memref<80x128xi32, #tpu.memory_space<vmem>>) target_semaphore(%run_scoped3A : memref<!tpu.dma_semaphore, #tpu.memory_space<semaphore_mem>>)
        %dma_wait3A_1422 = arith.constant 0 : i32
        %dma_wait3A_1423 = tpu.memref_slice %arg3[%add3A_299, %dma_wait3A_1422] : memref<10240x128xi32, #tpu.memory_space<hbm>> -> memref<80x128xi32, #tpu.memory_space<hbm>>
        %dma_wait3A_1424 = arith.constant 0 : i32
        %dma_wait3A_1425 = tpu.memref_slice %arg3[%add3A_299, %dma_wait3A_1424] : memref<10240x128xi32, #tpu.memory_space<hbm>> -> memref<80x128xi32, #tpu.memory_space<hbm>>
        tpu.wait_dma2 semaphore(%run_scoped3A : memref<!tpu.dma_semaphore, #tpu.memory_space<semaphore_mem>>) src(%dma_wait3A_1425 : memref<80x128xi32, #tpu.memory_space<hbm>>) dst(%arg5 : memref<80x128xi32, #tpu.memory_space<vmem>>)
        tpu.yield
      }) : () -> ()
      %get3A = arith.constant 0 : i32
      %get3A_300 = arith.index_cast %get3A : i32 to index
      %get3A_301 = arith.constant 0 : index
      %get3A_302 = tpu.vector_load %arg5[%get3A_300, %get3A_301] {strides = array<i32>} : memref<80x128xi32, #tpu.memory_space<vmem>>, vector<1x16xi32>,
      %get3A_303 = vector.shape_cast %get3A_302 : vector<1x16xi32> to vector<16xi32>
      %mul3A_304 = arith.constant 10 : i32
      %mul3A_305 = arith.muli %scan3A_292, %mul3A_304 : i32
      %add3A_306 = arith.constant 0 : i32
      %add3A_307 = arith.addi %mul3A_305, %add3A_306 : i32
      %swap3A = arith.index_cast %add3A_307 : i32 to index
      %swap3A_308 = arith.constant 0 : index
      %swap3A_309 = tpu.vector_load %arg6[%swap3A, %swap3A_308] {strides = array<i32>} : memref<20x128xi32, #tpu.memory_space<vmem>>, vector<1x16xi32>,
      %swap3A_310 = vector.shape_cast %swap3A_309 : vector<1x16xi32> to vector<16xi32>
      %swap3A_311 = vector.shape_cast %get3A_303 : vector<16xi32> to vector<1x16xi32>
      tpu.vector_store %arg6[%swap3A, %swap3A_308], %swap3A_311 {strides = array<i32>} : memref<20x128xi32, #tpu.memory_space<vmem>>, vector<1x16xi32>,
      %get3A_312 = arith.constant 1 : i32
      %get3A_313 = arith.index_cast %get3A_312 : i32 to index
      %get3A_314 = arith.constant 0 : index
      %get3A_315 = tpu.vector_load %arg5[%get3A_313, %get3A_314] {strides = array<i32>} : memref<80x128xi32, #tpu.memory_space<vmem>>, vector<1x16xi32>,
      %get3A_316 = vector.shape_cast %get3A_315 : vector<1x16xi32> to vector<16xi32>
      %mul3A_317 = arith.constant 10 : i32
      %mul3A_318 = arith.muli %scan3A_292, %mul3A_317 : i32
      %add3A_319 = arith.constant 0 : i32
      %add3A_320 = arith.addi %mul3A_318, %add3A_319 : i32
      %swap3A_321 = arith.index_cast %add3A_320 : i32 to index
      %swap3A_322 = arith.constant 16 : index
      %swap3A_323 = tpu.vector_load %arg6[%swap3A_321, %swap3A_322] {strides = array<i32>} : memref<20x128xi32, #tpu.memory_space<vmem>>, vector<1x16xi32>,
      %swap3A_324 = vector.shape_cast %swap3A_323 : vector<1x16xi32> to vector<16xi32>
      %swap3A_325 = vector.shape_cast %get3A_316 : vector<16xi32> to vector<1x16xi32>
      tpu.vector_store %arg6[%swap3A_321, %swap3A_322], %swap3A_325 {strides = array<i32>} : memref<20x128xi32, #tpu.memory_space<vmem>>, vector<1x16xi32>,
      %get3A_326 = arith.constant 2 : i32
      %get3A_327 = arith.index_cast %get3A_326 : i32 to index
      %get3A_328 = arith.constant 0 : index
      %get3A_329 = tpu.vector_load %arg5[%get3A_327, %get3A_328] {strides = array<i32>} : memref<80x128xi32, #tpu.memory_space<vmem>>, vector<1x16xi32>,
      %get3A_330 = vector.shape_cast %get3A_329 : vector<1x16xi32> to vector<16xi32>
      %mul3A_331 = arith.constant 10 : i32
      %mul3A_332 = arith.muli %scan3A_292, %mul3A_331 : i32
      %add3A_333 = arith.constant 0 : i32
      %add3A_334 = arith.addi %mul3A_332, %add3A_333 : i32
      %swap3A_335 = arith.index_cast %add3A_334 : i32 to index
      %swap3A_336 = arith.constant 32 : index
      %swap3A_337 = tpu.vector_load %arg6[%swap3A_335, %swap3A_336] {strides = array<i32>} : memref<20x128xi32, #tpu.memory_space<vmem>>, vector<1x16xi32>,
      %swap3A_338 = vector.shape_cast %swap3A_337 : vector<1x16xi32> to vector<16xi32>
      %swap3A_339 = vector.shape_cast %get3A_330 : vector<16xi32> to vector<1x16xi32>
      tpu.vector_store %arg6[%swap3A_335, %swap3A_336], %swap3A_339 {strides = array<i32>} : memref<20x128xi32, #tpu.memory_space<vmem>>, vector<1x16xi32>,
      %get3A_340 = arith.constant 3 : i32
      %get3A_341 = arith.index_cast %get3A_340 : i32 to index
      %get3A_342 = arith.constant 0 : index
      %get3A_343 = tpu.vector_load %arg5[%get3A_341, %get3A_342] {strides = array<i32>} : memref<80x128xi32, #tpu.memory_space<vmem>>, vector<1x16xi32>,
      %get3A_344 = vector.shape_cast %get3A_343 : vector<1x16xi32> to vector<16xi32>
      %mul3A_345 = arith.constant 10 : i32
      %mul3A_346 = arith.muli %scan3A_292, %mul3A_345 : i32
      %add3A_347 = arith.constant 0 : i32
      %add3A_348 = arith.addi %mul3A_346, %add3A_347 : i32
      %swap3A_349 = arith.index_cast %add3A_348 : i32 to index
      %swap3A_350 = arith.constant 48 : index
      %swap3A_351 = tpu.vector_load %arg6[%swap3A_349, %swap3A_350] {strides = array<i32>} : memref<20x128xi32, #tpu.memory_space<vmem>>, vector<1x16xi32>,
      %swap3A_352 = vector.shape_cast %swap3A_351 : vector<1x16xi32> to vector<16xi32>
      %swap3A_353 = vector.shape_cast %get3A_344 : vector<16xi32> to vector<1x16xi32>
      tpu.vector_store %arg6[%swap3A_349, %swap3A_350], %swap3A_353 {strides = array<i32>} : memref<20x128xi32, #tpu.memory_space<vmem>>, vector<1x16xi32>,
      %get3A_354 = arith.constant 4 : i32
      %get3A_355 = arith.index_cast %get3A_354 : i32 to index
      %get3A_356 = arith.constant 0 : index
      %get3A_357 = tpu.vector_load %arg5[%get3A_355, %get3A_356] {strides = array<i32>} : memref<80x128xi32, #tpu.memory_space<vmem>>, vector<1x16xi32>,
      %get3A_358 = vector.shape_cast %get3A_357 : vector<1x16xi32> to vector<16xi32>
      %mul3A_359 = arith.constant 10 : i32
      %mul3A_360 = arith.muli %scan3A_292, %mul3A_359 : i32
      %add3A_361 = arith.constant 0 : i32
      %add3A_362 = arith.addi %mul3A_360, %add3A_361 : i32
      %swap3A_363 = arith.index_cast %add3A_362 : i32 to index
      %swap3A_364 = arith.constant 64 : index
      %swap3A_365 = tpu.vector_load %arg6[%swap3A_363, %swap3A_364] {strides = array<i32>} : memref<20x128xi32, #tpu.memory_space<vmem>>, vector<1x16xi32>,
      %swap3A_366 = vector.shape_cast %swap3A_365 : vector<1x16xi32> to vector<16xi32>
      %swap3A_367 = vector.shape_cast %get3A_358 : vector<16xi32> to vector<1x16xi32>
      tpu.vector_store %arg6[%swap3A_363, %swap3A_364], %swap3A_367 {strides = array<i32>} : memref<20x128xi32, #tpu.memory_space<vmem>>, vector<1x16xi32>,
      %get3A_368 = arith.constant 5 : i32
      %get3A_369 = arith.index_cast %get3A_368 : i32 to index
      %get3A_370 = arith.constant 0 : index
      %get3A_371 = tpu.vector_load %arg5[%get3A_369, %get3A_370] {strides = array<i32>} : memref<80x128xi32, #tpu.memory_space<vmem>>, vector<1x16xi32>,
      %get3A_372 = vector.shape_cast %get3A_371 : vector<1x16xi32> to vector<16xi32>
      %mul3A_373 = arith.constant 10 : i32
      %mul3A_374 = arith.muli %scan3A_292, %mul3A_373 : i32
      %add3A_375 = arith.constant 0 : i32
      %add3A_376 = arith.addi %mul3A_374, %add3A_375 : i32
      %swap3A_377 = arith.index_cast %add3A_376 : i32 to index
      %swap3A_378 = arith.constant 80 : index
      %swap3A_379 = tpu.vector_load %arg6[%swap3A_377, %swap3A_378] {strides = array<i32>} : memref<20x128xi32, #tpu.memory_space<vmem>>, vector<1x16xi32>,
      %swap3A_380 = vector.shape_cast %swap3A_379 : vector<1x16xi32> to vector<16xi32>
      %swap3A_381 = vector.shape_cast %get3A_372 : vector<16xi32> to vector<1x16xi32>
      tpu.vector_store %arg6[%swap3A_377, %swap3A_378], %swap3A_381 {strides = array<i32>} : memref<20x128xi32, #tpu.memory_space<vmem>>, vector<1x16xi32>,
      %get3A_382 = arith.constant 6 : i32
      %get3A_383 = arith.index_cast %get3A_382 : i32 to index
      %get3A_384 = arith.constant 0 : index
      %get3A_385 = tpu.vector_load %arg5[%get3A_383, %get3A_384] {strides = array<i32>} : memref<80x128xi32, #tpu.memory_space<vmem>>, vector<1x16xi32>,
      %get3A_386 = vector.shape_cast %get3A_385 : vector<1x16xi32> to vector<16xi32>
      %mul3A_387 = arith.constant 10 : i32
      %mul3A_388 = arith.muli %scan3A_292, %mul3A_387 : i32
      %add3A_389 = arith.constant 0 : i32
      %add3A_390 = arith.addi %mul3A_388, %add3A_389 : i32
      %swap3A_391 = arith.index_cast %add3A_390 : i32 to index
      %swap3A_392 = arith.constant 96 : index
      %swap3A_393 = tpu.vector_load %arg6[%swap3A_391, %swap3A_392] {strides = array<i32>} : memref<20x128xi32, #tpu.memory_space<vmem>>, vector<1x16xi32>,
      %swap3A_394 = vector.shape_cast %swap3A_393 : vector<1x16xi32> to vector<16xi32>
      %swap3A_395 = vector.shape_cast %get3A_386 : vector<16xi32> to vector<1x16xi32>
      tpu.vector_store %arg6[%swap3A_391, %swap3A_392], %swap3A_395 {strides = array<i32>} : memref<20x128xi32, #tpu.memory_space<vmem>>, vector<1x16xi32>,
      %get3A_396 = arith.constant 7 : i32
      %get3A_397 = arith.index_cast %get3A_396 : i32 to index
      %get3A_398 = arith.constant 0 : index
      %get3A_399 = tpu.vector_load %arg5[%get3A_397, %get3A_398] {strides = array<i32>} : memref<80x128xi32, #tpu.memory_space<vmem>>, vector<1x16xi32>,
      %get3A_400 = vector.shape_cast %get3A_399 : vector<1x16xi32> to vector<16xi32>
      %mul3A_401 = arith.constant 10 : i32
      %mul3A_402 = arith.muli %scan3A_292, %mul3A_401 : i32
      %add3A_403 = arith.constant 0 : i32
      %add3A_404 = arith.addi %mul3A_402, %add3A_403 : i32
      %swap3A_405 = arith.index_cast %add3A_404 : i32 to index
      %swap3A_406 = arith.constant 112 : index
      %swap3A_407 = tpu.vector_load %arg6[%swap3A_405, %swap3A_406] {strides = array<i32>} : memref<20x128xi32, #tpu.memory_space<vmem>>, vector<1x16xi32>,
      %swap3A_408 = vector.shape_cast %swap3A_407 : vector<1x16xi32> to vector<16xi32>
      %swap3A_409 = vector.shape_cast %get3A_400 : vector<16xi32> to vector<1x16xi32>
      tpu.vector_store %arg6[%swap3A_405, %swap3A_406], %swap3A_409 {strides = array<i32>} : memref<20x128xi32, #tpu.memory_space<vmem>>, vector<1x16xi32>,
      %get3A_410 = arith.constant 8 : i32
      %get3A_411 = arith.index_cast %get3A_410 : i32 to index
      %get3A_412 = arith.constant 0 : index
      %get3A_413 = tpu.vector_load %arg5[%get3A_411, %get3A_412] {strides = array<i32>} : memref<80x128xi32, #tpu.memory_space<vmem>>, vector<1x16xi32>,
      %get3A_414 = vector.shape_cast %get3A_413 : vector<1x16xi32> to vector<16xi32>
      %mul3A_415 = arith.constant 10 : i32
      %mul3A_416 = arith.muli %scan3A_292, %mul3A_415 : i32
      %add3A_417 = arith.constant 1 : i32
      %add3A_418 = arith.addi %mul3A_416, %add3A_417 : i32
      %swap3A_419 = arith.index_cast %add3A_418 : i32 to index
      %swap3A_420 = arith.constant 0 : index
      %swap3A_421 = tpu.vector_load %arg6[%swap3A_419, %swap3A_420] {strides = array<i32>} : memref<20x128xi32, #tpu.memory_space<vmem>>, vector<1x16xi32>,
      %swap3A_422 = vector.shape_cast %swap3A_421 : vector<1x16xi32> to vector<16xi32>
      %swap3A_423 = vector.shape_cast %get3A_414 : vector<16xi32> to vector<1x16xi32>
      tpu.vector_store %arg6[%swap3A_419, %swap3A_420], %swap3A_423 {strides = array<i32>} : memref<20x128xi32, #tpu.memory_space<vmem>>, vector<1x16xi32>,
      %get3A_424 = arith.constant 9 : i32
      %get3A_425 = arith.index_cast %get3A_424 : i32 to index
      %get3A_426 = arith.constant 0 : index
      %get3A_427 = tpu.vector_load %arg5[%get3A_425, %get3A_426] {strides = array<i32>} : memref<80x128xi32, #tpu.memory_space<vmem>>, vector<1x16xi32>,
      %get3A_428 = vector.shape_cast %get3A_427 : vector<1x16xi32> to vector<16xi32>
      %mul3A_429 = arith.constant 10 : i32
      %mul3A_430 = arith.muli %scan3A_292, %mul3A_429 : i32
      %add3A_431 = arith.constant 1 : i32
      %add3A_432 = arith.addi %mul3A_430, %add3A_431 : i32
      %swap3A_433 = arith.index_cast %add3A_432 : i32 to index
      %swap3A_434 = arith.constant 16 : index
      %swap3A_435 = tpu.vector_load %arg6[%swap3A_433, %swap3A_434] {strides = array<i32>} : memref<20x128xi32, #tpu.memory_space<vmem>>, vector<1x16xi32>,
      %swap3A_436 = vector.shape_cast %swap3A_435 : vector<1x16xi32> to vector<16xi32>
      %swap3A_437 = vector.shape_cast %get3A_428 : vector<16xi32> to vector<1x16xi32>
      tpu.vector_store %arg6[%swap3A_433, %swap3A_434], %swap3A_437 {strides = array<i32>} : memref<20x128xi32, #tpu.memory_space<vmem>>, vector<1x16xi32>,
      %get3A_438 = arith.constant 10 : i32
      %get3A_439 = arith.index_cast %get3A_438 : i32 to index
      %get3A_440 = arith.constant 0 : index
      %get3A_441 = tpu.vector_load %arg5[%get3A_439, %get3A_440] {strides = array<i32>} : memref<80x128xi32, #tpu.memory_space<vmem>>, vector<1x16xi32>,
      %get3A_442 = vector.shape_cast %get3A_441 : vector<1x16xi32> to vector<16xi32>
      %mul3A_443 = arith.constant 10 : i32
      %mul3A_444 = arith.muli %scan3A_292, %mul3A_443 : i32
      %add3A_445 = arith.constant 1 : i32
      %add3A_446 = arith.addi %mul3A_444, %add3A_445 : i32
      %swap3A_447 = arith.index_cast %add3A_446 : i32 to index
      %swap3A_448 = arith.constant 32 : index
      %swap3A_449 = tpu.vector_load %arg6[%swap3A_447, %swap3A_448] {strides = array<i32>} : memref<20x128xi32, #tpu.memory_space<vmem>>, vector<1x16xi32>,
      %swap3A_450 = vector.shape_cast %swap3A_449 : vector<1x16xi32> to vector<16xi32>
      %swap3A_451 = vector.shape_cast %get3A_442 : vector<16xi32> to vector<1x16xi32>
      tpu.vector_store %arg6[%swap3A_447, %swap3A_448], %swap3A_451 {strides = array<i32>} : memref<20x128xi32, #tpu.memory_space<vmem>>, vector<1x16xi32>,
      %get3A_452 = arith.constant 11 : i32
      %get3A_453 = arith.index_cast %get3A_452 : i32 to index
      %get3A_454 = arith.constant 0 : index
      %get3A_455 = tpu.vector_load %arg5[%get3A_453, %get3A_454] {strides = array<i32>} : memref<80x128xi32, #tpu.memory_space<vmem>>, vector<1x16xi32>,
      %get3A_456 = vector.shape_cast %get3A_455 : vector<1x16xi32> to vector<16xi32>
      %mul3A_457 = arith.constant 10 : i32
      %mul3A_458 = arith.muli %scan3A_292, %mul3A_457 : i32
      %add3A_459 = arith.constant 1 : i32
      %add3A_460 = arith.addi %mul3A_458, %add3A_459 : i32
      %swap3A_461 = arith.index_cast %add3A_460 : i32 to index
      %swap3A_462 = arith.constant 48 : index
      %swap3A_463 = tpu.vector_load %arg6[%swap3A_461, %swap3A_462] {strides = array<i32>} : memref<20x128xi32, #tpu.memory_space<vmem>>, vector<1x16xi32>,
      %swap3A_464 = vector.shape_cast %swap3A_463 : vector<1x16xi32> to vector<16xi32>
      %swap3A_465 = vector.shape_cast %get3A_456 : vector<16xi32> to vector<1x16xi32>
      tpu.vector_store %arg6[%swap3A_461, %swap3A_462], %swap3A_465 {strides = array<i32>} : memref<20x128xi32, #tpu.memory_space<vmem>>, vector<1x16xi32>,
      %get3A_466 = arith.constant 12 : i32
      %get3A_467 = arith.index_cast %get3A_466 : i32 to index
      %get3A_468 = arith.constant 0 : index
      %get3A_469 = tpu.vector_load %arg5[%get3A_467, %get3A_468] {strides = array<i32>} : memref<80x128xi32, #tpu.memory_space<vmem>>, vector<1x16xi32>,
      %get3A_470 = vector.shape_cast %get3A_469 : vector<1x16xi32> to vector<16xi32>
      %mul3A_471 = arith.constant 10 : i32
      %mul3A_472 = arith.muli %scan3A_292, %mul3A_471 : i32
      %add3A_473 = arith.constant 1 : i32
      %add3A_474 = arith.addi %mul3A_472, %add3A_473 : i32
      %swap3A_475 = arith.index_cast %add3A_474 : i32 to index
      %swap3A_476 = arith.constant 64 : index
      %swap3A_477 = tpu.vector_load %arg6[%swap3A_475, %swap3A_476] {strides = array<i32>} : memref<20x128xi32, #tpu.memory_space<vmem>>, vector<1x16xi32>,
      %swap3A_478 = vector.shape_cast %swap3A_477 : vector<1x16xi32> to vector<16xi32>
      %swap3A_479 = vector.shape_cast %get3A_470 : vector<16xi32> to vector<1x16xi32>
      tpu.vector_store %arg6[%swap3A_475, %swap3A_476], %swap3A_479 {strides = array<i32>} : memref<20x128xi32, #tpu.memory_space<vmem>>, vector<1x16xi32>,
      %get3A_480 = arith.constant 13 : i32
      %get3A_481 = arith.index_cast %get3A_480 : i32 to index
      %get3A_482 = arith.constant 0 : index
      %get3A_483 = tpu.vector_load %arg5[%get3A_481, %get3A_482] {strides = array<i32>} : memref<80x128xi32, #tpu.memory_space<vmem>>, vector<1x16xi32>,
      %get3A_484 = vector.shape_cast %get3A_483 : vector<1x16xi32> to vector<16xi32>
      %mul3A_485 = arith.constant 10 : i32
      %mul3A_486 = arith.muli %scan3A_292, %mul3A_485 : i32
      %add3A_487 = arith.constant 1 : i32
      %add3A_488 = arith.addi %mul3A_486, %add3A_487 : i32
      %swap3A_489 = arith.index_cast %add3A_488 : i32 to index
      %swap3A_490 = arith.constant 80 : index
      %swap3A_491 = tpu.vector_load %arg6[%swap3A_489, %swap3A_490] {strides = array<i32>} : memref<20x128xi32, #tpu.memory_space<vmem>>, vector<1x16xi32>,
      %swap3A_492 = vector.shape_cast %swap3A_491 : vector<1x16xi32> to vector<16xi32>
      %swap3A_493 = vector.shape_cast %get3A_484 : vector<16xi32> to vector<1x16xi32>
      tpu.vector_store %arg6[%swap3A_489, %swap3A_490], %swap3A_493 {strides = array<i32>} : memref<20x128xi32, #tpu.memory_space<vmem>>, vector<1x16xi32>,
      %get3A_494 = arith.constant 14 : i32
      %get3A_495 = arith.index_cast %get3A_494 : i32 to index
      %get3A_496 = arith.constant 0 : index
      %get3A_497 = tpu.vector_load %arg5[%get3A_495, %get3A_496] {strides = array<i32>} : memref<80x128xi32, #tpu.memory_space<vmem>>, vector<1x16xi32>,
      %get3A_498 = vector.shape_cast %get3A_497 : vector<1x16xi32> to vector<16xi32>
      %mul3A_499 = arith.constant 10 : i32
      %mul3A_500 = arith.muli %scan3A_292, %mul3A_499 : i32
      %add3A_501 = arith.constant 1 : i32
      %add3A_502 = arith.addi %mul3A_500, %add3A_501 : i32
      %swap3A_503 = arith.index_cast %add3A_502 : i32 to index
      %swap3A_504 = arith.constant 96 : index
      %swap3A_505 = tpu.vector_load %arg6[%swap3A_503, %swap3A_504] {strides = array<i32>} : memref<20x128xi32, #tpu.memory_space<vmem>>, vector<1x16xi32>,
      %swap3A_506 = vector.shape_cast %swap3A_505 : vector<1x16xi32> to vector<16xi32>
      %swap3A_507 = vector.shape_cast %get3A_498 : vector<16xi32> to vector<1x16xi32>
      tpu.vector_store %arg6[%swap3A_503, %swap3A_504], %swap3A_507 {strides = array<i32>} : memref<20x128xi32, #tpu.memory_space<vmem>>, vector<1x16xi32>,
      %get3A_508 = arith.constant 15 : i32
      %get3A_509 = arith.index_cast %get3A_508 : i32 to index
      %get3A_510 = arith.constant 0 : index
      %get3A_511 = tpu.vector_load %arg5[%get3A_509, %get3A_510] {strides = array<i32>} : memref<80x128xi32, #tpu.memory_space<vmem>>, vector<1x16xi32>,
      %get3A_512 = vector.shape_cast %get3A_511 : vector<1x16xi32> to vector<16xi32>
      %mul3A_513 = arith.constant 10 : i32
      %mul3A_514 = arith.muli %scan3A_292, %mul3A_513 : i32
      %add3A_515 = arith.constant 1 : i32
      %add3A_516 = arith.addi %mul3A_514, %add3A_515 : i32
      %swap3A_517 = arith.index_cast %add3A_516 : i32 to index
      %swap3A_518 = arith.constant 112 : index
      %swap3A_519 = tpu.vector_load %arg6[%swap3A_517, %swap3A_518] {strides = array<i32>} : memref<20x128xi32, #tpu.memory_space<vmem>>, vector<1x16xi32>,
      %swap3A_520 = vector.shape_cast %swap3A_519 : vector<1x16xi32> to vector<16xi32>
      %swap3A_521 = vector.shape_cast %get3A_512 : vector<16xi32> to vector<1x16xi32>
      tpu.vector_store %arg6[%swap3A_517, %swap3A_518], %swap3A_521 {strides = array<i32>} : memref<20x128xi32, #tpu.memory_space<vmem>>, vector<1x16xi32>,
      %get3A_522 = arith.constant 16 : i32
      %get3A_523 = arith.index_cast %get3A_522 : i32 to index
      %get3A_524 = arith.constant 0 : index
      %get3A_525 = tpu.vector_load %arg5[%get3A_523, %get3A_524] {strides = array<i32>} : memref<80x128xi32, #tpu.memory_space<vmem>>, vector<1x16xi32>,
      %get3A_526 = vector.shape_cast %get3A_525 : vector<1x16xi32> to vector<16xi32>
      %mul3A_527 = arith.constant 10 : i32
      %mul3A_528 = arith.muli %scan3A_292, %mul3A_527 : i32
      %add3A_529 = arith.constant 2 : i32
      %add3A_530 = arith.addi %mul3A_528, %add3A_529 : i32
      %swap3A_531 = arith.index_cast %add3A_530 : i32 to index
      %swap3A_532 = arith.constant 0 : index
      %swap3A_533 = tpu.vector_load %arg6[%swap3A_531, %swap3A_532] {strides = array<i32>} : memref<20x128xi32, #tpu.memory_space<vmem>>, vector<1x16xi32>,
      %swap3A_534 = vector.shape_cast %swap3A_533 : vector<1x16xi32> to vector<16xi32>
      %swap3A_535 = vector.shape_cast %get3A_526 : vector<16xi32> to vector<1x16xi32>
      tpu.vector_store %arg6[%swap3A_531, %swap3A_532], %swap3A_535 {strides = array<i32>} : memref<20x128xi32, #tpu.memory_space<vmem>>, vector<1x16xi32>,
      %get3A_536 = arith.constant 17 : i32
      %get3A_537 = arith.index_cast %get3A_536 : i32 to index
      %get3A_538 = arith.constant 0 : index
      %get3A_539 = tpu.vector_load %arg5[%get3A_537, %get3A_538] {strides = array<i32>} : memref<80x128xi32, #tpu.memory_space<vmem>>, vector<1x16xi32>,
      %get3A_540 = vector.shape_cast %get3A_539 : vector<1x16xi32> to vector<16xi32>
      %mul3A_541 = arith.constant 10 : i32
      %mul3A_542 = arith.muli %scan3A_292, %mul3A_541 : i32
      %add3A_543 = arith.constant 2 : i32
      %add3A_544 = arith.addi %mul3A_542, %add3A_543 : i32
      %swap3A_545 = arith.index_cast %add3A_544 : i32 to index
      %swap3A_546 = arith.constant 16 : index
      %swap3A_547 = tpu.vector_load %arg6[%swap3A_545, %swap3A_546] {strides = array<i32>} : memref<20x128xi32, #tpu.memory_space<vmem>>, vector<1x16xi32>,
      %swap3A_548 = vector.shape_cast %swap3A_547 : vector<1x16xi32> to vector<16xi32>
      %swap3A_549 = vector.shape_cast %get3A_540 : vector<16xi32> to vector<1x16xi32>
      tpu.vector_store %arg6[%swap3A_545, %swap3A_546], %swap3A_549 {strides = array<i32>} : memref<20x128xi32, #tpu.memory_space<vmem>>, vector<1x16xi32>,
      %get3A_550 = arith.constant 18 : i32
      %get3A_551 = arith.index_cast %get3A_550 : i32 to index
      %get3A_552 = arith.constant 0 : index
      %get3A_553 = tpu.vector_load %arg5[%get3A_551, %get3A_552] {strides = array<i32>} : memref<80x128xi32, #tpu.memory_space<vmem>>, vector<1x16xi32>,
      %get3A_554 = vector.shape_cast %get3A_553 : vector<1x16xi32> to vector<16xi32>
      %mul3A_555 = arith.constant 10 : i32
      %mul3A_556 = arith.muli %scan3A_292, %mul3A_555 : i32
      %add3A_557 = arith.constant 2 : i32
      %add3A_558 = arith.addi %mul3A_556, %add3A_557 : i32
      %swap3A_559 = arith.index_cast %add3A_558 : i32 to index
      %swap3A_560 = arith.constant 32 : index
      %swap3A_561 = tpu.vector_load %arg6[%swap3A_559, %swap3A_560] {strides = array<i32>} : memref<20x128xi32, #tpu.memory_space<vmem>>, vector<1x16xi32>,
      %swap3A_562 = vector.shape_cast %swap3A_561 : vector<1x16xi32> to vector<16xi32>
      %swap3A_563 = vector.shape_cast %get3A_554 : vector<16xi32> to vector<1x16xi32>
      tpu.vector_store %arg6[%swap3A_559, %swap3A_560], %swap3A_563 {strides = array<i32>} : memref<20x128xi32, #tpu.memory_space<vmem>>, vector<1x16xi32>,
      %get3A_564 = arith.constant 19 : i32
      %get3A_565 = arith.index_cast %get3A_564 : i32 to index
      %get3A_566 = arith.constant 0 : index
      %get3A_567 = tpu.vector_load %arg5[%get3A_565, %get3A_566] {strides = array<i32>} : memref<80x128xi32, #tpu.memory_space<vmem>>, vector<1x16xi32>,
      %get3A_568 = vector.shape_cast %get3A_567 : vector<1x16xi32> to vector<16xi32>
      %mul3A_569 = arith.constant 10 : i32
      %mul3A_570 = arith.muli %scan3A_292, %mul3A_569 : i32
      %add3A_571 = arith.constant 2 : i32
      %add3A_572 = arith.addi %mul3A_570, %add3A_571 : i32
      %swap3A_573 = arith.index_cast %add3A_572 : i32 to index
      %swap3A_574 = arith.constant 48 : index
      %swap3A_575 = tpu.vector_load %arg6[%swap3A_573, %swap3A_574] {strides = array<i32>} : memref<20x128xi32, #tpu.memory_space<vmem>>, vector<1x16xi32>,
      %swap3A_576 = vector.shape_cast %swap3A_575 : vector<1x16xi32> to vector<16xi32>
      %swap3A_577 = vector.shape_cast %get3A_568 : vector<16xi32> to vector<1x16xi32>
      tpu.vector_store %arg6[%swap3A_573, %swap3A_574], %swap3A_577 {strides = array<i32>} : memref<20x128xi32, #tpu.memory_space<vmem>>, vector<1x16xi32>,
      %get3A_578 = arith.constant 20 : i32
      %get3A_579 = arith.index_cast %get3A_578 : i32 to index
      %get3A_580 = arith.constant 0 : index
      %get3A_581 = tpu.vector_load %arg5[%get3A_579, %get3A_580] {strides = array<i32>} : memref<80x128xi32, #tpu.memory_space<vmem>>, vector<1x16xi32>,
      %get3A_582 = vector.shape_cast %get3A_581 : vector<1x16xi32> to vector<16xi32>
      %mul3A_583 = arith.constant 10 : i32
      %mul3A_584 = arith.muli %scan3A_292, %mul3A_583 : i32
      %add3A_585 = arith.constant 2 : i32
      %add3A_586 = arith.addi %mul3A_584, %add3A_585 : i32
      %swap3A_587 = arith.index_cast %add3A_586 : i32 to index
      %swap3A_588 = arith.constant 64 : index
      %swap3A_589 = tpu.vector_load %arg6[%swap3A_587, %swap3A_588] {strides = array<i32>} : memref<20x128xi32, #tpu.memory_space<vmem>>, vector<1x16xi32>,
      %swap3A_590 = vector.shape_cast %swap3A_589 : vector<1x16xi32> to vector<16xi32>
      %swap3A_591 = vector.shape_cast %get3A_582 : vector<16xi32> to vector<1x16xi32>
      tpu.vector_store %arg6[%swap3A_587, %swap3A_588], %swap3A_591 {strides = array<i32>} : memref<20x128xi32, #tpu.memory_space<vmem>>, vector<1x16xi32>,
      %get3A_592 = arith.constant 21 : i32
      %get3A_593 = arith.index_cast %get3A_592 : i32 to index
      %get3A_594 = arith.constant 0 : index
      %get3A_595 = tpu.vector_load %arg5[%get3A_593, %get3A_594] {strides = array<i32>} : memref<80x128xi32, #tpu.memory_space<vmem>>, vector<1x16xi32>,
      %get3A_596 = vector.shape_cast %get3A_595 : vector<1x16xi32> to vector<16xi32>
      %mul3A_597 = arith.constant 10 : i32
      %mul3A_598 = arith.muli %scan3A_292, %mul3A_597 : i32
      %add3A_599 = arith.constant 2 : i32
      %add3A_600 = arith.addi %mul3A_598, %add3A_599 : i32
      %swap3A_601 = arith.index_cast %add3A_600 : i32 to index
      %swap3A_602 = arith.constant 80 : index
      %swap3A_603 = tpu.vector_load %arg6[%swap3A_601, %swap3A_602] {strides = array<i32>} : memref<20x128xi32, #tpu.memory_space<vmem>>, vector<1x16xi32>,
      %swap3A_604 = vector.shape_cast %swap3A_603 : vector<1x16xi32> to vector<16xi32>
      %swap3A_605 = vector.shape_cast %get3A_596 : vector<16xi32> to vector<1x16xi32>
      tpu.vector_store %arg6[%swap3A_601, %swap3A_602], %swap3A_605 {strides = array<i32>} : memref<20x128xi32, #tpu.memory_space<vmem>>, vector<1x16xi32>,
      %get3A_606 = arith.constant 22 : i32
      %get3A_607 = arith.index_cast %get3A_606 : i32 to index
      %get3A_608 = arith.constant 0 : index
      %get3A_609 = tpu.vector_load %arg5[%get3A_607, %get3A_608] {strides = array<i32>} : memref<80x128xi32, #tpu.memory_space<vmem>>, vector<1x16xi32>,
      %get3A_610 = vector.shape_cast %get3A_609 : vector<1x16xi32> to vector<16xi32>
      %mul3A_611 = arith.constant 10 : i32
      %mul3A_612 = arith.muli %scan3A_292, %mul3A_611 : i32
      %add3A_613 = arith.constant 2 : i32
      %add3A_614 = arith.addi %mul3A_612, %add3A_613 : i32
      %swap3A_615 = arith.index_cast %add3A_614 : i32 to index
      %swap3A_616 = arith.constant 96 : index
      %swap3A_617 = tpu.vector_load %arg6[%swap3A_615, %swap3A_616] {strides = array<i32>} : memref<20x128xi32, #tpu.memory_space<vmem>>, vector<1x16xi32>,
      %swap3A_618 = vector.shape_cast %swap3A_617 : vector<1x16xi32> to vector<16xi32>
      %swap3A_619 = vector.shape_cast %get3A_610 : vector<16xi32> to vector<1x16xi32>
      tpu.vector_store %arg6[%swap3A_615, %swap3A_616], %swap3A_619 {strides = array<i32>} : memref<20x128xi32, #tpu.memory_space<vmem>>, vector<1x16xi32>,
      %get3A_620 = arith.constant 23 : i32
      %get3A_621 = arith.index_cast %get3A_620 : i32 to index
      %get3A_622 = arith.constant 0 : index
      %get3A_623 = tpu.vector_load %arg5[%get3A_621, %get3A_622] {strides = array<i32>} : memref<80x128xi32, #tpu.memory_space<vmem>>, vector<1x16xi32>,
      %get3A_624 = vector.shape_cast %get3A_623 : vector<1x16xi32> to vector<16xi32>
      %mul3A_625 = arith.constant 10 : i32
      %mul3A_626 = arith.muli %scan3A_292, %mul3A_625 : i32
      %add3A_627 = arith.constant 2 : i32
      %add3A_628 = arith.addi %mul3A_626, %add3A_627 : i32
      %swap3A_629 = arith.index_cast %add3A_628 : i32 to index
      %swap3A_630 = arith.constant 112 : index
      %swap3A_631 = tpu.vector_load %arg6[%swap3A_629, %swap3A_630] {strides = array<i32>} : memref<20x128xi32, #tpu.memory_space<vmem>>, vector<1x16xi32>,
      %swap3A_632 = vector.shape_cast %swap3A_631 : vector<1x16xi32> to vector<16xi32>
      %swap3A_633 = vector.shape_cast %get3A_624 : vector<16xi32> to vector<1x16xi32>
      tpu.vector_store %arg6[%swap3A_629, %swap3A_630], %swap3A_633 {strides = array<i32>} : memref<20x128xi32, #tpu.memory_space<vmem>>, vector<1x16xi32>,
      %get3A_634 = arith.constant 24 : i32
      %get3A_635 = arith.index_cast %get3A_634 : i32 to index
      %get3A_636 = arith.constant 0 : index
      %get3A_637 = tpu.vector_load %arg5[%get3A_635, %get3A_636] {strides = array<i32>} : memref<80x128xi32, #tpu.memory_space<vmem>>, vector<1x16xi32>,
      %get3A_638 = vector.shape_cast %get3A_637 : vector<1x16xi32> to vector<16xi32>
      %mul3A_639 = arith.constant 10 : i32
      %mul3A_640 = arith.muli %scan3A_292, %mul3A_639 : i32
      %add3A_641 = arith.constant 3 : i32
      %add3A_642 = arith.addi %mul3A_640, %add3A_641 : i32
      %swap3A_643 = arith.index_cast %add3A_642 : i32 to index
      %swap3A_644 = arith.constant 0 : index
      %swap3A_645 = tpu.vector_load %arg6[%swap3A_643, %swap3A_644] {strides = array<i32>} : memref<20x128xi32, #tpu.memory_space<vmem>>, vector<1x16xi32>,
      %swap3A_646 = vector.shape_cast %swap3A_645 : vector<1x16xi32> to vector<16xi32>
      %swap3A_647 = vector.shape_cast %get3A_638 : vector<16xi32> to vector<1x16xi32>
      tpu.vector_store %arg6[%swap3A_643, %swap3A_644], %swap3A_647 {strides = array<i32>} : memref<20x128xi32, #tpu.memory_space<vmem>>, vector<1x16xi32>,
      %get3A_648 = arith.constant 25 : i32
      %get3A_649 = arith.index_cast %get3A_648 : i32 to index
      %get3A_650 = arith.constant 0 : index
      %get3A_651 = tpu.vector_load %arg5[%get3A_649, %get3A_650] {strides = array<i32>} : memref<80x128xi32, #tpu.memory_space<vmem>>, vector<1x16xi32>,
      %get3A_652 = vector.shape_cast %get3A_651 : vector<1x16xi32> to vector<16xi32>
      %mul3A_653 = arith.constant 10 : i32
      %mul3A_654 = arith.muli %scan3A_292, %mul3A_653 : i32
      %add3A_655 = arith.constant 3 : i32
      %add3A_656 = arith.addi %mul3A_654, %add3A_655 : i32
      %swap3A_657 = arith.index_cast %add3A_656 : i32 to index
      %swap3A_658 = arith.constant 16 : index
      %swap3A_659 = tpu.vector_load %arg6[%swap3A_657, %swap3A_658] {strides = array<i32>} : memref<20x128xi32, #tpu.memory_space<vmem>>, vector<1x16xi32>,
      %swap3A_660 = vector.shape_cast %swap3A_659 : vector<1x16xi32> to vector<16xi32>
      %swap3A_661 = vector.shape_cast %get3A_652 : vector<16xi32> to vector<1x16xi32>
      tpu.vector_store %arg6[%swap3A_657, %swap3A_658], %swap3A_661 {strides = array<i32>} : memref<20x128xi32, #tpu.memory_space<vmem>>, vector<1x16xi32>,
      %get3A_662 = arith.constant 26 : i32
      %get3A_663 = arith.index_cast %get3A_662 : i32 to index
      %get3A_664 = arith.constant 0 : index
      %get3A_665 = tpu.vector_load %arg5[%get3A_663, %get3A_664] {strides = array<i32>} : memref<80x128xi32, #tpu.memory_space<vmem>>, vector<1x16xi32>,
      %get3A_666 = vector.shape_cast %get3A_665 : vector<1x16xi32> to vector<16xi32>
      %mul3A_667 = arith.constant 10 : i32
      %mul3A_668 = arith.muli %scan3A_292, %mul3A_667 : i32
      %add3A_669 = arith.constant 3 : i32
      %add3A_670 = arith.addi %mul3A_668, %add3A_669 : i32
      %swap3A_671 = arith.index_cast %add3A_670 : i32 to index
      %swap3A_672 = arith.constant 32 : index
      %swap3A_673 = tpu.vector_load %arg6[%swap3A_671, %swap3A_672] {strides = array<i32>} : memref<20x128xi32, #tpu.memory_space<vmem>>, vector<1x16xi32>,
      %swap3A_674 = vector.shape_cast %swap3A_673 : vector<1x16xi32> to vector<16xi32>
      %swap3A_675 = vector.shape_cast %get3A_666 : vector<16xi32> to vector<1x16xi32>
      tpu.vector_store %arg6[%swap3A_671, %swap3A_672], %swap3A_675 {strides = array<i32>} : memref<20x128xi32, #tpu.memory_space<vmem>>, vector<1x16xi32>,
      %get3A_676 = arith.constant 27 : i32
      %get3A_677 = arith.index_cast %get3A_676 : i32 to index
      %get3A_678 = arith.constant 0 : index
      %get3A_679 = tpu.vector_load %arg5[%get3A_677, %get3A_678] {strides = array<i32>} : memref<80x128xi32, #tpu.memory_space<vmem>>, vector<1x16xi32>,
      %get3A_680 = vector.shape_cast %get3A_679 : vector<1x16xi32> to vector<16xi32>
      %mul3A_681 = arith.constant 10 : i32
      %mul3A_682 = arith.muli %scan3A_292, %mul3A_681 : i32
      %add3A_683 = arith.constant 3 : i32
      %add3A_684 = arith.addi %mul3A_682, %add3A_683 : i32
      %swap3A_685 = arith.index_cast %add3A_684 : i32 to index
      %swap3A_686 = arith.constant 48 : index
      %swap3A_687 = tpu.vector_load %arg6[%swap3A_685, %swap3A_686] {strides = array<i32>} : memref<20x128xi32, #tpu.memory_space<vmem>>, vector<1x16xi32>,
      %swap3A_688 = vector.shape_cast %swap3A_687 : vector<1x16xi32> to vector<16xi32>
      %swap3A_689 = vector.shape_cast %get3A_680 : vector<16xi32> to vector<1x16xi32>
      tpu.vector_store %arg6[%swap3A_685, %swap3A_686], %swap3A_689 {strides = array<i32>} : memref<20x128xi32, #tpu.memory_space<vmem>>, vector<1x16xi32>,
      %get3A_690 = arith.constant 28 : i32
      %get3A_691 = arith.index_cast %get3A_690 : i32 to index
      %get3A_692 = arith.constant 0 : index
      %get3A_693 = tpu.vector_load %arg5[%get3A_691, %get3A_692] {strides = array<i32>} : memref<80x128xi32, #tpu.memory_space<vmem>>, vector<1x16xi32>,
      %get3A_694 = vector.shape_cast %get3A_693 : vector<1x16xi32> to vector<16xi32>
      %mul3A_695 = arith.constant 10 : i32
      %mul3A_696 = arith.muli %scan3A_292, %mul3A_695 : i32
      %add3A_697 = arith.constant 3 : i32
      %add3A_698 = arith.addi %mul3A_696, %add3A_697 : i32
      %swap3A_699 = arith.index_cast %add3A_698 : i32 to index
      %swap3A_700 = arith.constant 64 : index
      %swap3A_701 = tpu.vector_load %arg6[%swap3A_699, %swap3A_700] {strides = array<i32>} : memref<20x128xi32, #tpu.memory_space<vmem>>, vector<1x16xi32>,
      %swap3A_702 = vector.shape_cast %swap3A_701 : vector<1x16xi32> to vector<16xi32>
      %swap3A_703 = vector.shape_cast %get3A_694 : vector<16xi32> to vector<1x16xi32>
      tpu.vector_store %arg6[%swap3A_699, %swap3A_700], %swap3A_703 {strides = array<i32>} : memref<20x128xi32, #tpu.memory_space<vmem>>, vector<1x16xi32>,
      %get3A_704 = arith.constant 29 : i32
      %get3A_705 = arith.index_cast %get3A_704 : i32 to index
      %get3A_706 = arith.constant 0 : index
      %get3A_707 = tpu.vector_load %arg5[%get3A_705, %get3A_706] {strides = array<i32>} : memref<80x128xi32, #tpu.memory_space<vmem>>, vector<1x16xi32>,
      %get3A_708 = vector.shape_cast %get3A_707 : vector<1x16xi32> to vector<16xi32>
      %mul3A_709 = arith.constant 10 : i32
      %mul3A_710 = arith.muli %scan3A_292, %mul3A_709 : i32
      %add3A_711 = arith.constant 3 : i32
      %add3A_712 = arith.addi %mul3A_710, %add3A_711 : i32
      %swap3A_713 = arith.index_cast %add3A_712 : i32 to index
      %swap3A_714 = arith.constant 80 : index
      %swap3A_715 = tpu.vector_load %arg6[%swap3A_713, %swap3A_714] {strides = array<i32>} : memref<20x128xi32, #tpu.memory_space<vmem>>, vector<1x16xi32>,
      %swap3A_716 = vector.shape_cast %swap3A_715 : vector<1x16xi32> to vector<16xi32>
      %swap3A_717 = vector.shape_cast %get3A_708 : vector<16xi32> to vector<1x16xi32>
      tpu.vector_store %arg6[%swap3A_713, %swap3A_714], %swap3A_717 {strides = array<i32>} : memref<20x128xi32, #tpu.memory_space<vmem>>, vector<1x16xi32>,
      %get3A_718 = arith.constant 30 : i32
      %get3A_719 = arith.index_cast %get3A_718 : i32 to index
      %get3A_720 = arith.constant 0 : index
      %get3A_721 = tpu.vector_load %arg5[%get3A_719, %get3A_720] {strides = array<i32>} : memref<80x128xi32, #tpu.memory_space<vmem>>, vector<1x16xi32>,
      %get3A_722 = vector.shape_cast %get3A_721 : vector<1x16xi32> to vector<16xi32>
      %mul3A_723 = arith.constant 10 : i32
      %mul3A_724 = arith.muli %scan3A_292, %mul3A_723 : i32
      %add3A_725 = arith.constant 3 : i32
      %add3A_726 = arith.addi %mul3A_724, %add3A_725 : i32
      %swap3A_727 = arith.index_cast %add3A_726 : i32 to index
      %swap3A_728 = arith.constant 96 : index
      %swap3A_729 = tpu.vector_load %arg6[%swap3A_727, %swap3A_728] {strides = array<i32>} : memref<20x128xi32, #tpu.memory_space<vmem>>, vector<1x16xi32>,
      %swap3A_730 = vector.shape_cast %swap3A_729 : vector<1x16xi32> to vector<16xi32>
      %swap3A_731 = vector.shape_cast %get3A_722 : vector<16xi32> to vector<1x16xi32>
      tpu.vector_store %arg6[%swap3A_727, %swap3A_728], %swap3A_731 {strides = array<i32>} : memref<20x128xi32, #tpu.memory_space<vmem>>, vector<1x16xi32>,
      %get3A_732 = arith.constant 31 : i32
      %get3A_733 = arith.index_cast %get3A_732 : i32 to index
      %get3A_734 = arith.constant 0 : index
      %get3A_735 = tpu.vector_load %arg5[%get3A_733, %get3A_734] {strides = array<i32>} : memref<80x128xi32, #tpu.memory_space<vmem>>, vector<1x16xi32>,
      %get3A_736 = vector.shape_cast %get3A_735 : vector<1x16xi32> to vector<16xi32>
      %mul3A_737 = arith.constant 10 : i32
      %mul3A_738 = arith.muli %scan3A_292, %mul3A_737 : i32
      %add3A_739 = arith.constant 3 : i32
      %add3A_740 = arith.addi %mul3A_738, %add3A_739 : i32
      %swap3A_741 = arith.index_cast %add3A_740 : i32 to index
      %swap3A_742 = arith.constant 112 : index
      %swap3A_743 = tpu.vector_load %arg6[%swap3A_741, %swap3A_742] {strides = array<i32>} : memref<20x128xi32, #tpu.memory_space<vmem>>, vector<1x16xi32>,
      %swap3A_744 = vector.shape_cast %swap3A_743 : vector<1x16xi32> to vector<16xi32>
      %swap3A_745 = vector.shape_cast %get3A_736 : vector<16xi32> to vector<1x16xi32>
      tpu.vector_store %arg6[%swap3A_741, %swap3A_742], %swap3A_745 {strides = array<i32>} : memref<20x128xi32, #tpu.memory_space<vmem>>, vector<1x16xi32>,
      %get3A_746 = arith.constant 32 : i32
      %get3A_747 = arith.index_cast %get3A_746 : i32 to index
      %get3A_748 = arith.constant 0 : index
      %get3A_749 = tpu.vector_load %arg5[%get3A_747, %get3A_748] {strides = array<i32>} : memref<80x128xi32, #tpu.memory_space<vmem>>, vector<1x16xi32>,
      %get3A_750 = vector.shape_cast %get3A_749 : vector<1x16xi32> to vector<16xi32>
      %mul3A_751 = arith.constant 10 : i32
      %mul3A_752 = arith.muli %scan3A_292, %mul3A_751 : i32
      %add3A_753 = arith.constant 4 : i32
      %add3A_754 = arith.addi %mul3A_752, %add3A_753 : i32
      %swap3A_755 = arith.index_cast %add3A_754 : i32 to index
      %swap3A_756 = arith.constant 0 : index
      %swap3A_757 = tpu.vector_load %arg6[%swap3A_755, %swap3A_756] {strides = array<i32>} : memref<20x128xi32, #tpu.memory_space<vmem>>, vector<1x16xi32>,
      %swap3A_758 = vector.shape_cast %swap3A_757 : vector<1x16xi32> to vector<16xi32>
      %swap3A_759 = vector.shape_cast %get3A_750 : vector<16xi32> to vector<1x16xi32>
      tpu.vector_store %arg6[%swap3A_755, %swap3A_756], %swap3A_759 {strides = array<i32>} : memref<20x128xi32, #tpu.memory_space<vmem>>, vector<1x16xi32>,
      %get3A_760 = arith.constant 33 : i32
      %get3A_761 = arith.index_cast %get3A_760 : i32 to index
      %get3A_762 = arith.constant 0 : index
      %get3A_763 = tpu.vector_load %arg5[%get3A_761, %get3A_762] {strides = array<i32>} : memref<80x128xi32, #tpu.memory_space<vmem>>, vector<1x16xi32>,
      %get3A_764 = vector.shape_cast %get3A_763 : vector<1x16xi32> to vector<16xi32>
      %mul3A_765 = arith.constant 10 : i32
      %mul3A_766 = arith.muli %scan3A_292, %mul3A_765 : i32
      %add3A_767 = arith.constant 4 : i32
      %add3A_768 = arith.addi %mul3A_766, %add3A_767 : i32
      %swap3A_769 = arith.index_cast %add3A_768 : i32 to index
      %swap3A_770 = arith.constant 16 : index
      %swap3A_771 = tpu.vector_load %arg6[%swap3A_769, %swap3A_770] {strides = array<i32>} : memref<20x128xi32, #tpu.memory_space<vmem>>, vector<1x16xi32>,
      %swap3A_772 = vector.shape_cast %swap3A_771 : vector<1x16xi32> to vector<16xi32>
      %swap3A_773 = vector.shape_cast %get3A_764 : vector<16xi32> to vector<1x16xi32>
      tpu.vector_store %arg6[%swap3A_769, %swap3A_770], %swap3A_773 {strides = array<i32>} : memref<20x128xi32, #tpu.memory_space<vmem>>, vector<1x16xi32>,
      %get3A_774 = arith.constant 34 : i32
      %get3A_775 = arith.index_cast %get3A_774 : i32 to index
      %get3A_776 = arith.constant 0 : index
      %get3A_777 = tpu.vector_load %arg5[%get3A_775, %get3A_776] {strides = array<i32>} : memref<80x128xi32, #tpu.memory_space<vmem>>, vector<1x16xi32>,
      %get3A_778 = vector.shape_cast %get3A_777 : vector<1x16xi32> to vector<16xi32>
      %mul3A_779 = arith.constant 10 : i32
      %mul3A_780 = arith.muli %scan3A_292, %mul3A_779 : i32
      %add3A_781 = arith.constant 4 : i32
      %add3A_782 = arith.addi %mul3A_780, %add3A_781 : i32
      %swap3A_783 = arith.index_cast %add3A_782 : i32 to index
      %swap3A_784 = arith.constant 32 : index
      %swap3A_785 = tpu.vector_load %arg6[%swap3A_783, %swap3A_784] {strides = array<i32>} : memref<20x128xi32, #tpu.memory_space<vmem>>, vector<1x16xi32>,
      %swap3A_786 = vector.shape_cast %swap3A_785 : vector<1x16xi32> to vector<16xi32>
      %swap3A_787 = vector.shape_cast %get3A_778 : vector<16xi32> to vector<1x16xi32>
      tpu.vector_store %arg6[%swap3A_783, %swap3A_784], %swap3A_787 {strides = array<i32>} : memref<20x128xi32, #tpu.memory_space<vmem>>, vector<1x16xi32>,
      %get3A_788 = arith.constant 35 : i32
      %get3A_789 = arith.index_cast %get3A_788 : i32 to index
      %get3A_790 = arith.constant 0 : index
      %get3A_791 = tpu.vector_load %arg5[%get3A_789, %get3A_790] {strides = array<i32>} : memref<80x128xi32, #tpu.memory_space<vmem>>, vector<1x16xi32>,
      %get3A_792 = vector.shape_cast %get3A_791 : vector<1x16xi32> to vector<16xi32>
      %mul3A_793 = arith.constant 10 : i32
      %mul3A_794 = arith.muli %scan3A_292, %mul3A_793 : i32
      %add3A_795 = arith.constant 4 : i32
      %add3A_796 = arith.addi %mul3A_794, %add3A_795 : i32
      %swap3A_797 = arith.index_cast %add3A_796 : i32 to index
      %swap3A_798 = arith.constant 48 : index
      %swap3A_799 = tpu.vector_load %arg6[%swap3A_797, %swap3A_798] {strides = array<i32>} : memref<20x128xi32, #tpu.memory_space<vmem>>, vector<1x16xi32>,
      %swap3A_800 = vector.shape_cast %swap3A_799 : vector<1x16xi32> to vector<16xi32>
      %swap3A_801 = vector.shape_cast %get3A_792 : vector<16xi32> to vector<1x16xi32>
      tpu.vector_store %arg6[%swap3A_797, %swap3A_798], %swap3A_801 {strides = array<i32>} : memref<20x128xi32, #tpu.memory_space<vmem>>, vector<1x16xi32>,
      %get3A_802 = arith.constant 36 : i32
      %get3A_803 = arith.index_cast %get3A_802 : i32 to index
      %get3A_804 = arith.constant 0 : index
      %get3A_805 = tpu.vector_load %arg5[%get3A_803, %get3A_804] {strides = array<i32>} : memref<80x128xi32, #tpu.memory_space<vmem>>, vector<1x16xi32>,
      %get3A_806 = vector.shape_cast %get3A_805 : vector<1x16xi32> to vector<16xi32>
      %mul3A_807 = arith.constant 10 : i32
      %mul3A_808 = arith.muli %scan3A_292, %mul3A_807 : i32
      %add3A_809 = arith.constant 4 : i32
      %add3A_810 = arith.addi %mul3A_808, %add3A_809 : i32
      %swap3A_811 = arith.index_cast %add3A_810 : i32 to index
      %swap3A_812 = arith.constant 64 : index
      %swap3A_813 = tpu.vector_load %arg6[%swap3A_811, %swap3A_812] {strides = array<i32>} : memref<20x128xi32, #tpu.memory_space<vmem>>, vector<1x16xi32>,
      %swap3A_814 = vector.shape_cast %swap3A_813 : vector<1x16xi32> to vector<16xi32>
      %swap3A_815 = vector.shape_cast %get3A_806 : vector<16xi32> to vector<1x16xi32>
      tpu.vector_store %arg6[%swap3A_811, %swap3A_812], %swap3A_815 {strides = array<i32>} : memref<20x128xi32, #tpu.memory_space<vmem>>, vector<1x16xi32>,
      %get3A_816 = arith.constant 37 : i32
      %get3A_817 = arith.index_cast %get3A_816 : i32 to index
      %get3A_818 = arith.constant 0 : index
      %get3A_819 = tpu.vector_load %arg5[%get3A_817, %get3A_818] {strides = array<i32>} : memref<80x128xi32, #tpu.memory_space<vmem>>, vector<1x16xi32>,
      %get3A_820 = vector.shape_cast %get3A_819 : vector<1x16xi32> to vector<16xi32>
      %mul3A_821 = arith.constant 10 : i32
      %mul3A_822 = arith.muli %scan3A_292, %mul3A_821 : i32
      %add3A_823 = arith.constant 4 : i32
      %add3A_824 = arith.addi %mul3A_822, %add3A_823 : i32
      %swap3A_825 = arith.index_cast %add3A_824 : i32 to index
      %swap3A_826 = arith.constant 80 : index
      %swap3A_827 = tpu.vector_load %arg6[%swap3A_825, %swap3A_826] {strides = array<i32>} : memref<20x128xi32, #tpu.memory_space<vmem>>, vector<1x16xi32>,
      %swap3A_828 = vector.shape_cast %swap3A_827 : vector<1x16xi32> to vector<16xi32>
      %swap3A_829 = vector.shape_cast %get3A_820 : vector<16xi32> to vector<1x16xi32>
      tpu.vector_store %arg6[%swap3A_825, %swap3A_826], %swap3A_829 {strides = array<i32>} : memref<20x128xi32, #tpu.memory_space<vmem>>, vector<1x16xi32>,
      %get3A_830 = arith.constant 38 : i32
      %get3A_831 = arith.index_cast %get3A_830 : i32 to index
      %get3A_832 = arith.constant 0 : index
      %get3A_833 = tpu.vector_load %arg5[%get3A_831, %get3A_832] {strides = array<i32>} : memref<80x128xi32, #tpu.memory_space<vmem>>, vector<1x16xi32>,
      %get3A_834 = vector.shape_cast %get3A_833 : vector<1x16xi32> to vector<16xi32>
      %mul3A_835 = arith.constant 10 : i32
      %mul3A_836 = arith.muli %scan3A_292, %mul3A_835 : i32
      %add3A_837 = arith.constant 4 : i32
      %add3A_838 = arith.addi %mul3A_836, %add3A_837 : i32
      %swap3A_839 = arith.index_cast %add3A_838 : i32 to index
      %swap3A_840 = arith.constant 96 : index
      %swap3A_841 = tpu.vector_load %arg6[%swap3A_839, %swap3A_840] {strides = array<i32>} : memref<20x128xi32, #tpu.memory_space<vmem>>, vector<1x16xi32>,
      %swap3A_842 = vector.shape_cast %swap3A_841 : vector<1x16xi32> to vector<16xi32>
      %swap3A_843 = vector.shape_cast %get3A_834 : vector<16xi32> to vector<1x16xi32>
      tpu.vector_store %arg6[%swap3A_839, %swap3A_840], %swap3A_843 {strides = array<i32>} : memref<20x128xi32, #tpu.memory_space<vmem>>, vector<1x16xi32>,
      %get3A_844 = arith.constant 39 : i32
      %get3A_845 = arith.index_cast %get3A_844 : i32 to index
      %get3A_846 = arith.constant 0 : index
      %get3A_847 = tpu.vector_load %arg5[%get3A_845, %get3A_846] {strides = array<i32>} : memref<80x128xi32, #tpu.memory_space<vmem>>, vector<1x16xi32>,
      %get3A_848 = vector.shape_cast %get3A_847 : vector<1x16xi32> to vector<16xi32>
      %mul3A_849 = arith.constant 10 : i32
      %mul3A_850 = arith.muli %scan3A_292, %mul3A_849 : i32
      %add3A_851 = arith.constant 4 : i32
      %add3A_852 = arith.addi %mul3A_850, %add3A_851 : i32
      %swap3A_853 = arith.index_cast %add3A_852 : i32 to index
      %swap3A_854 = arith.constant 112 : index
      %swap3A_855 = tpu.vector_load %arg6[%swap3A_853, %swap3A_854] {strides = array<i32>} : memref<20x128xi32, #tpu.memory_space<vmem>>, vector<1x16xi32>,
      %swap3A_856 = vector.shape_cast %swap3A_855 : vector<1x16xi32> to vector<16xi32>
      %swap3A_857 = vector.shape_cast %get3A_848 : vector<16xi32> to vector<1x16xi32>
      tpu.vector_store %arg6[%swap3A_853, %swap3A_854], %swap3A_857 {strides = array<i32>} : memref<20x128xi32, #tpu.memory_space<vmem>>, vector<1x16xi32>,
      %get3A_858 = arith.constant 40 : i32
      %get3A_859 = arith.index_cast %get3A_858 : i32 to index
      %get3A_860 = arith.constant 0 : index
      %get3A_861 = tpu.vector_load %arg5[%get3A_859, %get3A_860] {strides = array<i32>} : memref<80x128xi32, #tpu.memory_space<vmem>>, vector<1x16xi32>,
      %get3A_862 = vector.shape_cast %get3A_861 : vector<1x16xi32> to vector<16xi32>
      %mul3A_863 = arith.constant 10 : i32
      %mul3A_864 = arith.muli %scan3A_292, %mul3A_863 : i32
      %add3A_865 = arith.constant 5 : i32
      %add3A_866 = arith.addi %mul3A_864, %add3A_865 : i32
      %swap3A_867 = arith.index_cast %add3A_866 : i32 to index
      %swap3A_868 = arith.constant 0 : index
      %swap3A_869 = tpu.vector_load %arg6[%swap3A_867, %swap3A_868] {strides = array<i32>} : memref<20x128xi32, #tpu.memory_space<vmem>>, vector<1x16xi32>,
      %swap3A_870 = vector.shape_cast %swap3A_869 : vector<1x16xi32> to vector<16xi32>
      %swap3A_871 = vector.shape_cast %get3A_862 : vector<16xi32> to vector<1x16xi32>
      tpu.vector_store %arg6[%swap3A_867, %swap3A_868], %swap3A_871 {strides = array<i32>} : memref<20x128xi32, #tpu.memory_space<vmem>>, vector<1x16xi32>,
      %get3A_872 = arith.constant 41 : i32
      %get3A_873 = arith.index_cast %get3A_872 : i32 to index
      %get3A_874 = arith.constant 0 : index
      %get3A_875 = tpu.vector_load %arg5[%get3A_873, %get3A_874] {strides = array<i32>} : memref<80x128xi32, #tpu.memory_space<vmem>>, vector<1x16xi32>,
      %get3A_876 = vector.shape_cast %get3A_875 : vector<1x16xi32> to vector<16xi32>
      %mul3A_877 = arith.constant 10 : i32
      %mul3A_878 = arith.muli %scan3A_292, %mul3A_877 : i32
      %add3A_879 = arith.constant 5 : i32
      %add3A_880 = arith.addi %mul3A_878, %add3A_879 : i32
      %swap3A_881 = arith.index_cast %add3A_880 : i32 to index
      %swap3A_882 = arith.constant 16 : index
      %swap3A_883 = tpu.vector_load %arg6[%swap3A_881, %swap3A_882] {strides = array<i32>} : memref<20x128xi32, #tpu.memory_space<vmem>>, vector<1x16xi32>,
      %swap3A_884 = vector.shape_cast %swap3A_883 : vector<1x16xi32> to vector<16xi32>
      %swap3A_885 = vector.shape_cast %get3A_876 : vector<16xi32> to vector<1x16xi32>
      tpu.vector_store %arg6[%swap3A_881, %swap3A_882], %swap3A_885 {strides = array<i32>} : memref<20x128xi32, #tpu.memory_space<vmem>>, vector<1x16xi32>,
      %get3A_886 = arith.constant 42 : i32
      %get3A_887 = arith.index_cast %get3A_886 : i32 to index
      %get3A_888 = arith.constant 0 : index
      %get3A_889 = tpu.vector_load %arg5[%get3A_887, %get3A_888] {strides = array<i32>} : memref<80x128xi32, #tpu.memory_space<vmem>>, vector<1x16xi32>,
      %get3A_890 = vector.shape_cast %get3A_889 : vector<1x16xi32> to vector<16xi32>
      %mul3A_891 = arith.constant 10 : i32
      %mul3A_892 = arith.muli %scan3A_292, %mul3A_891 : i32
      %add3A_893 = arith.constant 5 : i32
      %add3A_894 = arith.addi %mul3A_892, %add3A_893 : i32
      %swap3A_895 = arith.index_cast %add3A_894 : i32 to index
      %swap3A_896 = arith.constant 32 : index
      %swap3A_897 = tpu.vector_load %arg6[%swap3A_895, %swap3A_896] {strides = array<i32>} : memref<20x128xi32, #tpu.memory_space<vmem>>, vector<1x16xi32>,
      %swap3A_898 = vector.shape_cast %swap3A_897 : vector<1x16xi32> to vector<16xi32>
      %swap3A_899 = vector.shape_cast %get3A_890 : vector<16xi32> to vector<1x16xi32>
      tpu.vector_store %arg6[%swap3A_895, %swap3A_896], %swap3A_899 {strides = array<i32>} : memref<20x128xi32, #tpu.memory_space<vmem>>, vector<1x16xi32>,
      %get3A_900 = arith.constant 43 : i32
      %get3A_901 = arith.index_cast %get3A_900 : i32 to index
      %get3A_902 = arith.constant 0 : index
      %get3A_903 = tpu.vector_load %arg5[%get3A_901, %get3A_902] {strides = array<i32>} : memref<80x128xi32, #tpu.memory_space<vmem>>, vector<1x16xi32>,
      %get3A_904 = vector.shape_cast %get3A_903 : vector<1x16xi32> to vector<16xi32>
      %mul3A_905 = arith.constant 10 : i32
      %mul3A_906 = arith.muli %scan3A_292, %mul3A_905 : i32
      %add3A_907 = arith.constant 5 : i32
      %add3A_908 = arith.addi %mul3A_906, %add3A_907 : i32
      %swap3A_909 = arith.index_cast %add3A_908 : i32 to index
      %swap3A_910 = arith.constant 48 : index
      %swap3A_911 = tpu.vector_load %arg6[%swap3A_909, %swap3A_910] {strides = array<i32>} : memref<20x128xi32, #tpu.memory_space<vmem>>, vector<1x16xi32>,
      %swap3A_912 = vector.shape_cast %swap3A_911 : vector<1x16xi32> to vector<16xi32>
      %swap3A_913 = vector.shape_cast %get3A_904 : vector<16xi32> to vector<1x16xi32>
      tpu.vector_store %arg6[%swap3A_909, %swap3A_910], %swap3A_913 {strides = array<i32>} : memref<20x128xi32, #tpu.memory_space<vmem>>, vector<1x16xi32>,
      %get3A_914 = arith.constant 44 : i32
      %get3A_915 = arith.index_cast %get3A_914 : i32 to index
      %get3A_916 = arith.constant 0 : index
      %get3A_917 = tpu.vector_load %arg5[%get3A_915, %get3A_916] {strides = array<i32>} : memref<80x128xi32, #tpu.memory_space<vmem>>, vector<1x16xi32>,
      %get3A_918 = vector.shape_cast %get3A_917 : vector<1x16xi32> to vector<16xi32>
      %mul3A_919 = arith.constant 10 : i32
      %mul3A_920 = arith.muli %scan3A_292, %mul3A_919 : i32
      %add3A_921 = arith.constant 5 : i32
      %add3A_922 = arith.addi %mul3A_920, %add3A_921 : i32
      %swap3A_923 = arith.index_cast %add3A_922 : i32 to index
      %swap3A_924 = arith.constant 64 : index
      %swap3A_925 = tpu.vector_load %arg6[%swap3A_923, %swap3A_924] {strides = array<i32>} : memref<20x128xi32, #tpu.memory_space<vmem>>, vector<1x16xi32>,
      %swap3A_926 = vector.shape_cast %swap3A_925 : vector<1x16xi32> to vector<16xi32>
      %swap3A_927 = vector.shape_cast %get3A_918 : vector<16xi32> to vector<1x16xi32>
      tpu.vector_store %arg6[%swap3A_923, %swap3A_924], %swap3A_927 {strides = array<i32>} : memref<20x128xi32, #tpu.memory_space<vmem>>, vector<1x16xi32>,
      %get3A_928 = arith.constant 45 : i32
      %get3A_929 = arith.index_cast %get3A_928 : i32 to index
      %get3A_930 = arith.constant 0 : index
      %get3A_931 = tpu.vector_load %arg5[%get3A_929, %get3A_930] {strides = array<i32>} : memref<80x128xi32, #tpu.memory_space<vmem>>, vector<1x16xi32>,
      %get3A_932 = vector.shape_cast %get3A_931 : vector<1x16xi32> to vector<16xi32>
      %mul3A_933 = arith.constant 10 : i32
      %mul3A_934 = arith.muli %scan3A_292, %mul3A_933 : i32
      %add3A_935 = arith.constant 5 : i32
      %add3A_936 = arith.addi %mul3A_934, %add3A_935 : i32
      %swap3A_937 = arith.index_cast %add3A_936 : i32 to index
      %swap3A_938 = arith.constant 80 : index
      %swap3A_939 = tpu.vector_load %arg6[%swap3A_937, %swap3A_938] {strides = array<i32>} : memref<20x128xi32, #tpu.memory_space<vmem>>, vector<1x16xi32>,
      %swap3A_940 = vector.shape_cast %swap3A_939 : vector<1x16xi32> to vector<16xi32>
      %swap3A_941 = vector.shape_cast %get3A_932 : vector<16xi32> to vector<1x16xi32>
      tpu.vector_store %arg6[%swap3A_937, %swap3A_938], %swap3A_941 {strides = array<i32>} : memref<20x128xi32, #tpu.memory_space<vmem>>, vector<1x16xi32>,
      %get3A_942 = arith.constant 46 : i32
      %get3A_943 = arith.index_cast %get3A_942 : i32 to index
      %get3A_944 = arith.constant 0 : index
      %get3A_945 = tpu.vector_load %arg5[%get3A_943, %get3A_944] {strides = array<i32>} : memref<80x128xi32, #tpu.memory_space<vmem>>, vector<1x16xi32>,
      %get3A_946 = vector.shape_cast %get3A_945 : vector<1x16xi32> to vector<16xi32>
      %mul3A_947 = arith.constant 10 : i32
      %mul3A_948 = arith.muli %scan3A_292, %mul3A_947 : i32
      %add3A_949 = arith.constant 5 : i32
      %add3A_950 = arith.addi %mul3A_948, %add3A_949 : i32
      %swap3A_951 = arith.index_cast %add3A_950 : i32 to index
      %swap3A_952 = arith.constant 96 : index
      %swap3A_953 = tpu.vector_load %arg6[%swap3A_951, %swap3A_952] {strides = array<i32>} : memref<20x128xi32, #tpu.memory_space<vmem>>, vector<1x16xi32>,
      %swap3A_954 = vector.shape_cast %swap3A_953 : vector<1x16xi32> to vector<16xi32>
      %swap3A_955 = vector.shape_cast %get3A_946 : vector<16xi32> to vector<1x16xi32>
      tpu.vector_store %arg6[%swap3A_951, %swap3A_952], %swap3A_955 {strides = array<i32>} : memref<20x128xi32, #tpu.memory_space<vmem>>, vector<1x16xi32>,
      %get3A_956 = arith.constant 47 : i32
      %get3A_957 = arith.index_cast %get3A_956 : i32 to index
      %get3A_958 = arith.constant 0 : index
      %get3A_959 = tpu.vector_load %arg5[%get3A_957, %get3A_958] {strides = array<i32>} : memref<80x128xi32, #tpu.memory_space<vmem>>, vector<1x16xi32>,
      %get3A_960 = vector.shape_cast %get3A_959 : vector<1x16xi32> to vector<16xi32>
      %mul3A_961 = arith.constant 10 : i32
      %mul3A_962 = arith.muli %scan3A_292, %mul3A_961 : i32
      %add3A_963 = arith.constant 5 : i32
      %add3A_964 = arith.addi %mul3A_962, %add3A_963 : i32
      %swap3A_965 = arith.index_cast %add3A_964 : i32 to index
      %swap3A_966 = arith.constant 112 : index
      %swap3A_967 = tpu.vector_load %arg6[%swap3A_965, %swap3A_966] {strides = array<i32>} : memref<20x128xi32, #tpu.memory_space<vmem>>, vector<1x16xi32>,
      %swap3A_968 = vector.shape_cast %swap3A_967 : vector<1x16xi32> to vector<16xi32>
      %swap3A_969 = vector.shape_cast %get3A_960 : vector<16xi32> to vector<1x16xi32>
      tpu.vector_store %arg6[%swap3A_965, %swap3A_966], %swap3A_969 {strides = array<i32>} : memref<20x128xi32, #tpu.memory_space<vmem>>, vector<1x16xi32>,
      %get3A_970 = arith.constant 48 : i32
      %get3A_971 = arith.index_cast %get3A_970 : i32 to index
      %get3A_972 = arith.constant 0 : index
      %get3A_973 = tpu.vector_load %arg5[%get3A_971, %get3A_972] {strides = array<i32>} : memref<80x128xi32, #tpu.memory_space<vmem>>, vector<1x16xi32>,
      %get3A_974 = vector.shape_cast %get3A_973 : vector<1x16xi32> to vector<16xi32>
      %mul3A_975 = arith.constant 10 : i32
      %mul3A_976 = arith.muli %scan3A_292, %mul3A_975 : i32
      %add3A_977 = arith.constant 6 : i32
      %add3A_978 = arith.addi %mul3A_976, %add3A_977 : i32
      %swap3A_979 = arith.index_cast %add3A_978 : i32 to index
      %swap3A_980 = arith.constant 0 : index
      %swap3A_981 = tpu.vector_load %arg6[%swap3A_979, %swap3A_980] {strides = array<i32>} : memref<20x128xi32, #tpu.memory_space<vmem>>, vector<1x16xi32>,
      %swap3A_982 = vector.shape_cast %swap3A_981 : vector<1x16xi32> to vector<16xi32>
      %swap3A_983 = vector.shape_cast %get3A_974 : vector<16xi32> to vector<1x16xi32>
      tpu.vector_store %arg6[%swap3A_979, %swap3A_980], %swap3A_983 {strides = array<i32>} : memref<20x128xi32, #tpu.memory_space<vmem>>, vector<1x16xi32>,
      %get3A_984 = arith.constant 49 : i32
      %get3A_985 = arith.index_cast %get3A_984 : i32 to index
      %get3A_986 = arith.constant 0 : index
      %get3A_987 = tpu.vector_load %arg5[%get3A_985, %get3A_986] {strides = array<i32>} : memref<80x128xi32, #tpu.memory_space<vmem>>, vector<1x16xi32>,
      %get3A_988 = vector.shape_cast %get3A_987 : vector<1x16xi32> to vector<16xi32>
      %mul3A_989 = arith.constant 10 : i32
      %mul3A_990 = arith.muli %scan3A_292, %mul3A_989 : i32
      %add3A_991 = arith.constant 6 : i32
      %add3A_992 = arith.addi %mul3A_990, %add3A_991 : i32
      %swap3A_993 = arith.index_cast %add3A_992 : i32 to index
      %swap3A_994 = arith.constant 16 : index
      %swap3A_995 = tpu.vector_load %arg6[%swap3A_993, %swap3A_994] {strides = array<i32>} : memref<20x128xi32, #tpu.memory_space<vmem>>, vector<1x16xi32>,
      %swap3A_996 = vector.shape_cast %swap3A_995 : vector<1x16xi32> to vector<16xi32>
      %swap3A_997 = vector.shape_cast %get3A_988 : vector<16xi32> to vector<1x16xi32>
      tpu.vector_store %arg6[%swap3A_993, %swap3A_994], %swap3A_997 {strides = array<i32>} : memref<20x128xi32, #tpu.memory_space<vmem>>, vector<1x16xi32>,
      %get3A_998 = arith.constant 50 : i32
      %get3A_999 = arith.index_cast %get3A_998 : i32 to index
      %get3A_1000 = arith.constant 0 : index
      %get3A_1001 = tpu.vector_load %arg5[%get3A_999, %get3A_1000] {strides = array<i32>} : memref<80x128xi32, #tpu.memory_space<vmem>>, vector<1x16xi32>,
      %get3A_1002 = vector.shape_cast %get3A_1001 : vector<1x16xi32> to vector<16xi32>
      %mul3A_1003 = arith.constant 10 : i32
      %mul3A_1004 = arith.muli %scan3A_292, %mul3A_1003 : i32
      %add3A_1005 = arith.constant 6 : i32
      %add3A_1006 = arith.addi %mul3A_1004, %add3A_1005 : i32
      %swap3A_1007 = arith.index_cast %add3A_1006 : i32 to index
      %swap3A_1008 = arith.constant 32 : index
      %swap3A_1009 = tpu.vector_load %arg6[%swap3A_1007, %swap3A_1008] {strides = array<i32>} : memref<20x128xi32, #tpu.memory_space<vmem>>, vector<1x16xi32>,
      %swap3A_1010 = vector.shape_cast %swap3A_1009 : vector<1x16xi32> to vector<16xi32>
      %swap3A_1011 = vector.shape_cast %get3A_1002 : vector<16xi32> to vector<1x16xi32>
      tpu.vector_store %arg6[%swap3A_1007, %swap3A_1008], %swap3A_1011 {strides = array<i32>} : memref<20x128xi32, #tpu.memory_space<vmem>>, vector<1x16xi32>,
      %get3A_1012 = arith.constant 51 : i32
      %get3A_1013 = arith.index_cast %get3A_1012 : i32 to index
      %get3A_1014 = arith.constant 0 : index
      %get3A_1015 = tpu.vector_load %arg5[%get3A_1013, %get3A_1014] {strides = array<i32>} : memref<80x128xi32, #tpu.memory_space<vmem>>, vector<1x16xi32>,
      %get3A_1016 = vector.shape_cast %get3A_1015 : vector<1x16xi32> to vector<16xi32>
      %mul3A_1017 = arith.constant 10 : i32
      %mul3A_1018 = arith.muli %scan3A_292, %mul3A_1017 : i32
      %add3A_1019 = arith.constant 6 : i32
      %add3A_1020 = arith.addi %mul3A_1018, %add3A_1019 : i32
      %swap3A_1021 = arith.index_cast %add3A_1020 : i32 to index
      %swap3A_1022 = arith.constant 48 : index
      %swap3A_1023 = tpu.vector_load %arg6[%swap3A_1021, %swap3A_1022] {strides = array<i32>} : memref<20x128xi32, #tpu.memory_space<vmem>>, vector<1x16xi32>,
      %swap3A_1024 = vector.shape_cast %swap3A_1023 : vector<1x16xi32> to vector<16xi32>
      %swap3A_1025 = vector.shape_cast %get3A_1016 : vector<16xi32> to vector<1x16xi32>
      tpu.vector_store %arg6[%swap3A_1021, %swap3A_1022], %swap3A_1025 {strides = array<i32>} : memref<20x128xi32, #tpu.memory_space<vmem>>, vector<1x16xi32>,
      %get3A_1026 = arith.constant 52 : i32
      %get3A_1027 = arith.index_cast %get3A_1026 : i32 to index
      %get3A_1028 = arith.constant 0 : index
      %get3A_1029 = tpu.vector_load %arg5[%get3A_1027, %get3A_1028] {strides = array<i32>} : memref<80x128xi32, #tpu.memory_space<vmem>>, vector<1x16xi32>,
      %get3A_1030 = vector.shape_cast %get3A_1029 : vector<1x16xi32> to vector<16xi32>
      %mul3A_1031 = arith.constant 10 : i32
      %mul3A_1032 = arith.muli %scan3A_292, %mul3A_1031 : i32
      %add3A_1033 = arith.constant 6 : i32
      %add3A_1034 = arith.addi %mul3A_1032, %add3A_1033 : i32
      %swap3A_1035 = arith.index_cast %add3A_1034 : i32 to index
      %swap3A_1036 = arith.constant 64 : index
      %swap3A_1037 = tpu.vector_load %arg6[%swap3A_1035, %swap3A_1036] {strides = array<i32>} : memref<20x128xi32, #tpu.memory_space<vmem>>, vector<1x16xi32>,
      %swap3A_1038 = vector.shape_cast %swap3A_1037 : vector<1x16xi32> to vector<16xi32>
      %swap3A_1039 = vector.shape_cast %get3A_1030 : vector<16xi32> to vector<1x16xi32>
      tpu.vector_store %arg6[%swap3A_1035, %swap3A_1036], %swap3A_1039 {strides = array<i32>} : memref<20x128xi32, #tpu.memory_space<vmem>>, vector<1x16xi32>,
      %get3A_1040 = arith.constant 53 : i32
      %get3A_1041 = arith.index_cast %get3A_1040 : i32 to index
      %get3A_1042 = arith.constant 0 : index
      %get3A_1043 = tpu.vector_load %arg5[%get3A_1041, %get3A_1042] {strides = array<i32>} : memref<80x128xi32, #tpu.memory_space<vmem>>, vector<1x16xi32>,
      %get3A_1044 = vector.shape_cast %get3A_1043 : vector<1x16xi32> to vector<16xi32>
      %mul3A_1045 = arith.constant 10 : i32
      %mul3A_1046 = arith.muli %scan3A_292, %mul3A_1045 : i32
      %add3A_1047 = arith.constant 6 : i32
      %add3A_1048 = arith.addi %mul3A_1046, %add3A_1047 : i32
      %swap3A_1049 = arith.index_cast %add3A_1048 : i32 to index
      %swap3A_1050 = arith.constant 80 : index
      %swap3A_1051 = tpu.vector_load %arg6[%swap3A_1049, %swap3A_1050] {strides = array<i32>} : memref<20x128xi32, #tpu.memory_space<vmem>>, vector<1x16xi32>,
      %swap3A_1052 = vector.shape_cast %swap3A_1051 : vector<1x16xi32> to vector<16xi32>
      %swap3A_1053 = vector.shape_cast %get3A_1044 : vector<16xi32> to vector<1x16xi32>
      tpu.vector_store %arg6[%swap3A_1049, %swap3A_1050], %swap3A_1053 {strides = array<i32>} : memref<20x128xi32, #tpu.memory_space<vmem>>, vector<1x16xi32>,
      %get3A_1054 = arith.constant 54 : i32
      %get3A_1055 = arith.index_cast %get3A_1054 : i32 to index
      %get3A_1056 = arith.constant 0 : index
      %get3A_1057 = tpu.vector_load %arg5[%get3A_1055, %get3A_1056] {strides = array<i32>} : memref<80x128xi32, #tpu.memory_space<vmem>>, vector<1x16xi32>,
      %get3A_1058 = vector.shape_cast %get3A_1057 : vector<1x16xi32> to vector<16xi32>
      %mul3A_1059 = arith.constant 10 : i32
      %mul3A_1060 = arith.muli %scan3A_292, %mul3A_1059 : i32
      %add3A_1061 = arith.constant 6 : i32
      %add3A_1062 = arith.addi %mul3A_1060, %add3A_1061 : i32
      %swap3A_1063 = arith.index_cast %add3A_1062 : i32 to index
      %swap3A_1064 = arith.constant 96 : index
      %swap3A_1065 = tpu.vector_load %arg6[%swap3A_1063, %swap3A_1064] {strides = array<i32>} : memref<20x128xi32, #tpu.memory_space<vmem>>, vector<1x16xi32>,
      %swap3A_1066 = vector.shape_cast %swap3A_1065 : vector<1x16xi32> to vector<16xi32>
      %swap3A_1067 = vector.shape_cast %get3A_1058 : vector<16xi32> to vector<1x16xi32>
      tpu.vector_store %arg6[%swap3A_1063, %swap3A_1064], %swap3A_1067 {strides = array<i32>} : memref<20x128xi32, #tpu.memory_space<vmem>>, vector<1x16xi32>,
      %get3A_1068 = arith.constant 55 : i32
      %get3A_1069 = arith.index_cast %get3A_1068 : i32 to index
      %get3A_1070 = arith.constant 0 : index
      %get3A_1071 = tpu.vector_load %arg5[%get3A_1069, %get3A_1070] {strides = array<i32>} : memref<80x128xi32, #tpu.memory_space<vmem>>, vector<1x16xi32>,
      %get3A_1072 = vector.shape_cast %get3A_1071 : vector<1x16xi32> to vector<16xi32>
      %mul3A_1073 = arith.constant 10 : i32
      %mul3A_1074 = arith.muli %scan3A_292, %mul3A_1073 : i32
      %add3A_1075 = arith.constant 6 : i32
      %add3A_1076 = arith.addi %mul3A_1074, %add3A_1075 : i32
      %swap3A_1077 = arith.index_cast %add3A_1076 : i32 to index
      %swap3A_1078 = arith.constant 112 : index
      %swap3A_1079 = tpu.vector_load %arg6[%swap3A_1077, %swap3A_1078] {strides = array<i32>} : memref<20x128xi32, #tpu.memory_space<vmem>>, vector<1x16xi32>,
      %swap3A_1080 = vector.shape_cast %swap3A_1079 : vector<1x16xi32> to vector<16xi32>
      %swap3A_1081 = vector.shape_cast %get3A_1072 : vector<16xi32> to vector<1x16xi32>
      tpu.vector_store %arg6[%swap3A_1077, %swap3A_1078], %swap3A_1081 {strides = array<i32>} : memref<20x128xi32, #tpu.memory_space<vmem>>, vector<1x16xi32>,
      %get3A_1082 = arith.constant 56 : i32
      %get3A_1083 = arith.index_cast %get3A_1082 : i32 to index
      %get3A_1084 = arith.constant 0 : index
      %get3A_1085 = tpu.vector_load %arg5[%get3A_1083, %get3A_1084] {strides = array<i32>} : memref<80x128xi32, #tpu.memory_space<vmem>>, vector<1x16xi32>,
      %get3A_1086 = vector.shape_cast %get3A_1085 : vector<1x16xi32> to vector<16xi32>
      %mul3A_1087 = arith.constant 10 : i32
      %mul3A_1088 = arith.muli %scan3A_292, %mul3A_1087 : i32
      %add3A_1089 = arith.constant 7 : i32
      %add3A_1090 = arith.addi %mul3A_1088, %add3A_1089 : i32
      %swap3A_1091 = arith.index_cast %add3A_1090 : i32 to index
      %swap3A_1092 = arith.constant 0 : index
      %swap3A_1093 = tpu.vector_load %arg6[%swap3A_1091, %swap3A_1092] {strides = array<i32>} : memref<20x128xi32, #tpu.memory_space<vmem>>, vector<1x16xi32>,
      %swap3A_1094 = vector.shape_cast %swap3A_1093 : vector<1x16xi32> to vector<16xi32>
      %swap3A_1095 = vector.shape_cast %get3A_1086 : vector<16xi32> to vector<1x16xi32>
      tpu.vector_store %arg6[%swap3A_1091, %swap3A_1092], %swap3A_1095 {strides = array<i32>} : memref<20x128xi32, #tpu.memory_space<vmem>>, vector<1x16xi32>,
      %get3A_1096 = arith.constant 57 : i32
      %get3A_1097 = arith.index_cast %get3A_1096 : i32 to index
      %get3A_1098 = arith.constant 0 : index
      %get3A_1099 = tpu.vector_load %arg5[%get3A_1097, %get3A_1098] {strides = array<i32>} : memref<80x128xi32, #tpu.memory_space<vmem>>, vector<1x16xi32>,
      %get3A_1100 = vector.shape_cast %get3A_1099 : vector<1x16xi32> to vector<16xi32>
      %mul3A_1101 = arith.constant 10 : i32
      %mul3A_1102 = arith.muli %scan3A_292, %mul3A_1101 : i32
      %add3A_1103 = arith.constant 7 : i32
      %add3A_1104 = arith.addi %mul3A_1102, %add3A_1103 : i32
      %swap3A_1105 = arith.index_cast %add3A_1104 : i32 to index
      %swap3A_1106 = arith.constant 16 : index
      %swap3A_1107 = tpu.vector_load %arg6[%swap3A_1105, %swap3A_1106] {strides = array<i32>} : memref<20x128xi32, #tpu.memory_space<vmem>>, vector<1x16xi32>,
      %swap3A_1108 = vector.shape_cast %swap3A_1107 : vector<1x16xi32> to vector<16xi32>
      %swap3A_1109 = vector.shape_cast %get3A_1100 : vector<16xi32> to vector<1x16xi32>
      tpu.vector_store %arg6[%swap3A_1105, %swap3A_1106], %swap3A_1109 {strides = array<i32>} : memref<20x128xi32, #tpu.memory_space<vmem>>, vector<1x16xi32>,
      %get3A_1110 = arith.constant 58 : i32
      %get3A_1111 = arith.index_cast %get3A_1110 : i32 to index
      %get3A_1112 = arith.constant 0 : index
      %get3A_1113 = tpu.vector_load %arg5[%get3A_1111, %get3A_1112] {strides = array<i32>} : memref<80x128xi32, #tpu.memory_space<vmem>>, vector<1x16xi32>,
      %get3A_1114 = vector.shape_cast %get3A_1113 : vector<1x16xi32> to vector<16xi32>
      %mul3A_1115 = arith.constant 10 : i32
      %mul3A_1116 = arith.muli %scan3A_292, %mul3A_1115 : i32
      %add3A_1117 = arith.constant 7 : i32
      %add3A_1118 = arith.addi %mul3A_1116, %add3A_1117 : i32
      %swap3A_1119 = arith.index_cast %add3A_1118 : i32 to index
      %swap3A_1120 = arith.constant 32 : index
      %swap3A_1121 = tpu.vector_load %arg6[%swap3A_1119, %swap3A_1120] {strides = array<i32>} : memref<20x128xi32, #tpu.memory_space<vmem>>, vector<1x16xi32>,
      %swap3A_1122 = vector.shape_cast %swap3A_1121 : vector<1x16xi32> to vector<16xi32>
      %swap3A_1123 = vector.shape_cast %get3A_1114 : vector<16xi32> to vector<1x16xi32>
      tpu.vector_store %arg6[%swap3A_1119, %swap3A_1120], %swap3A_1123 {strides = array<i32>} : memref<20x128xi32, #tpu.memory_space<vmem>>, vector<1x16xi32>,
      %get3A_1124 = arith.constant 59 : i32
      %get3A_1125 = arith.index_cast %get3A_1124 : i32 to index
      %get3A_1126 = arith.constant 0 : index
      %get3A_1127 = tpu.vector_load %arg5[%get3A_1125, %get3A_1126] {strides = array<i32>} : memref<80x128xi32, #tpu.memory_space<vmem>>, vector<1x16xi32>,
      %get3A_1128 = vector.shape_cast %get3A_1127 : vector<1x16xi32> to vector<16xi32>
      %mul3A_1129 = arith.constant 10 : i32
      %mul3A_1130 = arith.muli %scan3A_292, %mul3A_1129 : i32
      %add3A_1131 = arith.constant 7 : i32
      %add3A_1132 = arith.addi %mul3A_1130, %add3A_1131 : i32
      %swap3A_1133 = arith.index_cast %add3A_1132 : i32 to index
      %swap3A_1134 = arith.constant 48 : index
      %swap3A_1135 = tpu.vector_load %arg6[%swap3A_1133, %swap3A_1134] {strides = array<i32>} : memref<20x128xi32, #tpu.memory_space<vmem>>, vector<1x16xi32>,
      %swap3A_1136 = vector.shape_cast %swap3A_1135 : vector<1x16xi32> to vector<16xi32>
      %swap3A_1137 = vector.shape_cast %get3A_1128 : vector<16xi32> to vector<1x16xi32>
      tpu.vector_store %arg6[%swap3A_1133, %swap3A_1134], %swap3A_1137 {strides = array<i32>} : memref<20x128xi32, #tpu.memory_space<vmem>>, vector<1x16xi32>,
      %get3A_1138 = arith.constant 60 : i32
      %get3A_1139 = arith.index_cast %get3A_1138 : i32 to index
      %get3A_1140 = arith.constant 0 : index
      %get3A_1141 = tpu.vector_load %arg5[%get3A_1139, %get3A_1140] {strides = array<i32>} : memref<80x128xi32, #tpu.memory_space<vmem>>, vector<1x16xi32>,
      %get3A_1142 = vector.shape_cast %get3A_1141 : vector<1x16xi32> to vector<16xi32>
      %mul3A_1143 = arith.constant 10 : i32
      %mul3A_1144 = arith.muli %scan3A_292, %mul3A_1143 : i32
      %add3A_1145 = arith.constant 7 : i32
      %add3A_1146 = arith.addi %mul3A_1144, %add3A_1145 : i32
      %swap3A_1147 = arith.index_cast %add3A_1146 : i32 to index
      %swap3A_1148 = arith.constant 64 : index
      %swap3A_1149 = tpu.vector_load %arg6[%swap3A_1147, %swap3A_1148] {strides = array<i32>} : memref<20x128xi32, #tpu.memory_space<vmem>>, vector<1x16xi32>,
      %swap3A_1150 = vector.shape_cast %swap3A_1149 : vector<1x16xi32> to vector<16xi32>
      %swap3A_1151 = vector.shape_cast %get3A_1142 : vector<16xi32> to vector<1x16xi32>
      tpu.vector_store %arg6[%swap3A_1147, %swap3A_1148], %swap3A_1151 {strides = array<i32>} : memref<20x128xi32, #tpu.memory_space<vmem>>, vector<1x16xi32>,
      %get3A_1152 = arith.constant 61 : i32
      %get3A_1153 = arith.index_cast %get3A_1152 : i32 to index
      %get3A_1154 = arith.constant 0 : index
      %get3A_1155 = tpu.vector_load %arg5[%get3A_1153, %get3A_1154] {strides = array<i32>} : memref<80x128xi32, #tpu.memory_space<vmem>>, vector<1x16xi32>,
      %get3A_1156 = vector.shape_cast %get3A_1155 : vector<1x16xi32> to vector<16xi32>
      %mul3A_1157 = arith.constant 10 : i32
      %mul3A_1158 = arith.muli %scan3A_292, %mul3A_1157 : i32
      %add3A_1159 = arith.constant 7 : i32
      %add3A_1160 = arith.addi %mul3A_1158, %add3A_1159 : i32
      %swap3A_1161 = arith.index_cast %add3A_1160 : i32 to index
      %swap3A_1162 = arith.constant 80 : index
      %swap3A_1163 = tpu.vector_load %arg6[%swap3A_1161, %swap3A_1162] {strides = array<i32>} : memref<20x128xi32, #tpu.memory_space<vmem>>, vector<1x16xi32>,
      %swap3A_1164 = vector.shape_cast %swap3A_1163 : vector<1x16xi32> to vector<16xi32>
      %swap3A_1165 = vector.shape_cast %get3A_1156 : vector<16xi32> to vector<1x16xi32>
      tpu.vector_store %arg6[%swap3A_1161, %swap3A_1162], %swap3A_1165 {strides = array<i32>} : memref<20x128xi32, #tpu.memory_space<vmem>>, vector<1x16xi32>,
      %get3A_1166 = arith.constant 62 : i32
      %get3A_1167 = arith.index_cast %get3A_1166 : i32 to index
      %get3A_1168 = arith.constant 0 : index
      %get3A_1169 = tpu.vector_load %arg5[%get3A_1167, %get3A_1168] {strides = array<i32>} : memref<80x128xi32, #tpu.memory_space<vmem>>, vector<1x16xi32>,
      %get3A_1170 = vector.shape_cast %get3A_1169 : vector<1x16xi32> to vector<16xi32>
      %mul3A_1171 = arith.constant 10 : i32
      %mul3A_1172 = arith.muli %scan3A_292, %mul3A_1171 : i32
      %add3A_1173 = arith.constant 7 : i32
      %add3A_1174 = arith.addi %mul3A_1172, %add3A_1173 : i32
      %swap3A_1175 = arith.index_cast %add3A_1174 : i32 to index
      %swap3A_1176 = arith.constant 96 : index
      %swap3A_1177 = tpu.vector_load %arg6[%swap3A_1175, %swap3A_1176] {strides = array<i32>} : memref<20x128xi32, #tpu.memory_space<vmem>>, vector<1x16xi32>,
      %swap3A_1178 = vector.shape_cast %swap3A_1177 : vector<1x16xi32> to vector<16xi32>
      %swap3A_1179 = vector.shape_cast %get3A_1170 : vector<16xi32> to vector<1x16xi32>
      tpu.vector_store %arg6[%swap3A_1175, %swap3A_1176], %swap3A_1179 {strides = array<i32>} : memref<20x128xi32, #tpu.memory_space<vmem>>, vector<1x16xi32>,
      %get3A_1180 = arith.constant 63 : i32
      %get3A_1181 = arith.index_cast %get3A_1180 : i32 to index
      %get3A_1182 = arith.constant 0 : index
      %get3A_1183 = tpu.vector_load %arg5[%get3A_1181, %get3A_1182] {strides = array<i32>} : memref<80x128xi32, #tpu.memory_space<vmem>>, vector<1x16xi32>,
      %get3A_1184 = vector.shape_cast %get3A_1183 : vector<1x16xi32> to vector<16xi32>
      %mul3A_1185 = arith.constant 10 : i32
      %mul3A_1186 = arith.muli %scan3A_292, %mul3A_1185 : i32
      %add3A_1187 = arith.constant 7 : i32
      %add3A_1188 = arith.addi %mul3A_1186, %add3A_1187 : i32
      %swap3A_1189 = arith.index_cast %add3A_1188 : i32 to index
      %swap3A_1190 = arith.constant 112 : index
      %swap3A_1191 = tpu.vector_load %arg6[%swap3A_1189, %swap3A_1190] {strides = array<i32>} : memref<20x128xi32, #tpu.memory_space<vmem>>, vector<1x16xi32>,
      %swap3A_1192 = vector.shape_cast %swap3A_1191 : vector<1x16xi32> to vector<16xi32>
      %swap3A_1193 = vector.shape_cast %get3A_1184 : vector<16xi32> to vector<1x16xi32>
      tpu.vector_store %arg6[%swap3A_1189, %swap3A_1190], %swap3A_1193 {strides = array<i32>} : memref<20x128xi32, #tpu.memory_space<vmem>>, vector<1x16xi32>,
      %get3A_1194 = arith.constant 64 : i32
      %get3A_1195 = arith.index_cast %get3A_1194 : i32 to index
      %get3A_1196 = arith.constant 0 : index
      %get3A_1197 = tpu.vector_load %arg5[%get3A_1195, %get3A_1196] {strides = array<i32>} : memref<80x128xi32, #tpu.memory_space<vmem>>, vector<1x16xi32>,
      %get3A_1198 = vector.shape_cast %get3A_1197 : vector<1x16xi32> to vector<16xi32>
      %mul3A_1199 = arith.constant 10 : i32
      %mul3A_1200 = arith.muli %scan3A_292, %mul3A_1199 : i32
      %add3A_1201 = arith.constant 8 : i32
      %add3A_1202 = arith.addi %mul3A_1200, %add3A_1201 : i32
      %swap3A_1203 = arith.index_cast %add3A_1202 : i32 to index
      %swap3A_1204 = arith.constant 0 : index
      %swap3A_1205 = tpu.vector_load %arg6[%swap3A_1203, %swap3A_1204] {strides = array<i32>} : memref<20x128xi32, #tpu.memory_space<vmem>>, vector<1x16xi32>,
      %swap3A_1206 = vector.shape_cast %swap3A_1205 : vector<1x16xi32> to vector<16xi32>
      %swap3A_1207 = vector.shape_cast %get3A_1198 : vector<16xi32> to vector<1x16xi32>
      tpu.vector_store %arg6[%swap3A_1203, %swap3A_1204], %swap3A_1207 {strides = array<i32>} : memref<20x128xi32, #tpu.memory_space<vmem>>, vector<1x16xi32>,
      %get3A_1208 = arith.constant 65 : i32
      %get3A_1209 = arith.index_cast %get3A_1208 : i32 to index
      %get3A_1210 = arith.constant 0 : index
      %get3A_1211 = tpu.vector_load %arg5[%get3A_1209, %get3A_1210] {strides = array<i32>} : memref<80x128xi32, #tpu.memory_space<vmem>>, vector<1x16xi32>,
      %get3A_1212 = vector.shape_cast %get3A_1211 : vector<1x16xi32> to vector<16xi32>
      %mul3A_1213 = arith.constant 10 : i32
      %mul3A_1214 = arith.muli %scan3A_292, %mul3A_1213 : i32
      %add3A_1215 = arith.constant 8 : i32
      %add3A_1216 = arith.addi %mul3A_1214, %add3A_1215 : i32
      %swap3A_1217 = arith.index_cast %add3A_1216 : i32 to index
      %swap3A_1218 = arith.constant 16 : index
      %swap3A_1219 = tpu.vector_load %arg6[%swap3A_1217, %swap3A_1218] {strides = array<i32>} : memref<20x128xi32, #tpu.memory_space<vmem>>, vector<1x16xi32>,
      %swap3A_1220 = vector.shape_cast %swap3A_1219 : vector<1x16xi32> to vector<16xi32>
      %swap3A_1221 = vector.shape_cast %get3A_1212 : vector<16xi32> to vector<1x16xi32>
      tpu.vector_store %arg6[%swap3A_1217, %swap3A_1218], %swap3A_1221 {strides = array<i32>} : memref<20x128xi32, #tpu.memory_space<vmem>>, vector<1x16xi32>,
      %get3A_1222 = arith.constant 66 : i32
      %get3A_1223 = arith.index_cast %get3A_1222 : i32 to index
      %get3A_1224 = arith.constant 0 : index
      %get3A_1225 = tpu.vector_load %arg5[%get3A_1223, %get3A_1224] {strides = array<i32>} : memref<80x128xi32, #tpu.memory_space<vmem>>, vector<1x16xi32>,
      %get3A_1226 = vector.shape_cast %get3A_1225 : vector<1x16xi32> to vector<16xi32>
      %mul3A_1227 = arith.constant 10 : i32
      %mul3A_1228 = arith.muli %scan3A_292, %mul3A_1227 : i32
      %add3A_1229 = arith.constant 8 : i32
      %add3A_1230 = arith.addi %mul3A_1228, %add3A_1229 : i32
      %swap3A_1231 = arith.index_cast %add3A_1230 : i32 to index
      %swap3A_1232 = arith.constant 32 : index
      %swap3A_1233 = tpu.vector_load %arg6[%swap3A_1231, %swap3A_1232] {strides = array<i32>} : memref<20x128xi32, #tpu.memory_space<vmem>>, vector<1x16xi32>,
      %swap3A_1234 = vector.shape_cast %swap3A_1233 : vector<1x16xi32> to vector<16xi32>
      %swap3A_1235 = vector.shape_cast %get3A_1226 : vector<16xi32> to vector<1x16xi32>
      tpu.vector_store %arg6[%swap3A_1231, %swap3A_1232], %swap3A_1235 {strides = array<i32>} : memref<20x128xi32, #tpu.memory_space<vmem>>, vector<1x16xi32>,
      %get3A_1236 = arith.constant 67 : i32
      %get3A_1237 = arith.index_cast %get3A_1236 : i32 to index
      %get3A_1238 = arith.constant 0 : index
      %get3A_1239 = tpu.vector_load %arg5[%get3A_1237, %get3A_1238] {strides = array<i32>} : memref<80x128xi32, #tpu.memory_space<vmem>>, vector<1x16xi32>,
      %get3A_1240 = vector.shape_cast %get3A_1239 : vector<1x16xi32> to vector<16xi32>
      %mul3A_1241 = arith.constant 10 : i32
      %mul3A_1242 = arith.muli %scan3A_292, %mul3A_1241 : i32
      %add3A_1243 = arith.constant 8 : i32
      %add3A_1244 = arith.addi %mul3A_1242, %add3A_1243 : i32
      %swap3A_1245 = arith.index_cast %add3A_1244 : i32 to index
      %swap3A_1246 = arith.constant 48 : index
      %swap3A_1247 = tpu.vector_load %arg6[%swap3A_1245, %swap3A_1246] {strides = array<i32>} : memref<20x128xi32, #tpu.memory_space<vmem>>, vector<1x16xi32>,
      %swap3A_1248 = vector.shape_cast %swap3A_1247 : vector<1x16xi32> to vector<16xi32>
      %swap3A_1249 = vector.shape_cast %get3A_1240 : vector<16xi32> to vector<1x16xi32>
      tpu.vector_store %arg6[%swap3A_1245, %swap3A_1246], %swap3A_1249 {strides = array<i32>} : memref<20x128xi32, #tpu.memory_space<vmem>>, vector<1x16xi32>,
      %get3A_1250 = arith.constant 68 : i32
      %get3A_1251 = arith.index_cast %get3A_1250 : i32 to index
      %get3A_1252 = arith.constant 0 : index
      %get3A_1253 = tpu.vector_load %arg5[%get3A_1251, %get3A_1252] {strides = array<i32>} : memref<80x128xi32, #tpu.memory_space<vmem>>, vector<1x16xi32>,
      %get3A_1254 = vector.shape_cast %get3A_1253 : vector<1x16xi32> to vector<16xi32>
      %mul3A_1255 = arith.constant 10 : i32
      %mul3A_1256 = arith.muli %scan3A_292, %mul3A_1255 : i32
      %add3A_1257 = arith.constant 8 : i32
      %add3A_1258 = arith.addi %mul3A_1256, %add3A_1257 : i32
      %swap3A_1259 = arith.index_cast %add3A_1258 : i32 to index
      %swap3A_1260 = arith.constant 64 : index
      %swap3A_1261 = tpu.vector_load %arg6[%swap3A_1259, %swap3A_1260] {strides = array<i32>} : memref<20x128xi32, #tpu.memory_space<vmem>>, vector<1x16xi32>,
      %swap3A_1262 = vector.shape_cast %swap3A_1261 : vector<1x16xi32> to vector<16xi32>
      %swap3A_1263 = vector.shape_cast %get3A_1254 : vector<16xi32> to vector<1x16xi32>
      tpu.vector_store %arg6[%swap3A_1259, %swap3A_1260], %swap3A_1263 {strides = array<i32>} : memref<20x128xi32, #tpu.memory_space<vmem>>, vector<1x16xi32>,
      %get3A_1264 = arith.constant 69 : i32
      %get3A_1265 = arith.index_cast %get3A_1264 : i32 to index
      %get3A_1266 = arith.constant 0 : index
      %get3A_1267 = tpu.vector_load %arg5[%get3A_1265, %get3A_1266] {strides = array<i32>} : memref<80x128xi32, #tpu.memory_space<vmem>>, vector<1x16xi32>,
      %get3A_1268 = vector.shape_cast %get3A_1267 : vector<1x16xi32> to vector<16xi32>
      %mul3A_1269 = arith.constant 10 : i32
      %mul3A_1270 = arith.muli %scan3A_292, %mul3A_1269 : i32
      %add3A_1271 = arith.constant 8 : i32
      %add3A_1272 = arith.addi %mul3A_1270, %add3A_1271 : i32
      %swap3A_1273 = arith.index_cast %add3A_1272 : i32 to index
      %swap3A_1274 = arith.constant 80 : index
      %swap3A_1275 = tpu.vector_load %arg6[%swap3A_1273, %swap3A_1274] {strides = array<i32>} : memref<20x128xi32, #tpu.memory_space<vmem>>, vector<1x16xi32>,
      %swap3A_1276 = vector.shape_cast %swap3A_1275 : vector<1x16xi32> to vector<16xi32>
      %swap3A_1277 = vector.shape_cast %get3A_1268 : vector<16xi32> to vector<1x16xi32>
      tpu.vector_store %arg6[%swap3A_1273, %swap3A_1274], %swap3A_1277 {strides = array<i32>} : memref<20x128xi32, #tpu.memory_space<vmem>>, vector<1x16xi32>,
      %get3A_1278 = arith.constant 70 : i32
      %get3A_1279 = arith.index_cast %get3A_1278 : i32 to index
      %get3A_1280 = arith.constant 0 : index
      %get3A_1281 = tpu.vector_load %arg5[%get3A_1279, %get3A_1280] {strides = array<i32>} : memref<80x128xi32, #tpu.memory_space<vmem>>, vector<1x16xi32>,
      %get3A_1282 = vector.shape_cast %get3A_1281 : vector<1x16xi32> to vector<16xi32>
      %mul3A_1283 = arith.constant 10 : i32
      %mul3A_1284 = arith.muli %scan3A_292, %mul3A_1283 : i32
      %add3A_1285 = arith.constant 8 : i32
      %add3A_1286 = arith.addi %mul3A_1284, %add3A_1285 : i32
      %swap3A_1287 = arith.index_cast %add3A_1286 : i32 to index
      %swap3A_1288 = arith.constant 96 : index
      %swap3A_1289 = tpu.vector_load %arg6[%swap3A_1287, %swap3A_1288] {strides = array<i32>} : memref<20x128xi32, #tpu.memory_space<vmem>>, vector<1x16xi32>,
      %swap3A_1290 = vector.shape_cast %swap3A_1289 : vector<1x16xi32> to vector<16xi32>
      %swap3A_1291 = vector.shape_cast %get3A_1282 : vector<16xi32> to vector<1x16xi32>
      tpu.vector_store %arg6[%swap3A_1287, %swap3A_1288], %swap3A_1291 {strides = array<i32>} : memref<20x128xi32, #tpu.memory_space<vmem>>, vector<1x16xi32>,
      %get3A_1292 = arith.constant 71 : i32
      %get3A_1293 = arith.index_cast %get3A_1292 : i32 to index
      %get3A_1294 = arith.constant 0 : index
      %get3A_1295 = tpu.vector_load %arg5[%get3A_1293, %get3A_1294] {strides = array<i32>} : memref<80x128xi32, #tpu.memory_space<vmem>>, vector<1x16xi32>,
      %get3A_1296 = vector.shape_cast %get3A_1295 : vector<1x16xi32> to vector<16xi32>
      %mul3A_1297 = arith.constant 10 : i32
      %mul3A_1298 = arith.muli %scan3A_292, %mul3A_1297 : i32
      %add3A_1299 = arith.constant 8 : i32
      %add3A_1300 = arith.addi %mul3A_1298, %add3A_1299 : i32
      %swap3A_1301 = arith.index_cast %add3A_1300 : i32 to index
      %swap3A_1302 = arith.constant 112 : index
      %swap3A_1303 = tpu.vector_load %arg6[%swap3A_1301, %swap3A_1302] {strides = array<i32>} : memref<20x128xi32, #tpu.memory_space<vmem>>, vector<1x16xi32>,
      %swap3A_1304 = vector.shape_cast %swap3A_1303 : vector<1x16xi32> to vector<16xi32>
      %swap3A_1305 = vector.shape_cast %get3A_1296 : vector<16xi32> to vector<1x16xi32>
      tpu.vector_store %arg6[%swap3A_1301, %swap3A_1302], %swap3A_1305 {strides = array<i32>} : memref<20x128xi32, #tpu.memory_space<vmem>>, vector<1x16xi32>,
      %get3A_1306 = arith.constant 72 : i32
      %get3A_1307 = arith.index_cast %get3A_1306 : i32 to index
      %get3A_1308 = arith.constant 0 : index
      %get3A_1309 = tpu.vector_load %arg5[%get3A_1307, %get3A_1308] {strides = array<i32>} : memref<80x128xi32, #tpu.memory_space<vmem>>, vector<1x16xi32>,
      %get3A_1310 = vector.shape_cast %get3A_1309 : vector<1x16xi32> to vector<16xi32>
      %mul3A_1311 = arith.constant 10 : i32
      %mul3A_1312 = arith.muli %scan3A_292, %mul3A_1311 : i32
      %add3A_1313 = arith.constant 9 : i32
      %add3A_1314 = arith.addi %mul3A_1312, %add3A_1313 : i32
      %swap3A_1315 = arith.index_cast %add3A_1314 : i32 to index
      %swap3A_1316 = arith.constant 0 : index
      %swap3A_1317 = tpu.vector_load %arg6[%swap3A_1315, %swap3A_1316] {strides = array<i32>} : memref<20x128xi32, #tpu.memory_space<vmem>>, vector<1x16xi32>,
      %swap3A_1318 = vector.shape_cast %swap3A_1317 : vector<1x16xi32> to vector<16xi32>
      %swap3A_1319 = vector.shape_cast %get3A_1310 : vector<16xi32> to vector<1x16xi32>
      tpu.vector_store %arg6[%swap3A_1315, %swap3A_1316], %swap3A_1319 {strides = array<i32>} : memref<20x128xi32, #tpu.memory_space<vmem>>, vector<1x16xi32>,
      %get3A_1320 = arith.constant 73 : i32
      %get3A_1321 = arith.index_cast %get3A_1320 : i32 to index
      %get3A_1322 = arith.constant 0 : index
      %get3A_1323 = tpu.vector_load %arg5[%get3A_1321, %get3A_1322] {strides = array<i32>} : memref<80x128xi32, #tpu.memory_space<vmem>>, vector<1x16xi32>,
      %get3A_1324 = vector.shape_cast %get3A_1323 : vector<1x16xi32> to vector<16xi32>
      %mul3A_1325 = arith.constant 10 : i32
      %mul3A_1326 = arith.muli %scan3A_292, %mul3A_1325 : i32
      %add3A_1327 = arith.constant 9 : i32
      %add3A_1328 = arith.addi %mul3A_1326, %add3A_1327 : i32
      %swap3A_1329 = arith.index_cast %add3A_1328 : i32 to index
      %swap3A_1330 = arith.constant 16 : index
      %swap3A_1331 = tpu.vector_load %arg6[%swap3A_1329, %swap3A_1330] {strides = array<i32>} : memref<20x128xi32, #tpu.memory_space<vmem>>, vector<1x16xi32>,
      %swap3A_1332 = vector.shape_cast %swap3A_1331 : vector<1x16xi32> to vector<16xi32>
      %swap3A_1333 = vector.shape_cast %get3A_1324 : vector<16xi32> to vector<1x16xi32>
      tpu.vector_store %arg6[%swap3A_1329, %swap3A_1330], %swap3A_1333 {strides = array<i32>} : memref<20x128xi32, #tpu.memory_space<vmem>>, vector<1x16xi32>,
      %get3A_1334 = arith.constant 74 : i32
      %get3A_1335 = arith.index_cast %get3A_1334 : i32 to index
      %get3A_1336 = arith.constant 0 : index
      %get3A_1337 = tpu.vector_load %arg5[%get3A_1335, %get3A_1336] {strides = array<i32>} : memref<80x128xi32, #tpu.memory_space<vmem>>, vector<1x16xi32>,
      %get3A_1338 = vector.shape_cast %get3A_1337 : vector<1x16xi32> to vector<16xi32>
      %mul3A_1339 = arith.constant 10 : i32
      %mul3A_1340 = arith.muli %scan3A_292, %mul3A_1339 : i32
      %add3A_1341 = arith.constant 9 : i32
      %add3A_1342 = arith.addi %mul3A_1340, %add3A_1341 : i32
      %swap3A_1343 = arith.index_cast %add3A_1342 : i32 to index
      %swap3A_1344 = arith.constant 32 : index
      %swap3A_1345 = tpu.vector_load %arg6[%swap3A_1343, %swap3A_1344] {strides = array<i32>} : memref<20x128xi32, #tpu.memory_space<vmem>>, vector<1x16xi32>,
      %swap3A_1346 = vector.shape_cast %swap3A_1345 : vector<1x16xi32> to vector<16xi32>
      %swap3A_1347 = vector.shape_cast %get3A_1338 : vector<16xi32> to vector<1x16xi32>
      tpu.vector_store %arg6[%swap3A_1343, %swap3A_1344], %swap3A_1347 {strides = array<i32>} : memref<20x128xi32, #tpu.memory_space<vmem>>, vector<1x16xi32>,
      %get3A_1348 = arith.constant 75 : i32
      %get3A_1349 = arith.index_cast %get3A_1348 : i32 to index
      %get3A_1350 = arith.constant 0 : index
      %get3A_1351 = tpu.vector_load %arg5[%get3A_1349, %get3A_1350] {strides = array<i32>} : memref<80x128xi32, #tpu.memory_space<vmem>>, vector<1x16xi32>,
      %get3A_1352 = vector.shape_cast %get3A_1351 : vector<1x16xi32> to vector<16xi32>
      %mul3A_1353 = arith.constant 10 : i32
      %mul3A_1354 = arith.muli %scan3A_292, %mul3A_1353 : i32
      %add3A_1355 = arith.constant 9 : i32
      %add3A_1356 = arith.addi %mul3A_1354, %add3A_1355 : i32
      %swap3A_1357 = arith.index_cast %add3A_1356 : i32 to index
      %swap3A_1358 = arith.constant 48 : index
      %swap3A_1359 = tpu.vector_load %arg6[%swap3A_1357, %swap3A_1358] {strides = array<i32>} : memref<20x128xi32, #tpu.memory_space<vmem>>, vector<1x16xi32>,
      %swap3A_1360 = vector.shape_cast %swap3A_1359 : vector<1x16xi32> to vector<16xi32>
      %swap3A_1361 = vector.shape_cast %get3A_1352 : vector<16xi32> to vector<1x16xi32>
      tpu.vector_store %arg6[%swap3A_1357, %swap3A_1358], %swap3A_1361 {strides = array<i32>} : memref<20x128xi32, #tpu.memory_space<vmem>>, vector<1x16xi32>,
      %get3A_1362 = arith.constant 76 : i32
      %get3A_1363 = arith.index_cast %get3A_1362 : i32 to index
      %get3A_1364 = arith.constant 0 : index
      %get3A_1365 = tpu.vector_load %arg5[%get3A_1363, %get3A_1364] {strides = array<i32>} : memref<80x128xi32, #tpu.memory_space<vmem>>, vector<1x16xi32>,
      %get3A_1366 = vector.shape_cast %get3A_1365 : vector<1x16xi32> to vector<16xi32>
      %mul3A_1367 = arith.constant 10 : i32
      %mul3A_1368 = arith.muli %scan3A_292, %mul3A_1367 : i32
      %add3A_1369 = arith.constant 9 : i32
      %add3A_1370 = arith.addi %mul3A_1368, %add3A_1369 : i32
      %swap3A_1371 = arith.index_cast %add3A_1370 : i32 to index
      %swap3A_1372 = arith.constant 64 : index
      %swap3A_1373 = tpu.vector_load %arg6[%swap3A_1371, %swap3A_1372] {strides = array<i32>} : memref<20x128xi32, #tpu.memory_space<vmem>>, vector<1x16xi32>,
      %swap3A_1374 = vector.shape_cast %swap3A_1373 : vector<1x16xi32> to vector<16xi32>
      %swap3A_1375 = vector.shape_cast %get3A_1366 : vector<16xi32> to vector<1x16xi32>
      tpu.vector_store %arg6[%swap3A_1371, %swap3A_1372], %swap3A_1375 {strides = array<i32>} : memref<20x128xi32, #tpu.memory_space<vmem>>, vector<1x16xi32>,
      %get3A_1376 = arith.constant 77 : i32
      %get3A_1377 = arith.index_cast %get3A_1376 : i32 to index
      %get3A_1378 = arith.constant 0 : index
      %get3A_1379 = tpu.vector_load %arg5[%get3A_1377, %get3A_1378] {strides = array<i32>} : memref<80x128xi32, #tpu.memory_space<vmem>>, vector<1x16xi32>,
      %get3A_1380 = vector.shape_cast %get3A_1379 : vector<1x16xi32> to vector<16xi32>
      %mul3A_1381 = arith.constant 10 : i32
      %mul3A_1382 = arith.muli %scan3A_292, %mul3A_1381 : i32
      %add3A_1383 = arith.constant 9 : i32
      %add3A_1384 = arith.addi %mul3A_1382, %add3A_1383 : i32
      %swap3A_1385 = arith.index_cast %add3A_1384 : i32 to index
      %swap3A_1386 = arith.constant 80 : index
      %swap3A_1387 = tpu.vector_load %arg6[%swap3A_1385, %swap3A_1386] {strides = array<i32>} : memref<20x128xi32, #tpu.memory_space<vmem>>, vector<1x16xi32>,
      %swap3A_1388 = vector.shape_cast %swap3A_1387 : vector<1x16xi32> to vector<16xi32>
      %swap3A_1389 = vector.shape_cast %get3A_1380 : vector<16xi32> to vector<1x16xi32>
      tpu.vector_store %arg6[%swap3A_1385, %swap3A_1386], %swap3A_1389 {strides = array<i32>} : memref<20x128xi32, #tpu.memory_space<vmem>>, vector<1x16xi32>,
      %get3A_1390 = arith.constant 78 : i32
      %get3A_1391 = arith.index_cast %get3A_1390 : i32 to index
      %get3A_1392 = arith.constant 0 : index
      %get3A_1393 = tpu.vector_load %arg5[%get3A_1391, %get3A_1392] {strides = array<i32>} : memref<80x128xi32, #tpu.memory_space<vmem>>, vector<1x16xi32>,
      %get3A_1394 = vector.shape_cast %get3A_1393 : vector<1x16xi32> to vector<16xi32>
      %mul3A_1395 = arith.constant 10 : i32
      %mul3A_1396 = arith.muli %scan3A_292, %mul3A_1395 : i32
      %add3A_1397 = arith.constant 9 : i32
      %add3A_1398 = arith.addi %mul3A_1396, %add3A_1397 : i32
      %swap3A_1399 = arith.index_cast %add3A_1398 : i32 to index
      %swap3A_1400 = arith.constant 96 : index
      %swap3A_1401 = tpu.vector_load %arg6[%swap3A_1399, %swap3A_1400] {strides = array<i32>} : memref<20x128xi32, #tpu.memory_space<vmem>>, vector<1x16xi32>,
      %swap3A_1402 = vector.shape_cast %swap3A_1401 : vector<1x16xi32> to vector<16xi32>
      %swap3A_1403 = vector.shape_cast %get3A_1394 : vector<16xi32> to vector<1x16xi32>
      tpu.vector_store %arg6[%swap3A_1399, %swap3A_1400], %swap3A_1403 {strides = array<i32>} : memref<20x128xi32, #tpu.memory_space<vmem>>, vector<1x16xi32>,
      %get3A_1404 = arith.constant 79 : i32
      %get3A_1405 = arith.index_cast %get3A_1404 : i32 to index
      %get3A_1406 = arith.constant 0 : index
      %get3A_1407 = tpu.vector_load %arg5[%get3A_1405, %get3A_1406] {strides = array<i32>} : memref<80x128xi32, #tpu.memory_space<vmem>>, vector<1x16xi32>,
      %get3A_1408 = vector.shape_cast %get3A_1407 : vector<1x16xi32> to vector<16xi32>
      %mul3A_1409 = arith.constant 10 : i32
      %mul3A_1410 = arith.muli %scan3A_292, %mul3A_1409 : i32
      %add3A_1411 = arith.constant 9 : i32
      %add3A_1412 = arith.addi %mul3A_1410, %add3A_1411 : i32
      %swap3A_1413 = arith.index_cast %add3A_1412 : i32 to index
      %swap3A_1414 = arith.constant 112 : index
      %swap3A_1415 = tpu.vector_load %arg6[%swap3A_1413, %swap3A_1414] {strides = array<i32>} : memref<20x128xi32, #tpu.memory_space<vmem>>, vector<1x16xi32>,
      %swap3A_1416 = vector.shape_cast %swap3A_1415 : vector<1x16xi32> to vector<16xi32>
      %swap3A_1417 = vector.shape_cast %get3A_1408 : vector<16xi32> to vector<1x16xi32>
      tpu.vector_store %arg6[%swap3A_1413, %swap3A_1414], %swap3A_1417 {strides = array<i32>} : memref<20x128xi32, #tpu.memory_space<vmem>>, vector<1x16xi32>,
    }
    %scan3A_7 = arith.constant 2 : i32
    %dma_start3A = arith.constant 0 : i32
    %dma_start3A_8 = arith.constant 0 : i32
    %dma_start3A_9 = arith.constant 0 : i32
    %dma_start3A_10 = arith.constant 0 : i32
    %dma_start3A_11 = arith.constant 0 : i32
    %dma_start3A_12 = tpu.memref_slice %arg7[%dma_start3A_8, %dma_start3A_10, %dma_start3A_11] : memref<4x128x64xf32, #tpu.memory_space<vmem>> -> memref<1x128x64xf32, #tpu.memory_space<vmem>>
    %dma_start3A_13 = tpu.memref_squeeze %dma_start3A_12 : memref<1x128x64xf32, #tpu.memory_space<vmem>> -> memref<128x64xf32, #tpu.memory_space<vmem>>
    %dma_start3A_14 = arith.constant 0 : i32
    %dma_start3A_15 = tpu.memref_slice %arg6[%dma_start3A, %dma_start3A_14] : memref<20x128xi32, #tpu.memory_space<vmem>> -> memref<1x128xi32, #tpu.memory_space<vmem>>
    %dma_start3A_16 = tpu.memref_squeeze %dma_start3A_15 : memref<1x128xi32, #tpu.memory_space<vmem>> -> memref<128xi32, #tpu.memory_space<vmem>>
    %dma_start3A_17 = arith.constant 0 : i32
    %dma_start3A_18 = arith.constant 0 : i32
    %dma_start3A_19 = tpu.memref_slice %arg8[%dma_start3A_17, %dma_start3A_18] : memref<10000x64xf32, #tpu.memory_space<vmem_shared>> -> memref<10000x64xf32, #tpu.memory_space<vmem_shared>>
    %dma_start3A_20 = tpu.memref_slice %arg9[%dma_start3A_9] : memref<4x!tpu.dma_semaphore, #tpu.memory_space<semaphore_mem>> -> memref<1x!tpu.dma_semaphore, #tpu.memory_space<semaphore_mem>>
    %dma_start3A_21 = tpu.memref_squeeze %dma_start3A_20 : memref<1x!tpu.dma_semaphore, #tpu.memory_space<semaphore_mem>> -> memref<!tpu.dma_semaphore, #tpu.memory_space<semaphore_mem>>
    tpu.enqueue_indirect_dma source(%dma_start3A_19 : memref<10000x64xf32, #tpu.memory_space<vmem_shared>>) target(%dma_start3A_13 : memref<128x64xf32, #tpu.memory_space<vmem>>) offsets(%dma_start3A_16 : memref<128xi32, #tpu.memory_space<vmem>>) semaphore(%dma_start3A_21 : memref<!tpu.dma_semaphore, #tpu.memory_space<semaphore_mem>>)
    %dma_start3A_22 = arith.constant 1 : i32
    %dma_start3A_23 = arith.constant 1 : i32
    %dma_start3A_24 = arith.constant 1 : i32
    %dma_start3A_25 = arith.constant 0 : i32
    %dma_start3A_26 = arith.constant 0 : i32
    %dma_start3A_27 = tpu.memref_slice %arg7[%dma_start3A_23, %dma_start3A_25, %dma_start3A_26] : memref<4x128x64xf32, #tpu.memory_space<vmem>> -> memref<1x128x64xf32, #tpu.memory_space<vmem>>
    %dma_start3A_28 = tpu.memref_squeeze %dma_start3A_27 : memref<1x128x64xf32, #tpu.memory_space<vmem>> -> memref<128x64xf32, #tpu.memory_space<vmem>>
    %dma_start3A_29 = arith.constant 0 : i32
    %dma_start3A_30 = tpu.memref_slice %arg6[%dma_start3A_22, %dma_start3A_29] : memref<20x128xi32, #tpu.memory_space<vmem>> -> memref<1x128xi32, #tpu.memory_space<vmem>>
    %dma_start3A_31 = tpu.memref_squeeze %dma_start3A_30 : memref<1x128xi32, #tpu.memory_space<vmem>> -> memref<128xi32, #tpu.memory_space<vmem>>
    %dma_start3A_32 = arith.constant 0 : i32
    %dma_start3A_33 = arith.constant 0 : i32
    %dma_start3A_34 = tpu.memref_slice %arg8[%dma_start3A_32, %dma_start3A_33] : memref<10000x64xf32, #tpu.memory_space<vmem_shared>> -> memref<10000x64xf32, #tpu.memory_space<vmem_shared>>
    %dma_start3A_35 = tpu.memref_slice %arg9[%dma_start3A_24] : memref<4x!tpu.dma_semaphore, #tpu.memory_space<semaphore_mem>> -> memref<1x!tpu.dma_semaphore, #tpu.memory_space<semaphore_mem>>
    %dma_start3A_36 = tpu.memref_squeeze %dma_start3A_35 : memref<1x!tpu.dma_semaphore, #tpu.memory_space<semaphore_mem>> -> memref<!tpu.dma_semaphore, #tpu.memory_space<semaphore_mem>>
    tpu.enqueue_indirect_dma source(%dma_start3A_34 : memref<10000x64xf32, #tpu.memory_space<vmem_shared>>) target(%dma_start3A_28 : memref<128x64xf32, #tpu.memory_space<vmem>>) offsets(%dma_start3A_31 : memref<128xi32, #tpu.memory_space<vmem>>) semaphore(%dma_start3A_36 : memref<!tpu.dma_semaphore, #tpu.memory_space<semaphore_mem>>)
    %dma_start3A_37 = arith.constant 2 : i32
    %dma_start3A_38 = arith.constant 2 : i32
    %dma_start3A_39 = arith.constant 2 : i32
    %dma_start3A_40 = arith.constant 0 : i32
    %dma_start3A_41 = arith.constant 0 : i32
    %dma_start3A_42 = tpu.memref_slice %arg7[%dma_start3A_38, %dma_start3A_40, %dma_start3A_41] : memref<4x128x64xf32, #tpu.memory_space<vmem>> -> memref<1x128x64xf32, #tpu.memory_space<vmem>>
    %dma_start3A_43 = tpu.memref_squeeze %dma_start3A_42 : memref<1x128x64xf32, #tpu.memory_space<vmem>> -> memref<128x64xf32, #tpu.memory_space<vmem>>
    %dma_start3A_44 = arith.constant 0 : i32
    %dma_start3A_45 = tpu.memref_slice %arg6[%dma_start3A_37, %dma_start3A_44] : memref<20x128xi32, #tpu.memory_space<vmem>> -> memref<1x128xi32, #tpu.memory_space<vmem>>
    %dma_start3A_46 = tpu.memref_squeeze %dma_start3A_45 : memref<1x128xi32, #tpu.memory_space<vmem>> -> memref<128xi32, #tpu.memory_space<vmem>>
    %dma_start3A_47 = arith.constant 0 : i32
    %dma_start3A_48 = arith.constant 0 : i32
    %dma_start3A_49 = tpu.memref_slice %arg8[%dma_start3A_47, %dma_start3A_48] : memref<10000x64xf32, #tpu.memory_space<vmem_shared>> -> memref<10000x64xf32, #tpu.memory_space<vmem_shared>>
    %dma_start3A_50 = tpu.memref_slice %arg9[%dma_start3A_39] : memref<4x!tpu.dma_semaphore, #tpu.memory_space<semaphore_mem>> -> memref<1x!tpu.dma_semaphore, #tpu.memory_space<semaphore_mem>>
    %dma_start3A_51 = tpu.memref_squeeze %dma_start3A_50 : memref<1x!tpu.dma_semaphore, #tpu.memory_space<semaphore_mem>> -> memref<!tpu.dma_semaphore, #tpu.memory_space<semaphore_mem>>
    tpu.enqueue_indirect_dma source(%dma_start3A_49 : memref<10000x64xf32, #tpu.memory_space<vmem_shared>>) target(%dma_start3A_43 : memref<128x64xf32, #tpu.memory_space<vmem>>) offsets(%dma_start3A_46 : memref<128xi32, #tpu.memory_space<vmem>>) semaphore(%dma_start3A_51 : memref<!tpu.dma_semaphore, #tpu.memory_space<semaphore_mem>>)
    %dma_start3A_52 = arith.constant 3 : i32
    %dma_start3A_53 = arith.constant 3 : i32
    %dma_start3A_54 = arith.constant 3 : i32
    %dma_start3A_55 = arith.constant 0 : i32
    %dma_start3A_56 = arith.constant 0 : i32
    %dma_start3A_57 = tpu.memref_slice %arg7[%dma_start3A_53, %dma_start3A_55, %dma_start3A_56] : memref<4x128x64xf32, #tpu.memory_space<vmem>> -> memref<1x128x64xf32, #tpu.memory_space<vmem>>
    %dma_start3A_58 = tpu.memref_squeeze %dma_start3A_57 : memref<1x128x64xf32, #tpu.memory_space<vmem>> -> memref<128x64xf32, #tpu.memory_space<vmem>>
    %dma_start3A_59 = arith.constant 0 : i32
    %dma_start3A_60 = tpu.memref_slice %arg6[%dma_start3A_52, %dma_start3A_59] : memref<20x128xi32, #tpu.memory_space<vmem>> -> memref<1x128xi32, #tpu.memory_space<vmem>>
    %dma_start3A_61 = tpu.memref_squeeze %dma_start3A_60 : memref<1x128xi32, #tpu.memory_space<vmem>> -> memref<128xi32, #tpu.memory_space<vmem>>
    %dma_start3A_62 = arith.constant 0 : i32
    %dma_start3A_63 = arith.constant 0 : i32
    %dma_start3A_64 = tpu.memref_slice %arg8[%dma_start3A_62, %dma_start3A_63] : memref<10000x64xf32, #tpu.memory_space<vmem_shared>> -> memref<10000x64xf32, #tpu.memory_space<vmem_shared>>
    %dma_start3A_65 = tpu.memref_slice %arg9[%dma_start3A_54] : memref<4x!tpu.dma_semaphore, #tpu.memory_space<semaphore_mem>> -> memref<1x!tpu.dma_semaphore, #tpu.memory_space<semaphore_mem>>
    %dma_start3A_66 = tpu.memref_squeeze %dma_start3A_65 : memref<1x!tpu.dma_semaphore, #tpu.memory_space<semaphore_mem>> -> memref<!tpu.dma_semaphore, #tpu.memory_space<semaphore_mem>>
    tpu.enqueue_indirect_dma source(%dma_start3A_64 : memref<10000x64xf32, #tpu.memory_space<vmem_shared>>) target(%dma_start3A_58 : memref<128x64xf32, #tpu.memory_space<vmem>>) offsets(%dma_start3A_61 : memref<128xi32, #tpu.memory_space<vmem>>) semaphore(%dma_start3A_66 : memref<!tpu.dma_semaphore, #tpu.memory_space<semaphore_mem>>)
    %scan3A_67 = arith.constant 0 : i32
    %scan3A_68 = arith.constant 0 : i32
    %scan3A_69 = arith.constant 4 : i32
    %scan3A_70 = arith.addi %scan3A_68, %scan3A_69 : i32
    %scan3A_71 = arith.constant 1 : i32
    scf.for %scan3A_292 = %scan3A_68 to %scan3A_70 step %scan3A_71  : i32 {
      %dma_wait3A_293 = arith.constant 0 : i32
      %dma_wait3A_294 = arith.constant 0 : i32
      %dma_wait3A_295 = arith.constant 0 : i32
      %dma_wait3A_296 = arith.constant 0 : i32
      %dma_wait3A_297 = arith.constant 0 : i32
      %dma_wait3A_298 = tpu.memref_slice %arg7[%dma_wait3A_294, %dma_wait3A_296, %dma_wait3A_297] : memref<4x128x64xf32, #tpu.memory_space<vmem>> -> memref<1x128x64xf32, #tpu.memory_space<vmem>>
      %dma_wait3A_299 = tpu.memref_squeeze %dma_wait3A_298 : memref<1x128x64xf32, #tpu.memory_space<vmem>> -> memref<128x64xf32, #tpu.memory_space<vmem>>
      %dma_wait3A_300 = arith.constant 0 : i32
      %dma_wait3A_301 = tpu.memref_slice %arg6[%dma_wait3A_293, %dma_wait3A_300] : memref<20x128xi32, #tpu.memory_space<vmem>> -> memref<1x128xi32, #tpu.memory_space<vmem>>
      %dma_wait3A_302 = tpu.memref_squeeze %dma_wait3A_301 : memref<1x128xi32, #tpu.memory_space<vmem>> -> memref<128xi32, #tpu.memory_space<vmem>>
      %dma_wait3A_303 = arith.constant 0 : i32
      %dma_wait3A_304 = arith.constant 0 : i32
      %dma_wait3A_305 = tpu.memref_slice %arg8[%dma_wait3A_303, %dma_wait3A_304] : memref<10000x64xf32, #tpu.memory_space<vmem_shared>> -> memref<10000x64xf32, #tpu.memory_space<vmem_shared>>
      %dma_wait3A_306 = tpu.memref_slice %arg9[%dma_wait3A_295] : memref<4x!tpu.dma_semaphore, #tpu.memory_space<semaphore_mem>> -> memref<1x!tpu.dma_semaphore, #tpu.memory_space<semaphore_mem>>
      %dma_wait3A_307 = tpu.memref_squeeze %dma_wait3A_306 : memref<1x!tpu.dma_semaphore, #tpu.memory_space<semaphore_mem>> -> memref<!tpu.dma_semaphore, #tpu.memory_space<semaphore_mem>>
      tpu.wait_indirect_dma semaphore(%dma_wait3A_307 : memref<!tpu.dma_semaphore, #tpu.memory_space<semaphore_mem>>) src(%dma_wait3A_305 : memref<10000x64xf32, #tpu.memory_space<vmem_shared>>) dst(%dma_wait3A_299 : memref<128x64xf32, #tpu.memory_space<vmem>>)
      %mul3A_308 = arith.constant 2 : i32
      %mul3A_309 = arith.muli %scan3A_292, %mul3A_308 : i32
      %add3A_310 = arith.constant 0 : i32
      %add3A_311 = arith.addi %mul3A_309, %add3A_310 : i32
      %mul3A_312 = arith.constant 10 : i32
      %mul3A_313 = arith.muli %add3A, %mul3A_312 : i32
      %add3A_314 = arith.addi %mul3A_313, %add3A_311 : i32
      %mul3A_315 = arith.constant 128 : i32
      %mul3A_316 = arith.muli %add3A_314, %mul3A_315 : i32
      %dma_start3A_317 = arith.constant 0 : i32
      %dma_start3A_318 = arith.constant 0 : i32
      %dma_start3A_319 = arith.constant 0 : i32
      %dma_start3A_320 = arith.constant 0 : i32
      %dma_start3A_321 = tpu.memref_slice %arg7[%dma_start3A_317, %dma_start3A_319, %dma_start3A_320] : memref<4x128x64xf32, #tpu.memory_space<vmem>> -> memref<1x128x64xf32, #tpu.memory_space<vmem>>
      %dma_start3A_322 = tpu.memref_squeeze %dma_start3A_321 : memref<1x128x64xf32, #tpu.memory_space<vmem>> -> memref<128x64xf32, #tpu.memory_space<vmem>>
      %dma_start3A_323 = arith.constant 0 : i32
      %dma_start3A_324 = tpu.memref_slice %arg4[%mul3A_316, %dma_start3A_323] : memref<40960x128xf32, #tpu.memory_space<hbm>> -> memref<128x64xf32, #tpu.memory_space<hbm>>
      %dma_start3A_325 = tpu.memref_slice %arg10[%dma_start3A_318] : memref<4x!tpu.dma_semaphore, #tpu.memory_space<semaphore_mem>> -> memref<1x!tpu.dma_semaphore, #tpu.memory_space<semaphore_mem>>
      %dma_start3A_326 = tpu.memref_squeeze %dma_start3A_325 : memref<1x!tpu.dma_semaphore, #tpu.memory_space<semaphore_mem>> -> memref<!tpu.dma_semaphore, #tpu.memory_space<semaphore_mem>>
      %dma_start3A_327 = arith.constant 0 : i32
      %dma_start3A_328 = tpu.memref_slice %arg4[%mul3A_316, %dma_start3A_327] : memref<40960x128xf32, #tpu.memory_space<hbm>> -> memref<128x64xf32, #tpu.memory_space<hbm>>
      %dma_start3A_329 = arith.constant 0 : i32
      %dma_start3A_330 = arith.constant 0 : i32
      %dma_start3A_331 = tpu.memref_slice %arg7[%dma_start3A_317, %dma_start3A_329, %dma_start3A_330] : memref<4x128x64xf32, #tpu.memory_space<vmem>> -> memref<1x128x64xf32, #tpu.memory_space<vmem>>
      %dma_start3A_332 = tpu.memref_squeeze %dma_start3A_331 : memref<1x128x64xf32, #tpu.memory_space<vmem>> -> memref<128x64xf32, #tpu.memory_space<vmem>>
      tpu.enqueue_dma source(%dma_start3A_332 : memref<128x64xf32, #tpu.memory_space<vmem>>) target(%dma_start3A_328 : memref<128x64xf32, #tpu.memory_space<hbm>>) target_semaphore(%dma_start3A_326 : memref<!tpu.dma_semaphore, #tpu.memory_space<semaphore_mem>>)
      %dma_wait3A_333 = arith.constant 0 : i32
      %dma_wait3A_334 = arith.constant 1 : i32
      %dma_wait3A_335 = arith.constant 1 : i32
      %dma_wait3A_336 = arith.constant 0 : i32
      %dma_wait3A_337 = arith.constant 0 : i32
      %dma_wait3A_338 = tpu.memref_slice %arg7[%dma_wait3A_334, %dma_wait3A_336, %dma_wait3A_337] : memref<4x128x64xf32, #tpu.memory_space<vmem>> -> memref<1x128x64xf32, #tpu.memory_space<vmem>>
      %dma_wait3A_339 = tpu.memref_squeeze %dma_wait3A_338 : memref<1x128x64xf32, #tpu.memory_space<vmem>> -> memref<128x64xf32, #tpu.memory_space<vmem>>
      %dma_wait3A_340 = arith.constant 0 : i32
      %dma_wait3A_341 = tpu.memref_slice %arg6[%dma_wait3A_333, %dma_wait3A_340] : memref<20x128xi32, #tpu.memory_space<vmem>> -> memref<1x128xi32, #tpu.memory_space<vmem>>
      %dma_wait3A_342 = tpu.memref_squeeze %dma_wait3A_341 : memref<1x128xi32, #tpu.memory_space<vmem>> -> memref<128xi32, #tpu.memory_space<vmem>>
      %dma_wait3A_343 = arith.constant 0 : i32
      %dma_wait3A_344 = arith.constant 0 : i32
      %dma_wait3A_345 = tpu.memref_slice %arg8[%dma_wait3A_343, %dma_wait3A_344] : memref<10000x64xf32, #tpu.memory_space<vmem_shared>> -> memref<10000x64xf32, #tpu.memory_space<vmem_shared>>
      %dma_wait3A_346 = tpu.memref_slice %arg9[%dma_wait3A_335] : memref<4x!tpu.dma_semaphore, #tpu.memory_space<semaphore_mem>> -> memref<1x!tpu.dma_semaphore, #tpu.memory_space<semaphore_mem>>
      %dma_wait3A_347 = tpu.memref_squeeze %dma_wait3A_346 : memref<1x!tpu.dma_semaphore, #tpu.memory_space<semaphore_mem>> -> memref<!tpu.dma_semaphore, #tpu.memory_space<semaphore_mem>>
      tpu.wait_indirect_dma semaphore(%dma_wait3A_347 : memref<!tpu.dma_semaphore, #tpu.memory_space<semaphore_mem>>) src(%dma_wait3A_345 : memref<10000x64xf32, #tpu.memory_space<vmem_shared>>) dst(%dma_wait3A_339 : memref<128x64xf32, #tpu.memory_space<vmem>>)
      %mul3A_348 = arith.constant 2 : i32
      %mul3A_349 = arith.muli %scan3A_292, %mul3A_348 : i32
      %add3A_350 = arith.constant 0 : i32
      %add3A_351 = arith.addi %mul3A_349, %add3A_350 : i32
      %mul3A_352 = arith.constant 10 : i32
      %mul3A_353 = arith.muli %add3A, %mul3A_352 : i32
      %add3A_354 = arith.addi %mul3A_353, %add3A_351 : i32
      %mul3A_355 = arith.constant 128 : i32
      %mul3A_356 = arith.muli %add3A_354, %mul3A_355 : i32
      %dma_start3A_357 = arith.constant 1 : i32
      %dma_start3A_358 = arith.constant 1 : i32
      %dma_start3A_359 = arith.constant 0 : i32
      %dma_start3A_360 = arith.constant 0 : i32
      %dma_start3A_361 = tpu.memref_slice %arg7[%dma_start3A_357, %dma_start3A_359, %dma_start3A_360] : memref<4x128x64xf32, #tpu.memory_space<vmem>> -> memref<1x128x64xf32, #tpu.memory_space<vmem>>
      %dma_start3A_362 = tpu.memref_squeeze %dma_start3A_361 : memref<1x128x64xf32, #tpu.memory_space<vmem>> -> memref<128x64xf32, #tpu.memory_space<vmem>>
      %dma_start3A_363 = arith.constant 64 : i32
      %dma_start3A_364 = tpu.memref_slice %arg4[%mul3A_356, %dma_start3A_363] : memref<40960x128xf32, #tpu.memory_space<hbm>> -> memref<128x64xf32, #tpu.memory_space<hbm>>
      %dma_start3A_365 = tpu.memref_slice %arg10[%dma_start3A_358] : memref<4x!tpu.dma_semaphore, #tpu.memory_space<semaphore_mem>> -> memref<1x!tpu.dma_semaphore, #tpu.memory_space<semaphore_mem>>
      %dma_start3A_366 = tpu.memref_squeeze %dma_start3A_365 : memref<1x!tpu.dma_semaphore, #tpu.memory_space<semaphore_mem>> -> memref<!tpu.dma_semaphore, #tpu.memory_space<semaphore_mem>>
      %dma_start3A_367 = arith.constant 64 : i32
      %dma_start3A_368 = tpu.memref_slice %arg4[%mul3A_356, %dma_start3A_367] : memref<40960x128xf32, #tpu.memory_space<hbm>> -> memref<128x64xf32, #tpu.memory_space<hbm>>
      %dma_start3A_369 = arith.constant 0 : i32
      %dma_start3A_370 = arith.constant 0 : i32
      %dma_start3A_371 = tpu.memref_slice %arg7[%dma_start3A_357, %dma_start3A_369, %dma_start3A_370] : memref<4x128x64xf32, #tpu.memory_space<vmem>> -> memref<1x128x64xf32, #tpu.memory_space<vmem>>
      %dma_start3A_372 = tpu.memref_squeeze %dma_start3A_371 : memref<1x128x64xf32, #tpu.memory_space<vmem>> -> memref<128x64xf32, #tpu.memory_space<vmem>>
      tpu.enqueue_dma source(%dma_start3A_372 : memref<128x64xf32, #tpu.memory_space<vmem>>) target(%dma_start3A_368 : memref<128x64xf32, #tpu.memory_space<hbm>>) target_semaphore(%dma_start3A_366 : memref<!tpu.dma_semaphore, #tpu.memory_space<semaphore_mem>>)
      %dma_wait3A_373 = arith.constant 0 : i32
      %dma_wait3A_374 = arith.constant 2 : i32
      %dma_wait3A_375 = arith.constant 2 : i32
      %dma_wait3A_376 = arith.constant 0 : i32
      %dma_wait3A_377 = arith.constant 0 : i32
      %dma_wait3A_378 = tpu.memref_slice %arg7[%dma_wait3A_374, %dma_wait3A_376, %dma_wait3A_377] : memref<4x128x64xf32, #tpu.memory_space<vmem>> -> memref<1x128x64xf32, #tpu.memory_space<vmem>>
      %dma_wait3A_379 = tpu.memref_squeeze %dma_wait3A_378 : memref<1x128x64xf32, #tpu.memory_space<vmem>> -> memref<128x64xf32, #tpu.memory_space<vmem>>
      %dma_wait3A_380 = arith.constant 0 : i32
      %dma_wait3A_381 = tpu.memref_slice %arg6[%dma_wait3A_373, %dma_wait3A_380] : memref<20x128xi32, #tpu.memory_space<vmem>> -> memref<1x128xi32, #tpu.memory_space<vmem>>
      %dma_wait3A_382 = tpu.memref_squeeze %dma_wait3A_381 : memref<1x128xi32, #tpu.memory_space<vmem>> -> memref<128xi32, #tpu.memory_space<vmem>>
      %dma_wait3A_383 = arith.constant 0 : i32
      %dma_wait3A_384 = arith.constant 0 : i32
      %dma_wait3A_385 = tpu.memref_slice %arg8[%dma_wait3A_383, %dma_wait3A_384] : memref<10000x64xf32, #tpu.memory_space<vmem_shared>> -> memref<10000x64xf32, #tpu.memory_space<vmem_shared>>
      %dma_wait3A_386 = tpu.memref_slice %arg9[%dma_wait3A_375] : memref<4x!tpu.dma_semaphore, #tpu.memory_space<semaphore_mem>> -> memref<1x!tpu.dma_semaphore, #tpu.memory_space<semaphore_mem>>
      %dma_wait3A_387 = tpu.memref_squeeze %dma_wait3A_386 : memref<1x!tpu.dma_semaphore, #tpu.memory_space<semaphore_mem>> -> memref<!tpu.dma_semaphore, #tpu.memory_space<semaphore_mem>>
      tpu.wait_indirect_dma semaphore(%dma_wait3A_387 : memref<!tpu.dma_semaphore, #tpu.memory_space<semaphore_mem>>) src(%dma_wait3A_385 : memref<10000x64xf32, #tpu.memory_space<vmem_shared>>) dst(%dma_wait3A_379 : memref<128x64xf32, #tpu.memory_space<vmem>>)
      %mul3A_388 = arith.constant 2 : i32
      %mul3A_389 = arith.muli %scan3A_292, %mul3A_388 : i32
      %add3A_390 = arith.constant 1 : i32
      %add3A_391 = arith.addi %mul3A_389, %add3A_390 : i32
      %mul3A_392 = arith.constant 10 : i32
      %mul3A_393 = arith.muli %add3A, %mul3A_392 : i32
      %add3A_394 = arith.addi %mul3A_393, %add3A_391 : i32
      %mul3A_395 = arith.constant 128 : i32
      %mul3A_396 = arith.muli %add3A_394, %mul3A_395 : i32
      %dma_start3A_397 = arith.constant 2 : i32
      %dma_start3A_398 = arith.constant 2 : i32
      %dma_start3A_399 = arith.constant 0 : i32
      %dma_start3A_400 = arith.constant 0 : i32
      %dma_start3A_401 = tpu.memref_slice %arg7[%dma_start3A_397, %dma_start3A_399, %dma_start3A_400] : memref<4x128x64xf32, #tpu.memory_space<vmem>> -> memref<1x128x64xf32, #tpu.memory_space<vmem>>
      %dma_start3A_402 = tpu.memref_squeeze %dma_start3A_401 : memref<1x128x64xf32, #tpu.memory_space<vmem>> -> memref<128x64xf32, #tpu.memory_space<vmem>>
      %dma_start3A_403 = arith.constant 0 : i32
      %dma_start3A_404 = tpu.memref_slice %arg4[%mul3A_396, %dma_start3A_403] : memref<40960x128xf32, #tpu.memory_space<hbm>> -> memref<128x64xf32, #tpu.memory_space<hbm>>
      %dma_start3A_405 = tpu.memref_slice %arg10[%dma_start3A_398] : memref<4x!tpu.dma_semaphore, #tpu.memory_space<semaphore_mem>> -> memref<1x!tpu.dma_semaphore, #tpu.memory_space<semaphore_mem>>
      %dma_start3A_406 = tpu.memref_squeeze %dma_start3A_405 : memref<1x!tpu.dma_semaphore, #tpu.memory_space<semaphore_mem>> -> memref<!tpu.dma_semaphore, #tpu.memory_space<semaphore_mem>>
      %dma_start3A_407 = arith.constant 0 : i32
      %dma_start3A_408 = tpu.memref_slice %arg4[%mul3A_396, %dma_start3A_407] : memref<40960x128xf32, #tpu.memory_space<hbm>> -> memref<128x64xf32, #tpu.memory_space<hbm>>
      %dma_start3A_409 = arith.constant 0 : i32
      %dma_start3A_410 = arith.constant 0 : i32
      %dma_start3A_411 = tpu.memref_slice %arg7[%dma_start3A_397, %dma_start3A_409, %dma_start3A_410] : memref<4x128x64xf32, #tpu.memory_space<vmem>> -> memref<1x128x64xf32, #tpu.memory_space<vmem>>
      %dma_start3A_412 = tpu.memref_squeeze %dma_start3A_411 : memref<1x128x64xf32, #tpu.memory_space<vmem>> -> memref<128x64xf32, #tpu.memory_space<vmem>>
      tpu.enqueue_dma source(%dma_start3A_412 : memref<128x64xf32, #tpu.memory_space<vmem>>) target(%dma_start3A_408 : memref<128x64xf32, #tpu.memory_space<hbm>>) target_semaphore(%dma_start3A_406 : memref<!tpu.dma_semaphore, #tpu.memory_space<semaphore_mem>>)
      %dma_wait3A_413 = arith.constant 0 : i32
      %dma_wait3A_414 = arith.constant 3 : i32
      %dma_wait3A_415 = arith.constant 3 : i32
      %dma_wait3A_416 = arith.constant 0 : i32
      %dma_wait3A_417 = arith.constant 0 : i32
      %dma_wait3A_418 = tpu.memref_slice %arg7[%dma_wait3A_414, %dma_wait3A_416, %dma_wait3A_417] : memref<4x128x64xf32, #tpu.memory_space<vmem>> -> memref<1x128x64xf32, #tpu.memory_space<vmem>>
      %dma_wait3A_419 = tpu.memref_squeeze %dma_wait3A_418 : memref<1x128x64xf32, #tpu.memory_space<vmem>> -> memref<128x64xf32, #tpu.memory_space<vmem>>
      %dma_wait3A_420 = arith.constant 0 : i32
      %dma_wait3A_421 = tpu.memref_slice %arg6[%dma_wait3A_413, %dma_wait3A_420] : memref<20x128xi32, #tpu.memory_space<vmem>> -> memref<1x128xi32, #tpu.memory_space<vmem>>
      %dma_wait3A_422 = tpu.memref_squeeze %dma_wait3A_421 : memref<1x128xi32, #tpu.memory_space<vmem>> -> memref<128xi32, #tpu.memory_space<vmem>>
      %dma_wait3A_423 = arith.constant 0 : i32
      %dma_wait3A_424 = arith.constant 0 : i32
      %dma_wait3A_425 = tpu.memref_slice %arg8[%dma_wait3A_423, %dma_wait3A_424] : memref<10000x64xf32, #tpu.memory_space<vmem_shared>> -> memref<10000x64xf32, #tpu.memory_space<vmem_shared>>
      %dma_wait3A_426 = tpu.memref_slice %arg9[%dma_wait3A_415] : memref<4x!tpu.dma_semaphore, #tpu.memory_space<semaphore_mem>> -> memref<1x!tpu.dma_semaphore, #tpu.memory_space<semaphore_mem>>
      %dma_wait3A_427 = tpu.memref_squeeze %dma_wait3A_426 : memref<1x!tpu.dma_semaphore, #tpu.memory_space<semaphore_mem>> -> memref<!tpu.dma_semaphore, #tpu.memory_space<semaphore_mem>>
      tpu.wait_indirect_dma semaphore(%dma_wait3A_427 : memref<!tpu.dma_semaphore, #tpu.memory_space<semaphore_mem>>) src(%dma_wait3A_425 : memref<10000x64xf32, #tpu.memory_space<vmem_shared>>) dst(%dma_wait3A_419 : memref<128x64xf32, #tpu.memory_space<vmem>>)
      %mul3A_428 = arith.constant 2 : i32
      %mul3A_429 = arith.muli %scan3A_292, %mul3A_428 : i32
      %add3A_430 = arith.constant 1 : i32
      %add3A_431 = arith.addi %mul3A_429, %add3A_430 : i32
      %mul3A_432 = arith.constant 10 : i32
      %mul3A_433 = arith.muli %add3A, %mul3A_432 : i32
      %add3A_434 = arith.addi %mul3A_433, %add3A_431 : i32
      %mul3A_435 = arith.constant 128 : i32
      %mul3A_436 = arith.muli %add3A_434, %mul3A_435 : i32
      %dma_start3A_437 = arith.constant 3 : i32
      %dma_start3A_438 = arith.constant 3 : i32
      %dma_start3A_439 = arith.constant 0 : i32
      %dma_start3A_440 = arith.constant 0 : i32
      %dma_start3A_441 = tpu.memref_slice %arg7[%dma_start3A_437, %dma_start3A_439, %dma_start3A_440] : memref<4x128x64xf32, #tpu.memory_space<vmem>> -> memref<1x128x64xf32, #tpu.memory_space<vmem>>
      %dma_start3A_442 = tpu.memref_squeeze %dma_start3A_441 : memref<1x128x64xf32, #tpu.memory_space<vmem>> -> memref<128x64xf32, #tpu.memory_space<vmem>>
      %dma_start3A_443 = arith.constant 64 : i32
      %dma_start3A_444 = tpu.memref_slice %arg4[%mul3A_436, %dma_start3A_443] : memref<40960x128xf32, #tpu.memory_space<hbm>> -> memref<128x64xf32, #tpu.memory_space<hbm>>
      %dma_start3A_445 = tpu.memref_slice %arg10[%dma_start3A_438] : memref<4x!tpu.dma_semaphore, #tpu.memory_space<semaphore_mem>> -> memref<1x!tpu.dma_semaphore, #tpu.memory_space<semaphore_mem>>
      %dma_start3A_446 = tpu.memref_squeeze %dma_start3A_445 : memref<1x!tpu.dma_semaphore, #tpu.memory_space<semaphore_mem>> -> memref<!tpu.dma_semaphore, #tpu.memory_space<semaphore_mem>>
      %dma_start3A_447 = arith.constant 64 : i32
      %dma_start3A_448 = tpu.memref_slice %arg4[%mul3A_436, %dma_start3A_447] : memref<40960x128xf32, #tpu.memory_space<hbm>> -> memref<128x64xf32, #tpu.memory_space<hbm>>
      %dma_start3A_449 = arith.constant 0 : i32
      %dma_start3A_450 = arith.constant 0 : i32
      %dma_start3A_451 = tpu.memref_slice %arg7[%dma_start3A_437, %dma_start3A_449, %dma_start3A_450] : memref<4x128x64xf32, #tpu.memory_space<vmem>> -> memref<1x128x64xf32, #tpu.memory_space<vmem>>
      %dma_start3A_452 = tpu.memref_squeeze %dma_start3A_451 : memref<1x128x64xf32, #tpu.memory_space<vmem>> -> memref<128x64xf32, #tpu.memory_space<vmem>>
      tpu.enqueue_dma source(%dma_start3A_452 : memref<128x64xf32, #tpu.memory_space<vmem>>) target(%dma_start3A_448 : memref<128x64xf32, #tpu.memory_space<hbm>>) target_semaphore(%dma_start3A_446 : memref<!tpu.dma_semaphore, #tpu.memory_space<semaphore_mem>>)
      %dma_wait3A_453 = arith.constant 0 : i32
      %dma_wait3A_454 = arith.constant 0 : i32
      %dma_wait3A_455 = arith.constant 0 : i32
      %dma_wait3A_456 = arith.constant 0 : i32
      %dma_wait3A_457 = tpu.memref_slice %arg7[%dma_wait3A_453, %dma_wait3A_455, %dma_wait3A_456] : memref<4x128x64xf32, #tpu.memory_space<vmem>> -> memref<1x128x64xf32, #tpu.memory_space<vmem>>
      %dma_wait3A_458 = tpu.memref_squeeze %dma_wait3A_457 : memref<1x128x64xf32, #tpu.memory_space<vmem>> -> memref<128x64xf32, #tpu.memory_space<vmem>>
      %dma_wait3A_459 = arith.constant 0 : i32
      %dma_wait3A_460 = arith.constant 0 : i32
      %dma_wait3A_461 = tpu.memref_slice %arg4[%dma_wait3A_459, %dma_wait3A_460] : memref<40960x128xf32, #tpu.memory_space<hbm>> -> memref<128x64xf32, #tpu.memory_space<hbm>>
      %dma_wait3A_462 = tpu.memref_slice %arg10[%dma_wait3A_454] : memref<4x!tpu.dma_semaphore, #tpu.memory_space<semaphore_mem>> -> memref<1x!tpu.dma_semaphore, #tpu.memory_space<semaphore_mem>>
      %dma_wait3A_463 = tpu.memref_squeeze %dma_wait3A_462 : memref<1x!tpu.dma_semaphore, #tpu.memory_space<semaphore_mem>> -> memref<!tpu.dma_semaphore, #tpu.memory_space<semaphore_mem>>
      %dma_wait3A_464 = arith.constant 0 : i32
      %dma_wait3A_465 = arith.constant 0 : i32
      %dma_wait3A_466 = tpu.memref_slice %arg4[%dma_wait3A_464, %dma_wait3A_465] : memref<40960x128xf32, #tpu.memory_space<hbm>> -> memref<128x64xf32, #tpu.memory_space<hbm>>
      %dma_wait3A_467 = arith.constant 0 : i32
      %dma_wait3A_468 = arith.constant 0 : i32
      %dma_wait3A_469 = tpu.memref_slice %arg7[%dma_wait3A_453, %dma_wait3A_467, %dma_wait3A_468] : memref<4x128x64xf32, #tpu.memory_space<vmem>> -> memref<1x128x64xf32, #tpu.memory_space<vmem>>
      %dma_wait3A_470 = tpu.memref_squeeze %dma_wait3A_469 : memref<1x128x64xf32, #tpu.memory_space<vmem>> -> memref<128x64xf32, #tpu.memory_space<vmem>>
      tpu.wait_dma2 semaphore(%dma_wait3A_463 : memref<!tpu.dma_semaphore, #tpu.memory_space<semaphore_mem>>) src(%dma_wait3A_470 : memref<128x64xf32, #tpu.memory_space<vmem>>) dst(%dma_wait3A_466 : memref<128x64xf32, #tpu.memory_space<hbm>>)
      %add3A_471 = arith.constant 1 : i32
      %add3A_472 = arith.addi %scan3A_292, %add3A_471 : i32
      %mul3A_473 = arith.constant 4 : i32
      %mul3A_474 = arith.muli %add3A_472, %mul3A_473 : i32
      %add3A_475 = arith.constant 0 : i32
      %add3A_476 = arith.addi %mul3A_474, %add3A_475 : i32
      %dma_start3A_477 = arith.constant 0 : i32
      %dma_start3A_478 = arith.constant 0 : i32
      %dma_start3A_479 = arith.constant 0 : i32
      %dma_start3A_480 = arith.constant 0 : i32
      %dma_start3A_481 = tpu.memref_slice %arg7[%dma_start3A_477, %dma_start3A_479, %dma_start3A_480] : memref<4x128x64xf32, #tpu.memory_space<vmem>> -> memref<1x128x64xf32, #tpu.memory_space<vmem>>
      %dma_start3A_482 = tpu.memref_squeeze %dma_start3A_481 : memref<1x128x64xf32, #tpu.memory_space<vmem>> -> memref<128x64xf32, #tpu.memory_space<vmem>>
      %dma_start3A_483 = arith.constant 0 : i32
      %dma_start3A_484 = tpu.memref_slice %arg6[%add3A_476, %dma_start3A_483] : memref<20x128xi32, #tpu.memory_space<vmem>> -> memref<1x128xi32, #tpu.memory_space<vmem>>
      %dma_start3A_485 = tpu.memref_squeeze %dma_start3A_484 : memref<1x128xi32, #tpu.memory_space<vmem>> -> memref<128xi32, #tpu.memory_space<vmem>>
      %dma_start3A_486 = arith.constant 0 : i32
      %dma_start3A_487 = arith.constant 0 : i32
      %dma_start3A_488 = tpu.memref_slice %arg8[%dma_start3A_486, %dma_start3A_487] : memref<10000x64xf32, #tpu.memory_space<vmem_shared>> -> memref<10000x64xf32, #tpu.memory_space<vmem_shared>>
      %dma_start3A_489 = tpu.memref_slice %arg9[%dma_start3A_478] : memref<4x!tpu.dma_semaphore, #tpu.memory_space<semaphore_mem>> -> memref<1x!tpu.dma_semaphore, #tpu.memory_space<semaphore_mem>>
      %dma_start3A_490 = tpu.memref_squeeze %dma_start3A_489 : memref<1x!tpu.dma_semaphore, #tpu.memory_space<semaphore_mem>> -> memref<!tpu.dma_semaphore, #tpu.memory_space<semaphore_mem>>
      tpu.enqueue_indirect_dma source(%dma_start3A_488 : memref<10000x64xf32, #tpu.memory_space<vmem_shared>>) target(%dma_start3A_482 : memref<128x64xf32, #tpu.memory_space<vmem>>) offsets(%dma_start3A_485 : memref<128xi32, #tpu.memory_space<vmem>>) semaphore(%dma_start3A_490 : memref<!tpu.dma_semaphore, #tpu.memory_space<semaphore_mem>>)
      %dma_wait3A_491 = arith.constant 1 : i32
      %dma_wait3A_492 = arith.constant 1 : i32
      %dma_wait3A_493 = arith.constant 0 : i32
      %dma_wait3A_494 = arith.constant 0 : i32
      %dma_wait3A_495 = tpu.memref_slice %arg7[%dma_wait3A_491, %dma_wait3A_493, %dma_wait3A_494] : memref<4x128x64xf32, #tpu.memory_space<vmem>> -> memref<1x128x64xf32, #tpu.memory_space<vmem>>
      %dma_wait3A_496 = tpu.memref_squeeze %dma_wait3A_495 : memref<1x128x64xf32, #tpu.memory_space<vmem>> -> memref<128x64xf32, #tpu.memory_space<vmem>>
      %dma_wait3A_497 = arith.constant 0 : i32
      %dma_wait3A_498 = arith.constant 0 : i32
      %dma_wait3A_499 = tpu.memref_slice %arg4[%dma_wait3A_497, %dma_wait3A_498] : memref<40960x128xf32, #tpu.memory_space<hbm>> -> memref<128x64xf32, #tpu.memory_space<hbm>>
      %dma_wait3A_500 = tpu.memref_slice %arg10[%dma_wait3A_492] : memref<4x!tpu.dma_semaphore, #tpu.memory_space<semaphore_mem>> -> memref<1x!tpu.dma_semaphore, #tpu.memory_space<semaphore_mem>>
      %dma_wait3A_501 = tpu.memref_squeeze %dma_wait3A_500 : memref<1x!tpu.dma_semaphore, #tpu.memory_space<semaphore_mem>> -> memref<!tpu.dma_semaphore, #tpu.memory_space<semaphore_mem>>
      %dma_wait3A_502 = arith.constant 0 : i32
      %dma_wait3A_503 = arith.constant 0 : i32
      %dma_wait3A_504 = tpu.memref_slice %arg4[%dma_wait3A_502, %dma_wait3A_503] : memref<40960x128xf32, #tpu.memory_space<hbm>> -> memref<128x64xf32, #tpu.memory_space<hbm>>
      %dma_wait3A_505 = arith.constant 0 : i32
      %dma_wait3A_506 = arith.constant 0 : i32
      %dma_wait3A_507 = tpu.memref_slice %arg7[%dma_wait3A_491, %dma_wait3A_505, %dma_wait3A_506] : memref<4x128x64xf32, #tpu.memory_space<vmem>> -> memref<1x128x64xf32, #tpu.memory_space<vmem>>
      %dma_wait3A_508 = tpu.memref_squeeze %dma_wait3A_507 : memref<1x128x64xf32, #tpu.memory_space<vmem>> -> memref<128x64xf32, #tpu.memory_space<vmem>>
      tpu.wait_dma2 semaphore(%dma_wait3A_501 : memref<!tpu.dma_semaphore, #tpu.memory_space<semaphore_mem>>) src(%dma_wait3A_508 : memref<128x64xf32, #tpu.memory_space<vmem>>) dst(%dma_wait3A_504 : memref<128x64xf32, #tpu.memory_space<hbm>>)
      %add3A_509 = arith.constant 1 : i32
      %add3A_510 = arith.addi %scan3A_292, %add3A_509 : i32
      %mul3A_511 = arith.constant 4 : i32
      %mul3A_512 = arith.muli %add3A_510, %mul3A_511 : i32
      %add3A_513 = arith.constant 1 : i32
      %add3A_514 = arith.addi %mul3A_512, %add3A_513 : i32
      %dma_start3A_515 = arith.constant 1 : i32
      %dma_start3A_516 = arith.constant 1 : i32
      %dma_start3A_517 = arith.constant 0 : i32
      %dma_start3A_518 = arith.constant 0 : i32
      %dma_start3A_519 = tpu.memref_slice %arg7[%dma_start3A_515, %dma_start3A_517, %dma_start3A_518] : memref<4x128x64xf32, #tpu.memory_space<vmem>> -> memref<1x128x64xf32, #tpu.memory_space<vmem>>
      %dma_start3A_520 = tpu.memref_squeeze %dma_start3A_519 : memref<1x128x64xf32, #tpu.memory_space<vmem>> -> memref<128x64xf32, #tpu.memory_space<vmem>>
      %dma_start3A_521 = arith.constant 0 : i32
      %dma_start3A_522 = tpu.memref_slice %arg6[%add3A_514, %dma_start3A_521] : memref<20x128xi32, #tpu.memory_space<vmem>> -> memref<1x128xi32, #tpu.memory_space<vmem>>
      %dma_start3A_523 = tpu.memref_squeeze %dma_start3A_522 : memref<1x128xi32, #tpu.memory_space<vmem>> -> memref<128xi32, #tpu.memory_space<vmem>>
      %dma_start3A_524 = arith.constant 0 : i32
      %dma_start3A_525 = arith.constant 0 : i32
      %dma_start3A_526 = tpu.memref_slice %arg8[%dma_start3A_524, %dma_start3A_525] : memref<10000x64xf32, #tpu.memory_space<vmem_shared>> -> memref<10000x64xf32, #tpu.memory_space<vmem_shared>>
      %dma_start3A_527 = tpu.memref_slice %arg9[%dma_start3A_516] : memref<4x!tpu.dma_semaphore, #tpu.memory_space<semaphore_mem>> -> memref<1x!tpu.dma_semaphore, #tpu.memory_space<semaphore_mem>>
      %dma_start3A_528 = tpu.memref_squeeze %dma_start3A_527 : memref<1x!tpu.dma_semaphore, #tpu.memory_space<semaphore_mem>> -> memref<!tpu.dma_semaphore, #tpu.memory_space<semaphore_mem>>
      tpu.enqueue_indirect_dma source(%dma_start3A_526 : memref<10000x64xf32, #tpu.memory_space<vmem_shared>>) target(%dma_start3A_520 : memref<128x64xf32, #tpu.memory_space<vmem>>) offsets(%dma_start3A_523 : memref<128xi32, #tpu.memory_space<vmem>>) semaphore(%dma_start3A_528 : memref<!tpu.dma_semaphore, #tpu.memory_space<semaphore_mem>>)
      %dma_wait3A_529 = arith.constant 2 : i32
      %dma_wait3A_530 = arith.constant 2 : i32
      %dma_wait3A_531 = arith.constant 0 : i32
      %dma_wait3A_532 = arith.constant 0 : i32
      %dma_wait3A_533 = tpu.memref_slice %arg7[%dma_wait3A_529, %dma_wait3A_531, %dma_wait3A_532] : memref<4x128x64xf32, #tpu.memory_space<vmem>> -> memref<1x128x64xf32, #tpu.memory_space<vmem>>
      %dma_wait3A_534 = tpu.memref_squeeze %dma_wait3A_533 : memref<1x128x64xf32, #tpu.memory_space<vmem>> -> memref<128x64xf32, #tpu.memory_space<vmem>>
      %dma_wait3A_535 = arith.constant 0 : i32
      %dma_wait3A_536 = arith.constant 0 : i32
      %dma_wait3A_537 = tpu.memref_slice %arg4[%dma_wait3A_535, %dma_wait3A_536] : memref<40960x128xf32, #tpu.memory_space<hbm>> -> memref<128x64xf32, #tpu.memory_space<hbm>>
      %dma_wait3A_538 = tpu.memref_slice %arg10[%dma_wait3A_530] : memref<4x!tpu.dma_semaphore, #tpu.memory_space<semaphore_mem>> -> memref<1x!tpu.dma_semaphore, #tpu.memory_space<semaphore_mem>>
      %dma_wait3A_539 = tpu.memref_squeeze %dma_wait3A_538 : memref<1x!tpu.dma_semaphore, #tpu.memory_space<semaphore_mem>> -> memref<!tpu.dma_semaphore, #tpu.memory_space<semaphore_mem>>
      %dma_wait3A_540 = arith.constant 0 : i32
      %dma_wait3A_541 = arith.constant 0 : i32
      %dma_wait3A_542 = tpu.memref_slice %arg4[%dma_wait3A_540, %dma_wait3A_541] : memref<40960x128xf32, #tpu.memory_space<hbm>> -> memref<128x64xf32, #tpu.memory_space<hbm>>
      %dma_wait3A_543 = arith.constant 0 : i32
      %dma_wait3A_544 = arith.constant 0 : i32
      %dma_wait3A_545 = tpu.memref_slice %arg7[%dma_wait3A_529, %dma_wait3A_543, %dma_wait3A_544] : memref<4x128x64xf32, #tpu.memory_space<vmem>> -> memref<1x128x64xf32, #tpu.memory_space<vmem>>
      %dma_wait3A_546 = tpu.memref_squeeze %dma_wait3A_545 : memref<1x128x64xf32, #tpu.memory_space<vmem>> -> memref<128x64xf32, #tpu.memory_space<vmem>>
      tpu.wait_dma2 semaphore(%dma_wait3A_539 : memref<!tpu.dma_semaphore, #tpu.memory_space<semaphore_mem>>) src(%dma_wait3A_546 : memref<128x64xf32, #tpu.memory_space<vmem>>) dst(%dma_wait3A_542 : memref<128x64xf32, #tpu.memory_space<hbm>>)
      %add3A_547 = arith.constant 1 : i32
      %add3A_548 = arith.addi %scan3A_292, %add3A_547 : i32
      %mul3A_549 = arith.constant 4 : i32
      %mul3A_550 = arith.muli %add3A_548, %mul3A_549 : i32
      %add3A_551 = arith.constant 2 : i32
      %add3A_552 = arith.addi %mul3A_550, %add3A_551 : i32
      %dma_start3A_553 = arith.constant 2 : i32
      %dma_start3A_554 = arith.constant 2 : i32
      %dma_start3A_555 = arith.constant 0 : i32
      %dma_start3A_556 = arith.constant 0 : i32
      %dma_start3A_557 = tpu.memref_slice %arg7[%dma_start3A_553, %dma_start3A_555, %dma_start3A_556] : memref<4x128x64xf32, #tpu.memory_space<vmem>> -> memref<1x128x64xf32, #tpu.memory_space<vmem>>
      %dma_start3A_558 = tpu.memref_squeeze %dma_start3A_557 : memref<1x128x64xf32, #tpu.memory_space<vmem>> -> memref<128x64xf32, #tpu.memory_space<vmem>>
      %dma_start3A_559 = arith.constant 0 : i32
      %dma_start3A_560 = tpu.memref_slice %arg6[%add3A_552, %dma_start3A_559] : memref<20x128xi32, #tpu.memory_space<vmem>> -> memref<1x128xi32, #tpu.memory_space<vmem>>
      %dma_start3A_561 = tpu.memref_squeeze %dma_start3A_560 : memref<1x128xi32, #tpu.memory_space<vmem>> -> memref<128xi32, #tpu.memory_space<vmem>>
      %dma_start3A_562 = arith.constant 0 : i32
      %dma_start3A_563 = arith.constant 0 : i32
      %dma_start3A_564 = tpu.memref_slice %arg8[%dma_start3A_562, %dma_start3A_563] : memref<10000x64xf32, #tpu.memory_space<vmem_shared>> -> memref<10000x64xf32, #tpu.memory_space<vmem_shared>>
      %dma_start3A_565 = tpu.memref_slice %arg9[%dma_start3A_554] : memref<4x!tpu.dma_semaphore, #tpu.memory_space<semaphore_mem>> -> memref<1x!tpu.dma_semaphore, #tpu.memory_space<semaphore_mem>>
      %dma_start3A_566 = tpu.memref_squeeze %dma_start3A_565 : memref<1x!tpu.dma_semaphore, #tpu.memory_space<semaphore_mem>> -> memref<!tpu.dma_semaphore, #tpu.memory_space<semaphore_mem>>
      tpu.enqueue_indirect_dma source(%dma_start3A_564 : memref<10000x64xf32, #tpu.memory_space<vmem_shared>>) target(%dma_start3A_558 : memref<128x64xf32, #tpu.memory_space<vmem>>) offsets(%dma_start3A_561 : memref<128xi32, #tpu.memory_space<vmem>>) semaphore(%dma_start3A_566 : memref<!tpu.dma_semaphore, #tpu.memory_space<semaphore_mem>>)
      %dma_wait3A_567 = arith.constant 3 : i32
      %dma_wait3A_568 = arith.constant 3 : i32
      %dma_wait3A_569 = arith.constant 0 : i32
      %dma_wait3A_570 = arith.constant 0 : i32
      %dma_wait3A_571 = tpu.memref_slice %arg7[%dma_wait3A_567, %dma_wait3A_569, %dma_wait3A_570] : memref<4x128x64xf32, #tpu.memory_space<vmem>> -> memref<1x128x64xf32, #tpu.memory_space<vmem>>
      %dma_wait3A_572 = tpu.memref_squeeze %dma_wait3A_571 : memref<1x128x64xf32, #tpu.memory_space<vmem>> -> memref<128x64xf32, #tpu.memory_space<vmem>>
      %dma_wait3A_573 = arith.constant 0 : i32
      %dma_wait3A_574 = arith.constant 0 : i32
      %dma_wait3A_575 = tpu.memref_slice %arg4[%dma_wait3A_573, %dma_wait3A_574] : memref<40960x128xf32, #tpu.memory_space<hbm>> -> memref<128x64xf32, #tpu.memory_space<hbm>>
      %dma_wait3A_576 = tpu.memref_slice %arg10[%dma_wait3A_568] : memref<4x!tpu.dma_semaphore, #tpu.memory_space<semaphore_mem>> -> memref<1x!tpu.dma_semaphore, #tpu.memory_space<semaphore_mem>>
      %dma_wait3A_577 = tpu.memref_squeeze %dma_wait3A_576 : memref<1x!tpu.dma_semaphore, #tpu.memory_space<semaphore_mem>> -> memref<!tpu.dma_semaphore, #tpu.memory_space<semaphore_mem>>
      %dma_wait3A_578 = arith.constant 0 : i32
      %dma_wait3A_579 = arith.constant 0 : i32
      %dma_wait3A_580 = tpu.memref_slice %arg4[%dma_wait3A_578, %dma_wait3A_579] : memref<40960x128xf32, #tpu.memory_space<hbm>> -> memref<128x64xf32, #tpu.memory_space<hbm>>
      %dma_wait3A_581 = arith.constant 0 : i32
      %dma_wait3A_582 = arith.constant 0 : i32
      %dma_wait3A_583 = tpu.memref_slice %arg7[%dma_wait3A_567, %dma_wait3A_581, %dma_wait3A_582] : memref<4x128x64xf32, #tpu.memory_space<vmem>> -> memref<1x128x64xf32, #tpu.memory_space<vmem>>
      %dma_wait3A_584 = tpu.memref_squeeze %dma_wait3A_583 : memref<1x128x64xf32, #tpu.memory_space<vmem>> -> memref<128x64xf32, #tpu.memory_space<vmem>>
      tpu.wait_dma2 semaphore(%dma_wait3A_577 : memref<!tpu.dma_semaphore, #tpu.memory_space<semaphore_mem>>) src(%dma_wait3A_584 : memref<128x64xf32, #tpu.memory_space<vmem>>) dst(%dma_wait3A_580 : memref<128x64xf32, #tpu.memory_space<hbm>>)
      %add3A_585 = arith.constant 1 : i32
      %add3A_586 = arith.addi %scan3A_292, %add3A_585 : i32
      %mul3A_587 = arith.constant 4 : i32
      %mul3A_588 = arith.muli %add3A_586, %mul3A_587 : i32
      %add3A_589 = arith.constant 3 : i32
      %add3A_590 = arith.addi %mul3A_588, %add3A_589 : i32
      %dma_start3A_591 = arith.constant 3 : i32
      %dma_start3A_592 = arith.constant 3 : i32
      %dma_start3A_593 = arith.constant 0 : i32
      %dma_start3A_594 = arith.constant 0 : i32
      %dma_start3A_595 = tpu.memref_slice %arg7[%dma_start3A_591, %dma_start3A_593, %dma_start3A_594] : memref<4x128x64xf32, #tpu.memory_space<vmem>> -> memref<1x128x64xf32, #tpu.memory_space<vmem>>
      %dma_start3A_596 = tpu.memref_squeeze %dma_start3A_595 : memref<1x128x64xf32, #tpu.memory_space<vmem>> -> memref<128x64xf32, #tpu.memory_space<vmem>>
      %dma_start3A_597 = arith.constant 0 : i32
      %dma_start3A_598 = tpu.memref_slice %arg6[%add3A_590, %dma_start3A_597] : memref<20x128xi32, #tpu.memory_space<vmem>> -> memref<1x128xi32, #tpu.memory_space<vmem>>
      %dma_start3A_599 = tpu.memref_squeeze %dma_start3A_598 : memref<1x128xi32, #tpu.memory_space<vmem>> -> memref<128xi32, #tpu.memory_space<vmem>>
      %dma_start3A_600 = arith.constant 0 : i32
      %dma_start3A_601 = arith.constant 0 : i32
      %dma_start3A_602 = tpu.memref_slice %arg8[%dma_start3A_600, %dma_start3A_601] : memref<10000x64xf32, #tpu.memory_space<vmem_shared>> -> memref<10000x64xf32, #tpu.memory_space<vmem_shared>>
      %dma_start3A_603 = tpu.memref_slice %arg9[%dma_start3A_592] : memref<4x!tpu.dma_semaphore, #tpu.memory_space<semaphore_mem>> -> memref<1x!tpu.dma_semaphore, #tpu.memory_space<semaphore_mem>>
      %dma_start3A_604 = tpu.memref_squeeze %dma_start3A_603 : memref<1x!tpu.dma_semaphore, #tpu.memory_space<semaphore_mem>> -> memref<!tpu.dma_semaphore, #tpu.memory_space<semaphore_mem>>
      tpu.enqueue_indirect_dma source(%dma_start3A_602 : memref<10000x64xf32, #tpu.memory_space<vmem_shared>>) target(%dma_start3A_596 : memref<128x64xf32, #tpu.memory_space<vmem>>) offsets(%dma_start3A_599 : memref<128xi32, #tpu.memory_space<vmem>>) semaphore(%dma_start3A_604 : memref<!tpu.dma_semaphore, #tpu.memory_space<semaphore_mem>>)
    }
    %scan3A_72 = arith.constant 4 : i32
    %dma_wait3A = arith.constant 0 : i32
    %dma_wait3A_73 = arith.constant 0 : i32
    %dma_wait3A_74 = arith.constant 0 : i32
    %dma_wait3A_75 = arith.constant 0 : i32
    %dma_wait3A_76 = arith.constant 0 : i32
    %dma_wait3A_77 = tpu.memref_slice %arg7[%dma_wait3A_73, %dma_wait3A_75, %dma_wait3A_76] : memref<4x128x64xf32, #tpu.memory_space<vmem>> -> memref<1x128x64xf32, #tpu.memory_space<vmem>>
    %dma_wait3A_78 = tpu.memref_squeeze %dma_wait3A_77 : memref<1x128x64xf32, #tpu.memory_space<vmem>> -> memref<128x64xf32, #tpu.memory_space<vmem>>
    %dma_wait3A_79 = arith.constant 0 : i32
    %dma_wait3A_80 = tpu.memref_slice %arg6[%dma_wait3A, %dma_wait3A_79] : memref<20x128xi32, #tpu.memory_space<vmem>> -> memref<1x128xi32, #tpu.memory_space<vmem>>
    %dma_wait3A_81 = tpu.memref_squeeze %dma_wait3A_80 : memref<1x128xi32, #tpu.memory_space<vmem>> -> memref<128xi32, #tpu.memory_space<vmem>>
    %dma_wait3A_82 = arith.constant 0 : i32
    %dma_wait3A_83 = arith.constant 0 : i32
    %dma_wait3A_84 = tpu.memref_slice %arg8[%dma_wait3A_82, %dma_wait3A_83] : memref<10000x64xf32, #tpu.memory_space<vmem_shared>> -> memref<10000x64xf32, #tpu.memory_space<vmem_shared>>
    %dma_wait3A_85 = tpu.memref_slice %arg9[%dma_wait3A_74] : memref<4x!tpu.dma_semaphore, #tpu.memory_space<semaphore_mem>> -> memref<1x!tpu.dma_semaphore, #tpu.memory_space<semaphore_mem>>
    %dma_wait3A_86 = tpu.memref_squeeze %dma_wait3A_85 : memref<1x!tpu.dma_semaphore, #tpu.memory_space<semaphore_mem>> -> memref<!tpu.dma_semaphore, #tpu.memory_space<semaphore_mem>>
    tpu.wait_indirect_dma semaphore(%dma_wait3A_86 : memref<!tpu.dma_semaphore, #tpu.memory_space<semaphore_mem>>) src(%dma_wait3A_84 : memref<10000x64xf32, #tpu.memory_space<vmem_shared>>) dst(%dma_wait3A_78 : memref<128x64xf32, #tpu.memory_space<vmem>>)
    %mul3A_87 = arith.constant 10 : i32
    %mul3A_88 = arith.muli %add3A, %mul3A_87 : i32
    %add3A_89 = arith.constant 8 : i32
    %add3A_90 = arith.addi %mul3A_88, %add3A_89 : i32
    %mul3A_91 = arith.constant 128 : i32
    %mul3A_92 = arith.muli %add3A_90, %mul3A_91 : i32
    %dma_start3A_93 = arith.constant 0 : i32
    %dma_start3A_94 = arith.constant 0 : i32
    %dma_start3A_95 = arith.constant 0 : i32
    %dma_start3A_96 = arith.constant 0 : i32
    %dma_start3A_97 = tpu.memref_slice %arg7[%dma_start3A_93, %dma_start3A_95, %dma_start3A_96] : memref<4x128x64xf32, #tpu.memory_space<vmem>> -> memref<1x128x64xf32, #tpu.memory_space<vmem>>
    %dma_start3A_98 = tpu.memref_squeeze %dma_start3A_97 : memref<1x128x64xf32, #tpu.memory_space<vmem>> -> memref<128x64xf32, #tpu.memory_space<vmem>>
    %dma_start3A_99 = arith.constant 0 : i32
    %dma_start3A_100 = tpu.memref_slice %arg4[%mul3A_92, %dma_start3A_99] : memref<40960x128xf32, #tpu.memory_space<hbm>> -> memref<128x64xf32, #tpu.memory_space<hbm>>
    %dma_start3A_101 = tpu.memref_slice %arg10[%dma_start3A_94] : memref<4x!tpu.dma_semaphore, #tpu.memory_space<semaphore_mem>> -> memref<1x!tpu.dma_semaphore, #tpu.memory_space<semaphore_mem>>
    %dma_start3A_102 = tpu.memref_squeeze %dma_start3A_101 : memref<1x!tpu.dma_semaphore, #tpu.memory_space<semaphore_mem>> -> memref<!tpu.dma_semaphore, #tpu.memory_space<semaphore_mem>>
    %dma_start3A_103 = arith.constant 0 : i32
    %dma_start3A_104 = tpu.memref_slice %arg4[%mul3A_92, %dma_start3A_103] : memref<40960x128xf32, #tpu.memory_space<hbm>> -> memref<128x64xf32, #tpu.memory_space<hbm>>
    %dma_start3A_105 = arith.constant 0 : i32
    %dma_start3A_106 = arith.constant 0 : i32
    %dma_start3A_107 = tpu.memref_slice %arg7[%dma_start3A_93, %dma_start3A_105, %dma_start3A_106] : memref<4x128x64xf32, #tpu.memory_space<vmem>> -> memref<1x128x64xf32, #tpu.memory_space<vmem>>
    %dma_start3A_108 = tpu.memref_squeeze %dma_start3A_107 : memref<1x128x64xf32, #tpu.memory_space<vmem>> -> memref<128x64xf32, #tpu.memory_space<vmem>>
    tpu.enqueue_dma source(%dma_start3A_108 : memref<128x64xf32, #tpu.memory_space<vmem>>) target(%dma_start3A_104 : memref<128x64xf32, #tpu.memory_space<hbm>>) target_semaphore(%dma_start3A_102 : memref<!tpu.dma_semaphore, #tpu.memory_space<semaphore_mem>>)
    %dma_wait3A_109 = arith.constant 0 : i32
    %dma_wait3A_110 = arith.constant 1 : i32
    %dma_wait3A_111 = arith.constant 1 : i32
    %dma_wait3A_112 = arith.constant 0 : i32
    %dma_wait3A_113 = arith.constant 0 : i32
    %dma_wait3A_114 = tpu.memref_slice %arg7[%dma_wait3A_110, %dma_wait3A_112, %dma_wait3A_113] : memref<4x128x64xf32, #tpu.memory_space<vmem>> -> memref<1x128x64xf32, #tpu.memory_space<vmem>>
    %dma_wait3A_115 = tpu.memref_squeeze %dma_wait3A_114 : memref<1x128x64xf32, #tpu.memory_space<vmem>> -> memref<128x64xf32, #tpu.memory_space<vmem>>
    %dma_wait3A_116 = arith.constant 0 : i32
    %dma_wait3A_117 = tpu.memref_slice %arg6[%dma_wait3A_109, %dma_wait3A_116] : memref<20x128xi32, #tpu.memory_space<vmem>> -> memref<1x128xi32, #tpu.memory_space<vmem>>
    %dma_wait3A_118 = tpu.memref_squeeze %dma_wait3A_117 : memref<1x128xi32, #tpu.memory_space<vmem>> -> memref<128xi32, #tpu.memory_space<vmem>>
    %dma_wait3A_119 = arith.constant 0 : i32
    %dma_wait3A_120 = arith.constant 0 : i32
    %dma_wait3A_121 = tpu.memref_slice %arg8[%dma_wait3A_119, %dma_wait3A_120] : memref<10000x64xf32, #tpu.memory_space<vmem_shared>> -> memref<10000x64xf32, #tpu.memory_space<vmem_shared>>
    %dma_wait3A_122 = tpu.memref_slice %arg9[%dma_wait3A_111] : memref<4x!tpu.dma_semaphore, #tpu.memory_space<semaphore_mem>> -> memref<1x!tpu.dma_semaphore, #tpu.memory_space<semaphore_mem>>
    %dma_wait3A_123 = tpu.memref_squeeze %dma_wait3A_122 : memref<1x!tpu.dma_semaphore, #tpu.memory_space<semaphore_mem>> -> memref<!tpu.dma_semaphore, #tpu.memory_space<semaphore_mem>>
    tpu.wait_indirect_dma semaphore(%dma_wait3A_123 : memref<!tpu.dma_semaphore, #tpu.memory_space<semaphore_mem>>) src(%dma_wait3A_121 : memref<10000x64xf32, #tpu.memory_space<vmem_shared>>) dst(%dma_wait3A_115 : memref<128x64xf32, #tpu.memory_space<vmem>>)
    %mul3A_124 = arith.constant 10 : i32
    %mul3A_125 = arith.muli %add3A, %mul3A_124 : i32
    %add3A_126 = arith.constant 8 : i32
    %add3A_127 = arith.addi %mul3A_125, %add3A_126 : i32
    %mul3A_128 = arith.constant 128 : i32
    %mul3A_129 = arith.muli %add3A_127, %mul3A_128 : i32
    %dma_start3A_130 = arith.constant 1 : i32
    %dma_start3A_131 = arith.constant 1 : i32
    %dma_start3A_132 = arith.constant 0 : i32
    %dma_start3A_133 = arith.constant 0 : i32
    %dma_start3A_134 = tpu.memref_slice %arg7[%dma_start3A_130, %dma_start3A_132, %dma_start3A_133] : memref<4x128x64xf32, #tpu.memory_space<vmem>> -> memref<1x128x64xf32, #tpu.memory_space<vmem>>
    %dma_start3A_135 = tpu.memref_squeeze %dma_start3A_134 : memref<1x128x64xf32, #tpu.memory_space<vmem>> -> memref<128x64xf32, #tpu.memory_space<vmem>>
    %dma_start3A_136 = arith.constant 64 : i32
    %dma_start3A_137 = tpu.memref_slice %arg4[%mul3A_129, %dma_start3A_136] : memref<40960x128xf32, #tpu.memory_space<hbm>> -> memref<128x64xf32, #tpu.memory_space<hbm>>
    %dma_start3A_138 = tpu.memref_slice %arg10[%dma_start3A_131] : memref<4x!tpu.dma_semaphore, #tpu.memory_space<semaphore_mem>> -> memref<1x!tpu.dma_semaphore, #tpu.memory_space<semaphore_mem>>
    %dma_start3A_139 = tpu.memref_squeeze %dma_start3A_138 : memref<1x!tpu.dma_semaphore, #tpu.memory_space<semaphore_mem>> -> memref<!tpu.dma_semaphore, #tpu.memory_space<semaphore_mem>>
    %dma_start3A_140 = arith.constant 64 : i32
    %dma_start3A_141 = tpu.memref_slice %arg4[%mul3A_129, %dma_start3A_140] : memref<40960x128xf32, #tpu.memory_space<hbm>> -> memref<128x64xf32, #tpu.memory_space<hbm>>
    %dma_start3A_142 = arith.constant 0 : i32
    %dma_start3A_143 = arith.constant 0 : i32
    %dma_start3A_144 = tpu.memref_slice %arg7[%dma_start3A_130, %dma_start3A_142, %dma_start3A_143] : memref<4x128x64xf32, #tpu.memory_space<vmem>> -> memref<1x128x64xf32, #tpu.memory_space<vmem>>
    %dma_start3A_145 = tpu.memref_squeeze %dma_start3A_144 : memref<1x128x64xf32, #tpu.memory_space<vmem>> -> memref<128x64xf32, #tpu.memory_space<vmem>>
    tpu.enqueue_dma source(%dma_start3A_145 : memref<128x64xf32, #tpu.memory_space<vmem>>) target(%dma_start3A_141 : memref<128x64xf32, #tpu.memory_space<hbm>>) target_semaphore(%dma_start3A_139 : memref<!tpu.dma_semaphore, #tpu.memory_space<semaphore_mem>>)
    %dma_wait3A_146 = arith.constant 0 : i32
    %dma_wait3A_147 = arith.constant 2 : i32
    %dma_wait3A_148 = arith.constant 2 : i32
    %dma_wait3A_149 = arith.constant 0 : i32
    %dma_wait3A_150 = arith.constant 0 : i32
    %dma_wait3A_151 = tpu.memref_slice %arg7[%dma_wait3A_147, %dma_wait3A_149, %dma_wait3A_150] : memref<4x128x64xf32, #tpu.memory_space<vmem>> -> memref<1x128x64xf32, #tpu.memory_space<vmem>>
    %dma_wait3A_152 = tpu.memref_squeeze %dma_wait3A_151 : memref<1x128x64xf32, #tpu.memory_space<vmem>> -> memref<128x64xf32, #tpu.memory_space<vmem>>
    %dma_wait3A_153 = arith.constant 0 : i32
    %dma_wait3A_154 = tpu.memref_slice %arg6[%dma_wait3A_146, %dma_wait3A_153] : memref<20x128xi32, #tpu.memory_space<vmem>> -> memref<1x128xi32, #tpu.memory_space<vmem>>
    %dma_wait3A_155 = tpu.memref_squeeze %dma_wait3A_154 : memref<1x128xi32, #tpu.memory_space<vmem>> -> memref<128xi32, #tpu.memory_space<vmem>>
    %dma_wait3A_156 = arith.constant 0 : i32
    %dma_wait3A_157 = arith.constant 0 : i32
    %dma_wait3A_158 = tpu.memref_slice %arg8[%dma_wait3A_156, %dma_wait3A_157] : memref<10000x64xf32, #tpu.memory_space<vmem_shared>> -> memref<10000x64xf32, #tpu.memory_space<vmem_shared>>
    %dma_wait3A_159 = tpu.memref_slice %arg9[%dma_wait3A_148] : memref<4x!tpu.dma_semaphore, #tpu.memory_space<semaphore_mem>> -> memref<1x!tpu.dma_semaphore, #tpu.memory_space<semaphore_mem>>
    %dma_wait3A_160 = tpu.memref_squeeze %dma_wait3A_159 : memref<1x!tpu.dma_semaphore, #tpu.memory_space<semaphore_mem>> -> memref<!tpu.dma_semaphore, #tpu.memory_space<semaphore_mem>>
    tpu.wait_indirect_dma semaphore(%dma_wait3A_160 : memref<!tpu.dma_semaphore, #tpu.memory_space<semaphore_mem>>) src(%dma_wait3A_158 : memref<10000x64xf32, #tpu.memory_space<vmem_shared>>) dst(%dma_wait3A_152 : memref<128x64xf32, #tpu.memory_space<vmem>>)
    %mul3A_161 = arith.constant 10 : i32
    %mul3A_162 = arith.muli %add3A, %mul3A_161 : i32
    %add3A_163 = arith.constant 9 : i32
    %add3A_164 = arith.addi %mul3A_162, %add3A_163 : i32
    %mul3A_165 = arith.constant 128 : i32
    %mul3A_166 = arith.muli %add3A_164, %mul3A_165 : i32
    %dma_start3A_167 = arith.constant 2 : i32
    %dma_start3A_168 = arith.constant 2 : i32
    %dma_start3A_169 = arith.constant 0 : i32
    %dma_start3A_170 = arith.constant 0 : i32
    %dma_start3A_171 = tpu.memref_slice %arg7[%dma_start3A_167, %dma_start3A_169, %dma_start3A_170] : memref<4x128x64xf32, #tpu.memory_space<vmem>> -> memref<1x128x64xf32, #tpu.memory_space<vmem>>
    %dma_start3A_172 = tpu.memref_squeeze %dma_start3A_171 : memref<1x128x64xf32, #tpu.memory_space<vmem>> -> memref<128x64xf32, #tpu.memory_space<vmem>>
    %dma_start3A_173 = arith.constant 0 : i32
    %dma_start3A_174 = tpu.memref_slice %arg4[%mul3A_166, %dma_start3A_173] : memref<40960x128xf32, #tpu.memory_space<hbm>> -> memref<128x64xf32, #tpu.memory_space<hbm>>
    %dma_start3A_175 = tpu.memref_slice %arg10[%dma_start3A_168] : memref<4x!tpu.dma_semaphore, #tpu.memory_space<semaphore_mem>> -> memref<1x!tpu.dma_semaphore, #tpu.memory_space<semaphore_mem>>
    %dma_start3A_176 = tpu.memref_squeeze %dma_start3A_175 : memref<1x!tpu.dma_semaphore, #tpu.memory_space<semaphore_mem>> -> memref<!tpu.dma_semaphore, #tpu.memory_space<semaphore_mem>>
    %dma_start3A_177 = arith.constant 0 : i32
    %dma_start3A_178 = tpu.memref_slice %arg4[%mul3A_166, %dma_start3A_177] : memref<40960x128xf32, #tpu.memory_space<hbm>> -> memref<128x64xf32, #tpu.memory_space<hbm>>
    %dma_start3A_179 = arith.constant 0 : i32
    %dma_start3A_180 = arith.constant 0 : i32
    %dma_start3A_181 = tpu.memref_slice %arg7[%dma_start3A_167, %dma_start3A_179, %dma_start3A_180] : memref<4x128x64xf32, #tpu.memory_space<vmem>> -> memref<1x128x64xf32, #tpu.memory_space<vmem>>
    %dma_start3A_182 = tpu.memref_squeeze %dma_start3A_181 : memref<1x128x64xf32, #tpu.memory_space<vmem>> -> memref<128x64xf32, #tpu.memory_space<vmem>>
    tpu.enqueue_dma source(%dma_start3A_182 : memref<128x64xf32, #tpu.memory_space<vmem>>) target(%dma_start3A_178 : memref<128x64xf32, #tpu.memory_space<hbm>>) target_semaphore(%dma_start3A_176 : memref<!tpu.dma_semaphore, #tpu.memory_space<semaphore_mem>>)
    %dma_wait3A_183 = arith.constant 0 : i32
    %dma_wait3A_184 = arith.constant 3 : i32
    %dma_wait3A_185 = arith.constant 3 : i32
    %dma_wait3A_186 = arith.constant 0 : i32
    %dma_wait3A_187 = arith.constant 0 : i32
    %dma_wait3A_188 = tpu.memref_slice %arg7[%dma_wait3A_184, %dma_wait3A_186, %dma_wait3A_187] : memref<4x128x64xf32, #tpu.memory_space<vmem>> -> memref<1x128x64xf32, #tpu.memory_space<vmem>>
    %dma_wait3A_189 = tpu.memref_squeeze %dma_wait3A_188 : memref<1x128x64xf32, #tpu.memory_space<vmem>> -> memref<128x64xf32, #tpu.memory_space<vmem>>
    %dma_wait3A_190 = arith.constant 0 : i32
    %dma_wait3A_191 = tpu.memref_slice %arg6[%dma_wait3A_183, %dma_wait3A_190] : memref<20x128xi32, #tpu.memory_space<vmem>> -> memref<1x128xi32, #tpu.memory_space<vmem>>
    %dma_wait3A_192 = tpu.memref_squeeze %dma_wait3A_191 : memref<1x128xi32, #tpu.memory_space<vmem>> -> memref<128xi32, #tpu.memory_space<vmem>>
    %dma_wait3A_193 = arith.constant 0 : i32
    %dma_wait3A_194 = arith.constant 0 : i32
    %dma_wait3A_195 = tpu.memref_slice %arg8[%dma_wait3A_193, %dma_wait3A_194] : memref<10000x64xf32, #tpu.memory_space<vmem_shared>> -> memref<10000x64xf32, #tpu.memory_space<vmem_shared>>
    %dma_wait3A_196 = tpu.memref_slice %arg9[%dma_wait3A_185] : memref<4x!tpu.dma_semaphore, #tpu.memory_space<semaphore_mem>> -> memref<1x!tpu.dma_semaphore, #tpu.memory_space<semaphore_mem>>
    %dma_wait3A_197 = tpu.memref_squeeze %dma_wait3A_196 : memref<1x!tpu.dma_semaphore, #tpu.memory_space<semaphore_mem>> -> memref<!tpu.dma_semaphore, #tpu.memory_space<semaphore_mem>>
    tpu.wait_indirect_dma semaphore(%dma_wait3A_197 : memref<!tpu.dma_semaphore, #tpu.memory_space<semaphore_mem>>) src(%dma_wait3A_195 : memref<10000x64xf32, #tpu.memory_space<vmem_shared>>) dst(%dma_wait3A_189 : memref<128x64xf32, #tpu.memory_space<vmem>>)
    %mul3A_198 = arith.constant 10 : i32
    %mul3A_199 = arith.muli %add3A, %mul3A_198 : i32
    %add3A_200 = arith.constant 9 : i32
    %add3A_201 = arith.addi %mul3A_199, %add3A_200 : i32
    %mul3A_202 = arith.constant 128 : i32
    %mul3A_203 = arith.muli %add3A_201, %mul3A_202 : i32
    %dma_start3A_204 = arith.constant 3 : i32
    %dma_start3A_205 = arith.constant 3 : i32
    %dma_start3A_206 = arith.constant 0 : i32
    %dma_start3A_207 = arith.constant 0 : i32
    %dma_start3A_208 = tpu.memref_slice %arg7[%dma_start3A_204, %dma_start3A_206, %dma_start3A_207] : memref<4x128x64xf32, #tpu.memory_space<vmem>> -> memref<1x128x64xf32, #tpu.memory_space<vmem>>
    %dma_start3A_209 = tpu.memref_squeeze %dma_start3A_208 : memref<1x128x64xf32, #tpu.memory_space<vmem>> -> memref<128x64xf32, #tpu.memory_space<vmem>>
    %dma_start3A_210 = arith.constant 64 : i32
    %dma_start3A_211 = tpu.memref_slice %arg4[%mul3A_203, %dma_start3A_210] : memref<40960x128xf32, #tpu.memory_space<hbm>> -> memref<128x64xf32, #tpu.memory_space<hbm>>
    %dma_start3A_212 = tpu.memref_slice %arg10[%dma_start3A_205] : memref<4x!tpu.dma_semaphore, #tpu.memory_space<semaphore_mem>> -> memref<1x!tpu.dma_semaphore, #tpu.memory_space<semaphore_mem>>
    %dma_start3A_213 = tpu.memref_squeeze %dma_start3A_212 : memref<1x!tpu.dma_semaphore, #tpu.memory_space<semaphore_mem>> -> memref<!tpu.dma_semaphore, #tpu.memory_space<semaphore_mem>>
    %dma_start3A_214 = arith.constant 64 : i32
    %dma_start3A_215 = tpu.memref_slice %arg4[%mul3A_203, %dma_start3A_214] : memref<40960x128xf32, #tpu.memory_space<hbm>> -> memref<128x64xf32, #tpu.memory_space<hbm>>
    %dma_start3A_216 = arith.constant 0 : i32
    %dma_start3A_217 = arith.constant 0 : i32
    %dma_start3A_218 = tpu.memref_slice %arg7[%dma_start3A_204, %dma_start3A_216, %dma_start3A_217] : memref<4x128x64xf32, #tpu.memory_space<vmem>> -> memref<1x128x64xf32, #tpu.memory_space<vmem>>
    %dma_start3A_219 = tpu.memref_squeeze %dma_start3A_218 : memref<1x128x64xf32, #tpu.memory_space<vmem>> -> memref<128x64xf32, #tpu.memory_space<vmem>>
    tpu.enqueue_dma source(%dma_start3A_219 : memref<128x64xf32, #tpu.memory_space<vmem>>) target(%dma_start3A_215 : memref<128x64xf32, #tpu.memory_space<hbm>>) target_semaphore(%dma_start3A_213 : memref<!tpu.dma_semaphore, #tpu.memory_space<semaphore_mem>>)
    %dma_wait3A_220 = arith.constant 0 : i32
    %dma_wait3A_221 = arith.constant 0 : i32
    %dma_wait3A_222 = arith.constant 0 : i32
    %dma_wait3A_223 = arith.constant 0 : i32
    %dma_wait3A_224 = tpu.memref_slice %arg7[%dma_wait3A_220, %dma_wait3A_222, %dma_wait3A_223] : memref<4x128x64xf32, #tpu.memory_space<vmem>> -> memref<1x128x64xf32, #tpu.memory_space<vmem>>
    %dma_wait3A_225 = tpu.memref_squeeze %dma_wait3A_224 : memref<1x128x64xf32, #tpu.memory_space<vmem>> -> memref<128x64xf32, #tpu.memory_space<vmem>>
    %dma_wait3A_226 = arith.constant 0 : i32
    %dma_wait3A_227 = arith.constant 0 : i32
    %dma_wait3A_228 = tpu.memref_slice %arg4[%dma_wait3A_226, %dma_wait3A_227] : memref<40960x128xf32, #tpu.memory_space<hbm>> -> memref<128x64xf32, #tpu.memory_space<hbm>>
    %dma_wait3A_229 = tpu.memref_slice %arg10[%dma_wait3A_221] : memref<4x!tpu.dma_semaphore, #tpu.memory_space<semaphore_mem>> -> memref<1x!tpu.dma_semaphore, #tpu.memory_space<semaphore_mem>>
    %dma_wait3A_230 = tpu.memref_squeeze %dma_wait3A_229 : memref<1x!tpu.dma_semaphore, #tpu.memory_space<semaphore_mem>> -> memref<!tpu.dma_semaphore, #tpu.memory_space<semaphore_mem>>
    %dma_wait3A_231 = arith.constant 0 : i32
    %dma_wait3A_232 = arith.constant 0 : i32
    %dma_wait3A_233 = tpu.memref_slice %arg4[%dma_wait3A_231, %dma_wait3A_232] : memref<40960x128xf32, #tpu.memory_space<hbm>> -> memref<128x64xf32, #tpu.memory_space<hbm>>
    %dma_wait3A_234 = arith.constant 0 : i32
    %dma_wait3A_235 = arith.constant 0 : i32
    %dma_wait3A_236 = tpu.memref_slice %arg7[%dma_wait3A_220, %dma_wait3A_234, %dma_wait3A_235] : memref<4x128x64xf32, #tpu.memory_space<vmem>> -> memref<1x128x64xf32, #tpu.memory_space<vmem>>
    %dma_wait3A_237 = tpu.memref_squeeze %dma_wait3A_236 : memref<1x128x64xf32, #tpu.memory_space<vmem>> -> memref<128x64xf32, #tpu.memory_space<vmem>>
    tpu.wait_dma2 semaphore(%dma_wait3A_230 : memref<!tpu.dma_semaphore, #tpu.memory_space<semaphore_mem>>) src(%dma_wait3A_237 : memref<128x64xf32, #tpu.memory_space<vmem>>) dst(%dma_wait3A_233 : memref<128x64xf32, #tpu.memory_space<hbm>>)
    %dma_wait3A_238 = arith.constant 1 : i32
    %dma_wait3A_239 = arith.constant 1 : i32
    %dma_wait3A_240 = arith.constant 0 : i32
    %dma_wait3A_241 = arith.constant 0 : i32
    %dma_wait3A_242 = tpu.memref_slice %arg7[%dma_wait3A_238, %dma_wait3A_240, %dma_wait3A_241] : memref<4x128x64xf32, #tpu.memory_space<vmem>> -> memref<1x128x64xf32, #tpu.memory_space<vmem>>
    %dma_wait3A_243 = tpu.memref_squeeze %dma_wait3A_242 : memref<1x128x64xf32, #tpu.memory_space<vmem>> -> memref<128x64xf32, #tpu.memory_space<vmem>>
    %dma_wait3A_244 = arith.constant 0 : i32
    %dma_wait3A_245 = arith.constant 0 : i32
    %dma_wait3A_246 = tpu.memref_slice %arg4[%dma_wait3A_244, %dma_wait3A_245] : memref<40960x128xf32, #tpu.memory_space<hbm>> -> memref<128x64xf32, #tpu.memory_space<hbm>>
    %dma_wait3A_247 = tpu.memref_slice %arg10[%dma_wait3A_239] : memref<4x!tpu.dma_semaphore, #tpu.memory_space<semaphore_mem>> -> memref<1x!tpu.dma_semaphore, #tpu.memory_space<semaphore_mem>>
    %dma_wait3A_248 = tpu.memref_squeeze %dma_wait3A_247 : memref<1x!tpu.dma_semaphore, #tpu.memory_space<semaphore_mem>> -> memref<!tpu.dma_semaphore, #tpu.memory_space<semaphore_mem>>
    %dma_wait3A_249 = arith.constant 0 : i32
    %dma_wait3A_250 = arith.constant 0 : i32
    %dma_wait3A_251 = tpu.memref_slice %arg4[%dma_wait3A_249, %dma_wait3A_250] : memref<40960x128xf32, #tpu.memory_space<hbm>> -> memref<128x64xf32, #tpu.memory_space<hbm>>
    %dma_wait3A_252 = arith.constant 0 : i32
    %dma_wait3A_253 = arith.constant 0 : i32
    %dma_wait3A_254 = tpu.memref_slice %arg7[%dma_wait3A_238, %dma_wait3A_252, %dma_wait3A_253] : memref<4x128x64xf32, #tpu.memory_space<vmem>> -> memref<1x128x64xf32, #tpu.memory_space<vmem>>
    %dma_wait3A_255 = tpu.memref_squeeze %dma_wait3A_254 : memref<1x128x64xf32, #tpu.memory_space<vmem>> -> memref<128x64xf32, #tpu.memory_space<vmem>>
    tpu.wait_dma2 semaphore(%dma_wait3A_248 : memref<!tpu.dma_semaphore, #tpu.memory_space<semaphore_mem>>) src(%dma_wait3A_255 : memref<128x64xf32, #tpu.memory_space<vmem>>) dst(%dma_wait3A_251 : memref<128x64xf32, #tpu.memory_space<hbm>>)
    %dma_wait3A_256 = arith.constant 2 : i32
    %dma_wait3A_257 = arith.constant 2 : i32
    %dma_wait3A_258 = arith.constant 0 : i32
    %dma_wait3A_259 = arith.constant 0 : i32
    %dma_wait3A_260 = tpu.memref_slice %arg7[%dma_wait3A_256, %dma_wait3A_258, %dma_wait3A_259] : memref<4x128x64xf32, #tpu.memory_space<vmem>> -> memref<1x128x64xf32, #tpu.memory_space<vmem>>
    %dma_wait3A_261 = tpu.memref_squeeze %dma_wait3A_260 : memref<1x128x64xf32, #tpu.memory_space<vmem>> -> memref<128x64xf32, #tpu.memory_space<vmem>>
    %dma_wait3A_262 = arith.constant 0 : i32
    %dma_wait3A_263 = arith.constant 0 : i32
    %dma_wait3A_264 = tpu.memref_slice %arg4[%dma_wait3A_262, %dma_wait3A_263] : memref<40960x128xf32, #tpu.memory_space<hbm>> -> memref<128x64xf32, #tpu.memory_space<hbm>>
    %dma_wait3A_265 = tpu.memref_slice %arg10[%dma_wait3A_257] : memref<4x!tpu.dma_semaphore, #tpu.memory_space<semaphore_mem>> -> memref<1x!tpu.dma_semaphore, #tpu.memory_space<semaphore_mem>>
    %dma_wait3A_266 = tpu.memref_squeeze %dma_wait3A_265 : memref<1x!tpu.dma_semaphore, #tpu.memory_space<semaphore_mem>> -> memref<!tpu.dma_semaphore, #tpu.memory_space<semaphore_mem>>
    %dma_wait3A_267 = arith.constant 0 : i32
    %dma_wait3A_268 = arith.constant 0 : i32
    %dma_wait3A_269 = tpu.memref_slice %arg4[%dma_wait3A_267, %dma_wait3A_268] : memref<40960x128xf32, #tpu.memory_space<hbm>> -> memref<128x64xf32, #tpu.memory_space<hbm>>
    %dma_wait3A_270 = arith.constant 0 : i32
    %dma_wait3A_271 = arith.constant 0 : i32
    %dma_wait3A_272 = tpu.memref_slice %arg7[%dma_wait3A_256, %dma_wait3A_270, %dma_wait3A_271] : memref<4x128x64xf32, #tpu.memory_space<vmem>> -> memref<1x128x64xf32, #tpu.memory_space<vmem>>
    %dma_wait3A_273 = tpu.memref_squeeze %dma_wait3A_272 : memref<1x128x64xf32, #tpu.memory_space<vmem>> -> memref<128x64xf32, #tpu.memory_space<vmem>>
    tpu.wait_dma2 semaphore(%dma_wait3A_266 : memref<!tpu.dma_semaphore, #tpu.memory_space<semaphore_mem>>) src(%dma_wait3A_273 : memref<128x64xf32, #tpu.memory_space<vmem>>) dst(%dma_wait3A_269 : memref<128x64xf32, #tpu.memory_space<hbm>>)
    %dma_wait3A_274 = arith.constant 3 : i32
    %dma_wait3A_275 = arith.constant 3 : i32
    %dma_wait3A_276 = arith.constant 0 : i32
    %dma_wait3A_277 = arith.constant 0 : i32
    %dma_wait3A_278 = tpu.memref_slice %arg7[%dma_wait3A_274, %dma_wait3A_276, %dma_wait3A_277] : memref<4x128x64xf32, #tpu.memory_space<vmem>> -> memref<1x128x64xf32, #tpu.memory_space<vmem>>
    %dma_wait3A_279 = tpu.memref_squeeze %dma_wait3A_278 : memref<1x128x64xf32, #tpu.memory_space<vmem>> -> memref<128x64xf32, #tpu.memory_space<vmem>>
    %dma_wait3A_280 = arith.constant 0 : i32
    %dma_wait3A_281 = arith.constant 0 : i32
    %dma_wait3A_282 = tpu.memref_slice %arg4[%dma_wait3A_280, %dma_wait3A_281] : memref<40960x128xf32, #tpu.memory_space<hbm>> -> memref<128x64xf32, #tpu.memory_space<hbm>>
    %dma_wait3A_283 = tpu.memref_slice %arg10[%dma_wait3A_275] : memref<4x!tpu.dma_semaphore, #tpu.memory_space<semaphore_mem>> -> memref<1x!tpu.dma_semaphore, #tpu.memory_space<semaphore_mem>>
    %dma_wait3A_284 = tpu.memref_squeeze %dma_wait3A_283 : memref<1x!tpu.dma_semaphore, #tpu.memory_space<semaphore_mem>> -> memref<!tpu.dma_semaphore, #tpu.memory_space<semaphore_mem>>
    %dma_wait3A_285 = arith.constant 0 : i32
    %dma_wait3A_286 = arith.constant 0 : i32
    %dma_wait3A_287 = tpu.memref_slice %arg4[%dma_wait3A_285, %dma_wait3A_286] : memref<40960x128xf32, #tpu.memory_space<hbm>> -> memref<128x64xf32, #tpu.memory_space<hbm>>
    %dma_wait3A_288 = arith.constant 0 : i32
    %dma_wait3A_289 = arith.constant 0 : i32
    %dma_wait3A_290 = tpu.memref_slice %arg7[%dma_wait3A_274, %dma_wait3A_288, %dma_wait3A_289] : memref<4x128x64xf32, #tpu.memory_space<vmem>> -> memref<1x128x64xf32, #tpu.memory_space<vmem>>
    %dma_wait3A_291 = tpu.memref_squeeze %dma_wait3A_290 : memref<1x128x64xf32, #tpu.memory_space<vmem>> -> memref<128x64xf32, #tpu.memory_space<vmem>>
    tpu.wait_dma2 semaphore(%dma_wait3A_284 : memref<!tpu.dma_semaphore, #tpu.memory_space<semaphore_mem>>) src(%dma_wait3A_291 : memref<128x64xf32, #tpu.memory_space<vmem>>) dst(%dma_wait3A_287 : memref<128x64xf32, #tpu.memory_space<hbm>>)
    return
  }
}

module attributes {stable_mosaic.version = 14 : i64} {
  func.func @body(%arg0: i32, %arg1: memref<1024x128xf32, #tpu.memory_space<vmem>>, %arg2: memref<8192x128xf32, #tpu.memory_space<vmem>>, %arg3: memref<128x128xf32, #tpu.memory_space<vmem>>, %arg4: memref<1x128xf32, #tpu.memory_space<vmem>>, %arg5: memref<64x256xf32, #tpu.memory_space<vmem>>, %arg6: memref<1x256xf32, #tpu.memory_space<vmem>>, %arg7: memref<128x512xf32, #tpu.memory_space<vmem>>, %arg8: memref<256x256xf32, #tpu.memory_space<vmem>>, %arg9: memref<1x256xf32, #tpu.memory_space<vmem>>, %arg10: memref<256x256xf32, #tpu.memory_space<vmem>>, %arg11: memref<1x256xf32, #tpu.memory_space<vmem>>, %arg12: memref<1024x128xf32, #tpu.memory_space<vmem>>, %arg13: memref<1x1xf32, #tpu.memory_space<vmem>>) attributes {dimension_semantics = [#tpu.dimension_semantics<arbitrary>], iteration_bounds = array<i64: 5>, scalar_prefetch = 0 : i64, scratch_operands = 0 : i64, tpu.core_type = #tpu.core_type<tc>, window_params = [{transform_indices = @transform_0, window_bounds = array<i64: 1024, 128>}, {transform_indices = @transform_1, window_bounds = array<i64: 8192, 128>}, {pipeline_mode = #tpu.pipeline_mode<synchronous>, transform_indices = @transform_2, window_bounds = array<i64: 128, 128>}, {pipeline_mode = #tpu.pipeline_mode<synchronous>, transform_indices = @transform_3, window_bounds = array<i64: 1, 128>}, {pipeline_mode = #tpu.pipeline_mode<synchronous>, transform_indices = @transform_4, window_bounds = array<i64: 64, 256>}, {pipeline_mode = #tpu.pipeline_mode<synchronous>, transform_indices = @transform_5, window_bounds = array<i64: 1, 256>}, {pipeline_mode = #tpu.pipeline_mode<synchronous>, transform_indices = @transform_6, window_bounds = array<i64: 128, 512>}, {pipeline_mode = #tpu.pipeline_mode<synchronous>, transform_indices = @transform_7, window_bounds = array<i64: 256, 256>}, {pipeline_mode = #tpu.pipeline_mode<synchronous>, transform_indices = @transform_8, window_bounds = array<i64: 1, 256>}, {pipeline_mode = #tpu.pipeline_mode<synchronous>, transform_indices = @transform_9, window_bounds = array<i64: 256, 256>}, {pipeline_mode = #tpu.pipeline_mode<synchronous>, transform_indices = @transform_10, window_bounds = array<i64: 1, 256>}, {transform_indices = @transform_11, window_bounds = array<i64: 1024, 128>}, {pipeline_mode = #tpu.pipeline_mode<synchronous>, transform_indices = @transform_12, window_bounds = array<i64: 1, 1>}]} {
    %get3A = arith.constant 0 : index
    %get3A_0 = arith.constant 0 : index
    %get3A_1 = vector.load %arg1[%get3A, %get3A_0] : memref<1024x128xf32, #tpu.memory_space<vmem>>, vector<1024x128xf32>
    %get3A_2 = arith.constant 0 : index
    %get3A_3 = arith.constant 0 : index
    %get3A_4 = vector.load %arg3[%get3A_2, %get3A_3] : memref<128x128xf32, #tpu.memory_space<vmem>>, vector<128x128xf32>
    %dot_general3A = arith.constant dense<0.000000e+00> : vector<1024x128xf32>
    %dot_general3A_5 = tpu.matmul %get3A_1, %get3A_4, %dot_general3A {dimension_numbers = #tpu.dot_dimension_numbers<[1], [0], [0], [1], [0, 0, 1, 1], [], []>, transpose_lhs_hint = false} : vector<1024x128xf32>, vector<128x128xf32>, vector<1024x128xf32> -> vector<1024x128xf32>
    %get3A_6 = arith.constant 0 : index
    %get3A_7 = arith.constant 0 : index
    %get3A_8 = vector.load %arg4[%get3A_6, %get3A_7] : memref<1x128xf32, #tpu.memory_space<vmem>>, vector<1x128xf32>
    %add3A = vector.broadcast %get3A_8 : vector<1x128xf32> to vector<1024x128xf32>
    %add3A_9 = arith.addf %dot_general3A_5, %add3A : vector<1024x128xf32>
    %slice3A = vector.extract_strided_slice %add3A_9 {offsets = [0, 0], sizes = [1024, 64], strides = [1, 1]} : vector<1024x128xf32> to vector<1024x64xf32>
    %get3A_10 = arith.constant 0 : index
    %get3A_11 = arith.constant 0 : index
    %get3A_12 = vector.load %arg5[%get3A_10, %get3A_11] : memref<64x256xf32, #tpu.memory_space<vmem>>, vector<64x256xf32>
    %dot_general3A_13 = arith.constant dense<0.000000e+00> : vector<1024x256xf32>
    %dot_general3A_14 = tpu.matmul %slice3A, %get3A_12, %dot_general3A_13 {dimension_numbers = #tpu.dot_dimension_numbers<[1], [0], [0], [1], [0, 0, 1, 1], [], []>, transpose_lhs_hint = false} : vector<1024x64xf32>, vector<64x256xf32>, vector<1024x256xf32> -> vector<1024x256xf32>
    %get3A_15 = arith.constant 0 : index
    %get3A_16 = arith.constant 0 : index
    %get3A_17 = vector.load %arg6[%get3A_15, %get3A_16] : memref<1x256xf32, #tpu.memory_space<vmem>>, vector<1x256xf32>
    %add3A_18 = vector.broadcast %get3A_17 : vector<1x256xf32> to vector<1024x256xf32>
    %add3A_19 = arith.addf %dot_general3A_14, %add3A_18 : vector<1024x256xf32>
    %reshape3A = vector.shape_cast %add3A_19 : vector<1024x256xf32> to vector<64x16x256xf32>
    %reshape3A_20 = vector.shape_cast %add3A_9 : vector<1024x128xf32> to vector<64x16x128xf32>
    %get3A_21 = arith.constant 0 : index
    %get3A_22 = arith.constant 0 : index
    %get3A_23 = vector.load %arg2[%get3A_21, %get3A_22] : memref<8192x128xf32, #tpu.memory_space<vmem>>, vector<8192x128xf32>
    %get3A_24 = arith.constant 0 : index
    %get3A_25 = arith.constant 0 : index
    %get3A_26 = vector.load %arg7[%get3A_24, %get3A_25] : memref<128x512xf32, #tpu.memory_space<vmem>>, vector<128x512xf32>
    %dot_general3A_27 = arith.constant dense<0.000000e+00> : vector<8192x512xf32>
    %dot_general3A_28 = tpu.matmul %get3A_23, %get3A_26, %dot_general3A_27 {dimension_numbers = #tpu.dot_dimension_numbers<[1], [0], [0], [1], [0, 0, 1, 1], [], []>, transpose_lhs_hint = false} : vector<8192x128xf32>, vector<128x512xf32>, vector<8192x512xf32> -> vector<8192x512xf32>
    %mul3A = arith.constant 1024 : i32
    %mul3A_29 = arith.muli %arg0, %mul3A : i32
    %add3A_30 = arith.constant 5120 : i32
    %add3A_31 = arith.addi %add3A_30, %mul3A_29 : i32
    %iota3A = tpu.iota {dimensions = array<i32: 0>} : vector<64x8x1xi32>
    %mul3A_32 = arith.constant 16 : i32
    %mul3A_33 = vector.broadcast %mul3A_32 : i32 to vector<64x8x1xi32>
    %mul3A_34 = arith.muli %mul3A_33, %iota3A : vector<64x8x1xi32>
    %add3A_35 = vector.broadcast %add3A_31 : i32 to vector<64x8x1xi32>
    %add3A_36 = arith.addi %add3A_35, %mul3A_34 : vector<64x8x1xi32>
    %iota3A_37 = tpu.iota {dimensions = array<i32: 1>} : vector<64x8x1xi32>
    %add3A_38 = arith.addi %add3A_36, %iota3A_37 : vector<64x8x1xi32>
    %broadcast_in_dim3A = arith.constant 0.000000e+00 : f32
    %broadcast_in_dim3A_39 = vector.broadcast %broadcast_in_dim3A : f32 to vector<1x1xf32>
    %slice3A_40 = vector.extract_strided_slice %reshape3A {offsets = [0, 0, 0], sizes = [64, 8, 256], strides = [1, 1, 1]} : vector<64x16x256xf32> to vector<64x8x256xf32>
    %reshape3A_41 = vector.shape_cast %slice3A_40 : vector<64x8x256xf32> to vector<512x256xf32>
    %slice3A_42 = vector.extract_strided_slice %dot_general3A_28 {offsets = [0, 0], sizes = [8192, 256], strides = [1, 1]} : vector<8192x512xf32> to vector<8192x256xf32>
    %reshape3A_43 = vector.shape_cast %slice3A_42 : vector<8192x256xf32> to vector<512x16x256xf32>
    %broadcast_in_dim3A_44 = vector.shape_cast %reshape3A_41 : vector<512x256xf32> to vector<512x1x256xf32>
    %add3A_45 = vector.broadcast %broadcast_in_dim3A_44 : vector<512x1x256xf32> to vector<512x16x256xf32>
    %add3A_46 = arith.addf %reshape3A_43, %add3A_45 : vector<512x16x256xf32>
    %max3A = arith.constant 0.000000e+00 : f32
    %max3A_47 = vector.broadcast %max3A : f32 to vector<512x16x256xf32>
    %max3A_48 = arith.maximumf %add3A_46, %max3A_47 : vector<512x16x256xf32>
    %reshape3A_49 = vector.shape_cast %max3A_48 : vector<512x16x256xf32> to vector<8192x256xf32>
    %get3A_50 = arith.constant 0 : index
    %get3A_51 = arith.constant 0 : index
    %get3A_52 = vector.load %arg8[%get3A_50, %get3A_51] : memref<256x256xf32, #tpu.memory_space<vmem>>, vector<256x256xf32>
    %dot_general3A_53 = arith.constant dense<0.000000e+00> : vector<8192x256xf32>
    %dot_general3A_54 = tpu.matmul %reshape3A_49, %get3A_52, %dot_general3A_53 {dimension_numbers = #tpu.dot_dimension_numbers<[1], [0], [0], [1], [0, 0, 1, 1], [], []>, transpose_lhs_hint = false} : vector<8192x256xf32>, vector<256x256xf32>, vector<8192x256xf32> -> vector<8192x256xf32>
    %get3A_55 = arith.constant 0 : index
    %get3A_56 = arith.constant 0 : index
    %get3A_57 = vector.load %arg9[%get3A_55, %get3A_56] : memref<1x256xf32, #tpu.memory_space<vmem>>, vector<1x256xf32>
    %add3A_58 = vector.broadcast %get3A_57 : vector<1x256xf32> to vector<8192x256xf32>
    %add3A_59 = arith.addf %dot_general3A_54, %add3A_58 : vector<8192x256xf32>
    %max3A_60 = arith.constant 0.000000e+00 : f32
    %max3A_61 = vector.broadcast %max3A_60 : f32 to vector<8192x256xf32>
    %max3A_62 = arith.maximumf %add3A_59, %max3A_61 : vector<8192x256xf32>
    %reshape3A_63 = vector.shape_cast %max3A_62 : vector<8192x256xf32> to vector<512x16x256xf32>
    %reduce_max3A = arith.constant dense<0xFF800000> : vector<512x256xf32>
    %reduce_max3A_64 = vector.multi_reduction <maximumf>, %reshape3A_63, %reduce_max3A [1] : vector<512x16x256xf32> to vector<512x256xf32>
    %get3A_65 = arith.constant 0 : index
    %get3A_66 = arith.constant 0 : index
    %get3A_67 = vector.load %arg10[%get3A_65, %get3A_66] : memref<256x256xf32, #tpu.memory_space<vmem>>, vector<256x256xf32>
    %dot_general3A_68 = arith.constant dense<0.000000e+00> : vector<512x256xf32>
    %dot_general3A_69 = tpu.matmul %reduce_max3A_64, %get3A_67, %dot_general3A_68 {dimension_numbers = #tpu.dot_dimension_numbers<[1], [0], [0], [1], [0, 0, 1, 1], [], []>, transpose_lhs_hint = false} : vector<512x256xf32>, vector<256x256xf32>, vector<512x256xf32> -> vector<512x256xf32>
    %get3A_70 = arith.constant 0 : index
    %get3A_71 = arith.constant 0 : index
    %get3A_72 = vector.load %arg11[%get3A_70, %get3A_71] : memref<1x256xf32, #tpu.memory_space<vmem>>, vector<1x256xf32>
    %add3A_73 = vector.broadcast %get3A_72 : vector<1x256xf32> to vector<512x256xf32>
    %add3A_74 = arith.addf %dot_general3A_69, %add3A_73 : vector<512x256xf32>
    %slice3A_75 = vector.extract_strided_slice %add3A_74 {offsets = [0, 0], sizes = [512, 64], strides = [1, 1]} : vector<512x256xf32> to vector<512x64xf32>
    %div3A = arith.constant 1.900000e+00 : f32
    %div3A_76 = vector.broadcast %div3A : f32 to vector<512x64xf32>
    %div3A_77 = arith.divf %slice3A_75, %div3A_76 : vector<512x64xf32>
    %abs3A = math.absf %div3A_77 : vector<512x64xf32>
    %gt3A = arith.constant 1.000000e+00 : f32
    %gt3A_78 = vector.broadcast %gt3A : f32 to vector<512x64xf32>
    %gt3A_79 = arith.cmpf ogt, %abs3A, %gt3A_78 : vector<512x64xf32>
    %max3A_80 = arith.constant 1.000000e-30 : f32
    %max3A_81 = vector.broadcast %max3A_80 : f32 to vector<512x64xf32>
    %max3A_82 = arith.maximumf %abs3A, %max3A_81 : vector<512x64xf32>
    %div3A_83 = arith.constant 1.000000e+00 : f32
    %div3A_84 = vector.broadcast %div3A_83 : f32 to vector<512x64xf32>
    %div3A_85 = arith.divf %div3A_84, %max3A_82 : vector<512x64xf32>
    %select_n3A = arith.select %gt3A_79, %div3A_85, %abs3A : vector<512x64xi1>, vector<512x64xf32>
    %mul3A_86 = arith.mulf %select_n3A, %select_n3A : vector<512x64xf32>
    %add3A_87 = arith.constant 1.000000e+00 : f32
    %add3A_88 = vector.broadcast %add3A_87 : f32 to vector<512x64xf32>
    %add3A_89 = arith.addf %add3A_88, %mul3A_86 : vector<512x64xf32>
    %sqrt3A = math.sqrt %add3A_89 : vector<512x64xf32>
    %add3A_90 = arith.constant 1.000000e+00 : f32
    %add3A_91 = vector.broadcast %add3A_90 : f32 to vector<512x64xf32>
    %add3A_92 = arith.addf %add3A_91, %sqrt3A : vector<512x64xf32>
    %div3A_93 = arith.divf %select_n3A, %add3A_92 : vector<512x64xf32>
    %mul3A_94 = arith.mulf %div3A_93, %div3A_93 : vector<512x64xf32>
    %mul3A_95 = arith.constant 0.111111112 : f32
    %mul3A_96 = vector.broadcast %mul3A_95 : f32 to vector<512x64xf32>
    %mul3A_97 = arith.mulf %mul3A_94, %mul3A_96 : vector<512x64xf32>
    %add3A_98 = arith.constant -0.142857149 : f32
    %add3A_99 = vector.broadcast %add3A_98 : f32 to vector<512x64xf32>
    %add3A_100 = arith.addf %add3A_99, %mul3A_97 : vector<512x64xf32>
    %mul3A_101 = arith.mulf %mul3A_94, %add3A_100 : vector<512x64xf32>
    %add3A_102 = arith.constant 2.000000e-01 : f32
    %add3A_103 = vector.broadcast %add3A_102 : f32 to vector<512x64xf32>
    %add3A_104 = arith.addf %add3A_103, %mul3A_101 : vector<512x64xf32>
    %mul3A_105 = arith.mulf %mul3A_94, %add3A_104 : vector<512x64xf32>
    %add3A_106 = arith.constant -0.333333343 : f32
    %add3A_107 = vector.broadcast %add3A_106 : f32 to vector<512x64xf32>
    %add3A_108 = arith.addf %add3A_107, %mul3A_105 : vector<512x64xf32>
    %mul3A_109 = arith.mulf %mul3A_94, %add3A_108 : vector<512x64xf32>
    %add3A_110 = arith.constant 1.000000e+00 : f32
    %add3A_111 = vector.broadcast %add3A_110 : f32 to vector<512x64xf32>
    %add3A_112 = arith.addf %add3A_111, %mul3A_109 : vector<512x64xf32>
    %mul3A_113 = arith.mulf %div3A_93, %add3A_112 : vector<512x64xf32>
    %mul3A_114 = arith.constant 2.000000e+00 : f32
    %mul3A_115 = vector.broadcast %mul3A_114 : f32 to vector<512x64xf32>
    %mul3A_116 = arith.mulf %mul3A_115, %mul3A_113 : vector<512x64xf32>
    %sub3A = arith.constant 1.57079637 : f32
    %sub3A_117 = vector.broadcast %sub3A : f32 to vector<512x64xf32>
    %sub3A_118 = arith.subf %sub3A_117, %mul3A_116 : vector<512x64xf32>
    %select_n3A_119 = arith.select %gt3A_79, %sub3A_118, %mul3A_116 : vector<512x64xi1>, vector<512x64xf32>
    %sign3A = tpu.bitcast %div3A_77 : vector<512x64xf32> -> vector<512x64xi32>
    %sign3A_120 = arith.constant -2147483648 : i32
    %sign3A_121 = vector.broadcast %sign3A_120 : i32 to vector<512x64xi32>
    %sign3A_122 = arith.andi %sign3A, %sign3A_121 : vector<512x64xi32>
    %sign3A_123 = arith.constant 1065353216 : i32
    %sign3A_124 = vector.broadcast %sign3A_123 : i32 to vector<512x64xi32>
    %sign3A_125 = arith.ori %sign3A_124, %sign3A_122 : vector<512x64xi32>
    %sign3A_126 = tpu.bitcast %sign3A_125 : vector<512x64xi32> -> vector<512x64xf32>
    %sign3A_127 = math.absf %div3A_77 : vector<512x64xf32>
    %sign3A_128 = arith.constant 0.000000e+00 : f32
    %sign3A_129 = vector.broadcast %sign3A_128 : f32 to vector<512x64xf32>
    %sign3A_130 = arith.cmpf ogt, %sign3A_127, %sign3A_129 : vector<512x64xf32>
    %sign3A_131 = arith.select %sign3A_130, %sign3A_126, %div3A_77 : vector<512x64xi1>, vector<512x64xf32>
    %mul3A_132 = arith.mulf %sign3A_131, %select_n3A_119 : vector<512x64xf32>
    %mul3A_133 = arith.constant 1.208400e+00 : f32
    %mul3A_134 = vector.broadcast %mul3A_133 : f32 to vector<512x64xf32>
    %mul3A_135 = arith.mulf %mul3A_134, %mul3A_132 : vector<512x64xf32>
    %slice3A_136 = vector.extract_strided_slice %add3A_74 {offsets = [0, 64], sizes = [512, 64], strides = [1, 1]} : vector<512x256xf32> to vector<512x64xf32>
    %slice3A_137 = vector.extract_strided_slice %add3A_74 {offsets = [0, 128], sizes = [512, 64], strides = [1, 1]} : vector<512x256xf32> to vector<512x64xf32>
    %div3A_138 = arith.constant 1.900000e+00 : f32
    %div3A_139 = vector.broadcast %div3A_138 : f32 to vector<512x64xf32>
    %div3A_140 = arith.divf %slice3A_137, %div3A_139 : vector<512x64xf32>
    %abs3A_141 = math.absf %div3A_140 : vector<512x64xf32>
    %gt3A_142 = arith.constant 1.000000e+00 : f32
    %gt3A_143 = vector.broadcast %gt3A_142 : f32 to vector<512x64xf32>
    %gt3A_144 = arith.cmpf ogt, %abs3A_141, %gt3A_143 : vector<512x64xf32>
    %max3A_145 = arith.constant 1.000000e-30 : f32
    %max3A_146 = vector.broadcast %max3A_145 : f32 to vector<512x64xf32>
    %max3A_147 = arith.maximumf %abs3A_141, %max3A_146 : vector<512x64xf32>
    %div3A_148 = arith.constant 1.000000e+00 : f32
    %div3A_149 = vector.broadcast %div3A_148 : f32 to vector<512x64xf32>
    %div3A_150 = arith.divf %div3A_149, %max3A_147 : vector<512x64xf32>
    %select_n3A_151 = arith.select %gt3A_144, %div3A_150, %abs3A_141 : vector<512x64xi1>, vector<512x64xf32>
    %mul3A_152 = arith.mulf %select_n3A_151, %select_n3A_151 : vector<512x64xf32>
    %add3A_153 = arith.constant 1.000000e+00 : f32
    %add3A_154 = vector.broadcast %add3A_153 : f32 to vector<512x64xf32>
    %add3A_155 = arith.addf %add3A_154, %mul3A_152 : vector<512x64xf32>
    %sqrt3A_156 = math.sqrt %add3A_155 : vector<512x64xf32>
    %add3A_157 = arith.constant 1.000000e+00 : f32
    %add3A_158 = vector.broadcast %add3A_157 : f32 to vector<512x64xf32>
    %add3A_159 = arith.addf %add3A_158, %sqrt3A_156 : vector<512x64xf32>
    %div3A_160 = arith.divf %select_n3A_151, %add3A_159 : vector<512x64xf32>
    %mul3A_161 = arith.mulf %div3A_160, %div3A_160 : vector<512x64xf32>
    %mul3A_162 = arith.constant 0.111111112 : f32
    %mul3A_163 = vector.broadcast %mul3A_162 : f32 to vector<512x64xf32>
    %mul3A_164 = arith.mulf %mul3A_161, %mul3A_163 : vector<512x64xf32>
    %add3A_165 = arith.constant -0.142857149 : f32
    %add3A_166 = vector.broadcast %add3A_165 : f32 to vector<512x64xf32>
    %add3A_167 = arith.addf %add3A_166, %mul3A_164 : vector<512x64xf32>
    %mul3A_168 = arith.mulf %mul3A_161, %add3A_167 : vector<512x64xf32>
    %add3A_169 = arith.constant 2.000000e-01 : f32
    %add3A_170 = vector.broadcast %add3A_169 : f32 to vector<512x64xf32>
    %add3A_171 = arith.addf %add3A_170, %mul3A_168 : vector<512x64xf32>
    %mul3A_172 = arith.mulf %mul3A_161, %add3A_171 : vector<512x64xf32>
    %add3A_173 = arith.constant -0.333333343 : f32
    %add3A_174 = vector.broadcast %add3A_173 : f32 to vector<512x64xf32>
    %add3A_175 = arith.addf %add3A_174, %mul3A_172 : vector<512x64xf32>
    %mul3A_176 = arith.mulf %mul3A_161, %add3A_175 : vector<512x64xf32>
    %add3A_177 = arith.constant 1.000000e+00 : f32
    %add3A_178 = vector.broadcast %add3A_177 : f32 to vector<512x64xf32>
    %add3A_179 = arith.addf %add3A_178, %mul3A_176 : vector<512x64xf32>
    %mul3A_180 = arith.mulf %div3A_160, %add3A_179 : vector<512x64xf32>
    %mul3A_181 = arith.constant 2.000000e+00 : f32
    %mul3A_182 = vector.broadcast %mul3A_181 : f32 to vector<512x64xf32>
    %mul3A_183 = arith.mulf %mul3A_182, %mul3A_180 : vector<512x64xf32>
    %sub3A_184 = arith.constant 1.57079637 : f32
    %sub3A_185 = vector.broadcast %sub3A_184 : f32 to vector<512x64xf32>
    %sub3A_186 = arith.subf %sub3A_185, %mul3A_183 : vector<512x64xf32>
    %select_n3A_187 = arith.select %gt3A_144, %sub3A_186, %mul3A_183 : vector<512x64xi1>, vector<512x64xf32>
    %sign3A_188 = tpu.bitcast %div3A_140 : vector<512x64xf32> -> vector<512x64xi32>
    %sign3A_189 = arith.constant -2147483648 : i32
    %sign3A_190 = vector.broadcast %sign3A_189 : i32 to vector<512x64xi32>
    %sign3A_191 = arith.andi %sign3A_188, %sign3A_190 : vector<512x64xi32>
    %sign3A_192 = arith.constant 1065353216 : i32
    %sign3A_193 = vector.broadcast %sign3A_192 : i32 to vector<512x64xi32>
    %sign3A_194 = arith.ori %sign3A_193, %sign3A_191 : vector<512x64xi32>
    %sign3A_195 = tpu.bitcast %sign3A_194 : vector<512x64xi32> -> vector<512x64xf32>
    %sign3A_196 = math.absf %div3A_140 : vector<512x64xf32>
    %sign3A_197 = arith.constant 0.000000e+00 : f32
    %sign3A_198 = vector.broadcast %sign3A_197 : f32 to vector<512x64xf32>
    %sign3A_199 = arith.cmpf ogt, %sign3A_196, %sign3A_198 : vector<512x64xf32>
    %sign3A_200 = arith.select %sign3A_199, %sign3A_195, %div3A_140 : vector<512x64xi1>, vector<512x64xf32>
    %mul3A_201 = arith.mulf %sign3A_200, %select_n3A_187 : vector<512x64xf32>
    %mul3A_202 = arith.constant 1.208400e+00 : f32
    %mul3A_203 = vector.broadcast %mul3A_202 : f32 to vector<512x64xf32>
    %mul3A_204 = arith.mulf %mul3A_203, %mul3A_201 : vector<512x64xf32>
    %slice3A_205 = vector.extract_strided_slice %add3A_74 {offsets = [0, 192], sizes = [512, 64], strides = [1, 1]} : vector<512x256xf32> to vector<512x64xf32>
    %slice3A_206 = vector.extract_strided_slice %reshape3A_20 {offsets = [0, 0, 0], sizes = [64, 8, 128], strides = [1, 1, 1]} : vector<64x16x128xf32> to vector<64x8x128xf32>
    %reshape3A_207 = vector.shape_cast %slice3A_206 : vector<64x8x128xf32> to vector<512x128xf32>
    %slice3A_208 = vector.extract_strided_slice %reshape3A_207 {offsets = [0, 64], sizes = [512, 64], strides = [1, 1]} : vector<512x128xf32> to vector<512x64xf32>
    %exp3A = math.exp %mul3A_135 : vector<512x64xf32>
    %mul3A_209 = arith.mulf %slice3A_208, %exp3A : vector<512x64xf32>
    %add3A_210 = arith.addf %mul3A_209, %slice3A_136 : vector<512x64xf32>
    %exp3A_211 = math.exp %mul3A_204 : vector<512x64xf32>
    %mul3A_212 = arith.mulf %add3A_210, %exp3A_211 : vector<512x64xf32>
    %add3A_213 = arith.addf %mul3A_212, %slice3A_205 : vector<512x64xf32>
    %slice3A_214 = vector.extract_strided_slice %reshape3A_207 {offsets = [0, 0], sizes = [512, 64], strides = [1, 1]} : vector<512x128xf32> to vector<512x64xf32>
    %concatenate3A = tpu.concatenate %slice3A_214, %add3A_213 in 1 : vector<512x64xf32>, vector<512x64xf32> -> vector<512x128xf32>
    %reshape3A_215 = vector.shape_cast %concatenate3A : vector<512x128xf32> to vector<64x8x128xf32>
    %add3A_216 = arith.constant 0 : i32
    %add3A_217 = vector.broadcast %add3A_216 : i32 to vector<64x8x1xi32>
    %add3A_218 = arith.addi %add3A_38, %add3A_217 : vector<64x8x1xi32>
    %lt3A = arith.constant 10000 : i32
    %lt3A_219 = vector.broadcast %lt3A : i32 to vector<64x8x1xi32>
    %lt3A_220 = arith.cmpi slt, %add3A_218, %lt3A_219 : vector<64x8x1xi32>
    %add3A_221 = arith.addf %mul3A_135, %mul3A_204 : vector<512x64xf32>
    %reshape3A_222 = vector.shape_cast %add3A_221 : vector<512x64xf32> to vector<64x8x64xf32>
    %jit3A = arith.constant 0.000000e+00 : f32
    %broadcast_in_dim3A_223 = vector.shape_cast %lt3A_220 : vector<64x8x1xi1> to vector<64x8x1xi1>
    %broadcast_in_dim3A_224 = vector.broadcast %broadcast_in_dim3A_223 : vector<64x8x1xi1> to vector<64x8x64xi1>
    %broadcast_in_dim3A_225 = vector.broadcast %jit3A : f32 to vector<64x8x64xf32>
    %select_n3A_226 = arith.select %broadcast_in_dim3A_224, %reshape3A_222, %broadcast_in_dim3A_225 : vector<64x8x64xi1>, vector<64x8x64xf32>
    %reduce_sum3A = vector.shape_cast %select_n3A_226 : vector<64x8x64xf32> to vector<1x64x8x64xf32>
    %reduce_sum3A_227 = arith.constant dense<0.000000e+00> : vector<1xf32>
    %reduce_sum3A_228 = vector.multi_reduction <add>, %reduce_sum3A, %reduce_sum3A_227 [1, 2, 3] : vector<1x64x8x64xf32> to vector<1xf32>
    %reduce_sum3A_229 = vector.shape_cast %reduce_sum3A_228 : vector<1xf32> to vector<1x1x1x1xf32>
    %reduce_sum3A_230 = vector.extract %reduce_sum3A_229[0, 0, 0, 0] : f32 from vector<1x1x1x1xf32>
    %reshape3A_231 = vector.broadcast %reduce_sum3A_230 : f32 to vector<1x1xf32>
    %add3A_232 = arith.addf %broadcast_in_dim3A_39, %reshape3A_231 : vector<1x1xf32>
    %slice3A_233 = vector.extract_strided_slice %reshape3A {offsets = [0, 8, 0], sizes = [64, 8, 256], strides = [1, 1, 1]} : vector<64x16x256xf32> to vector<64x8x256xf32>
    %reshape3A_234 = vector.shape_cast %slice3A_233 : vector<64x8x256xf32> to vector<512x256xf32>
    %slice3A_235 = vector.extract_strided_slice %dot_general3A_28 {offsets = [0, 256], sizes = [8192, 256], strides = [1, 1]} : vector<8192x512xf32> to vector<8192x256xf32>
    %reshape3A_236 = vector.shape_cast %slice3A_235 : vector<8192x256xf32> to vector<512x16x256xf32>
    %broadcast_in_dim3A_237 = vector.shape_cast %reshape3A_234 : vector<512x256xf32> to vector<512x1x256xf32>
    %add3A_238 = vector.broadcast %broadcast_in_dim3A_237 : vector<512x1x256xf32> to vector<512x16x256xf32>
    %add3A_239 = arith.addf %reshape3A_236, %add3A_238 : vector<512x16x256xf32>
    %max3A_240 = arith.constant 0.000000e+00 : f32
    %max3A_241 = vector.broadcast %max3A_240 : f32 to vector<512x16x256xf32>
    %max3A_242 = arith.maximumf %add3A_239, %max3A_241 : vector<512x16x256xf32>
    %reshape3A_243 = vector.shape_cast %max3A_242 : vector<512x16x256xf32> to vector<8192x256xf32>
    %get3A_244 = arith.constant 0 : index
    %get3A_245 = arith.constant 0 : index
    %get3A_246 = vector.load %arg8[%get3A_244, %get3A_245] : memref<256x256xf32, #tpu.memory_space<vmem>>, vector<256x256xf32>
    %dot_general3A_247 = arith.constant dense<0.000000e+00> : vector<8192x256xf32>
    %dot_general3A_248 = tpu.matmul %reshape3A_243, %get3A_246, %dot_general3A_247 {dimension_numbers = #tpu.dot_dimension_numbers<[1], [0], [0], [1], [0, 0, 1, 1], [], []>, transpose_lhs_hint = false} : vector<8192x256xf32>, vector<256x256xf32>, vector<8192x256xf32> -> vector<8192x256xf32>
    %get3A_249 = arith.constant 0 : index
    %get3A_250 = arith.constant 0 : index
    %get3A_251 = vector.load %arg9[%get3A_249, %get3A_250] : memref<1x256xf32, #tpu.memory_space<vmem>>, vector<1x256xf32>
    %add3A_252 = vector.broadcast %get3A_251 : vector<1x256xf32> to vector<8192x256xf32>
    %add3A_253 = arith.addf %dot_general3A_248, %add3A_252 : vector<8192x256xf32>
    %max3A_254 = arith.constant 0.000000e+00 : f32
    %max3A_255 = vector.broadcast %max3A_254 : f32 to vector<8192x256xf32>
    %max3A_256 = arith.maximumf %add3A_253, %max3A_255 : vector<8192x256xf32>
    %reshape3A_257 = vector.shape_cast %max3A_256 : vector<8192x256xf32> to vector<512x16x256xf32>
    %reduce_max3A_258 = arith.constant dense<0xFF800000> : vector<512x256xf32>
    %reduce_max3A_259 = vector.multi_reduction <maximumf>, %reshape3A_257, %reduce_max3A_258 [1] : vector<512x16x256xf32> to vector<512x256xf32>
    %get3A_260 = arith.constant 0 : index
    %get3A_261 = arith.constant 0 : index
    %get3A_262 = vector.load %arg10[%get3A_260, %get3A_261] : memref<256x256xf32, #tpu.memory_space<vmem>>, vector<256x256xf32>
    %dot_general3A_263 = arith.constant dense<0.000000e+00> : vector<512x256xf32>
    %dot_general3A_264 = tpu.matmul %reduce_max3A_259, %get3A_262, %dot_general3A_263 {dimension_numbers = #tpu.dot_dimension_numbers<[1], [0], [0], [1], [0, 0, 1, 1], [], []>, transpose_lhs_hint = false} : vector<512x256xf32>, vector<256x256xf32>, vector<512x256xf32> -> vector<512x256xf32>
    %get3A_265 = arith.constant 0 : index
    %get3A_266 = arith.constant 0 : index
    %get3A_267 = vector.load %arg11[%get3A_265, %get3A_266] : memref<1x256xf32, #tpu.memory_space<vmem>>, vector<1x256xf32>
    %add3A_268 = vector.broadcast %get3A_267 : vector<1x256xf32> to vector<512x256xf32>
    %add3A_269 = arith.addf %dot_general3A_264, %add3A_268 : vector<512x256xf32>
    %slice3A_270 = vector.extract_strided_slice %add3A_269 {offsets = [0, 0], sizes = [512, 64], strides = [1, 1]} : vector<512x256xf32> to vector<512x64xf32>
    %div3A_271 = arith.constant 1.900000e+00 : f32
    %div3A_272 = vector.broadcast %div3A_271 : f32 to vector<512x64xf32>
    %div3A_273 = arith.divf %slice3A_270, %div3A_272 : vector<512x64xf32>
    %abs3A_274 = math.absf %div3A_273 : vector<512x64xf32>
    %gt3A_275 = arith.constant 1.000000e+00 : f32
    %gt3A_276 = vector.broadcast %gt3A_275 : f32 to vector<512x64xf32>
    %gt3A_277 = arith.cmpf ogt, %abs3A_274, %gt3A_276 : vector<512x64xf32>
    %max3A_278 = arith.constant 1.000000e-30 : f32
    %max3A_279 = vector.broadcast %max3A_278 : f32 to vector<512x64xf32>
    %max3A_280 = arith.maximumf %abs3A_274, %max3A_279 : vector<512x64xf32>
    %div3A_281 = arith.constant 1.000000e+00 : f32
    %div3A_282 = vector.broadcast %div3A_281 : f32 to vector<512x64xf32>
    %div3A_283 = arith.divf %div3A_282, %max3A_280 : vector<512x64xf32>
    %select_n3A_284 = arith.select %gt3A_277, %div3A_283, %abs3A_274 : vector<512x64xi1>, vector<512x64xf32>
    %mul3A_285 = arith.mulf %select_n3A_284, %select_n3A_284 : vector<512x64xf32>
    %add3A_286 = arith.constant 1.000000e+00 : f32
    %add3A_287 = vector.broadcast %add3A_286 : f32 to vector<512x64xf32>
    %add3A_288 = arith.addf %add3A_287, %mul3A_285 : vector<512x64xf32>
    %sqrt3A_289 = math.sqrt %add3A_288 : vector<512x64xf32>
    %add3A_290 = arith.constant 1.000000e+00 : f32
    %add3A_291 = vector.broadcast %add3A_290 : f32 to vector<512x64xf32>
    %add3A_292 = arith.addf %add3A_291, %sqrt3A_289 : vector<512x64xf32>
    %div3A_293 = arith.divf %select_n3A_284, %add3A_292 : vector<512x64xf32>
    %mul3A_294 = arith.mulf %div3A_293, %div3A_293 : vector<512x64xf32>
    %mul3A_295 = arith.constant 0.111111112 : f32
    %mul3A_296 = vector.broadcast %mul3A_295 : f32 to vector<512x64xf32>
    %mul3A_297 = arith.mulf %mul3A_294, %mul3A_296 : vector<512x64xf32>
    %add3A_298 = arith.constant -0.142857149 : f32
    %add3A_299 = vector.broadcast %add3A_298 : f32 to vector<512x64xf32>
    %add3A_300 = arith.addf %add3A_299, %mul3A_297 : vector<512x64xf32>
    %mul3A_301 = arith.mulf %mul3A_294, %add3A_300 : vector<512x64xf32>
    %add3A_302 = arith.constant 2.000000e-01 : f32
    %add3A_303 = vector.broadcast %add3A_302 : f32 to vector<512x64xf32>
    %add3A_304 = arith.addf %add3A_303, %mul3A_301 : vector<512x64xf32>
    %mul3A_305 = arith.mulf %mul3A_294, %add3A_304 : vector<512x64xf32>
    %add3A_306 = arith.constant -0.333333343 : f32
    %add3A_307 = vector.broadcast %add3A_306 : f32 to vector<512x64xf32>
    %add3A_308 = arith.addf %add3A_307, %mul3A_305 : vector<512x64xf32>
    %mul3A_309 = arith.mulf %mul3A_294, %add3A_308 : vector<512x64xf32>
    %add3A_310 = arith.constant 1.000000e+00 : f32
    %add3A_311 = vector.broadcast %add3A_310 : f32 to vector<512x64xf32>
    %add3A_312 = arith.addf %add3A_311, %mul3A_309 : vector<512x64xf32>
    %mul3A_313 = arith.mulf %div3A_293, %add3A_312 : vector<512x64xf32>
    %mul3A_314 = arith.constant 2.000000e+00 : f32
    %mul3A_315 = vector.broadcast %mul3A_314 : f32 to vector<512x64xf32>
    %mul3A_316 = arith.mulf %mul3A_315, %mul3A_313 : vector<512x64xf32>
    %sub3A_317 = arith.constant 1.57079637 : f32
    %sub3A_318 = vector.broadcast %sub3A_317 : f32 to vector<512x64xf32>
    %sub3A_319 = arith.subf %sub3A_318, %mul3A_316 : vector<512x64xf32>
    %select_n3A_320 = arith.select %gt3A_277, %sub3A_319, %mul3A_316 : vector<512x64xi1>, vector<512x64xf32>
    %sign3A_321 = tpu.bitcast %div3A_273 : vector<512x64xf32> -> vector<512x64xi32>
    %sign3A_322 = arith.constant -2147483648 : i32
    %sign3A_323 = vector.broadcast %sign3A_322 : i32 to vector<512x64xi32>
    %sign3A_324 = arith.andi %sign3A_321, %sign3A_323 : vector<512x64xi32>
    %sign3A_325 = arith.constant 1065353216 : i32
    %sign3A_326 = vector.broadcast %sign3A_325 : i32 to vector<512x64xi32>
    %sign3A_327 = arith.ori %sign3A_326, %sign3A_324 : vector<512x64xi32>
    %sign3A_328 = tpu.bitcast %sign3A_327 : vector<512x64xi32> -> vector<512x64xf32>
    %sign3A_329 = math.absf %div3A_273 : vector<512x64xf32>
    %sign3A_330 = arith.constant 0.000000e+00 : f32
    %sign3A_331 = vector.broadcast %sign3A_330 : f32 to vector<512x64xf32>
    %sign3A_332 = arith.cmpf ogt, %sign3A_329, %sign3A_331 : vector<512x64xf32>
    %sign3A_333 = arith.select %sign3A_332, %sign3A_328, %div3A_273 : vector<512x64xi1>, vector<512x64xf32>
    %mul3A_334 = arith.mulf %sign3A_333, %select_n3A_320 : vector<512x64xf32>
    %mul3A_335 = arith.constant 1.208400e+00 : f32
    %mul3A_336 = vector.broadcast %mul3A_335 : f32 to vector<512x64xf32>
    %mul3A_337 = arith.mulf %mul3A_336, %mul3A_334 : vector<512x64xf32>
    %slice3A_338 = vector.extract_strided_slice %add3A_269 {offsets = [0, 64], sizes = [512, 64], strides = [1, 1]} : vector<512x256xf32> to vector<512x64xf32>
    %slice3A_339 = vector.extract_strided_slice %add3A_269 {offsets = [0, 128], sizes = [512, 64], strides = [1, 1]} : vector<512x256xf32> to vector<512x64xf32>
    %div3A_340 = arith.constant 1.900000e+00 : f32
    %div3A_341 = vector.broadcast %div3A_340 : f32 to vector<512x64xf32>
    %div3A_342 = arith.divf %slice3A_339, %div3A_341 : vector<512x64xf32>
    %abs3A_343 = math.absf %div3A_342 : vector<512x64xf32>
    %gt3A_344 = arith.constant 1.000000e+00 : f32
    %gt3A_345 = vector.broadcast %gt3A_344 : f32 to vector<512x64xf32>
    %gt3A_346 = arith.cmpf ogt, %abs3A_343, %gt3A_345 : vector<512x64xf32>
    %max3A_347 = arith.constant 1.000000e-30 : f32
    %max3A_348 = vector.broadcast %max3A_347 : f32 to vector<512x64xf32>
    %max3A_349 = arith.maximumf %abs3A_343, %max3A_348 : vector<512x64xf32>
    %div3A_350 = arith.constant 1.000000e+00 : f32
    %div3A_351 = vector.broadcast %div3A_350 : f32 to vector<512x64xf32>
    %div3A_352 = arith.divf %div3A_351, %max3A_349 : vector<512x64xf32>
    %select_n3A_353 = arith.select %gt3A_346, %div3A_352, %abs3A_343 : vector<512x64xi1>, vector<512x64xf32>
    %mul3A_354 = arith.mulf %select_n3A_353, %select_n3A_353 : vector<512x64xf32>
    %add3A_355 = arith.constant 1.000000e+00 : f32
    %add3A_356 = vector.broadcast %add3A_355 : f32 to vector<512x64xf32>
    %add3A_357 = arith.addf %add3A_356, %mul3A_354 : vector<512x64xf32>
    %sqrt3A_358 = math.sqrt %add3A_357 : vector<512x64xf32>
    %add3A_359 = arith.constant 1.000000e+00 : f32
    %add3A_360 = vector.broadcast %add3A_359 : f32 to vector<512x64xf32>
    %add3A_361 = arith.addf %add3A_360, %sqrt3A_358 : vector<512x64xf32>
    %div3A_362 = arith.divf %select_n3A_353, %add3A_361 : vector<512x64xf32>
    %mul3A_363 = arith.mulf %div3A_362, %div3A_362 : vector<512x64xf32>
    %mul3A_364 = arith.constant 0.111111112 : f32
    %mul3A_365 = vector.broadcast %mul3A_364 : f32 to vector<512x64xf32>
    %mul3A_366 = arith.mulf %mul3A_363, %mul3A_365 : vector<512x64xf32>
    %add3A_367 = arith.constant -0.142857149 : f32
    %add3A_368 = vector.broadcast %add3A_367 : f32 to vector<512x64xf32>
    %add3A_369 = arith.addf %add3A_368, %mul3A_366 : vector<512x64xf32>
    %mul3A_370 = arith.mulf %mul3A_363, %add3A_369 : vector<512x64xf32>
    %add3A_371 = arith.constant 2.000000e-01 : f32
    %add3A_372 = vector.broadcast %add3A_371 : f32 to vector<512x64xf32>
    %add3A_373 = arith.addf %add3A_372, %mul3A_370 : vector<512x64xf32>
    %mul3A_374 = arith.mulf %mul3A_363, %add3A_373 : vector<512x64xf32>
    %add3A_375 = arith.constant -0.333333343 : f32
    %add3A_376 = vector.broadcast %add3A_375 : f32 to vector<512x64xf32>
    %add3A_377 = arith.addf %add3A_376, %mul3A_374 : vector<512x64xf32>
    %mul3A_378 = arith.mulf %mul3A_363, %add3A_377 : vector<512x64xf32>
    %add3A_379 = arith.constant 1.000000e+00 : f32
    %add3A_380 = vector.broadcast %add3A_379 : f32 to vector<512x64xf32>
    %add3A_381 = arith.addf %add3A_380, %mul3A_378 : vector<512x64xf32>
    %mul3A_382 = arith.mulf %div3A_362, %add3A_381 : vector<512x64xf32>
    %mul3A_383 = arith.constant 2.000000e+00 : f32
    %mul3A_384 = vector.broadcast %mul3A_383 : f32 to vector<512x64xf32>
    %mul3A_385 = arith.mulf %mul3A_384, %mul3A_382 : vector<512x64xf32>
    %sub3A_386 = arith.constant 1.57079637 : f32
    %sub3A_387 = vector.broadcast %sub3A_386 : f32 to vector<512x64xf32>
    %sub3A_388 = arith.subf %sub3A_387, %mul3A_385 : vector<512x64xf32>
    %select_n3A_389 = arith.select %gt3A_346, %sub3A_388, %mul3A_385 : vector<512x64xi1>, vector<512x64xf32>
    %sign3A_390 = tpu.bitcast %div3A_342 : vector<512x64xf32> -> vector<512x64xi32>
    %sign3A_391 = arith.constant -2147483648 : i32
    %sign3A_392 = vector.broadcast %sign3A_391 : i32 to vector<512x64xi32>
    %sign3A_393 = arith.andi %sign3A_390, %sign3A_392 : vector<512x64xi32>
    %sign3A_394 = arith.constant 1065353216 : i32
    %sign3A_395 = vector.broadcast %sign3A_394 : i32 to vector<512x64xi32>
    %sign3A_396 = arith.ori %sign3A_395, %sign3A_393 : vector<512x64xi32>
    %sign3A_397 = tpu.bitcast %sign3A_396 : vector<512x64xi32> -> vector<512x64xf32>
    %sign3A_398 = math.absf %div3A_342 : vector<512x64xf32>
    %sign3A_399 = arith.constant 0.000000e+00 : f32
    %sign3A_400 = vector.broadcast %sign3A_399 : f32 to vector<512x64xf32>
    %sign3A_401 = arith.cmpf ogt, %sign3A_398, %sign3A_400 : vector<512x64xf32>
    %sign3A_402 = arith.select %sign3A_401, %sign3A_397, %div3A_342 : vector<512x64xi1>, vector<512x64xf32>
    %mul3A_403 = arith.mulf %sign3A_402, %select_n3A_389 : vector<512x64xf32>
    %mul3A_404 = arith.constant 1.208400e+00 : f32
    %mul3A_405 = vector.broadcast %mul3A_404 : f32 to vector<512x64xf32>
    %mul3A_406 = arith.mulf %mul3A_405, %mul3A_403 : vector<512x64xf32>
    %slice3A_407 = vector.extract_strided_slice %add3A_269 {offsets = [0, 192], sizes = [512, 64], strides = [1, 1]} : vector<512x256xf32> to vector<512x64xf32>
    %slice3A_408 = vector.extract_strided_slice %reshape3A_20 {offsets = [0, 8, 0], sizes = [64, 8, 128], strides = [1, 1, 1]} : vector<64x16x128xf32> to vector<64x8x128xf32>
    %reshape3A_409 = vector.shape_cast %slice3A_408 : vector<64x8x128xf32> to vector<512x128xf32>
    %slice3A_410 = vector.extract_strided_slice %reshape3A_409 {offsets = [0, 64], sizes = [512, 64], strides = [1, 1]} : vector<512x128xf32> to vector<512x64xf32>
    %exp3A_411 = math.exp %mul3A_337 : vector<512x64xf32>
    %mul3A_412 = arith.mulf %slice3A_410, %exp3A_411 : vector<512x64xf32>
    %add3A_413 = arith.addf %mul3A_412, %slice3A_338 : vector<512x64xf32>
    %exp3A_414 = math.exp %mul3A_406 : vector<512x64xf32>
    %mul3A_415 = arith.mulf %add3A_413, %exp3A_414 : vector<512x64xf32>
    %add3A_416 = arith.addf %mul3A_415, %slice3A_407 : vector<512x64xf32>
    %slice3A_417 = vector.extract_strided_slice %reshape3A_409 {offsets = [0, 0], sizes = [512, 64], strides = [1, 1]} : vector<512x128xf32> to vector<512x64xf32>
    %concatenate3A_418 = tpu.concatenate %slice3A_417, %add3A_416 in 1 : vector<512x64xf32>, vector<512x64xf32> -> vector<512x128xf32>
    %reshape3A_419 = vector.shape_cast %concatenate3A_418 : vector<512x128xf32> to vector<64x8x128xf32>
    %add3A_420 = arith.constant 8 : i32
    %add3A_421 = vector.broadcast %add3A_420 : i32 to vector<64x8x1xi32>
    %add3A_422 = arith.addi %add3A_38, %add3A_421 : vector<64x8x1xi32>
    %lt3A_423 = arith.constant 10000 : i32
    %lt3A_424 = vector.broadcast %lt3A_423 : i32 to vector<64x8x1xi32>
    %lt3A_425 = arith.cmpi slt, %add3A_422, %lt3A_424 : vector<64x8x1xi32>
    %add3A_426 = arith.addf %mul3A_337, %mul3A_406 : vector<512x64xf32>
    %reshape3A_427 = vector.shape_cast %add3A_426 : vector<512x64xf32> to vector<64x8x64xf32>
    %jit3A_428 = arith.constant 0.000000e+00 : f32
    %broadcast_in_dim3A_429 = vector.shape_cast %lt3A_425 : vector<64x8x1xi1> to vector<64x8x1xi1>
    %broadcast_in_dim3A_430 = vector.broadcast %broadcast_in_dim3A_429 : vector<64x8x1xi1> to vector<64x8x64xi1>
    %broadcast_in_dim3A_431 = vector.broadcast %jit3A_428 : f32 to vector<64x8x64xf32>
    %select_n3A_432 = arith.select %broadcast_in_dim3A_430, %reshape3A_427, %broadcast_in_dim3A_431 : vector<64x8x64xi1>, vector<64x8x64xf32>
    %reduce_sum3A_433 = vector.shape_cast %select_n3A_432 : vector<64x8x64xf32> to vector<1x64x8x64xf32>
    %reduce_sum3A_434 = arith.constant dense<0.000000e+00> : vector<1xf32>
    %reduce_sum3A_435 = vector.multi_reduction <add>, %reduce_sum3A_433, %reduce_sum3A_434 [1, 2, 3] : vector<1x64x8x64xf32> to vector<1xf32>
    %reduce_sum3A_436 = vector.shape_cast %reduce_sum3A_435 : vector<1xf32> to vector<1x1x1x1xf32>
    %reduce_sum3A_437 = vector.extract %reduce_sum3A_436[0, 0, 0, 0] : f32 from vector<1x1x1x1xf32>
    %reshape3A_438 = vector.broadcast %reduce_sum3A_437 : f32 to vector<1x1xf32>
    %add3A_439 = arith.addf %add3A_232, %reshape3A_438 : vector<1x1xf32>
    %concatenate3A_440 = tpu.concatenate %reshape3A_215, %reshape3A_419 in 1 : vector<64x8x128xf32>, vector<64x8x128xf32> -> vector<64x16x128xf32>
    %reshape3A_441 = vector.shape_cast %concatenate3A_440 : vector<64x16x128xf32> to vector<1024x128xf32>
    %swap3A = arith.constant 0 : index
    %swap3A_442 = arith.constant 0 : index
    %swap3A_443 = vector.load %arg12[%swap3A, %swap3A_442] : memref<1024x128xf32, #tpu.memory_space<vmem>>, vector<1024x128xf32>
    tpu.vector_store %arg12[%swap3A, %swap3A_442], %reshape3A_441 {strides = array<i32>} : memref<1024x128xf32, #tpu.memory_space<vmem>>, vector<1024x128xf32>,
    %eq3A = arith.constant 0 : i32
    %eq3A_444 = arith.cmpi eq, %arg0, %eq3A : i32
    %convert_element_type3A = arith.extui %eq3A_444 : i1 to i32
    %cond3A = arith.constant 0 : i32
    %cond3A_445 = arith.cmpi ne, %convert_element_type3A, %cond3A : i32
    scf.if %cond3A_445 {
      %swap3A_450 = arith.constant 0 : index
      %swap3A_451 = arith.constant 0 : index
      %swap3A_452 = vector.load %arg13[%swap3A_450, %swap3A_451] : memref<1x1xf32, #tpu.memory_space<vmem>>, vector<1x1xf32>
      tpu.vector_store %arg13[%swap3A_450, %swap3A_451], %add3A_439 {strides = array<i32>} : memref<1x1xf32, #tpu.memory_space<vmem>>, vector<1x1xf32>,
    } else {
    }
    %ne3A = arith.constant 0 : i32
    %ne3A_446 = arith.cmpi ne, %arg0, %ne3A : i32
    %convert_element_type3A_447 = arith.extui %ne3A_446 : i1 to i32
    %cond3A_448 = arith.constant 0 : i32
    %cond3A_449 = arith.cmpi ne, %convert_element_type3A_447, %cond3A_448 : i32
    scf.if %cond3A_449 {
      %get3A_450 = arith.constant 0 : index
      %get3A_451 = arith.constant 0 : index
      %get3A_452 = vector.load %arg13[%get3A_450, %get3A_451] : memref<1x1xf32, #tpu.memory_space<vmem>>, vector<1x1xf32>
      %add3A_453 = arith.addf %get3A_452, %add3A_439 : vector<1x1xf32>
      %swap3A_454 = arith.constant 0 : index
      %swap3A_455 = arith.constant 0 : index
      %swap3A_456 = vector.load %arg13[%swap3A_454, %swap3A_455] : memref<1x1xf32, #tpu.memory_space<vmem>>, vector<1x1xf32>
      tpu.vector_store %arg13[%swap3A_454, %swap3A_455], %add3A_453 {strides = array<i32>} : memref<1x1xf32, #tpu.memory_space<vmem>>, vector<1x1xf32>,
    } else {
    }
    return
  }
  func.func @transform_0(%arg0: i32) -> (i32, i32) {
    %add3A = arith.constant 5 : i32
    %add3A_0 = arith.addi %arg0, %add3A : i32
    %c0_i32 = arith.constant 0 : i32
    %c0_i32_1 = arith.constant 0 : i32
    return %add3A_0, %c0_i32 : i32, i32
  }
  func.func @transform_1(%arg0: i32) -> (i32, i32) {
    %c0_i32 = arith.constant 0 : i32
    %c0_i32_0 = arith.constant 0 : i32
    return %arg0, %c0_i32 : i32, i32
  }
  func.func @transform_2(%arg0: i32) -> (i32, i32) {
    %c0_i32 = arith.constant 0 : i32
    %c0_i32_0 = arith.constant 0 : i32
    %c0_i32_1 = arith.constant 0 : i32
    return %c0_i32, %c0_i32_0 : i32, i32
  }
  func.func @transform_3(%arg0: i32) -> (i32, i32) {
    %c0_i32 = arith.constant 0 : i32
    %c0_i32_0 = arith.constant 0 : i32
    %c0_i32_1 = arith.constant 0 : i32
    return %c0_i32, %c0_i32_0 : i32, i32
  }
  func.func @transform_4(%arg0: i32) -> (i32, i32) {
    %c0_i32 = arith.constant 0 : i32
    %c0_i32_0 = arith.constant 0 : i32
    %c0_i32_1 = arith.constant 0 : i32
    return %c0_i32, %c0_i32_0 : i32, i32
  }
  func.func @transform_5(%arg0: i32) -> (i32, i32) {
    %c0_i32 = arith.constant 0 : i32
    %c0_i32_0 = arith.constant 0 : i32
    %c0_i32_1 = arith.constant 0 : i32
    return %c0_i32, %c0_i32_0 : i32, i32
  }
  func.func @transform_6(%arg0: i32) -> (i32, i32) {
    %c0_i32 = arith.constant 0 : i32
    %c0_i32_0 = arith.constant 0 : i32
    %c0_i32_1 = arith.constant 0 : i32
    return %c0_i32, %c0_i32_0 : i32, i32
  }
  func.func @transform_7(%arg0: i32) -> (i32, i32) {
    %c0_i32 = arith.constant 0 : i32
    %c0_i32_0 = arith.constant 0 : i32
    %c0_i32_1 = arith.constant 0 : i32
    return %c0_i32, %c0_i32_0 : i32, i32
  }
  func.func @transform_8(%arg0: i32) -> (i32, i32) {
    %c0_i32 = arith.constant 0 : i32
    %c0_i32_0 = arith.constant 0 : i32
    %c0_i32_1 = arith.constant 0 : i32
    return %c0_i32, %c0_i32_0 : i32, i32
  }
  func.func @transform_9(%arg0: i32) -> (i32, i32) {
    %c0_i32 = arith.constant 0 : i32
    %c0_i32_0 = arith.constant 0 : i32
    %c0_i32_1 = arith.constant 0 : i32
    return %c0_i32, %c0_i32_0 : i32, i32
  }
  func.func @transform_10(%arg0: i32) -> (i32, i32) {
    %c0_i32 = arith.constant 0 : i32
    %c0_i32_0 = arith.constant 0 : i32
    %c0_i32_1 = arith.constant 0 : i32
    return %c0_i32, %c0_i32_0 : i32, i32
  }
  func.func @transform_11(%arg0: i32) -> (i32, i32) {
    %c0_i32 = arith.constant 0 : i32
    %c0_i32_0 = arith.constant 0 : i32
    return %arg0, %c0_i32 : i32, i32
  }
  func.func @transform_12(%arg0: i32) -> (i32, i32) {
    %c0_i32 = arith.constant 0 : i32
    %c0_i32_0 = arith.constant 0 : i32
    %c0_i32_1 = arith.constant 0 : i32
    return %c0_i32, %c0_i32_0 : i32, i32
  }
}

module attributes {stable_mosaic.version = 14 : i64} {
  func.func @body(%arg0: i32, %arg1: memref<1024x128xf32, #tpu.memory_space<vmem>>, %arg2: memref<8192x128xf32, #tpu.memory_space<vmem>>, %arg3: memref<128x128xf32, #tpu.memory_space<vmem>>, %arg4: memref<1x128xf32, #tpu.memory_space<vmem>>, %arg5: memref<64x256xf32, #tpu.memory_space<vmem>>, %arg6: memref<1x256xf32, #tpu.memory_space<vmem>>, %arg7: memref<128x512xf32, #tpu.memory_space<vmem>>, %arg8: memref<256x256xf32, #tpu.memory_space<vmem>>, %arg9: memref<1x256xf32, #tpu.memory_space<vmem>>, %arg10: memref<256x256xf32, #tpu.memory_space<vmem>>, %arg11: memref<1x256xf32, #tpu.memory_space<vmem>>, %arg12: memref<1024x128xf32, #tpu.memory_space<vmem>>, %arg13: memref<1x1xf32, #tpu.memory_space<vmem>>) attributes {dimension_semantics = [#tpu.dimension_semantics<arbitrary>], iteration_bounds = array<i64: 5>, scalar_prefetch = 0 : i64, scratch_operands = 0 : i64, tpu.core_type = #tpu.core_type<tc>, window_params = [{transform_indices = @transform_0, window_bounds = array<i64: 1024, 128>}, {transform_indices = @transform_1, window_bounds = array<i64: 8192, 128>}, {pipeline_mode = #tpu.pipeline_mode<synchronous>, transform_indices = @transform_2, window_bounds = array<i64: 128, 128>}, {pipeline_mode = #tpu.pipeline_mode<synchronous>, transform_indices = @transform_3, window_bounds = array<i64: 1, 128>}, {pipeline_mode = #tpu.pipeline_mode<synchronous>, transform_indices = @transform_4, window_bounds = array<i64: 64, 256>}, {pipeline_mode = #tpu.pipeline_mode<synchronous>, transform_indices = @transform_5, window_bounds = array<i64: 1, 256>}, {pipeline_mode = #tpu.pipeline_mode<synchronous>, transform_indices = @transform_6, window_bounds = array<i64: 128, 512>}, {pipeline_mode = #tpu.pipeline_mode<synchronous>, transform_indices = @transform_7, window_bounds = array<i64: 256, 256>}, {pipeline_mode = #tpu.pipeline_mode<synchronous>, transform_indices = @transform_8, window_bounds = array<i64: 1, 256>}, {pipeline_mode = #tpu.pipeline_mode<synchronous>, transform_indices = @transform_9, window_bounds = array<i64: 256, 256>}, {pipeline_mode = #tpu.pipeline_mode<synchronous>, transform_indices = @transform_10, window_bounds = array<i64: 1, 256>}, {transform_indices = @transform_11, window_bounds = array<i64: 1024, 128>}, {pipeline_mode = #tpu.pipeline_mode<synchronous>, transform_indices = @transform_12, window_bounds = array<i64: 1, 1>}]} {
    %get3A = arith.constant 0 : index
    %get3A_0 = arith.constant 0 : index
    %get3A_1 = vector.load %arg1[%get3A, %get3A_0] : memref<1024x128xf32, #tpu.memory_space<vmem>>, vector<1024x128xf32>
    %get3A_2 = arith.constant 0 : index
    %get3A_3 = arith.constant 0 : index
    %get3A_4 = vector.load %arg3[%get3A_2, %get3A_3] : memref<128x128xf32, #tpu.memory_space<vmem>>, vector<128x128xf32>
    %dot_general3A = arith.constant dense<0.000000e+00> : vector<1024x128xf32>
    %dot_general3A_5 = tpu.matmul %get3A_1, %get3A_4, %dot_general3A {dimension_numbers = #tpu.dot_dimension_numbers<[1], [0], [0], [1], [0, 0, 1, 1], [], []>, transpose_lhs_hint = false} : vector<1024x128xf32>, vector<128x128xf32>, vector<1024x128xf32> -> vector<1024x128xf32>
    %get3A_6 = arith.constant 0 : index
    %get3A_7 = arith.constant 0 : index
    %get3A_8 = vector.load %arg4[%get3A_6, %get3A_7] : memref<1x128xf32, #tpu.memory_space<vmem>>, vector<1x128xf32>
    %add3A = vector.broadcast %get3A_8 : vector<1x128xf32> to vector<1024x128xf32>
    %add3A_9 = arith.addf %dot_general3A_5, %add3A : vector<1024x128xf32>
    %slice3A = vector.extract_strided_slice %add3A_9 {offsets = [0, 0], sizes = [1024, 64], strides = [1, 1]} : vector<1024x128xf32> to vector<1024x64xf32>
    %get3A_10 = arith.constant 0 : index
    %get3A_11 = arith.constant 0 : index
    %get3A_12 = vector.load %arg5[%get3A_10, %get3A_11] : memref<64x256xf32, #tpu.memory_space<vmem>>, vector<64x256xf32>
    %dot_general3A_13 = arith.constant dense<0.000000e+00> : vector<1024x256xf32>
    %dot_general3A_14 = tpu.matmul %slice3A, %get3A_12, %dot_general3A_13 {dimension_numbers = #tpu.dot_dimension_numbers<[1], [0], [0], [1], [0, 0, 1, 1], [], []>, transpose_lhs_hint = false} : vector<1024x64xf32>, vector<64x256xf32>, vector<1024x256xf32> -> vector<1024x256xf32>
    %get3A_15 = arith.constant 0 : index
    %get3A_16 = arith.constant 0 : index
    %get3A_17 = vector.load %arg6[%get3A_15, %get3A_16] : memref<1x256xf32, #tpu.memory_space<vmem>>, vector<1x256xf32>
    %add3A_18 = vector.broadcast %get3A_17 : vector<1x256xf32> to vector<1024x256xf32>
    %add3A_19 = arith.addf %dot_general3A_14, %add3A_18 : vector<1024x256xf32>
    %reshape3A = vector.shape_cast %add3A_19 : vector<1024x256xf32> to vector<64x16x256xf32>
    %reshape3A_20 = vector.shape_cast %add3A_9 : vector<1024x128xf32> to vector<64x16x128xf32>
    %get3A_21 = arith.constant 0 : index
    %get3A_22 = arith.constant 0 : index
    %get3A_23 = vector.load %arg2[%get3A_21, %get3A_22] : memref<8192x128xf32, #tpu.memory_space<vmem>>, vector<8192x128xf32>
    %get3A_24 = arith.constant 0 : index
    %get3A_25 = arith.constant 0 : index
    %get3A_26 = vector.load %arg7[%get3A_24, %get3A_25] : memref<128x512xf32, #tpu.memory_space<vmem>>, vector<128x512xf32>
    %dot_general3A_27 = arith.constant dense<0.000000e+00> : vector<8192x512xf32>
    %dot_general3A_28 = tpu.matmul %get3A_23, %get3A_26, %dot_general3A_27 {dimension_numbers = #tpu.dot_dimension_numbers<[1], [0], [0], [1], [0, 0, 1, 1], [], []>, transpose_lhs_hint = false} : vector<8192x128xf32>, vector<128x512xf32>, vector<8192x512xf32> -> vector<8192x512xf32>
    %mul3A = arith.constant 1024 : i32
    %mul3A_29 = arith.muli %arg0, %mul3A : i32
    %add3A_30 = arith.constant 0 : i32
    %add3A_31 = arith.addi %add3A_30, %mul3A_29 : i32
    %iota3A = tpu.iota {dimensions = array<i32: 0>} : vector<64x8x1xi32>
    %mul3A_32 = arith.constant 16 : i32
    %mul3A_33 = vector.broadcast %mul3A_32 : i32 to vector<64x8x1xi32>
    %mul3A_34 = arith.muli %mul3A_33, %iota3A : vector<64x8x1xi32>
    %add3A_35 = vector.broadcast %add3A_31 : i32 to vector<64x8x1xi32>
    %add3A_36 = arith.addi %add3A_35, %mul3A_34 : vector<64x8x1xi32>
    %iota3A_37 = tpu.iota {dimensions = array<i32: 1>} : vector<64x8x1xi32>
    %add3A_38 = arith.addi %add3A_36, %iota3A_37 : vector<64x8x1xi32>
    %broadcast_in_dim3A = arith.constant 0.000000e+00 : f32
    %broadcast_in_dim3A_39 = vector.broadcast %broadcast_in_dim3A : f32 to vector<1x1xf32>
    %slice3A_40 = vector.extract_strided_slice %reshape3A {offsets = [0, 0, 0], sizes = [64, 8, 256], strides = [1, 1, 1]} : vector<64x16x256xf32> to vector<64x8x256xf32>
    %reshape3A_41 = vector.shape_cast %slice3A_40 : vector<64x8x256xf32> to vector<512x256xf32>
    %slice3A_42 = vector.extract_strided_slice %dot_general3A_28 {offsets = [0, 0], sizes = [8192, 256], strides = [1, 1]} : vector<8192x512xf32> to vector<8192x256xf32>
    %reshape3A_43 = vector.shape_cast %slice3A_42 : vector<8192x256xf32> to vector<512x16x256xf32>
    %broadcast_in_dim3A_44 = vector.shape_cast %reshape3A_41 : vector<512x256xf32> to vector<512x1x256xf32>
    %add3A_45 = vector.broadcast %broadcast_in_dim3A_44 : vector<512x1x256xf32> to vector<512x16x256xf32>
    %add3A_46 = arith.addf %reshape3A_43, %add3A_45 : vector<512x16x256xf32>
    %max3A = arith.constant 0.000000e+00 : f32
    %max3A_47 = vector.broadcast %max3A : f32 to vector<512x16x256xf32>
    %max3A_48 = arith.maximumf %add3A_46, %max3A_47 : vector<512x16x256xf32>
    %reshape3A_49 = vector.shape_cast %max3A_48 : vector<512x16x256xf32> to vector<8192x256xf32>
    %get3A_50 = arith.constant 0 : index
    %get3A_51 = arith.constant 0 : index
    %get3A_52 = vector.load %arg8[%get3A_50, %get3A_51] : memref<256x256xf32, #tpu.memory_space<vmem>>, vector<256x256xf32>
    %dot_general3A_53 = arith.constant dense<0.000000e+00> : vector<8192x256xf32>
    %dot_general3A_54 = tpu.matmul %reshape3A_49, %get3A_52, %dot_general3A_53 {dimension_numbers = #tpu.dot_dimension_numbers<[1], [0], [0], [1], [0, 0, 1, 1], [], []>, transpose_lhs_hint = false} : vector<8192x256xf32>, vector<256x256xf32>, vector<8192x256xf32> -> vector<8192x256xf32>
    %get3A_55 = arith.constant 0 : index
    %get3A_56 = arith.constant 0 : index
    %get3A_57 = vector.load %arg9[%get3A_55, %get3A_56] : memref<1x256xf32, #tpu.memory_space<vmem>>, vector<1x256xf32>
    %add3A_58 = vector.broadcast %get3A_57 : vector<1x256xf32> to vector<8192x256xf32>
    %add3A_59 = arith.addf %dot_general3A_54, %add3A_58 : vector<8192x256xf32>
    %max3A_60 = arith.constant 0.000000e+00 : f32
    %max3A_61 = vector.broadcast %max3A_60 : f32 to vector<8192x256xf32>
    %max3A_62 = arith.maximumf %add3A_59, %max3A_61 : vector<8192x256xf32>
    %reshape3A_63 = vector.shape_cast %max3A_62 : vector<8192x256xf32> to vector<512x16x256xf32>
    %reduce_max3A = arith.constant dense<0xFF800000> : vector<512x256xf32>
    %reduce_max3A_64 = vector.multi_reduction <maximumf>, %reshape3A_63, %reduce_max3A [1] : vector<512x16x256xf32> to vector<512x256xf32>
    %get3A_65 = arith.constant 0 : index
    %get3A_66 = arith.constant 0 : index
    %get3A_67 = vector.load %arg10[%get3A_65, %get3A_66] : memref<256x256xf32, #tpu.memory_space<vmem>>, vector<256x256xf32>
    %dot_general3A_68 = arith.constant dense<0.000000e+00> : vector<512x256xf32>
    %dot_general3A_69 = tpu.matmul %reduce_max3A_64, %get3A_67, %dot_general3A_68 {dimension_numbers = #tpu.dot_dimension_numbers<[1], [0], [0], [1], [0, 0, 1, 1], [], []>, transpose_lhs_hint = false} : vector<512x256xf32>, vector<256x256xf32>, vector<512x256xf32> -> vector<512x256xf32>
    %get3A_70 = arith.constant 0 : index
    %get3A_71 = arith.constant 0 : index
    %get3A_72 = vector.load %arg11[%get3A_70, %get3A_71] : memref<1x256xf32, #tpu.memory_space<vmem>>, vector<1x256xf32>
    %add3A_73 = vector.broadcast %get3A_72 : vector<1x256xf32> to vector<512x256xf32>
    %add3A_74 = arith.addf %dot_general3A_69, %add3A_73 : vector<512x256xf32>
    %slice3A_75 = vector.extract_strided_slice %add3A_74 {offsets = [0, 0], sizes = [512, 64], strides = [1, 1]} : vector<512x256xf32> to vector<512x64xf32>
    %div3A = arith.constant 1.900000e+00 : f32
    %div3A_76 = vector.broadcast %div3A : f32 to vector<512x64xf32>
    %div3A_77 = arith.divf %slice3A_75, %div3A_76 : vector<512x64xf32>
    %abs3A = math.absf %div3A_77 : vector<512x64xf32>
    %gt3A = arith.constant 1.000000e+00 : f32
    %gt3A_78 = vector.broadcast %gt3A : f32 to vector<512x64xf32>
    %gt3A_79 = arith.cmpf ogt, %abs3A, %gt3A_78 : vector<512x64xf32>
    %max3A_80 = arith.constant 1.000000e-30 : f32
    %max3A_81 = vector.broadcast %max3A_80 : f32 to vector<512x64xf32>
    %max3A_82 = arith.maximumf %abs3A, %max3A_81 : vector<512x64xf32>
    %div3A_83 = arith.constant 1.000000e+00 : f32
    %div3A_84 = vector.broadcast %div3A_83 : f32 to vector<512x64xf32>
    %div3A_85 = arith.divf %div3A_84, %max3A_82 : vector<512x64xf32>
    %select_n3A = arith.select %gt3A_79, %div3A_85, %abs3A : vector<512x64xi1>, vector<512x64xf32>
    %mul3A_86 = arith.mulf %select_n3A, %select_n3A : vector<512x64xf32>
    %add3A_87 = arith.constant 1.000000e+00 : f32
    %add3A_88 = vector.broadcast %add3A_87 : f32 to vector<512x64xf32>
    %add3A_89 = arith.addf %add3A_88, %mul3A_86 : vector<512x64xf32>
    %sqrt3A = math.sqrt %add3A_89 : vector<512x64xf32>
    %add3A_90 = arith.constant 1.000000e+00 : f32
    %add3A_91 = vector.broadcast %add3A_90 : f32 to vector<512x64xf32>
    %add3A_92 = arith.addf %add3A_91, %sqrt3A : vector<512x64xf32>
    %div3A_93 = arith.divf %select_n3A, %add3A_92 : vector<512x64xf32>
    %mul3A_94 = arith.mulf %div3A_93, %div3A_93 : vector<512x64xf32>
    %mul3A_95 = arith.constant 0.111111112 : f32
    %mul3A_96 = vector.broadcast %mul3A_95 : f32 to vector<512x64xf32>
    %mul3A_97 = arith.mulf %mul3A_94, %mul3A_96 : vector<512x64xf32>
    %add3A_98 = arith.constant -0.142857149 : f32
    %add3A_99 = vector.broadcast %add3A_98 : f32 to vector<512x64xf32>
    %add3A_100 = arith.addf %add3A_99, %mul3A_97 : vector<512x64xf32>
    %mul3A_101 = arith.mulf %mul3A_94, %add3A_100 : vector<512x64xf32>
    %add3A_102 = arith.constant 2.000000e-01 : f32
    %add3A_103 = vector.broadcast %add3A_102 : f32 to vector<512x64xf32>
    %add3A_104 = arith.addf %add3A_103, %mul3A_101 : vector<512x64xf32>
    %mul3A_105 = arith.mulf %mul3A_94, %add3A_104 : vector<512x64xf32>
    %add3A_106 = arith.constant -0.333333343 : f32
    %add3A_107 = vector.broadcast %add3A_106 : f32 to vector<512x64xf32>
    %add3A_108 = arith.addf %add3A_107, %mul3A_105 : vector<512x64xf32>
    %mul3A_109 = arith.mulf %mul3A_94, %add3A_108 : vector<512x64xf32>
    %add3A_110 = arith.constant 1.000000e+00 : f32
    %add3A_111 = vector.broadcast %add3A_110 : f32 to vector<512x64xf32>
    %add3A_112 = arith.addf %add3A_111, %mul3A_109 : vector<512x64xf32>
    %mul3A_113 = arith.mulf %div3A_93, %add3A_112 : vector<512x64xf32>
    %mul3A_114 = arith.constant 2.000000e+00 : f32
    %mul3A_115 = vector.broadcast %mul3A_114 : f32 to vector<512x64xf32>
    %mul3A_116 = arith.mulf %mul3A_115, %mul3A_113 : vector<512x64xf32>
    %sub3A = arith.constant 1.57079637 : f32
    %sub3A_117 = vector.broadcast %sub3A : f32 to vector<512x64xf32>
    %sub3A_118 = arith.subf %sub3A_117, %mul3A_116 : vector<512x64xf32>
    %select_n3A_119 = arith.select %gt3A_79, %sub3A_118, %mul3A_116 : vector<512x64xi1>, vector<512x64xf32>
    %sign3A = tpu.bitcast %div3A_77 : vector<512x64xf32> -> vector<512x64xi32>
    %sign3A_120 = arith.constant -2147483648 : i32
    %sign3A_121 = vector.broadcast %sign3A_120 : i32 to vector<512x64xi32>
    %sign3A_122 = arith.andi %sign3A, %sign3A_121 : vector<512x64xi32>
    %sign3A_123 = arith.constant 1065353216 : i32
    %sign3A_124 = vector.broadcast %sign3A_123 : i32 to vector<512x64xi32>
    %sign3A_125 = arith.ori %sign3A_124, %sign3A_122 : vector<512x64xi32>
    %sign3A_126 = tpu.bitcast %sign3A_125 : vector<512x64xi32> -> vector<512x64xf32>
    %sign3A_127 = math.absf %div3A_77 : vector<512x64xf32>
    %sign3A_128 = arith.constant 0.000000e+00 : f32
    %sign3A_129 = vector.broadcast %sign3A_128 : f32 to vector<512x64xf32>
    %sign3A_130 = arith.cmpf ogt, %sign3A_127, %sign3A_129 : vector<512x64xf32>
    %sign3A_131 = arith.select %sign3A_130, %sign3A_126, %div3A_77 : vector<512x64xi1>, vector<512x64xf32>
    %mul3A_132 = arith.mulf %sign3A_131, %select_n3A_119 : vector<512x64xf32>
    %mul3A_133 = arith.constant 1.208400e+00 : f32
    %mul3A_134 = vector.broadcast %mul3A_133 : f32 to vector<512x64xf32>
    %mul3A_135 = arith.mulf %mul3A_134, %mul3A_132 : vector<512x64xf32>
    %slice3A_136 = vector.extract_strided_slice %add3A_74 {offsets = [0, 64], sizes = [512, 64], strides = [1, 1]} : vector<512x256xf32> to vector<512x64xf32>
    %slice3A_137 = vector.extract_strided_slice %add3A_74 {offsets = [0, 128], sizes = [512, 64], strides = [1, 1]} : vector<512x256xf32> to vector<512x64xf32>
    %div3A_138 = arith.constant 1.900000e+00 : f32
    %div3A_139 = vector.broadcast %div3A_138 : f32 to vector<512x64xf32>
    %div3A_140 = arith.divf %slice3A_137, %div3A_139 : vector<512x64xf32>
    %abs3A_141 = math.absf %div3A_140 : vector<512x64xf32>
    %gt3A_142 = arith.constant 1.000000e+00 : f32
    %gt3A_143 = vector.broadcast %gt3A_142 : f32 to vector<512x64xf32>
    %gt3A_144 = arith.cmpf ogt, %abs3A_141, %gt3A_143 : vector<512x64xf32>
    %max3A_145 = arith.constant 1.000000e-30 : f32
    %max3A_146 = vector.broadcast %max3A_145 : f32 to vector<512x64xf32>
    %max3A_147 = arith.maximumf %abs3A_141, %max3A_146 : vector<512x64xf32>
    %div3A_148 = arith.constant 1.000000e+00 : f32
    %div3A_149 = vector.broadcast %div3A_148 : f32 to vector<512x64xf32>
    %div3A_150 = arith.divf %div3A_149, %max3A_147 : vector<512x64xf32>
    %select_n3A_151 = arith.select %gt3A_144, %div3A_150, %abs3A_141 : vector<512x64xi1>, vector<512x64xf32>
    %mul3A_152 = arith.mulf %select_n3A_151, %select_n3A_151 : vector<512x64xf32>
    %add3A_153 = arith.constant 1.000000e+00 : f32
    %add3A_154 = vector.broadcast %add3A_153 : f32 to vector<512x64xf32>
    %add3A_155 = arith.addf %add3A_154, %mul3A_152 : vector<512x64xf32>
    %sqrt3A_156 = math.sqrt %add3A_155 : vector<512x64xf32>
    %add3A_157 = arith.constant 1.000000e+00 : f32
    %add3A_158 = vector.broadcast %add3A_157 : f32 to vector<512x64xf32>
    %add3A_159 = arith.addf %add3A_158, %sqrt3A_156 : vector<512x64xf32>
    %div3A_160 = arith.divf %select_n3A_151, %add3A_159 : vector<512x64xf32>
    %mul3A_161 = arith.mulf %div3A_160, %div3A_160 : vector<512x64xf32>
    %mul3A_162 = arith.constant 0.111111112 : f32
    %mul3A_163 = vector.broadcast %mul3A_162 : f32 to vector<512x64xf32>
    %mul3A_164 = arith.mulf %mul3A_161, %mul3A_163 : vector<512x64xf32>
    %add3A_165 = arith.constant -0.142857149 : f32
    %add3A_166 = vector.broadcast %add3A_165 : f32 to vector<512x64xf32>
    %add3A_167 = arith.addf %add3A_166, %mul3A_164 : vector<512x64xf32>
    %mul3A_168 = arith.mulf %mul3A_161, %add3A_167 : vector<512x64xf32>
    %add3A_169 = arith.constant 2.000000e-01 : f32
    %add3A_170 = vector.broadcast %add3A_169 : f32 to vector<512x64xf32>
    %add3A_171 = arith.addf %add3A_170, %mul3A_168 : vector<512x64xf32>
    %mul3A_172 = arith.mulf %mul3A_161, %add3A_171 : vector<512x64xf32>
    %add3A_173 = arith.constant -0.333333343 : f32
    %add3A_174 = vector.broadcast %add3A_173 : f32 to vector<512x64xf32>
    %add3A_175 = arith.addf %add3A_174, %mul3A_172 : vector<512x64xf32>
    %mul3A_176 = arith.mulf %mul3A_161, %add3A_175 : vector<512x64xf32>
    %add3A_177 = arith.constant 1.000000e+00 : f32
    %add3A_178 = vector.broadcast %add3A_177 : f32 to vector<512x64xf32>
    %add3A_179 = arith.addf %add3A_178, %mul3A_176 : vector<512x64xf32>
    %mul3A_180 = arith.mulf %div3A_160, %add3A_179 : vector<512x64xf32>
    %mul3A_181 = arith.constant 2.000000e+00 : f32
    %mul3A_182 = vector.broadcast %mul3A_181 : f32 to vector<512x64xf32>
    %mul3A_183 = arith.mulf %mul3A_182, %mul3A_180 : vector<512x64xf32>
    %sub3A_184 = arith.constant 1.57079637 : f32
    %sub3A_185 = vector.broadcast %sub3A_184 : f32 to vector<512x64xf32>
    %sub3A_186 = arith.subf %sub3A_185, %mul3A_183 : vector<512x64xf32>
    %select_n3A_187 = arith.select %gt3A_144, %sub3A_186, %mul3A_183 : vector<512x64xi1>, vector<512x64xf32>
    %sign3A_188 = tpu.bitcast %div3A_140 : vector<512x64xf32> -> vector<512x64xi32>
    %sign3A_189 = arith.constant -2147483648 : i32
    %sign3A_190 = vector.broadcast %sign3A_189 : i32 to vector<512x64xi32>
    %sign3A_191 = arith.andi %sign3A_188, %sign3A_190 : vector<512x64xi32>
    %sign3A_192 = arith.constant 1065353216 : i32
    %sign3A_193 = vector.broadcast %sign3A_192 : i32 to vector<512x64xi32>
    %sign3A_194 = arith.ori %sign3A_193, %sign3A_191 : vector<512x64xi32>
    %sign3A_195 = tpu.bitcast %sign3A_194 : vector<512x64xi32> -> vector<512x64xf32>
    %sign3A_196 = math.absf %div3A_140 : vector<512x64xf32>
    %sign3A_197 = arith.constant 0.000000e+00 : f32
    %sign3A_198 = vector.broadcast %sign3A_197 : f32 to vector<512x64xf32>
    %sign3A_199 = arith.cmpf ogt, %sign3A_196, %sign3A_198 : vector<512x64xf32>
    %sign3A_200 = arith.select %sign3A_199, %sign3A_195, %div3A_140 : vector<512x64xi1>, vector<512x64xf32>
    %mul3A_201 = arith.mulf %sign3A_200, %select_n3A_187 : vector<512x64xf32>
    %mul3A_202 = arith.constant 1.208400e+00 : f32
    %mul3A_203 = vector.broadcast %mul3A_202 : f32 to vector<512x64xf32>
    %mul3A_204 = arith.mulf %mul3A_203, %mul3A_201 : vector<512x64xf32>
    %slice3A_205 = vector.extract_strided_slice %add3A_74 {offsets = [0, 192], sizes = [512, 64], strides = [1, 1]} : vector<512x256xf32> to vector<512x64xf32>
    %slice3A_206 = vector.extract_strided_slice %reshape3A_20 {offsets = [0, 0, 0], sizes = [64, 8, 128], strides = [1, 1, 1]} : vector<64x16x128xf32> to vector<64x8x128xf32>
    %reshape3A_207 = vector.shape_cast %slice3A_206 : vector<64x8x128xf32> to vector<512x128xf32>
    %slice3A_208 = vector.extract_strided_slice %reshape3A_207 {offsets = [0, 64], sizes = [512, 64], strides = [1, 1]} : vector<512x128xf32> to vector<512x64xf32>
    %exp3A = math.exp %mul3A_135 : vector<512x64xf32>
    %mul3A_209 = arith.mulf %slice3A_208, %exp3A : vector<512x64xf32>
    %add3A_210 = arith.addf %mul3A_209, %slice3A_136 : vector<512x64xf32>
    %exp3A_211 = math.exp %mul3A_204 : vector<512x64xf32>
    %mul3A_212 = arith.mulf %add3A_210, %exp3A_211 : vector<512x64xf32>
    %add3A_213 = arith.addf %mul3A_212, %slice3A_205 : vector<512x64xf32>
    %slice3A_214 = vector.extract_strided_slice %reshape3A_207 {offsets = [0, 0], sizes = [512, 64], strides = [1, 1]} : vector<512x128xf32> to vector<512x64xf32>
    %concatenate3A = tpu.concatenate %slice3A_214, %add3A_213 in 1 : vector<512x64xf32>, vector<512x64xf32> -> vector<512x128xf32>
    %reshape3A_215 = vector.shape_cast %concatenate3A : vector<512x128xf32> to vector<64x8x128xf32>
    %add3A_216 = arith.constant 0 : i32
    %add3A_217 = vector.broadcast %add3A_216 : i32 to vector<64x8x1xi32>
    %add3A_218 = arith.addi %add3A_38, %add3A_217 : vector<64x8x1xi32>
    %lt3A = arith.constant 10000 : i32
    %lt3A_219 = vector.broadcast %lt3A : i32 to vector<64x8x1xi32>
    %lt3A_220 = arith.cmpi slt, %add3A_218, %lt3A_219 : vector<64x8x1xi32>
    %add3A_221 = arith.addf %mul3A_135, %mul3A_204 : vector<512x64xf32>
    %reshape3A_222 = vector.shape_cast %add3A_221 : vector<512x64xf32> to vector<64x8x64xf32>
    %jit3A = arith.constant 0.000000e+00 : f32
    %broadcast_in_dim3A_223 = vector.shape_cast %lt3A_220 : vector<64x8x1xi1> to vector<64x8x1xi1>
    %broadcast_in_dim3A_224 = vector.broadcast %broadcast_in_dim3A_223 : vector<64x8x1xi1> to vector<64x8x64xi1>
    %broadcast_in_dim3A_225 = vector.broadcast %jit3A : f32 to vector<64x8x64xf32>
    %select_n3A_226 = arith.select %broadcast_in_dim3A_224, %reshape3A_222, %broadcast_in_dim3A_225 : vector<64x8x64xi1>, vector<64x8x64xf32>
    %reduce_sum3A = vector.shape_cast %select_n3A_226 : vector<64x8x64xf32> to vector<1x64x8x64xf32>
    %reduce_sum3A_227 = arith.constant dense<0.000000e+00> : vector<1xf32>
    %reduce_sum3A_228 = vector.multi_reduction <add>, %reduce_sum3A, %reduce_sum3A_227 [1, 2, 3] : vector<1x64x8x64xf32> to vector<1xf32>
    %reduce_sum3A_229 = vector.shape_cast %reduce_sum3A_228 : vector<1xf32> to vector<1x1x1x1xf32>
    %reduce_sum3A_230 = vector.extract %reduce_sum3A_229[0, 0, 0, 0] : f32 from vector<1x1x1x1xf32>
    %reshape3A_231 = vector.broadcast %reduce_sum3A_230 : f32 to vector<1x1xf32>
    %add3A_232 = arith.addf %broadcast_in_dim3A_39, %reshape3A_231 : vector<1x1xf32>
    %slice3A_233 = vector.extract_strided_slice %reshape3A {offsets = [0, 8, 0], sizes = [64, 8, 256], strides = [1, 1, 1]} : vector<64x16x256xf32> to vector<64x8x256xf32>
    %reshape3A_234 = vector.shape_cast %slice3A_233 : vector<64x8x256xf32> to vector<512x256xf32>
    %slice3A_235 = vector.extract_strided_slice %dot_general3A_28 {offsets = [0, 256], sizes = [8192, 256], strides = [1, 1]} : vector<8192x512xf32> to vector<8192x256xf32>
    %reshape3A_236 = vector.shape_cast %slice3A_235 : vector<8192x256xf32> to vector<512x16x256xf32>
    %broadcast_in_dim3A_237 = vector.shape_cast %reshape3A_234 : vector<512x256xf32> to vector<512x1x256xf32>
    %add3A_238 = vector.broadcast %broadcast_in_dim3A_237 : vector<512x1x256xf32> to vector<512x16x256xf32>
    %add3A_239 = arith.addf %reshape3A_236, %add3A_238 : vector<512x16x256xf32>
    %max3A_240 = arith.constant 0.000000e+00 : f32
    %max3A_241 = vector.broadcast %max3A_240 : f32 to vector<512x16x256xf32>
    %max3A_242 = arith.maximumf %add3A_239, %max3A_241 : vector<512x16x256xf32>
    %reshape3A_243 = vector.shape_cast %max3A_242 : vector<512x16x256xf32> to vector<8192x256xf32>
    %get3A_244 = arith.constant 0 : index
    %get3A_245 = arith.constant 0 : index
    %get3A_246 = vector.load %arg8[%get3A_244, %get3A_245] : memref<256x256xf32, #tpu.memory_space<vmem>>, vector<256x256xf32>
    %dot_general3A_247 = arith.constant dense<0.000000e+00> : vector<8192x256xf32>
    %dot_general3A_248 = tpu.matmul %reshape3A_243, %get3A_246, %dot_general3A_247 {dimension_numbers = #tpu.dot_dimension_numbers<[1], [0], [0], [1], [0, 0, 1, 1], [], []>, transpose_lhs_hint = false} : vector<8192x256xf32>, vector<256x256xf32>, vector<8192x256xf32> -> vector<8192x256xf32>
    %get3A_249 = arith.constant 0 : index
    %get3A_250 = arith.constant 0 : index
    %get3A_251 = vector.load %arg9[%get3A_249, %get3A_250] : memref<1x256xf32, #tpu.memory_space<vmem>>, vector<1x256xf32>
    %add3A_252 = vector.broadcast %get3A_251 : vector<1x256xf32> to vector<8192x256xf32>
    %add3A_253 = arith.addf %dot_general3A_248, %add3A_252 : vector<8192x256xf32>
    %max3A_254 = arith.constant 0.000000e+00 : f32
    %max3A_255 = vector.broadcast %max3A_254 : f32 to vector<8192x256xf32>
    %max3A_256 = arith.maximumf %add3A_253, %max3A_255 : vector<8192x256xf32>
    %reshape3A_257 = vector.shape_cast %max3A_256 : vector<8192x256xf32> to vector<512x16x256xf32>
    %reduce_max3A_258 = arith.constant dense<0xFF800000> : vector<512x256xf32>
    %reduce_max3A_259 = vector.multi_reduction <maximumf>, %reshape3A_257, %reduce_max3A_258 [1] : vector<512x16x256xf32> to vector<512x256xf32>
    %get3A_260 = arith.constant 0 : index
    %get3A_261 = arith.constant 0 : index
    %get3A_262 = vector.load %arg10[%get3A_260, %get3A_261] : memref<256x256xf32, #tpu.memory_space<vmem>>, vector<256x256xf32>
    %dot_general3A_263 = arith.constant dense<0.000000e+00> : vector<512x256xf32>
    %dot_general3A_264 = tpu.matmul %reduce_max3A_259, %get3A_262, %dot_general3A_263 {dimension_numbers = #tpu.dot_dimension_numbers<[1], [0], [0], [1], [0, 0, 1, 1], [], []>, transpose_lhs_hint = false} : vector<512x256xf32>, vector<256x256xf32>, vector<512x256xf32> -> vector<512x256xf32>
    %get3A_265 = arith.constant 0 : index
    %get3A_266 = arith.constant 0 : index
    %get3A_267 = vector.load %arg11[%get3A_265, %get3A_266] : memref<1x256xf32, #tpu.memory_space<vmem>>, vector<1x256xf32>
    %add3A_268 = vector.broadcast %get3A_267 : vector<1x256xf32> to vector<512x256xf32>
    %add3A_269 = arith.addf %dot_general3A_264, %add3A_268 : vector<512x256xf32>
    %slice3A_270 = vector.extract_strided_slice %add3A_269 {offsets = [0, 0], sizes = [512, 64], strides = [1, 1]} : vector<512x256xf32> to vector<512x64xf32>
    %div3A_271 = arith.constant 1.900000e+00 : f32
    %div3A_272 = vector.broadcast %div3A_271 : f32 to vector<512x64xf32>
    %div3A_273 = arith.divf %slice3A_270, %div3A_272 : vector<512x64xf32>
    %abs3A_274 = math.absf %div3A_273 : vector<512x64xf32>
    %gt3A_275 = arith.constant 1.000000e+00 : f32
    %gt3A_276 = vector.broadcast %gt3A_275 : f32 to vector<512x64xf32>
    %gt3A_277 = arith.cmpf ogt, %abs3A_274, %gt3A_276 : vector<512x64xf32>
    %max3A_278 = arith.constant 1.000000e-30 : f32
    %max3A_279 = vector.broadcast %max3A_278 : f32 to vector<512x64xf32>
    %max3A_280 = arith.maximumf %abs3A_274, %max3A_279 : vector<512x64xf32>
    %div3A_281 = arith.constant 1.000000e+00 : f32
    %div3A_282 = vector.broadcast %div3A_281 : f32 to vector<512x64xf32>
    %div3A_283 = arith.divf %div3A_282, %max3A_280 : vector<512x64xf32>
    %select_n3A_284 = arith.select %gt3A_277, %div3A_283, %abs3A_274 : vector<512x64xi1>, vector<512x64xf32>
    %mul3A_285 = arith.mulf %select_n3A_284, %select_n3A_284 : vector<512x64xf32>
    %add3A_286 = arith.constant 1.000000e+00 : f32
    %add3A_287 = vector.broadcast %add3A_286 : f32 to vector<512x64xf32>
    %add3A_288 = arith.addf %add3A_287, %mul3A_285 : vector<512x64xf32>
    %sqrt3A_289 = math.sqrt %add3A_288 : vector<512x64xf32>
    %add3A_290 = arith.constant 1.000000e+00 : f32
    %add3A_291 = vector.broadcast %add3A_290 : f32 to vector<512x64xf32>
    %add3A_292 = arith.addf %add3A_291, %sqrt3A_289 : vector<512x64xf32>
    %div3A_293 = arith.divf %select_n3A_284, %add3A_292 : vector<512x64xf32>
    %mul3A_294 = arith.mulf %div3A_293, %div3A_293 : vector<512x64xf32>
    %mul3A_295 = arith.constant 0.111111112 : f32
    %mul3A_296 = vector.broadcast %mul3A_295 : f32 to vector<512x64xf32>
    %mul3A_297 = arith.mulf %mul3A_294, %mul3A_296 : vector<512x64xf32>
    %add3A_298 = arith.constant -0.142857149 : f32
    %add3A_299 = vector.broadcast %add3A_298 : f32 to vector<512x64xf32>
    %add3A_300 = arith.addf %add3A_299, %mul3A_297 : vector<512x64xf32>
    %mul3A_301 = arith.mulf %mul3A_294, %add3A_300 : vector<512x64xf32>
    %add3A_302 = arith.constant 2.000000e-01 : f32
    %add3A_303 = vector.broadcast %add3A_302 : f32 to vector<512x64xf32>
    %add3A_304 = arith.addf %add3A_303, %mul3A_301 : vector<512x64xf32>
    %mul3A_305 = arith.mulf %mul3A_294, %add3A_304 : vector<512x64xf32>
    %add3A_306 = arith.constant -0.333333343 : f32
    %add3A_307 = vector.broadcast %add3A_306 : f32 to vector<512x64xf32>
    %add3A_308 = arith.addf %add3A_307, %mul3A_305 : vector<512x64xf32>
    %mul3A_309 = arith.mulf %mul3A_294, %add3A_308 : vector<512x64xf32>
    %add3A_310 = arith.constant 1.000000e+00 : f32
    %add3A_311 = vector.broadcast %add3A_310 : f32 to vector<512x64xf32>
    %add3A_312 = arith.addf %add3A_311, %mul3A_309 : vector<512x64xf32>
    %mul3A_313 = arith.mulf %div3A_293, %add3A_312 : vector<512x64xf32>
    %mul3A_314 = arith.constant 2.000000e+00 : f32
    %mul3A_315 = vector.broadcast %mul3A_314 : f32 to vector<512x64xf32>
    %mul3A_316 = arith.mulf %mul3A_315, %mul3A_313 : vector<512x64xf32>
    %sub3A_317 = arith.constant 1.57079637 : f32
    %sub3A_318 = vector.broadcast %sub3A_317 : f32 to vector<512x64xf32>
    %sub3A_319 = arith.subf %sub3A_318, %mul3A_316 : vector<512x64xf32>
    %select_n3A_320 = arith.select %gt3A_277, %sub3A_319, %mul3A_316 : vector<512x64xi1>, vector<512x64xf32>
    %sign3A_321 = tpu.bitcast %div3A_273 : vector<512x64xf32> -> vector<512x64xi32>
    %sign3A_322 = arith.constant -2147483648 : i32
    %sign3A_323 = vector.broadcast %sign3A_322 : i32 to vector<512x64xi32>
    %sign3A_324 = arith.andi %sign3A_321, %sign3A_323 : vector<512x64xi32>
    %sign3A_325 = arith.constant 1065353216 : i32
    %sign3A_326 = vector.broadcast %sign3A_325 : i32 to vector<512x64xi32>
    %sign3A_327 = arith.ori %sign3A_326, %sign3A_324 : vector<512x64xi32>
    %sign3A_328 = tpu.bitcast %sign3A_327 : vector<512x64xi32> -> vector<512x64xf32>
    %sign3A_329 = math.absf %div3A_273 : vector<512x64xf32>
    %sign3A_330 = arith.constant 0.000000e+00 : f32
    %sign3A_331 = vector.broadcast %sign3A_330 : f32 to vector<512x64xf32>
    %sign3A_332 = arith.cmpf ogt, %sign3A_329, %sign3A_331 : vector<512x64xf32>
    %sign3A_333 = arith.select %sign3A_332, %sign3A_328, %div3A_273 : vector<512x64xi1>, vector<512x64xf32>
    %mul3A_334 = arith.mulf %sign3A_333, %select_n3A_320 : vector<512x64xf32>
    %mul3A_335 = arith.constant 1.208400e+00 : f32
    %mul3A_336 = vector.broadcast %mul3A_335 : f32 to vector<512x64xf32>
    %mul3A_337 = arith.mulf %mul3A_336, %mul3A_334 : vector<512x64xf32>
    %slice3A_338 = vector.extract_strided_slice %add3A_269 {offsets = [0, 64], sizes = [512, 64], strides = [1, 1]} : vector<512x256xf32> to vector<512x64xf32>
    %slice3A_339 = vector.extract_strided_slice %add3A_269 {offsets = [0, 128], sizes = [512, 64], strides = [1, 1]} : vector<512x256xf32> to vector<512x64xf32>
    %div3A_340 = arith.constant 1.900000e+00 : f32
    %div3A_341 = vector.broadcast %div3A_340 : f32 to vector<512x64xf32>
    %div3A_342 = arith.divf %slice3A_339, %div3A_341 : vector<512x64xf32>
    %abs3A_343 = math.absf %div3A_342 : vector<512x64xf32>
    %gt3A_344 = arith.constant 1.000000e+00 : f32
    %gt3A_345 = vector.broadcast %gt3A_344 : f32 to vector<512x64xf32>
    %gt3A_346 = arith.cmpf ogt, %abs3A_343, %gt3A_345 : vector<512x64xf32>
    %max3A_347 = arith.constant 1.000000e-30 : f32
    %max3A_348 = vector.broadcast %max3A_347 : f32 to vector<512x64xf32>
    %max3A_349 = arith.maximumf %abs3A_343, %max3A_348 : vector<512x64xf32>
    %div3A_350 = arith.constant 1.000000e+00 : f32
    %div3A_351 = vector.broadcast %div3A_350 : f32 to vector<512x64xf32>
    %div3A_352 = arith.divf %div3A_351, %max3A_349 : vector<512x64xf32>
    %select_n3A_353 = arith.select %gt3A_346, %div3A_352, %abs3A_343 : vector<512x64xi1>, vector<512x64xf32>
    %mul3A_354 = arith.mulf %select_n3A_353, %select_n3A_353 : vector<512x64xf32>
    %add3A_355 = arith.constant 1.000000e+00 : f32
    %add3A_356 = vector.broadcast %add3A_355 : f32 to vector<512x64xf32>
    %add3A_357 = arith.addf %add3A_356, %mul3A_354 : vector<512x64xf32>
    %sqrt3A_358 = math.sqrt %add3A_357 : vector<512x64xf32>
    %add3A_359 = arith.constant 1.000000e+00 : f32
    %add3A_360 = vector.broadcast %add3A_359 : f32 to vector<512x64xf32>
    %add3A_361 = arith.addf %add3A_360, %sqrt3A_358 : vector<512x64xf32>
    %div3A_362 = arith.divf %select_n3A_353, %add3A_361 : vector<512x64xf32>
    %mul3A_363 = arith.mulf %div3A_362, %div3A_362 : vector<512x64xf32>
    %mul3A_364 = arith.constant 0.111111112 : f32
    %mul3A_365 = vector.broadcast %mul3A_364 : f32 to vector<512x64xf32>
    %mul3A_366 = arith.mulf %mul3A_363, %mul3A_365 : vector<512x64xf32>
    %add3A_367 = arith.constant -0.142857149 : f32
    %add3A_368 = vector.broadcast %add3A_367 : f32 to vector<512x64xf32>
    %add3A_369 = arith.addf %add3A_368, %mul3A_366 : vector<512x64xf32>
    %mul3A_370 = arith.mulf %mul3A_363, %add3A_369 : vector<512x64xf32>
    %add3A_371 = arith.constant 2.000000e-01 : f32
    %add3A_372 = vector.broadcast %add3A_371 : f32 to vector<512x64xf32>
    %add3A_373 = arith.addf %add3A_372, %mul3A_370 : vector<512x64xf32>
    %mul3A_374 = arith.mulf %mul3A_363, %add3A_373 : vector<512x64xf32>
    %add3A_375 = arith.constant -0.333333343 : f32
    %add3A_376 = vector.broadcast %add3A_375 : f32 to vector<512x64xf32>
    %add3A_377 = arith.addf %add3A_376, %mul3A_374 : vector<512x64xf32>
    %mul3A_378 = arith.mulf %mul3A_363, %add3A_377 : vector<512x64xf32>
    %add3A_379 = arith.constant 1.000000e+00 : f32
    %add3A_380 = vector.broadcast %add3A_379 : f32 to vector<512x64xf32>
    %add3A_381 = arith.addf %add3A_380, %mul3A_378 : vector<512x64xf32>
    %mul3A_382 = arith.mulf %div3A_362, %add3A_381 : vector<512x64xf32>
    %mul3A_383 = arith.constant 2.000000e+00 : f32
    %mul3A_384 = vector.broadcast %mul3A_383 : f32 to vector<512x64xf32>
    %mul3A_385 = arith.mulf %mul3A_384, %mul3A_382 : vector<512x64xf32>
    %sub3A_386 = arith.constant 1.57079637 : f32
    %sub3A_387 = vector.broadcast %sub3A_386 : f32 to vector<512x64xf32>
    %sub3A_388 = arith.subf %sub3A_387, %mul3A_385 : vector<512x64xf32>
    %select_n3A_389 = arith.select %gt3A_346, %sub3A_388, %mul3A_385 : vector<512x64xi1>, vector<512x64xf32>
    %sign3A_390 = tpu.bitcast %div3A_342 : vector<512x64xf32> -> vector<512x64xi32>
    %sign3A_391 = arith.constant -2147483648 : i32
    %sign3A_392 = vector.broadcast %sign3A_391 : i32 to vector<512x64xi32>
    %sign3A_393 = arith.andi %sign3A_390, %sign3A_392 : vector<512x64xi32>
    %sign3A_394 = arith.constant 1065353216 : i32
    %sign3A_395 = vector.broadcast %sign3A_394 : i32 to vector<512x64xi32>
    %sign3A_396 = arith.ori %sign3A_395, %sign3A_393 : vector<512x64xi32>
    %sign3A_397 = tpu.bitcast %sign3A_396 : vector<512x64xi32> -> vector<512x64xf32>
    %sign3A_398 = math.absf %div3A_342 : vector<512x64xf32>
    %sign3A_399 = arith.constant 0.000000e+00 : f32
    %sign3A_400 = vector.broadcast %sign3A_399 : f32 to vector<512x64xf32>
    %sign3A_401 = arith.cmpf ogt, %sign3A_398, %sign3A_400 : vector<512x64xf32>
    %sign3A_402 = arith.select %sign3A_401, %sign3A_397, %div3A_342 : vector<512x64xi1>, vector<512x64xf32>
    %mul3A_403 = arith.mulf %sign3A_402, %select_n3A_389 : vector<512x64xf32>
    %mul3A_404 = arith.constant 1.208400e+00 : f32
    %mul3A_405 = vector.broadcast %mul3A_404 : f32 to vector<512x64xf32>
    %mul3A_406 = arith.mulf %mul3A_405, %mul3A_403 : vector<512x64xf32>
    %slice3A_407 = vector.extract_strided_slice %add3A_269 {offsets = [0, 192], sizes = [512, 64], strides = [1, 1]} : vector<512x256xf32> to vector<512x64xf32>
    %slice3A_408 = vector.extract_strided_slice %reshape3A_20 {offsets = [0, 8, 0], sizes = [64, 8, 128], strides = [1, 1, 1]} : vector<64x16x128xf32> to vector<64x8x128xf32>
    %reshape3A_409 = vector.shape_cast %slice3A_408 : vector<64x8x128xf32> to vector<512x128xf32>
    %slice3A_410 = vector.extract_strided_slice %reshape3A_409 {offsets = [0, 64], sizes = [512, 64], strides = [1, 1]} : vector<512x128xf32> to vector<512x64xf32>
    %exp3A_411 = math.exp %mul3A_337 : vector<512x64xf32>
    %mul3A_412 = arith.mulf %slice3A_410, %exp3A_411 : vector<512x64xf32>
    %add3A_413 = arith.addf %mul3A_412, %slice3A_338 : vector<512x64xf32>
    %exp3A_414 = math.exp %mul3A_406 : vector<512x64xf32>
    %mul3A_415 = arith.mulf %add3A_413, %exp3A_414 : vector<512x64xf32>
    %add3A_416 = arith.addf %mul3A_415, %slice3A_407 : vector<512x64xf32>
    %slice3A_417 = vector.extract_strided_slice %reshape3A_409 {offsets = [0, 0], sizes = [512, 64], strides = [1, 1]} : vector<512x128xf32> to vector<512x64xf32>
    %concatenate3A_418 = tpu.concatenate %slice3A_417, %add3A_416 in 1 : vector<512x64xf32>, vector<512x64xf32> -> vector<512x128xf32>
    %reshape3A_419 = vector.shape_cast %concatenate3A_418 : vector<512x128xf32> to vector<64x8x128xf32>
    %add3A_420 = arith.constant 8 : i32
    %add3A_421 = vector.broadcast %add3A_420 : i32 to vector<64x8x1xi32>
    %add3A_422 = arith.addi %add3A_38, %add3A_421 : vector<64x8x1xi32>
    %lt3A_423 = arith.constant 10000 : i32
    %lt3A_424 = vector.broadcast %lt3A_423 : i32 to vector<64x8x1xi32>
    %lt3A_425 = arith.cmpi slt, %add3A_422, %lt3A_424 : vector<64x8x1xi32>
    %add3A_426 = arith.addf %mul3A_337, %mul3A_406 : vector<512x64xf32>
    %reshape3A_427 = vector.shape_cast %add3A_426 : vector<512x64xf32> to vector<64x8x64xf32>
    %jit3A_428 = arith.constant 0.000000e+00 : f32
    %broadcast_in_dim3A_429 = vector.shape_cast %lt3A_425 : vector<64x8x1xi1> to vector<64x8x1xi1>
    %broadcast_in_dim3A_430 = vector.broadcast %broadcast_in_dim3A_429 : vector<64x8x1xi1> to vector<64x8x64xi1>
    %broadcast_in_dim3A_431 = vector.broadcast %jit3A_428 : f32 to vector<64x8x64xf32>
    %select_n3A_432 = arith.select %broadcast_in_dim3A_430, %reshape3A_427, %broadcast_in_dim3A_431 : vector<64x8x64xi1>, vector<64x8x64xf32>
    %reduce_sum3A_433 = vector.shape_cast %select_n3A_432 : vector<64x8x64xf32> to vector<1x64x8x64xf32>
    %reduce_sum3A_434 = arith.constant dense<0.000000e+00> : vector<1xf32>
    %reduce_sum3A_435 = vector.multi_reduction <add>, %reduce_sum3A_433, %reduce_sum3A_434 [1, 2, 3] : vector<1x64x8x64xf32> to vector<1xf32>
    %reduce_sum3A_436 = vector.shape_cast %reduce_sum3A_435 : vector<1xf32> to vector<1x1x1x1xf32>
    %reduce_sum3A_437 = vector.extract %reduce_sum3A_436[0, 0, 0, 0] : f32 from vector<1x1x1x1xf32>
    %reshape3A_438 = vector.broadcast %reduce_sum3A_437 : f32 to vector<1x1xf32>
    %add3A_439 = arith.addf %add3A_232, %reshape3A_438 : vector<1x1xf32>
    %concatenate3A_440 = tpu.concatenate %reshape3A_215, %reshape3A_419 in 1 : vector<64x8x128xf32>, vector<64x8x128xf32> -> vector<64x16x128xf32>
    %reshape3A_441 = vector.shape_cast %concatenate3A_440 : vector<64x16x128xf32> to vector<1024x128xf32>
    %swap3A = arith.constant 0 : index
    %swap3A_442 = arith.constant 0 : index
    %swap3A_443 = vector.load %arg12[%swap3A, %swap3A_442] : memref<1024x128xf32, #tpu.memory_space<vmem>>, vector<1024x128xf32>
    tpu.vector_store %arg12[%swap3A, %swap3A_442], %reshape3A_441 {strides = array<i32>} : memref<1024x128xf32, #tpu.memory_space<vmem>>, vector<1024x128xf32>,
    %eq3A = arith.constant 0 : i32
    %eq3A_444 = arith.cmpi eq, %arg0, %eq3A : i32
    %convert_element_type3A = arith.extui %eq3A_444 : i1 to i32
    %cond3A = arith.constant 0 : i32
    %cond3A_445 = arith.cmpi ne, %convert_element_type3A, %cond3A : i32
    scf.if %cond3A_445 {
      %swap3A_450 = arith.constant 0 : index
      %swap3A_451 = arith.constant 0 : index
      %swap3A_452 = vector.load %arg13[%swap3A_450, %swap3A_451] : memref<1x1xf32, #tpu.memory_space<vmem>>, vector<1x1xf32>
      tpu.vector_store %arg13[%swap3A_450, %swap3A_451], %add3A_439 {strides = array<i32>} : memref<1x1xf32, #tpu.memory_space<vmem>>, vector<1x1xf32>,
    } else {
    }
    %ne3A = arith.constant 0 : i32
    %ne3A_446 = arith.cmpi ne, %arg0, %ne3A : i32
    %convert_element_type3A_447 = arith.extui %ne3A_446 : i1 to i32
    %cond3A_448 = arith.constant 0 : i32
    %cond3A_449 = arith.cmpi ne, %convert_element_type3A_447, %cond3A_448 : i32
    scf.if %cond3A_449 {
      %get3A_450 = arith.constant 0 : index
      %get3A_451 = arith.constant 0 : index
      %get3A_452 = vector.load %arg13[%get3A_450, %get3A_451] : memref<1x1xf32, #tpu.memory_space<vmem>>, vector<1x1xf32>
      %add3A_453 = arith.addf %get3A_452, %add3A_439 : vector<1x1xf32>
      %swap3A_454 = arith.constant 0 : index
      %swap3A_455 = arith.constant 0 : index
      %swap3A_456 = vector.load %arg13[%swap3A_454, %swap3A_455] : memref<1x1xf32, #tpu.memory_space<vmem>>, vector<1x1xf32>
      tpu.vector_store %arg13[%swap3A_454, %swap3A_455], %add3A_453 {strides = array<i32>} : memref<1x1xf32, #tpu.memory_space<vmem>>, vector<1x1xf32>,
    } else {
    }
    return
  }
  func.func @transform_0(%arg0: i32) -> (i32, i32) {
    %add3A = arith.constant 0 : i32
    %add3A_0 = arith.addi %arg0, %add3A : i32
    %c0_i32 = arith.constant 0 : i32
    %c0_i32_1 = arith.constant 0 : i32
    return %add3A_0, %c0_i32 : i32, i32
  }
  func.func @transform_1(%arg0: i32) -> (i32, i32) {
    %c0_i32 = arith.constant 0 : i32
    %c0_i32_0 = arith.constant 0 : i32
    return %arg0, %c0_i32 : i32, i32
  }
  func.func @transform_2(%arg0: i32) -> (i32, i32) {
    %c0_i32 = arith.constant 0 : i32
    %c0_i32_0 = arith.constant 0 : i32
    %c0_i32_1 = arith.constant 0 : i32
    return %c0_i32, %c0_i32_0 : i32, i32
  }
  func.func @transform_3(%arg0: i32) -> (i32, i32) {
    %c0_i32 = arith.constant 0 : i32
    %c0_i32_0 = arith.constant 0 : i32
    %c0_i32_1 = arith.constant 0 : i32
    return %c0_i32, %c0_i32_0 : i32, i32
  }
  func.func @transform_4(%arg0: i32) -> (i32, i32) {
    %c0_i32 = arith.constant 0 : i32
    %c0_i32_0 = arith.constant 0 : i32
    %c0_i32_1 = arith.constant 0 : i32
    return %c0_i32, %c0_i32_0 : i32, i32
  }
  func.func @transform_5(%arg0: i32) -> (i32, i32) {
    %c0_i32 = arith.constant 0 : i32
    %c0_i32_0 = arith.constant 0 : i32
    %c0_i32_1 = arith.constant 0 : i32
    return %c0_i32, %c0_i32_0 : i32, i32
  }
  func.func @transform_6(%arg0: i32) -> (i32, i32) {
    %c0_i32 = arith.constant 0 : i32
    %c0_i32_0 = arith.constant 0 : i32
    %c0_i32_1 = arith.constant 0 : i32
    return %c0_i32, %c0_i32_0 : i32, i32
  }
  func.func @transform_7(%arg0: i32) -> (i32, i32) {
    %c0_i32 = arith.constant 0 : i32
    %c0_i32_0 = arith.constant 0 : i32
    %c0_i32_1 = arith.constant 0 : i32
    return %c0_i32, %c0_i32_0 : i32, i32
  }
  func.func @transform_8(%arg0: i32) -> (i32, i32) {
    %c0_i32 = arith.constant 0 : i32
    %c0_i32_0 = arith.constant 0 : i32
    %c0_i32_1 = arith.constant 0 : i32
    return %c0_i32, %c0_i32_0 : i32, i32
  }
  func.func @transform_9(%arg0: i32) -> (i32, i32) {
    %c0_i32 = arith.constant 0 : i32
    %c0_i32_0 = arith.constant 0 : i32
    %c0_i32_1 = arith.constant 0 : i32
    return %c0_i32, %c0_i32_0 : i32, i32
  }
  func.func @transform_10(%arg0: i32) -> (i32, i32) {
    %c0_i32 = arith.constant 0 : i32
    %c0_i32_0 = arith.constant 0 : i32
    %c0_i32_1 = arith.constant 0 : i32
    return %c0_i32, %c0_i32_0 : i32, i32
  }
  func.func @transform_11(%arg0: i32) -> (i32, i32) {
    %c0_i32 = arith.constant 0 : i32
    %c0_i32_0 = arith.constant 0 : i32
    return %arg0, %c0_i32 : i32, i32
  }
  func.func @transform_12(%arg0: i32) -> (i32, i32) {
    %c0_i32 = arith.constant 0 : i32
    %c0_i32_0 = arith.constant 0 : i32
    %c0_i32_1 = arith.constant 0 : i32
    return %c0_i32, %c0_i32_0 : i32, i32
  }
}

</mosaic_0001>

<sc_bundles>
// kernel: kernel.6.cloned.1.call-start
scs
__scs_entry_jumppad:
0x0: {  	(pc) =	sbr.rel $0x88, $3  }
0x1: {  	(tag) =	ssettag $0x0;
	lr =	simm.s32 $0x1  }
0x2: {  	[smem:$0x3F85] =	sst lr;
	_ =	strace $0xD0000000  }
0x3: {  	_ = 	snop  }
0x4: {  	_ = 	snop  }
0x5: {  	_ = 	snop  }
0x6: {  	_ = 	snop  }
0x7: {  	_ = 	snop  }
__scs_overlays_trampoline_lowered:
0x8: {  	[smem:$0x3F94] =	sst s0  }
0x9: {  	[smem:$0x3F95] =	sst s1  }
0xa: {  	[smem:$0x3F96] =	sst s2  }
0xb: {  	[smem:$0x3F97] =	sst s3  }
0xc: {  	[smem:$0x3F98] =	sst s4  }
0xd: {  	[smem:$0x3F99] =	sst s5  }
0xe: {  	[smem:$0x3F9A] =	sst s6  }
0xf: {  	[smem:$0x3F9B] =	sst s7  }
0x10: {  	[smem:$0x3F9C] =	sst s8  }
0x11: {  	[smem:$0x3F9D] =	sst s9;
	s0 =	simm.s32 @!p0 $0x0  }
0x12: {  	s1 =	sld [smem:$0x3F83];
	s0 =	simm.s32 @p0 $0x1  }
0x13: {  	[smem:$0x3F9E] =	sst s0;
	s0 =	simm.s32 @!p1 $0x0  }
0x14: {  	s2 =	sld [smem:$0x3F82];
	s0 =	simm.s32 @p1 $0x1  }
0x15: {  	[smem:$0x3F9F] =	sst s0;
	s0 =	simm.s32 @!p2 $0x0  }
0x16: {  	s3 =	sld [smem:$0x3FDB];
	s0 =	simm.s32 @p2 $0x1  }
0x17: {  	s4 =	simm.s32 $0x1BF5;
	[smem:$0x3FA1] =	sst s0  }
0x18: {  	s0 =	sld [smem:$0x3F84];
	_ =	swait.ge [sflag:s4], $0x0  }
0x19: {  	s7 =	sld [smem:$0x3F85]  }
0x1a: {  	s8 =	sadd.s32 $0xFFFFE003, lr  }
0x1b: {  	s9 =	sadd.s32 $0xFFFFFEF7, lr;
	s5 =	simm.s32 $0xFFFFFFFF;
	p2 =	slt.u32 s8, $0xFFFFF086  }
0x1c: {  	p1 =	slt.u32 s9, $0xF7A;
	s5 =	simm.s32 @!p2 $0x0  }
0x1d: {  	s5 =	simm.s32 @p1 $0x1;
	p0 =	seq.s32 s7, s2  }
0x1e: {  	s7 =	smul.u32 @!p0 $0xF7A, s2;
	p2 =	seq.s32 @!p0 s5, $0x0  }
0x1f: {  	s9 =	smul.u32 $0xF7A, s1;
	s8 =	simm.s32 @!p0 $0x1BF5;
	p2 =	por !p2, p0  }
0x20: {  	[sflag:s8] =	ssyncset.s32 @!p0 $0xFFFFF086;
	s6 =	sadd.s32 @!p0 s3, s7;
	s7 =	simm.s32 @!p0 $0x108  }
0x21: {  	s3 =	sadd.s32 s3, s9;
	s6 =	sadd.s32 @!p0 $0x88, s6;
	s7 =	simm.s32 @p2 $0x1082  }
0x22: {  	[simem:s7], [sflag:s8] =	dma.local @!p0 [hbm:s6], $0xF7A  }
0x23: {  	s9 =	sor.u32 $0xD0000000, s2;
	s6 =	simm.s32 $0x108;
	_ =	swait.ge @!p0 [sflag:s8], $0x0  }
0x24: {  	s3 =	sadd.s32 $0x88, s3;
	s6 =	simm.s32 @!p1 $0x1082;
	[sflag:s4] =	ssyncset.s32 $0xFFFFF086  }
0x25: {  	[simem:s6], [sflag:s4] =	dma.local [hbm:s3], $0xF7A  }
0x26: {  	[smem:$0x3F85] =	sst s1;
	(tag) =	ssettag s2;
	_ =	strace s9  }
0x27: {  	s1 =	sld [smem:$0x3F95]  }
0x28: {  	s2 =	sld [smem:$0x3F96]  }
0x29: {  	s4 =	sld [smem:$0x3F98]  }
0x2a: {  	p0 =	seq.s32 s5, $0x0;
	s5 =	sld [smem:$0x3F99]  }
0x2b: {  	s6 =	sld [smem:$0x3F9A]  }
0x2c: {  	s7 =	sld [smem:$0x3F9B]  }
0x2d: {  	s3 =	simm.s32 $0x108;
	s8 =	sld [smem:$0x3F9C]  }
0x2e: {  	s3 =	simm.s32 @!p0 $0x1082;
	s9 =	sld [smem:$0x3F9D]  }
0x2f: {  	lr =	sadd.s32 s0, s3;
	s0 =	sld [smem:$0x3F94]  }
0x30: {  	s3 =	sld [smem:$0x3F97]  }
0x31: {  	[smem:$0x3FA0] =	sst s10  }
0x32: {  	s10 =	sld [smem:$0x3F9E];
	_ =	sdelay $0x3  }
0x33: {  	p0 =	seq.s32 s10, $0x1;
	s10 =	sld [smem:$0x3FA0];
	_ =	sdelay $0x3  }
0x34: {  	[smem:$0x3FA0] =	sst s10  }
0x35: {  	s10 =	sld [smem:$0x3F9F];
	_ =	sdelay $0x3  }
0x36: {  	p1 =	seq.s32 s10, $0x1;
	s10 =	sld [smem:$0x3FA0];
	_ =	sdelay $0x3  }
0x37: {  	[smem:$0x3FA0] =	sst s10  }
0x38: {  	s10 =	sld [smem:$0x3FA1]  }
0x39: {  	_ = 	snop;
	(pc) =	sbr.ind lr, $3  }
0x3a: {  	_ = 	snop  }
0x3b: {  	_ = 	snop  }
0x3c: {  	p2 =	seq.s32 s10, $0x1;
	s10 =	sld [smem:$0x3FA0]  }
0x3d: {  	_ =	shalt  }
0x3e: {  	_ =	shalt  }
0x3f: {  	_ =	shalt  }
0x40: {  	_ =	shalt  }
0x41: {  	_ =	shalt  }
0x42: {  	_ =	shalt  }
0x43: {  	_ =	shalt  }
0x44: {  	_ =	shalt  }
0x45: {  	_ =	shalt  }
0x46: {  	_ =	shalt  }
0x47: {  	_ =	shalt  }
0x48: {  	_ =	shalt  }
0x49: {  	_ =	shalt  }
0x4a: {  	_ =	shalt  }
0x4b: {  	_ =	shalt  }
0x4c: {  	_ =	shalt  }
0x4d: {  	_ =	shalt  }
0x4e: {  	_ =	shalt  }
0x4f: {  	_ =	shalt  }
0x50: {  	_ =	shalt  }
0x51: {  	_ =	shalt  }
0x52: {  	_ =	shalt  }
0x53: {  	_ =	shalt  }
0x54: {  	_ =	shalt  }
0x55: {  	_ =	shalt  }
0x56: {  	_ =	shalt  }
0x57: {  	_ =	shalt  }
0x58: {  	_ =	shalt  }
0x59: {  	_ =	shalt  }
0x5a: {  	_ =	shalt  }
0x5b: {  	_ =	shalt  }
0x5c: {  	_ =	shalt  }
0x5d: {  	_ =	shalt  }
0x5e: {  	_ =	shalt  }
0x5f: {  	_ =	shalt  }
0x60: {  	_ =	shalt  }
0x61: {  	_ =	shalt  }
0x62: {  	_ =	shalt  }
0x63: {  	_ =	shalt  }
0x64: {  	_ =	shalt  }
0x65: {  	_ =	shalt  }
0x66: {  	_ =	shalt  }
0x67: {  	_ =	shalt  }
0x68: {  	_ =	shalt  }
0x69: {  	_ =	shalt  }
0x6a: {  	_ =	shalt  }
0x6b: {  	_ =	shalt  }
0x6c: {  	_ =	shalt  }
0x6d: {  	_ =	shalt  }
0x6e: {  	_ =	shalt  }
0x6f: {  	_ =	shalt  }
0x70: {  	_ =	shalt  }
0x71: {  	_ =	shalt  }
0x72: {  	_ =	shalt  }
0x73: {  	_ =	shalt  }
0x74: {  	_ =	shalt  }
0x75: {  	_ =	shalt  }
0x76: {  	_ =	shalt  }
0x77: {  	_ =	shalt  }
0x78: {  	_ =	shalt  }
0x79: {  	_ =	shalt  }
0x7a: {  	_ =	shalt  }
0x7b: {  	_ =	shalt  }
0x7c: {  	_ =	shalt  }
0x7d: {  	_ =	shalt  }
0x7e: {  	_ =	shalt  }
0x7f: {  	_ =	shalt  }
0x80: {  	_ =	shalt  }
0x81: {  	_ =	shalt  }
0x82: {  	_ =	shalt  }
0x83: {  	_ =	shalt  }
0x84: {  	_ =	shalt  }
0x85: {  	_ =	shalt  }
0x86: {  	_ =	shalt  }
0x87: {  	_ =	shalt  }
.Lfunc_end0:
.L_simem_size_0:
called_computation_lowered:
.L_overlay_start_0:
0x88: {  	s2 =	sld [smem:$0x3FD9]  }
0x89: {  	s3 =	sld [smem:$0x3FFE];
	_ =	sdelay $0x1  }
0x8a: {  	s1 =	srdreg.scid  }
0x8b: {  	s0 =	sand.u32 $0x1, s1  }
0x8c: {  	s14 =	sshll.u32 s0, $0xA;
	s2 =	sadd.s32 s3, s2  }
0x8d: {  	s2 =	sadd.s32 s2, s14  }
0x8e: {  	[smem:$0x3FAC] =	sst s2  }
0x8f: {  	_ = 	snop  }
0x90: {  	s2 =	sld [smem:$0x3FD0];
	_ =	sdelay $0x2  }
0x91: {  	s15 =	simm.s32 $0xB;
	s4 =	simm.s32 $0x10  }
0x92: {  	[smem:s4], [sflag:s15] =	dma.local [hbm:s2], $0x1  }
0x93: {  	_ =	swait.eq [sflag:s15], $0x1  }
0x94: {  	[sflag:s15] =	ssyncset.done $0x0  }
0x95: {  	[sflag:s15] =	ssyncadd.s32 $0xFFFFFFFF  }
0x96: {  	s16 =	sld [smem:$0x10];
	(tm) =	ssettm $0x1  }
0x97: {  	s17 =	sld [smem:$0x3FFB];
	_ =	sdelay $0x3  }
0x98: {  	_ =	strace s17  }
0x99: {  	s3 =	sld [smem:$0x3FFC];
	_ =	sdelay $0x3  }
0x9a: {  	_ =	strace s3  }
0x9b: {  	s3 =	sld [smem:$0x3FFD];
	_ =	sdelay $0x3  }
0x9c: {  	_ =	strace s3  }
0x9d: {  	_ =	strace $0x8FFFFFFF  }
0x9e: {  	s18 =	sld [smem:$0x3FDB];
	_ =	sdelay $0x1  }
0x9f: {  	s19 =	simm.s32 $_scs_section_size  }
0xa0: {  	s5 =	simm.s32 $_size__tile_overlayer_lowered;
	s6 =	simm.s32 $_tile_overlayer_lowered  }
0xa1: {  	s22 =	simm.s32 $0x1BFF;
	s21 =	sshll.u32 s6, $0x1;
	s3 =	sadd.s32 s19, s18  }
0xa2: {  	s7 =	simm.s32 $0x0;
	s20 =	sshll.u32 s5, $0x1;
	s5 =	sadd.s32 s21, s3  }
0xa3: {  	[timem:s7], [sflag:s22] =	dma.local [hbm:s5], s20  }
0xa4: {  	_ =	swait.ge [sflag:s22], s20  }
0xa5: {  	s4 =	ssub.s32 $0x0, s20;
	[sflag:s22] =	ssyncset.done $0x0  }
0xa6: {  	[sflag:s22] =	ssyncadd.s32 s4;
	_ =	sdelay $0x1  }
0xa7: {  	s23 =	simm.s32 $0x1B8B  }
0xa8: {  	_ =	swait.ge [sflag:s23], $0x1  }
0xa9: {  	[sflag:s23] =	ssyncset.done $0x0  }
0xaa: {  	s25 =	simm.s32 $0x1B8E;
	s24 =	sld [smem:$0x3FFE];
	[sflag:s23] =	ssyncadd.s32 $0xFFFFFFFF  }
0xab: {  	s26 =	simm.s32 $execute0_lowered;
	[smem:$0x3FD2] =	sst s25  }
0xac: {  	s5 =	sshll.u32 s26, $0x1;
	_ =	strace $0x80000046;
	[dreg:$0x1] =	wrdreg $0xFFFFFFFF  }
0xad: {  	s28 =	simm.s32 $_size_execute0_lowered;
	s3 =	sadd.s32 s3, s5;
	[dreg:$0x0] =	wrdreg $0x0  }
0xae: {  	s5 =	sshll.u32 s28, $0x1;
	[dreg:$0x2] =	wrdreg s3  }
0xaf: {  	[dreg:$0x3] =	wrdreg s5  }
0xb0: {  	[dreg:$0x4] =	wrdreg $0xC0  }
0xb1: {  	_ =	task [dreg:s7], $0x5FFFF  }
0xb2: {  	[dreg:$0x1] =	wrdreg $0xFFFFFFFF  }
0xb3: {  	[dreg:$0x0] =	wrdreg $0x60  }
0xb4: {  	[dreg:$0x2] =	wrdreg s16  }
0xb5: {  	[dreg:$0x3] =	wrdreg s24  }
0xb6: {  	[dreg:$0x4] =	wrdreg $0xB2000  }
0xb7: {  	[dreg:$0x5] =	wrdreg $0x9  }
0xb8: {  	_ =	task.clear_ibuf [dreg:s7], $0x6FFFF;
	_ =	strace $0x90000046  }
0xb9: {  	s29 =	simm.s32 $0x9;
	_ =	strace $0x80000048  }
0xba: {  	_ =	swait.ge [sflag:s29], $0x1  }
0xbb: {  	[sflag:s29] =	ssyncadd.s32 $0xFFFFFFFF  }
0xbc: {  	_ =	strace $0x90000048  }
0xbd: {  	_ =	sfence  }
0xbe: {  	s30 =	sld [smem:$0x0];
	_ =	sdelay $0x2  }
0xbf: {  	s31 =	sshll.u32 s1, $0xD;
	s1 =	sshrl.u32 s1, $0x2  }
0xc0: {  	s3 =	sand.u32 $0x4000, s31;
	s1 =	sadd.s32 s1, s30  }
0xc1: {  	s0 =	sor.u32 s3, s0;
	s1 =	sshll.u32 s1, $0x11  }
0xc2: {  	s0 =	sor.u32 s1, s0  }
0xc3: {  	s0 =	sadd.s32 $0x8F2B, s0  }
0xc4: {  	[sflag:s0] =	ssyncadd.remote.s32 $0x1  }
0xc5: {  	_ =	sfence.sel $0xFFFF  }
0xc6: {  	[dreg:$0x0] =	wrdreg $0xFFFFFFFF;
	(pc) =	sbr.abs _section_cstart, $3  }
0xc7: {  	[dreg:$0x1] =	wrdreg $0xFFFFFFFF  }
0xc8: {  	_ =	task.clear_ibuf [dreg:s7], $0x2FFFF;
	_ =	strace $0x9FFFFFFF  }
0xc9: {  	(tm) =	ssettm $0x7FFFFFFF  }
tec
execute0_lowered:
.L_overlay_start_1:
0x0: {  	(tag) =	ssettag $0x1  }
0x1: {  	s0 =	rddreg [dreg:$0x1]  }
0x2: {  	s2 =	rddreg [dreg:$0x2]  }
0x3: {  	s1 =	srdreg.scid;
	s12 =	stileid.u32;
	s3 =	simm.s32 $0x0  }
0x4: {  	s13 =	simm.s32 $0x9;
	s14 =	simm.s32 $0x80;
	s16 =	simm.s32 $0x3200  }
0x5: {  	s18 =	simm.s32 $0x5200;
	s20 =	simm.s32 $0x7200;
	s22 =	simm.s32 $0x9200  }
0x6: {  	s23 =	simm.s32 $0x1;
	s24 =	simm.s32 $0x40;
	s25 =	simm.s32 $0x2  }
0x7: {  	s26 =	simm.s32 $0x3;
	s28 =	simm.s32 $0x4;
	s29 =	simm.s32 $0x5  }
0x8: {  	s30 =	simm.s32 $0x6;
	s31 =	simm.s32 $0x7;
	s1 =	sand.u32 $0x1, s1  }
0x9: {  	s4 =	sshll.u32 s12, $0x1;
	[smem:$0x7FF] =	sst s3;
	s9 =	smul.u32 $0xA000, s12  }
0xa: {  	p0 =	sne.s32 s12, $0x0;
	s5 =	sor.u32 s1, s4;
	_ =	strace $0x80000047  }
0xb: {  	s4 =	sadd.s32 $0x4E00, s0;
	s7 =	ssub.s32 $0x2, s1;
	s6 =	smul.u32 $0x28000, s5  }
0xc: {  	s0 =	sadd.s32 $0x2CE00, s0;
	s1 =	smul.u32 $0x5000, s1;
	s8 =	sshrl.u32 s7, $0x1  }
0xd: {  	s12 =	sshrl.u32 @!p0 s2, $0x3;
	s10 =	ssub.s32 s7, s8;
	s6 =	sshrl.u32 s6, $0x3  }
0xe: {  	s5 =	smul.u32 $0xA0, s5;
	s10 =	smax.u32 s10, $0x1;
	s11 =	sadd.s32 s0, s6  }
0xf: {  	s0 =	sadd.s32 s9, s0;
	s6 =	sadd.s32 $0x4000, s11;
	s7 =	sadd.s32 $0x4008, s11  }
0x10: {  	s8 =	sadd.s32 $0x4800, s11;
	s9 =	sadd.s32 $0x4808, s11;
	s0 =	sadd.s32 s1, s0  }
0x11: {  	s1 =	simm.s32 $0x0;
	s11 =	sadd.s32 $0x808, s0;
	s0 =	simm.s32 $0x8  }
.LBB2_1:
0x12: {  	s15 =	simm.s32 @!p0 $0x1C09;
	s17 =	rddreg [dreg:$0x0]  }
0x13: {  	[spmem:s12], [sflag:s15] =	dma.local @!p0 [hbm:s17], $0x13880  }
0x14: {  	s15 =	simm.s32 @!p0 $0x9  }
0x15: {  	_ =	swait.ge @!p0 [sflag:s15], $0x13880  }
0x16: {  	[sflag:s15] =	ssyncset.done @!p0 $0x0  }
0x17: {  	[sflag:s15] =	ssyncadd.s32 @!p0 $0xFFFEC780  }
0x18: {  	p1 =	por $0x1, $0x1;
	s15 =	simm.s32 $0x0;
	[bflag:$0x0] =	sbarrier.arrive $0xFFFF  }
.LBB2_2:
0x19: {  	s17 =	smul.u32 $0x50, s15;
	_ =	sdelay $0x1  }
0x1a: {  	s17 =	sadd.s32 s5, s17  }
0x1b: {  	s17 =	sshll.u32 s17, $0x4  }
0x1c: {  	s17 =	sadd.s32 s4, s17  }
0x1d: {  	[tilespmem:s3], [sflag:$0x9] =	stream.linear.gather [hbm4b:s17+s3], $0x2800, $0x38;
	[tilespmem:$0x14E40] =	vst v63  }
0x1e: {  	_ =	swait.ge [sflag:s13], $0x2800  }
0x1f: {  	[sflag:s13] =	ssyncset.done $0x0  }
0x20: {  	[sflag:s13] =	ssyncadd.s32 $0xFFFFD800  }
0x21: {  	v0 =	vld [tilespmem:$0x0];
	_ =	sdelay $0x1  }
0x22: {  	s21 =	smul.u32 $0x1400, s15;
	_ =	sdelay $0x1  }
0x23: {  	s15 =	sshra.s32 s21, $0x2  }
0x24: {  	[tilespmem:s15+$0x2800] =	vst v0  }
0x25: {  	v0 =	vld [tilespmem:$0x80];
	_ =	sdelay $0x4  }
0x26: {  	[tilespmem:s15+$0x2810] =	vst v0  }
0x27: {  	v0 =	vld [tilespmem:$0x100];
	_ =	sdelay $0x4  }
0x28: {  	[tilespmem:s15+$0x2820] =	vst v0  }
0x29: {  	v0 =	vld [tilespmem:$0x180];
	_ =	sdelay $0x4  }
0x2a: {  	[tilespmem:s15+$0x2830] =	vst v0  }
0x2b: {  	v0 =	vld [tilespmem:$0x200];
	_ =	sdelay $0x4  }
0x2c: {  	[tilespmem:s15+$0x2840] =	vst v0  }
0x2d: {  	v0 =	vld [tilespmem:$0x280];
	_ =	sdelay $0x4  }
0x2e: {  	[tilespmem:s15+$0x2850] =	vst v0  }
0x2f: {  	v0 =	vld [tilespmem:$0x300];
	_ =	sdelay $0x4  }
0x30: {  	[tilespmem:s15+$0x2860] =	vst v0  }
0x31: {  	v0 =	vld [tilespmem:$0x380];
	_ =	sdelay $0x4  }
0x32: {  	[tilespmem:s15+$0x2870] =	vst v0  }
0x33: {  	v0 =	vld [tilespmem:$0x400];
	_ =	sdelay $0x4  }
0x34: {  	[tilespmem:s15+$0x2880] =	vst v0  }
0x35: {  	v0 =	vld [tilespmem:$0x480];
	_ =	sdelay $0x4  }
0x36: {  	[tilespmem:s15+$0x2890] =	vst v0  }
0x37: {  	v0 =	vld [tilespmem:$0x500];
	_ =	sdelay $0x4  }
0x38: {  	[tilespmem:s15+$0x28A0] =	vst v0  }
0x39: {  	v0 =	vld [tilespmem:$0x580];
	_ =	sdelay $0x4  }
0x3a: {  	[tilespmem:s15+$0x28B0] =	vst v0  }
0x3b: {  	v0 =	vld [tilespmem:$0x600];
	_ =	sdelay $0x4  }
0x3c: {  	[tilespmem:s15+$0x28C0] =	vst v0  }
0x3d: {  	v0 =	vld [tilespmem:$0x680];
	_ =	sdelay $0x4  }
0x3e: {  	[tilespmem:s15+$0x28D0] =	vst v0  }
0x3f: {  	v0 =	vld [tilespmem:$0x700];
	_ =	sdelay $0x4  }
0x40: {  	[tilespmem:s15+$0x28E0] =	vst v0  }
0x41: {  	v0 =	vld [tilespmem:$0x780];
	_ =	sdelay $0x4  }
0x42: {  	[tilespmem:s15+$0x28F0] =	vst v0  }
0x43: {  	v0 =	vld [tilespmem:$0x800];
	_ =	sdelay $0x4  }
0x44: {  	[tilespmem:s15+$0x2900] =	vst v0  }
0x45: {  	v0 =	vld [tilespmem:$0x880];
	_ =	sdelay $0x4  }
0x46: {  	[tilespmem:s15+$0x2910] =	vst v0  }
0x47: {  	v0 =	vld [tilespmem:$0x900];
	_ =	sdelay $0x4  }
0x48: {  	[tilespmem:s15+$0x2920] =	vst v0  }
0x49: {  	v0 =	vld [tilespmem:$0x980];
	_ =	sdelay $0x4  }
0x4a: {  	[tilespmem:s15+$0x2930] =	vst v0  }
0x4b: {  	v0 =	vld [tilespmem:$0xA00];
	_ =	sdelay $0x4  }
0x4c: {  	[tilespmem:s15+$0x2940] =	vst v0  }
0x4d: {  	v0 =	vld [tilespmem:$0xA80];
	_ =	sdelay $0x4  }
0x4e: {  	[tilespmem:s15+$0x2950] =	vst v0  }
0x4f: {  	v0 =	vld [tilespmem:$0xB00];
	_ =	sdelay $0x4  }
0x50: {  	[tilespmem:s15+$0x2960] =	vst v0  }
0x51: {  	v0 =	vld [tilespmem:$0xB80];
	_ =	sdelay $0x4  }
0x52: {  	[tilespmem:s15+$0x2970] =	vst v0  }
0x53: {  	v0 =	vld [tilespmem:$0xC00];
	_ =	sdelay $0x4  }
0x54: {  	[tilespmem:s15+$0x2980] =	vst v0  }
0x55: {  	v0 =	vld [tilespmem:$0xC80];
	_ =	sdelay $0x4  }
0x56: {  	[tilespmem:s15+$0x2990] =	vst v0  }
0x57: {  	v0 =	vld [tilespmem:$0xD00];
	_ =	sdelay $0x4  }
0x58: {  	[tilespmem:s15+$0x29A0] =	vst v0  }
0x59: {  	v0 =	vld [tilespmem:$0xD80];
	_ =	sdelay $0x4  }
0x5a: {  	[tilespmem:s15+$0x29B0] =	vst v0  }
0x5b: {  	v0 =	vld [tilespmem:$0xE00];
	_ =	sdelay $0x4  }
0x5c: {  	[tilespmem:s15+$0x29C0] =	vst v0  }
0x5d: {  	v0 =	vld [tilespmem:$0xE80];
	_ =	sdelay $0x4  }
0x5e: {  	[tilespmem:s15+$0x29D0] =	vst v0  }
0x5f: {  	v0 =	vld [tilespmem:$0xF00];
	_ =	sdelay $0x4  }
0x60: {  	[tilespmem:s15+$0x29E0] =	vst v0  }
0x61: {  	v0 =	vld [tilespmem:$0xF80];
	_ =	sdelay $0x4  }
0x62: {  	[tilespmem:s15+$0x29F0] =	vst v0  }
0x63: {  	v0 =	vld [tilespmem:$0x1000];
	_ =	sdelay $0x4  }
0x64: {  	[tilespmem:s15+$0x2A00] =	vst v0  }
0x65: {  	v0 =	vld [tilespmem:$0x1080];
	_ =	sdelay $0x4  }
0x66: {  	[tilespmem:s15+$0x2A10] =	vst v0  }
0x67: {  	v0 =	vld [tilespmem:$0x1100];
	_ =	sdelay $0x4  }
0x68: {  	[tilespmem:s15+$0x2A20] =	vst v0  }
0x69: {  	v0 =	vld [tilespmem:$0x1180];
	_ =	sdelay $0x4  }
0x6a: {  	[tilespmem:s15+$0x2A30] =	vst v0  }
0x6b: {  	v0 =	vld [tilespmem:$0x1200];
	_ =	sdelay $0x4  }
0x6c: {  	[tilespmem:s15+$0x2A40] =	vst v0  }
0x6d: {  	v0 =	vld [tilespmem:$0x1280];
	_ =	sdelay $0x4  }
0x6e: {  	[tilespmem:s15+$0x2A50] =	vst v0  }
0x6f: {  	v0 =	vld [tilespmem:$0x1300];
	_ =	sdelay $0x4  }
0x70: {  	[tilespmem:s15+$0x2A60] =	vst v0  }
0x71: {  	v0 =	vld [tilespmem:$0x1380];
	_ =	sdelay $0x4  }
0x72: {  	[tilespmem:s15+$0x2A70] =	vst v0  }
0x73: {  	v0 =	vld [tilespmem:$0x1400];
	_ =	sdelay $0x4  }
0x74: {  	[tilespmem:s15+$0x2A80] =	vst v0  }
0x75: {  	v0 =	vld [tilespmem:$0x1480];
	_ =	sdelay $0x4  }
0x76: {  	[tilespmem:s15+$0x2A90] =	vst v0  }
0x77: {  	v0 =	vld [tilespmem:$0x1500];
	_ =	sdelay $0x4  }
0x78: {  	[tilespmem:s15+$0x2AA0] =	vst v0  }
0x79: {  	v0 =	vld [tilespmem:$0x1580];
	_ =	sdelay $0x4  }
0x7a: {  	[tilespmem:s15+$0x2AB0] =	vst v0  }
0x7b: {  	v0 =	vld [tilespmem:$0x1600];
	_ =	sdelay $0x4  }
0x7c: {  	[tilespmem:s15+$0x2AC0] =	vst v0  }
0x7d: {  	v0 =	vld [tilespmem:$0x1680];
	_ =	sdelay $0x4  }
0x7e: {  	[tilespmem:s15+$0x2AD0] =	vst v0  }
0x7f: {  	v0 =	vld [tilespmem:$0x1700];
	_ =	sdelay $0x4  }
0x80: {  	[tilespmem:s15+$0x2AE0] =	vst v0  }
0x81: {  	v0 =	vld [tilespmem:$0x1780];
	_ =	sdelay $0x4  }
0x82: {  	[tilespmem:s15+$0x2AF0] =	vst v0  }
0x83: {  	v0 =	vld [tilespmem:$0x1800];
	_ =	sdelay $0x4  }
0x84: {  	[tilespmem:s15+$0x2B00] =	vst v0  }
0x85: {  	v0 =	vld [tilespmem:$0x1880];
	_ =	sdelay $0x4  }
0x86: {  	[tilespmem:s15+$0x2B10] =	vst v0  }
0x87: {  	v0 =	vld [tilespmem:$0x1900];
	_ =	sdelay $0x4  }
0x88: {  	[tilespmem:s15+$0x2B20] =	vst v0  }
0x89: {  	v0 =	vld [tilespmem:$0x1980];
	_ =	sdelay $0x4  }
0x8a: {  	[tilespmem:s15+$0x2B30] =	vst v0  }
0x8b: {  	v0 =	vld [tilespmem:$0x1A00];
	_ =	sdelay $0x4  }
0x8c: {  	[tilespmem:s15+$0x2B40] =	vst v0  }
0x8d: {  	v0 =	vld [tilespmem:$0x1A80];
	_ =	sdelay $0x4  }
0x8e: {  	[tilespmem:s15+$0x2B50] =	vst v0  }
0x8f: {  	v0 =	vld [tilespmem:$0x1B00];
	_ =	sdelay $0x4  }
0x90: {  	[tilespmem:s15+$0x2B60] =	vst v0  }
0x91: {  	v0 =	vld [tilespmem:$0x1B80];
	_ =	sdelay $0x4  }
0x92: {  	[tilespmem:s15+$0x2B70] =	vst v0  }
0x93: {  	v0 =	vld [tilespmem:$0x1C00];
	_ =	sdelay $0x4  }
0x94: {  	[tilespmem:s15+$0x2B80] =	vst v0  }
0x95: {  	v0 =	vld [tilespmem:$0x1C80];
	_ =	sdelay $0x4  }
0x96: {  	[tilespmem:s15+$0x2B90] =	vst v0  }
0x97: {  	v0 =	vld [tilespmem:$0x1D00];
	_ =	sdelay $0x4  }
0x98: {  	[tilespmem:s15+$0x2BA0] =	vst v0  }
0x99: {  	v0 =	vld [tilespmem:$0x1D80];
	_ =	sdelay $0x4  }
0x9a: {  	[tilespmem:s15+$0x2BB0] =	vst v0  }
0x9b: {  	v0 =	vld [tilespmem:$0x1E00];
	_ =	sdelay $0x4  }
0x9c: {  	[tilespmem:s15+$0x2BC0] =	vst v0  }
0x9d: {  	v0 =	vld [tilespmem:$0x1E80];
	_ =	sdelay $0x4  }
0x9e: {  	[tilespmem:s15+$0x2BD0] =	vst v0  }
0x9f: {  	v0 =	vld [tilespmem:$0x1F00];
	_ =	sdelay $0x4  }
0xa0: {  	[tilespmem:s15+$0x2BE0] =	vst v0  }
0xa1: {  	v0 =	vld [tilespmem:$0x1F80];
	_ =	sdelay $0x4  }
0xa2: {  	[tilespmem:s15+$0x2BF0] =	vst v0  }
0xa3: {  	v0 =	vld [tilespmem:$0x2000];
	_ =	sdelay $0x4  }
0xa4: {  	[tilespmem:s15+$0x2C00] =	vst v0  }
0xa5: {  	v0 =	vld [tilespmem:$0x2080];
	_ =	sdelay $0x4  }
0xa6: {  	[tilespmem:s15+$0x2C10] =	vst v0  }
0xa7: {  	v0 =	vld [tilespmem:$0x2100];
	_ =	sdelay $0x4  }
0xa8: {  	[tilespmem:s15+$0x2C20] =	vst v0  }
0xa9: {  	v0 =	vld [tilespmem:$0x2180];
	_ =	sdelay $0x4  }
0xaa: {  	[tilespmem:s15+$0x2C30] =	vst v0  }
0xab: {  	v0 =	vld [tilespmem:$0x2200];
	_ =	sdelay $0x4  }
0xac: {  	[tilespmem:s15+$0x2C40] =	vst v0  }
0xad: {  	v0 =	vld [tilespmem:$0x2280];
	_ =	sdelay $0x4  }
0xae: {  	[tilespmem:s15+$0x2C50] =	vst v0  }
0xaf: {  	v0 =	vld [tilespmem:$0x2300];
	_ =	sdelay $0x4  }
0xb0: {  	[tilespmem:s15+$0x2C60] =	vst v0  }
0xb1: {  	v0 =	vld [tilespmem:$0x2380];
	_ =	sdelay $0x4  }
0xb2: {  	[tilespmem:s15+$0x2C70] =	vst v0  }
0xb3: {  	v0 =	vld [tilespmem:$0x2400];
	_ =	sdelay $0x4  }
0xb4: {  	[tilespmem:s15+$0x2C80] =	vst v0  }
0xb5: {  	v0 =	vld [tilespmem:$0x2480];
	_ =	sdelay $0x4  }
0xb6: {  	[tilespmem:s15+$0x2C90] =	vst v0  }
0xb7: {  	v0 =	vld [tilespmem:$0x2500];
	_ =	sdelay $0x4  }
0xb8: {  	[tilespmem:s15+$0x2CA0] =	vst v0  }
0xb9: {  	v0 =	vld [tilespmem:$0x2580];
	_ =	sdelay $0x4  }
0xba: {  	[tilespmem:s15+$0x2CB0] =	vst v0  }
0xbb: {  	v0 =	vld [tilespmem:$0x2600];
	_ =	sdelay $0x4  }
0xbc: {  	[tilespmem:s15+$0x2CC0] =	vst v0  }
0xbd: {  	v0 =	vld [tilespmem:$0x2680];
	_ =	sdelay $0x4  }
0xbe: {  	[tilespmem:s15+$0x2CD0] =	vst v0  }
0xbf: {  	v0 =	vld [tilespmem:$0x2700];
	_ =	sdelay $0x4  }
0xc0: {  	[tilespmem:s15+$0x2CE0] =	vst v0  }
0xc1: {  	p2 =	por p1, p1;
	v0 =	vld [tilespmem:$0x2780]  }
.Ltmp0:
0xc2: {  	_ = 	snop;
	(pc) =	sbr.rel @p2 .LBB2_2-.Ltmp0, $2  }
0xc3: {  	_ =	sdelay $0x2  }
0xc4: {  	p1 =	por $0x0, $0x0;
	[tilespmem:s15+$0x2CF0] =	vst v0;
	s15 =	simm.s32 $0x1  }
0xc5: {  	s15 =	simm.s32 $0x2800  }
0xc6: {  	[tilespmem:s16], [sflag:$0x1] =	stream.indirect.gather [spmem:s2], $0x40, s15, s14, $0xb8;
	[tilespmem:$0x14E40] =	vst v63  }
0xc7: {  	s17 =	simm.s32 $0x2880  }
0xc8: {  	[tilespmem:s18], [sflag:$0x2] =	stream.indirect.gather [spmem:s2], $0x40, s17, s14, $0xb8;
	[tilespmem:$0x14E40] =	vst v63  }
0xc9: {  	s19 =	simm.s32 $0x2900  }
0xca: {  	[tilespmem:s20], [sflag:$0x3] =	stream.indirect.gather [spmem:s2], $0x40, s19, s14, $0xb8;
	[tilespmem:$0x14E40] =	vst v63  }
0xcb: {  	s21 =	simm.s32 $0x2980  }
0xcc: {  	[tilespmem:s22], [sflag:$0x4] =	stream.indirect.gather [spmem:s2], $0x40, s21, s14, $0xb8;
	[tilespmem:$0x14E40] =	vst v63  }
0xcd: {  	_ =	swait.ge [sflag:s23], $0x2000  }
0xce: {  	[sflag:s23] =	ssyncset.done $0x0  }
0xcf: {  	s17 =	sadd.s32 $0xFFFFF7F8, s11;
	[sflag:s23] =	ssyncadd.s32 $0xFFFFE000  }
0xd0: {  	[hbm4b:s17+s24] =	stream.strided.scatter [tilespmem:s16], [sflag:$0x5], $0x2000, s14, s24, $0x38;
	[tilespmem:$0x14E40] =	vst v63  }
0xd1: {  	_ =	swait.ge [sflag:s25], $0x2000  }
0xd2: {  	[sflag:s25] =	ssyncset.done $0x0  }
0xd3: {  	s19 =	sadd.s32 $0xFFFFF800, s11;
	[sflag:s25] =	ssyncadd.s32 $0xFFFFE000  }
0xd4: {  	[hbm4b:s19+s24] =	stream.strided.scatter [tilespmem:s18], [sflag:$0x6], $0x2000, s14, s24, $0x38;
	[tilespmem:$0x14E40] =	vst v63  }
0xd5: {  	_ =	swait.ge [sflag:s26], $0x2000  }
0xd6: {  	[sflag:s26] =	ssyncset.done $0x0  }
0xd7: {  	s21 =	sadd.s32 $0xFFFFFFF8, s11;
	[sflag:s26] =	ssyncadd.s32 $0xFFFFE000  }
0xd8: {  	[hbm4b:s21+s24] =	stream.strided.scatter [tilespmem:s20], [sflag:$0x7], $0x2000, s14, s24, $0x38;
	[tilespmem:$0x14E40] =	vst v63  }
0xd9: {  	_ =	swait.ge [sflag:s28], $0x2000  }
0xda: {  	[sflag:s28] =	ssyncset.done $0x0  }
0xdb: {  	[sflag:s28] =	ssyncadd.s32 $0xFFFFE000  }
0xdc: {  	[hbm4b:s11+s24] =	stream.strided.scatter [tilespmem:s22], [sflag:$0x8], $0x2000, s14, s24, $0x38;
	[tilespmem:$0x14E40] =	vst v63  }
0xdd: {  	_ =	swait.ge [sflag:s29], $0x2000  }
0xde: {  	[sflag:s29] =	ssyncset.done $0x0  }
0xdf: {  	s17 =	simm.s32 $0x2A00;
	[sflag:s29] =	ssyncadd.s32 $0xFFFFE000  }
0xe0: {  	[tilespmem:s16], [sflag:$0x1] =	stream.indirect.gather [spmem:s2], $0x40, s17, s14, $0xb8;
	[tilespmem:$0x14E40] =	vst v63  }
0xe1: {  	_ =	swait.ge [sflag:s30], $0x2000  }
0xe2: {  	[sflag:s30] =	ssyncset.done $0x0  }
0xe3: {  	s19 =	simm.s32 $0x2A80;
	[sflag:s30] =	ssyncadd.s32 $0xFFFFE000  }
0xe4: {  	[tilespmem:s18], [sflag:$0x2] =	stream.indirect.gather [spmem:s2], $0x40, s19, s14, $0xb8;
	[tilespmem:$0x14E40] =	vst v63  }
0xe5: {  	_ =	swait.ge [sflag:s31], $0x2000  }
0xe6: {  	[sflag:s31] =	ssyncset.done $0x0  }
0xe7: {  	s21 =	simm.s32 $0x2B00;
	[sflag:s31] =	ssyncadd.s32 $0xFFFFE000  }
0xe8: {  	[tilespmem:s20], [sflag:$0x3] =	stream.indirect.gather [spmem:s2], $0x40, s21, s14, $0xb8;
	[tilespmem:$0x14E40] =	vst v63  }
0xe9: {  	_ =	swait.ge [sflag:s0], $0x2000  }
0xea: {  	s15 =	simm.s32 $0x800;
	[sflag:s0] =	ssyncset.done $0x0  }
0xeb: {  	s17 =	sadd.s32 $0x1000, s11;
	s19 =	simm.s32 $0x2B80;
	[sflag:s0] =	ssyncadd.s32 $0xFFFFE000  }
.LBB2_4:
0xec: {  	[tilespmem:s22], [sflag:$0x4] =	stream.indirect.gather [spmem:s2], $0x40, s19, s14, $0xb8;
	[tilespmem:$0x14E40] =	vst v63  }
0xed: {  	s19 =	smov.u32 s15  }
0xee: {  	p1 =	sne.s32 s15, $0x1800;
	s15 =	sadd.s32 $0x800, s15;
	_ =	swait.ge [sflag:s23], $0x2000  }
0xef: {  	[sflag:s23] =	ssyncset.done $0x0  }
0xf0: {  	s21 =	sadd.s32 $0xFFFFF7F8, s17;
	[sflag:s23] =	ssyncadd.s32 $0xFFFFE000  }
0xf1: {  	[hbm4b:s21+s24] =	stream.strided.scatter [tilespmem:s16], [sflag:$0x5], $0x2000, s14, s24, $0x38;
	[tilespmem:$0x14E40] =	vst v63  }
0xf2: {  	_ =	swait.ge [sflag:s25], $0x2000  }
0xf3: {  	[sflag:s25] =	ssyncset.done $0x0  }
0xf4: {  	s21 =	sadd.s32 $0xFFFFF800, s17;
	[sflag:s25] =	ssyncadd.s32 $0xFFFFE000  }
0xf5: {  	[hbm4b:s21+s24] =	stream.strided.scatter [tilespmem:s18], [sflag:$0x6], $0x2000, s14, s24, $0x38;
	[tilespmem:$0x14E40] =	vst v63  }
0xf6: {  	_ =	swait.ge [sflag:s26], $0x2000  }
0xf7: {  	[sflag:s26] =	ssyncset.done $0x0  }
0xf8: {  	s21 =	sadd.s32 $0xFFFFFFF8, s17;
	[sflag:s26] =	ssyncadd.s32 $0xFFFFE000  }
0xf9: {  	[hbm4b:s21+s24] =	stream.strided.scatter [tilespmem:s20], [sflag:$0x7], $0x2000, s14, s24, $0x38;
	[tilespmem:$0x14E40] =	vst v63  }
0xfa: {  	_ =	swait.ge [sflag:s28], $0x2000  }
0xfb: {  	[sflag:s28] =	ssyncset.done $0x0  }
0xfc: {  	[sflag:s28] =	ssyncadd.s32 $0xFFFFE000  }
0xfd: {  	[hbm4b:s17+s24] =	stream.strided.scatter [tilespmem:s22], [sflag:$0x8], $0x2000, s14, s24, $0x38;
	[tilespmem:$0x14E40] =	vst v63  }
0xfe: {  	_ =	swait.ge [sflag:s29], $0x2000  }
0xff: {  	s19 =	sshra.s32 s19, $0x2;
	[sflag:s29] =	ssyncset.done $0x0  }
0x100: {  	s21 =	sadd.s32 $0x2A00, s19;
	[sflag:s29] =	ssyncadd.s32 $0xFFFFE000  }
0x101: {  	[tilespmem:s16], [sflag:$0x1] =	stream.indirect.gather [spmem:s2], $0x40, s21, s14, $0xb8;
	[tilespmem:$0x14E40] =	vst v63  }
0x102: {  	_ =	swait.ge [sflag:s30], $0x2000  }
0x103: {  	[sflag:s30] =	ssyncset.done $0x0  }
0x104: {  	s21 =	sadd.s32 $0x2A80, s19;
	[sflag:s30] =	ssyncadd.s32 $0xFFFFE000  }
0x105: {  	[tilespmem:s18], [sflag:$0x2] =	stream.indirect.gather [spmem:s2], $0x40, s21, s14, $0xb8;
	[tilespmem:$0x14E40] =	vst v63  }
0x106: {  	_ =	swait.ge [sflag:s31], $0x2000  }
0x107: {  	[sflag:s31] =	ssyncset.done $0x0  }
.Ltmp1:
0x108: {  	s21 =	sadd.s32 $0x2B00, s19;
	[sflag:s31] =	ssyncadd.s32 $0xFFFFE000;
	(pc) =	sbr.rel @p1 .LBB2_4-.Ltmp1, $4  }
0x109: {  	[tilespmem:s20], [sflag:$0x3] =	stream.indirect.gather [spmem:s2], $0x40, s21, s14, $0xb8;
	[tilespmem:$0x14E40] =	vst v63  }
0x10a: {  	_ =	swait.ge [sflag:s0], $0x2000  }
0x10b: {  	[sflag:s0] =	ssyncset.done $0x0  }
0x10c: {  	s17 =	sadd.s32 $0x1000, s17;
	s19 =	sadd.s32 $0x2B80, s19;
	[sflag:s0] =	ssyncadd.s32 $0xFFFFE000  }
0x10d: {  	[tilespmem:s22], [sflag:$0x4] =	stream.indirect.gather [spmem:s2], $0x40, s19, s14, $0xb8;
	[tilespmem:$0x14E40] =	vst v63  }
0x10e: {  	_ =	swait.ge [sflag:s23], $0x2000  }
0x10f: {  	[sflag:s23] =	ssyncset.done $0x0  }
0x110: {  	[sflag:s23] =	ssyncadd.s32 $0xFFFFE000  }
0x111: {  	[hbm4b:s6+s24] =	stream.strided.scatter [tilespmem:s16], [sflag:$0x5], $0x2000, s14, s24, $0x38;
	[tilespmem:$0x14E40] =	vst v63  }
0x112: {  	_ =	swait.ge [sflag:s25], $0x2000  }
0x113: {  	[sflag:s25] =	ssyncset.done $0x0  }
0x114: {  	[sflag:s25] =	ssyncadd.s32 $0xFFFFE000  }
0x115: {  	[hbm4b:s7+s24] =	stream.strided.scatter [tilespmem:s18], [sflag:$0x6], $0x2000, s14, s24, $0x38;
	[tilespmem:$0x14E40] =	vst v63  }
0x116: {  	_ =	swait.ge [sflag:s26], $0x2000  }
0x117: {  	[sflag:s26] =	ssyncset.done $0x0  }
0x118: {  	[sflag:s26] =	ssyncadd.s32 $0xFFFFE000  }
0x119: {  	[hbm4b:s8+s24] =	stream.strided.scatter [tilespmem:s20], [sflag:$0x7], $0x2000, s14, s24, $0x38;
	[tilespmem:$0x14E40] =	vst v63  }
0x11a: {  	_ =	swait.ge [sflag:s28], $0x2000  }
0x11b: {  	[sflag:s28] =	ssyncset.done $0x0  }
0x11c: {  	[sflag:s28] =	ssyncadd.s32 $0xFFFFE000  }
0x11d: {  	[hbm4b:s9+s24] =	stream.strided.scatter [tilespmem:s22], [sflag:$0x8], $0x2000, s14, s24, $0x38;
	[tilespmem:$0x14E40] =	vst v63  }
0x11e: {  	_ =	swait.ge [sflag:s29], $0x2000  }
0x11f: {  	[sflag:s29] =	ssyncset.done $0x0  }
0x120: {  	[sflag:s29] =	ssyncadd.s32 $0xFFFFE000  }
0x121: {  	_ =	swait.ge [sflag:s30], $0x2000  }
0x122: {  	[sflag:s30] =	ssyncset.done $0x0  }
0x123: {  	s1 =	sadd.s32 $0x1, s1;
	[sflag:s30] =	ssyncadd.s32 $0xFFFFE000  }
0x124: {  	p1 =	sne.s32 s1, s10;
	_ =	swait.ge [sflag:s31], $0x2000  }
.Ltmp2:
0x125: {  	[sflag:s31] =	ssyncset.done $0x0;
	(pc) =	sbr.rel @p1 .LBB2_1-.Ltmp2, $4  }
0x126: {  	[sflag:s31] =	ssyncadd.s32 $0xFFFFE000  }
0x127: {  	_ =	swait.ge [sflag:s0], $0x2000  }
0x128: {  	[sflag:s0] =	ssyncset.done $0x0  }
0x129: {  	[sflag:s0] =	ssyncadd.s32 $0xFFFFE000  }
0x12a: {  	_ =	sfence.sel $0x180000  }
0x12b: {  	[bflag:$0x0] =	sbarrier.arrive $0xFFFF  }
0x12c: {  	_ =	strace $0x90000047  }
0x12d: {  	[bflag:$0x2] =	sbarrier.arrive $0xFFFF  }
0x12e: {  	s0 =	rddreg [dreg:$0x3]  }
0x12f: {  	s0 =	sadd.s32 @!p0 $0x100000, s0  }
0x130: {  	[sflag:s0] =	ssyncadd.tile.s32 @!p0 $0x1;
	_ =	shalt  }
.Lfunc_end2:
_tile_overlayer_lowered:
.L_overlay_start_2:
0x131: {  	(tag) =	ssettag $0x2  }
0x132: {  	s0 =	rddreg [dreg:$0x0];
	s2 =	stileid.u32  }
0x133: {  	s1 =	rddreg [dreg:$0x1];
	p0 =	sne.s32 s2, $0x0  }
0x134: {  	s3 =	rddreg [dreg:$0x2];
	[bflag:$0x3] =	sbarrier.arrive $0xFFFF;
	s2 =	simm.s32 @!p0 $0x1C09  }
0x135: {  	[timem:s3], [sflag:s2] =	dma.local @!p0 [hbm:s0], s1  }
0x136: {  	s0 =	simm.s32 @!p0 $0x9  }
0x137: {  	_ =	swait.ge @!p0 [sflag:s0], s1  }
0x138: {  	s1 =	ssub.s32 @!p0 $0x0, s1;
	[sflag:s0] =	ssyncset.done @!p0 $0x0  }
0x139: {  	[sflag:s0] =	ssyncadd.s32 @!p0 s1  }
0x13a: {  	[bflag:$0x3] =	sbarrier.arrive $0xFFFF  }
0x13b: {  	_ =	shalt  }

// kernel: kernel.9.cloned.1.call-start
scs
__scs_entry_jumppad:
0x0: {  	(pc) =	sbr.rel $0x88, $3  }
0x1: {  	(tag) =	ssettag $0x0;
	lr =	simm.s32 $0x1  }
0x2: {  	[smem:$0x3F85] =	sst lr;
	_ =	strace $0xD0000000  }
0x3: {  	_ = 	snop  }
0x4: {  	_ = 	snop  }
0x5: {  	_ = 	snop  }
0x6: {  	_ = 	snop  }
0x7: {  	_ = 	snop  }
__scs_overlays_trampoline_lowered:
0x8: {  	[smem:$0x3F94] =	sst s0  }
0x9: {  	[smem:$0x3F95] =	sst s1  }
0xa: {  	[smem:$0x3F96] =	sst s2  }
0xb: {  	[smem:$0x3F97] =	sst s3  }
0xc: {  	[smem:$0x3F98] =	sst s4  }
0xd: {  	[smem:$0x3F99] =	sst s5  }
0xe: {  	[smem:$0x3F9A] =	sst s6  }
0xf: {  	[smem:$0x3F9B] =	sst s7  }
0x10: {  	[smem:$0x3F9C] =	sst s8  }
0x11: {  	[smem:$0x3F9D] =	sst s9;
	s0 =	simm.s32 @!p0 $0x0  }
0x12: {  	s1 =	sld [smem:$0x3F83];
	s0 =	simm.s32 @p0 $0x1  }
0x13: {  	[smem:$0x3F9E] =	sst s0;
	s0 =	simm.s32 @!p1 $0x0  }
0x14: {  	s2 =	sld [smem:$0x3F82];
	s0 =	simm.s32 @p1 $0x1  }
0x15: {  	[smem:$0x3F9F] =	sst s0;
	s0 =	simm.s32 @!p2 $0x0  }
0x16: {  	s3 =	sld [smem:$0x3FDB];
	s0 =	simm.s32 @p2 $0x1  }
0x17: {  	s4 =	simm.s32 $0x1BF5;
	[smem:$0x3FA1] =	sst s0  }
0x18: {  	s0 =	sld [smem:$0x3F84];
	_ =	swait.ge [sflag:s4], $0x0  }
0x19: {  	s7 =	sld [smem:$0x3F85]  }
0x1a: {  	s8 =	sadd.s32 $0xFFFFE003, lr  }
0x1b: {  	s9 =	sadd.s32 $0xFFFFFEF7, lr;
	s5 =	simm.s32 $0xFFFFFFFF;
	p2 =	slt.u32 s8, $0xFFFFF086  }
0x1c: {  	p1 =	slt.u32 s9, $0xF7A;
	s5 =	simm.s32 @!p2 $0x0  }
0x1d: {  	s5 =	simm.s32 @p1 $0x1;
	p0 =	seq.s32 s7, s2  }
0x1e: {  	s7 =	smul.u32 @!p0 $0xF7A, s2;
	p2 =	seq.s32 @!p0 s5, $0x0  }
0x1f: {  	s9 =	smul.u32 $0xF7A, s1;
	s8 =	simm.s32 @!p0 $0x1BF5;
	p2 =	por !p2, p0  }
0x20: {  	[sflag:s8] =	ssyncset.s32 @!p0 $0xFFFFF086;
	s6 =	sadd.s32 @!p0 s3, s7;
	s7 =	simm.s32 @!p0 $0x108  }
0x21: {  	s3 =	sadd.s32 s3, s9;
	s6 =	sadd.s32 @!p0 $0x88, s6;
	s7 =	simm.s32 @p2 $0x1082  }
0x22: {  	[simem:s7], [sflag:s8] =	dma.local @!p0 [hbm:s6], $0xF7A  }
0x23: {  	s9 =	sor.u32 $0xD0000000, s2;
	s6 =	simm.s32 $0x108;
	_ =	swait.ge @!p0 [sflag:s8], $0x0  }
0x24: {  	s3 =	sadd.s32 $0x88, s3;
	s6 =	simm.s32 @!p1 $0x1082;
	[sflag:s4] =	ssyncset.s32 $0xFFFFF086  }
0x25: {  	[simem:s6], [sflag:s4] =	dma.local [hbm:s3], $0xF7A  }
0x26: {  	[smem:$0x3F85] =	sst s1;
	(tag) =	ssettag s2;
	_ =	strace s9  }
0x27: {  	s1 =	sld [smem:$0x3F95]  }
0x28: {  	s2 =	sld [smem:$0x3F96]  }
0x29: {  	s4 =	sld [smem:$0x3F98]  }
0x2a: {  	p0 =	seq.s32 s5, $0x0;
	s5 =	sld [smem:$0x3F99]  }
0x2b: {  	s6 =	sld [smem:$0x3F9A]  }
0x2c: {  	s7 =	sld [smem:$0x3F9B]  }
0x2d: {  	s3 =	simm.s32 $0x108;
	s8 =	sld [smem:$0x3F9C]  }
0x2e: {  	s3 =	simm.s32 @!p0 $0x1082;
	s9 =	sld [smem:$0x3F9D]  }
0x2f: {  	lr =	sadd.s32 s0, s3;
	s0 =	sld [smem:$0x3F94]  }
0x30: {  	s3 =	sld [smem:$0x3F97]  }
0x31: {  	[smem:$0x3FA0] =	sst s10  }
0x32: {  	s10 =	sld [smem:$0x3F9E];
	_ =	sdelay $0x3  }
0x33: {  	p0 =	seq.s32 s10, $0x1;
	s10 =	sld [smem:$0x3FA0];
	_ =	sdelay $0x3  }
0x34: {  	[smem:$0x3FA0] =	sst s10  }
0x35: {  	s10 =	sld [smem:$0x3F9F];
	_ =	sdelay $0x3  }
0x36: {  	p1 =	seq.s32 s10, $0x1;
	s10 =	sld [smem:$0x3FA0];
	_ =	sdelay $0x3  }
0x37: {  	[smem:$0x3FA0] =	sst s10  }
0x38: {  	s10 =	sld [smem:$0x3FA1]  }
0x39: {  	_ = 	snop;
	(pc) =	sbr.ind lr, $3  }
0x3a: {  	_ = 	snop  }
0x3b: {  	_ = 	snop  }
0x3c: {  	p2 =	seq.s32 s10, $0x1;
	s10 =	sld [smem:$0x3FA0]  }
0x3d: {  	_ =	shalt  }
0x3e: {  	_ =	shalt  }
0x3f: {  	_ =	shalt  }
0x40: {  	_ =	shalt  }
0x41: {  	_ =	shalt  }
0x42: {  	_ =	shalt  }
0x43: {  	_ =	shalt  }
0x44: {  	_ =	shalt  }
0x45: {  	_ =	shalt  }
0x46: {  	_ =	shalt  }
0x47: {  	_ =	shalt  }
0x48: {  	_ =	shalt  }
0x49: {  	_ =	shalt  }
0x4a: {  	_ =	shalt  }
0x4b: {  	_ =	shalt  }
0x4c: {  	_ =	shalt  }
0x4d: {  	_ =	shalt  }
0x4e: {  	_ =	shalt  }
0x4f: {  	_ =	shalt  }
0x50: {  	_ =	shalt  }
0x51: {  	_ =	shalt  }
0x52: {  	_ =	shalt  }
0x53: {  	_ =	shalt  }
0x54: {  	_ =	shalt  }
0x55: {  	_ =	shalt  }
0x56: {  	_ =	shalt  }
0x57: {  	_ =	shalt  }
0x58: {  	_ =	shalt  }
0x59: {  	_ =	shalt  }
0x5a: {  	_ =	shalt  }
0x5b: {  	_ =	shalt  }
0x5c: {  	_ =	shalt  }
0x5d: {  	_ =	shalt  }
0x5e: {  	_ =	shalt  }
0x5f: {  	_ =	shalt  }
0x60: {  	_ =	shalt  }
0x61: {  	_ =	shalt  }
0x62: {  	_ =	shalt  }
0x63: {  	_ =	shalt  }
0x64: {  	_ =	shalt  }
0x65: {  	_ =	shalt  }
0x66: {  	_ =	shalt  }
0x67: {  	_ =	shalt  }
0x68: {  	_ =	shalt  }
0x69: {  	_ =	shalt  }
0x6a: {  	_ =	shalt  }
0x6b: {  	_ =	shalt  }
0x6c: {  	_ =	shalt  }
0x6d: {  	_ =	shalt  }
0x6e: {  	_ =	shalt  }
0x6f: {  	_ =	shalt  }
0x70: {  	_ =	shalt  }
0x71: {  	_ =	shalt  }
0x72: {  	_ =	shalt  }
0x73: {  	_ =	shalt  }
0x74: {  	_ =	shalt  }
0x75: {  	_ =	shalt  }
0x76: {  	_ =	shalt  }
0x77: {  	_ =	shalt  }
0x78: {  	_ =	shalt  }
0x79: {  	_ =	shalt  }
0x7a: {  	_ =	shalt  }
0x7b: {  	_ =	shalt  }
0x7c: {  	_ =	shalt  }
0x7d: {  	_ =	shalt  }
0x7e: {  	_ =	shalt  }
0x7f: {  	_ =	shalt  }
0x80: {  	_ =	shalt  }
0x81: {  	_ =	shalt  }
0x82: {  	_ =	shalt  }
0x83: {  	_ =	shalt  }
0x84: {  	_ =	shalt  }
0x85: {  	_ =	shalt  }
0x86: {  	_ =	shalt  }
0x87: {  	_ =	shalt  }
.Lfunc_end0:
.L_simem_size_0:
called_computation.1_lowered:
.L_overlay_start_0:
0x88: {  	s2 =	sld [smem:$0x3FD9]  }
0x89: {  	s3 =	sld [smem:$0x3FFE];
	_ =	sdelay $0x1  }
0x8a: {  	s1 =	srdreg.scid  }
0x8b: {  	s0 =	sand.u32 $0x1, s1  }
0x8c: {  	s15 =	sshll.u32 s0, $0xA;
	s2 =	sadd.s32 s3, s2  }
0x8d: {  	s2 =	sadd.s32 s2, s15  }
0x8e: {  	[smem:$0x3FAC] =	sst s2  }
0x8f: {  	_ = 	snop  }
0x90: {  	s2 =	sld [smem:$0x3FD0];
	_ =	sdelay $0x2  }
0x91: {  	s16 =	simm.s32 $0xB;
	s4 =	simm.s32 $0x10  }
0x92: {  	[smem:s4], [sflag:s16] =	dma.local [hbm:s2], $0x1  }
0x93: {  	_ =	swait.eq [sflag:s16], $0x1  }
0x94: {  	[sflag:s16] =	ssyncset.done $0x0  }
0x95: {  	[sflag:s16] =	ssyncadd.s32 $0xFFFFFFFF  }
0x96: {  	s17 =	sld [smem:$0x10];
	(tm) =	ssettm $0x1  }
0x97: {  	s18 =	sld [smem:$0x3FFB];
	_ =	sdelay $0x3  }
0x98: {  	_ =	strace s18  }
0x99: {  	s2 =	sld [smem:$0x3FFC];
	_ =	sdelay $0x3  }
0x9a: {  	_ =	strace s2  }
0x9b: {  	s2 =	sld [smem:$0x3FFD];
	_ =	sdelay $0x3  }
0x9c: {  	_ =	strace s2  }
0x9d: {  	_ =	strace $0x8FFFFFFF  }
0x9e: {  	s19 =	sld [smem:$0x3FDB];
	_ =	sdelay $0x1  }
0x9f: {  	s20 =	simm.s32 $_scs_section_size  }
0xa0: {  	s5 =	simm.s32 $_size__tile_overlayer_lowered;
	s6 =	simm.s32 $_tile_overlayer_lowered  }
0xa1: {  	s7 =	simm.s32 $0x1BFF;
	s21 =	sshll.u32 s6, $0x1;
	s4 =	sadd.s32 s20, s19  }
0xa2: {  	s22 =	simm.s32 $0x0;
	s5 =	sshll.u32 s5, $0x1;
	s6 =	sadd.s32 s21, s4  }
0xa3: {  	[timem:s22], [sflag:s7] =	dma.local [hbm:s6], s5  }
0xa4: {  	_ =	swait.ge [sflag:s7], s5  }
0xa5: {  	s5 =	ssub.s32 $0x0, s5;
	[sflag:s7] =	ssyncset.done $0x0  }
0xa6: {  	[sflag:s7] =	ssyncadd.s32 s5;
	_ =	sdelay $0x1  }
0xa7: {  	s23 =	simm.s32 $0x1B8B  }
0xa8: {  	_ =	swait.ge [sflag:s23], $0x1  }
0xa9: {  	[sflag:s23] =	ssyncset.done $0x0  }
0xaa: {  	[sflag:s23] =	ssyncadd.s32 $0xFFFFFFFF  }
0xab: {  	s5 =	sld [smem:$0x0]  }
0xac: {  	s6 =	sand.u32 $0xFFFFFFFE, s1  }
0xad: {  	p0 =	sne.s32 s1, s6  }
0xae: {  	s6 =	sshll.u32 @p0 s6, $0xE  }
0xaf: {  	s6 =	sadd.s32 @p0 $0x11B8D, s6;
	s7 =	sshll.u32 @p0 s5, $0x11  }
0xb0: {  	s6 =	sor.u32 @p0 s7, s6  }
0xb1: {  	[sflag:s6] =	ssyncadd.remote.s32 @p0 $0x1;
	_ =	sdelay $0x1  }
0xb2: {  	s6 =	simm.s32 @p0 $0x1B8D  }
0xb3: {  	_ =	swait.eq @p0 [sflag:s6], $0x1  }
0xb4: {  	[sflag:s6] =	ssyncadd.s32 @p0 $0xFFFFFFFF  }
0xb5: {  	s7 =	sshll.u32 @!p0 s1, $0xE  }
0xb6: {  	s7 =	sor.u32 @!p0 $0x4000, s7;
	s6 =	simm.s32 @!p0 $0x1B8D  }
0xb7: {  	s5 =	sshll.u32 @!p0 s5, $0x11;
	s7 =	sadd.s32 @!p0 $0x11B8D, s7;
	_ =	swait.eq @!p0 [sflag:s6], $0x1  }
0xb8: {  	s5 =	sor.u32 @!p0 s5, s7;
	[sflag:s6] =	ssyncadd.s32 @!p0 $0xFFFFFFFF  }
0xb9: {  	s25 =	simm.s32 $0x1B8E;
	s24 =	sld [smem:$0x3FFE];
	[sflag:s5] =	ssyncadd.remote.s32 @!p0 $0x1  }
0xba: {  	s26 =	simm.s32 $execute0_lowered;
	[smem:$0x3FD2] =	sst s25  }
0xbb: {  	s6 =	sshll.u32 s26, $0x1;
	_ =	strace $0x80000049;
	[dreg:$0x1] =	wrdreg $0xFFFFFFFF  }
0xbc: {  	s28 =	simm.s32 $_size_execute0_lowered;
	s4 =	sadd.s32 s4, s6;
	[dreg:$0x0] =	wrdreg $0x0  }
0xbd: {  	s6 =	sshll.u32 s28, $0x1;
	[dreg:$0x2] =	wrdreg s4  }
0xbe: {  	[dreg:$0x3] =	wrdreg s6  }
0xbf: {  	[dreg:$0x4] =	wrdreg $0xC0  }
0xc0: {  	_ =	task [dreg:s22], $0x5FFFF  }
0xc1: {  	[dreg:$0x1] =	wrdreg $0xFFFFFFFF  }
0xc2: {  	[dreg:$0x0] =	wrdreg $0x60  }
0xc3: {  	[dreg:$0x2] =	wrdreg s17  }
0xc4: {  	[dreg:$0x3] =	wrdreg s24  }
0xc5: {  	[dreg:$0x4] =	wrdreg $0xB2000  }
0xc6: {  	[dreg:$0x5] =	wrdreg $0xA  }
0xc7: {  	_ =	task.clear_ibuf [dreg:s22], $0x6FFFF;
	_ =	strace $0x90000049  }
0xc8: {  	s29 =	simm.s32 $0xA;
	_ =	strace $0x8000004B  }
0xc9: {  	_ =	swait.ge [sflag:s29], $0x1  }
0xca: {  	[sflag:s29] =	ssyncadd.s32 $0xFFFFFFFF  }
0xcb: {  	_ =	strace $0x9000004B  }
0xcc: {  	_ =	sfence  }
0xcd: {  	s30 =	sld [smem:$0x0];
	_ =	sdelay $0x2  }
0xce: {  	s31 =	sshll.u32 s1, $0xD;
	s1 =	sshrl.u32 s1, $0x2  }
0xcf: {  	s4 =	sand.u32 $0x4000, s31;
	s1 =	sadd.s32 s1, s30  }
0xd0: {  	s0 =	sor.u32 s4, s0;
	s1 =	sshll.u32 s1, $0x11  }
0xd1: {  	s0 =	sor.u32 s1, s0  }
0xd2: {  	s0 =	sadd.s32 $0x8F2B, s0  }
0xd3: {  	[sflag:s0] =	ssyncadd.remote.s32 $0x1  }
0xd4: {  	_ =	sfence.sel $0xFFFF  }
0xd5: {  	[dreg:$0x0] =	wrdreg $0xFFFFFFFF;
	(pc) =	sbr.abs _section_cstart, $3  }
0xd6: {  	[dreg:$0x1] =	wrdreg $0xFFFFFFFF  }
0xd7: {  	_ =	task.clear_ibuf [dreg:s22], $0x2FFFF;
	_ =	strace $0x9FFFFFFF  }
0xd8: {  	(tm) =	ssettm $0x7FFFFFFF  }
0xd9: {  	_ =	shalt  }
tec
execute0_lowered:
.L_overlay_start_1:
0x0: {  	(tag) =	ssettag $0x1  }
0x1: {  	s0 =	rddreg [dreg:$0x1]  }
0x2: {  	s2 =	rddreg [dreg:$0x2];
	s3 =	simm.s32 $0x0  }
0x3: {  	s1 =	srdreg.scid;
	s12 =	stileid.u32;
	s13 =	simm.s32 $0x9  }
0x4: {  	s14 =	simm.s32 $0x80;
	s16 =	simm.s32 $0x3200;
	s18 =	simm.s32 $0x5200  }
0x5: {  	s20 =	simm.s32 $0x7200;
	s22 =	simm.s32 $0x9200;
	s23 =	simm.s32 $0x1  }
0x6: {  	s24 =	simm.s32 $0x40;
	s28 =	simm.s32 $0x4;
	s29 =	simm.s32 $0x5  }
0x7: {  	s30 =	simm.s32 $0x6;
	s31 =	simm.s32 $0x7;
	[smem:$0x7FF] =	sst s3  }
0x8: {  	s1 =	sand.u32 $0x1, s1;
	s4 =	sshll.u32 s12, $0x1;
	s26 =	smul.u32 $0xA000, s12  }
0x9: {  	p0 =	sne.s32 s12, $0x0;
	_ =	strace $0x8000004A;
	s5 =	sor.u32 s1, s4  }
0xa: {  	s4 =	sadd.s32 $0x4E00, s0;
	s6 =	ssub.s32 $0x2, s1;
	s7 =	smul.u32 $0x28000, s5  }
0xb: {  	s0 =	sadd.s32 $0xCCE00, s0;
	s8 =	sshrl.u32 s6, $0x1;
	s5 =	smul.u32 $0xA0, s5  }
0xc: {  	s1 =	smul.u32 $0x5000, s1;
	s12 =	sshrl.u32 @!p0 s2, $0x3;
	s10 =	ssub.s32 s6, s8  }
0xd: {  	s25 =	sshrl.u32 s7, $0x3;
	s5 =	sadd.s32 $0x1400, s5;
	s10 =	smax.u32 s10, $0x1  }
0xe: {  	s9 =	sadd.s32 s0, s25;
	s0 =	sadd.s32 s26, s0;
	s25 =	simm.s32 $0x2  }
0xf: {  	s26 =	simm.s32 $0x3;
	s6 =	sadd.s32 $0x4000, s9;
	s7 =	sadd.s32 $0x4008, s9  }
0x10: {  	s8 =	sadd.s32 $0x4800, s9;
	s9 =	sadd.s32 $0x4808, s9;
	s0 =	sadd.s32 s1, s0  }
0x11: {  	s1 =	simm.s32 $0x0;
	s11 =	sadd.s32 $0x808, s0;
	s0 =	simm.s32 $0x8  }
.LBB2_1:
0x12: {  	s15 =	simm.s32 @!p0 $0x1C09;
	s17 =	rddreg [dreg:$0x0]  }
0x13: {  	[spmem:s12], [sflag:s15] =	dma.local @!p0 [hbm:s17], $0x13880  }
0x14: {  	s15 =	simm.s32 @!p0 $0x9  }
0x15: {  	_ =	swait.ge @!p0 [sflag:s15], $0x13880  }
0x16: {  	[sflag:s15] =	ssyncset.done @!p0 $0x0  }
0x17: {  	[sflag:s15] =	ssyncadd.s32 @!p0 $0xFFFEC780  }
0x18: {  	p1 =	por $0x1, $0x1;
	s15 =	simm.s32 $0x0;
	[bflag:$0x0] =	sbarrier.arrive $0xFFFF  }
.LBB2_2:
0x19: {  	s17 =	smul.u32 $0x50, s15;
	_ =	sdelay $0x1  }
0x1a: {  	s17 =	sadd.s32 s17, s5  }
0x1b: {  	s17 =	sshll.u32 s17, $0x4  }
0x1c: {  	s17 =	sand.u32 $0x1FFFFF00, s17  }
0x1d: {  	s17 =	sadd.s32 s4, s17  }
0x1e: {  	[tilespmem:s3], [sflag:$0x9] =	stream.linear.gather [hbm4b:s17+s3], $0x2800, $0x38;
	[tilespmem:$0x14E40] =	vst v63  }
0x1f: {  	_ =	swait.ge [sflag:s13], $0x2800  }
0x20: {  	[sflag:s13] =	ssyncset.done $0x0  }
0x21: {  	[sflag:s13] =	ssyncadd.s32 $0xFFFFD800  }
0x22: {  	v0 =	vld [tilespmem:$0x0];
	_ =	sdelay $0x1  }
0x23: {  	s21 =	smul.u32 $0x1400, s15;
	_ =	sdelay $0x1  }
0x24: {  	s15 =	sshra.s32 s21, $0x2  }
0x25: {  	[tilespmem:s15+$0x2800] =	vst v0  }
0x26: {  	v0 =	vld [tilespmem:$0x80];
	_ =	sdelay $0x4  }
0x27: {  	[tilespmem:s15+$0x2810] =	vst v0  }
0x28: {  	v0 =	vld [tilespmem:$0x100];
	_ =	sdelay $0x4  }
0x29: {  	[tilespmem:s15+$0x2820] =	vst v0  }
0x2a: {  	v0 =	vld [tilespmem:$0x180];
	_ =	sdelay $0x4  }
0x2b: {  	[tilespmem:s15+$0x2830] =	vst v0  }
0x2c: {  	v0 =	vld [tilespmem:$0x200];
	_ =	sdelay $0x4  }
0x2d: {  	[tilespmem:s15+$0x2840] =	vst v0  }
0x2e: {  	v0 =	vld [tilespmem:$0x280];
	_ =	sdelay $0x4  }
0x2f: {  	[tilespmem:s15+$0x2850] =	vst v0  }
0x30: {  	v0 =	vld [tilespmem:$0x300];
	_ =	sdelay $0x4  }
0x31: {  	[tilespmem:s15+$0x2860] =	vst v0  }
0x32: {  	v0 =	vld [tilespmem:$0x380];
	_ =	sdelay $0x4  }
0x33: {  	[tilespmem:s15+$0x2870] =	vst v0  }
0x34: {  	v0 =	vld [tilespmem:$0x400];
	_ =	sdelay $0x4  }
0x35: {  	[tilespmem:s15+$0x2880] =	vst v0  }
0x36: {  	v0 =	vld [tilespmem:$0x480];
	_ =	sdelay $0x4  }
0x37: {  	[tilespmem:s15+$0x2890] =	vst v0  }
0x38: {  	v0 =	vld [tilespmem:$0x500];
	_ =	sdelay $0x4  }
0x39: {  	[tilespmem:s15+$0x28A0] =	vst v0  }
0x3a: {  	v0 =	vld [tilespmem:$0x580];
	_ =	sdelay $0x4  }
0x3b: {  	[tilespmem:s15+$0x28B0] =	vst v0  }
0x3c: {  	v0 =	vld [tilespmem:$0x600];
	_ =	sdelay $0x4  }
0x3d: {  	[tilespmem:s15+$0x28C0] =	vst v0  }
0x3e: {  	v0 =	vld [tilespmem:$0x680];
	_ =	sdelay $0x4  }
0x3f: {  	[tilespmem:s15+$0x28D0] =	vst v0  }
0x40: {  	v0 =	vld [tilespmem:$0x700];
	_ =	sdelay $0x4  }
0x41: {  	[tilespmem:s15+$0x28E0] =	vst v0  }
0x42: {  	v0 =	vld [tilespmem:$0x780];
	_ =	sdelay $0x4  }
0x43: {  	[tilespmem:s15+$0x28F0] =	vst v0  }
0x44: {  	v0 =	vld [tilespmem:$0x800];
	_ =	sdelay $0x4  }
0x45: {  	[tilespmem:s15+$0x2900] =	vst v0  }
0x46: {  	v0 =	vld [tilespmem:$0x880];
	_ =	sdelay $0x4  }
0x47: {  	[tilespmem:s15+$0x2910] =	vst v0  }
0x48: {  	v0 =	vld [tilespmem:$0x900];
	_ =	sdelay $0x4  }
0x49: {  	[tilespmem:s15+$0x2920] =	vst v0  }
0x4a: {  	v0 =	vld [tilespmem:$0x980];
	_ =	sdelay $0x4  }
0x4b: {  	[tilespmem:s15+$0x2930] =	vst v0  }
0x4c: {  	v0 =	vld [tilespmem:$0xA00];
	_ =	sdelay $0x4  }
0x4d: {  	[tilespmem:s15+$0x2940] =	vst v0  }
0x4e: {  	v0 =	vld [tilespmem:$0xA80];
	_ =	sdelay $0x4  }
0x4f: {  	[tilespmem:s15+$0x2950] =	vst v0  }
0x50: {  	v0 =	vld [tilespmem:$0xB00];
	_ =	sdelay $0x4  }
0x51: {  	[tilespmem:s15+$0x2960] =	vst v0  }
0x52: {  	v0 =	vld [tilespmem:$0xB80];
	_ =	sdelay $0x4  }
0x53: {  	[tilespmem:s15+$0x2970] =	vst v0  }
0x54: {  	v0 =	vld [tilespmem:$0xC00];
	_ =	sdelay $0x4  }
0x55: {  	[tilespmem:s15+$0x2980] =	vst v0  }
0x56: {  	v0 =	vld [tilespmem:$0xC80];
	_ =	sdelay $0x4  }
0x57: {  	[tilespmem:s15+$0x2990] =	vst v0  }
0x58: {  	v0 =	vld [tilespmem:$0xD00];
	_ =	sdelay $0x4  }
0x59: {  	[tilespmem:s15+$0x29A0] =	vst v0  }
0x5a: {  	v0 =	vld [tilespmem:$0xD80];
	_ =	sdelay $0x4  }
0x5b: {  	[tilespmem:s15+$0x29B0] =	vst v0  }
0x5c: {  	v0 =	vld [tilespmem:$0xE00];
	_ =	sdelay $0x4  }
0x5d: {  	[tilespmem:s15+$0x29C0] =	vst v0  }
0x5e: {  	v0 =	vld [tilespmem:$0xE80];
	_ =	sdelay $0x4  }
0x5f: {  	[tilespmem:s15+$0x29D0] =	vst v0  }
0x60: {  	v0 =	vld [tilespmem:$0xF00];
	_ =	sdelay $0x4  }
0x61: {  	[tilespmem:s15+$0x29E0] =	vst v0  }
0x62: {  	v0 =	vld [tilespmem:$0xF80];
	_ =	sdelay $0x4  }
0x63: {  	[tilespmem:s15+$0x29F0] =	vst v0  }
0x64: {  	v0 =	vld [tilespmem:$0x1000];
	_ =	sdelay $0x4  }
0x65: {  	[tilespmem:s15+$0x2A00] =	vst v0  }
0x66: {  	v0 =	vld [tilespmem:$0x1080];
	_ =	sdelay $0x4  }
0x67: {  	[tilespmem:s15+$0x2A10] =	vst v0  }
0x68: {  	v0 =	vld [tilespmem:$0x1100];
	_ =	sdelay $0x4  }
0x69: {  	[tilespmem:s15+$0x2A20] =	vst v0  }
0x6a: {  	v0 =	vld [tilespmem:$0x1180];
	_ =	sdelay $0x4  }
0x6b: {  	[tilespmem:s15+$0x2A30] =	vst v0  }
0x6c: {  	v0 =	vld [tilespmem:$0x1200];
	_ =	sdelay $0x4  }
0x6d: {  	[tilespmem:s15+$0x2A40] =	vst v0  }
0x6e: {  	v0 =	vld [tilespmem:$0x1280];
	_ =	sdelay $0x4  }
0x6f: {  	[tilespmem:s15+$0x2A50] =	vst v0  }
0x70: {  	v0 =	vld [tilespmem:$0x1300];
	_ =	sdelay $0x4  }
0x71: {  	[tilespmem:s15+$0x2A60] =	vst v0  }
0x72: {  	v0 =	vld [tilespmem:$0x1380];
	_ =	sdelay $0x4  }
0x73: {  	[tilespmem:s15+$0x2A70] =	vst v0  }
0x74: {  	v0 =	vld [tilespmem:$0x1400];
	_ =	sdelay $0x4  }
0x75: {  	[tilespmem:s15+$0x2A80] =	vst v0  }
0x76: {  	v0 =	vld [tilespmem:$0x1480];
	_ =	sdelay $0x4  }
0x77: {  	[tilespmem:s15+$0x2A90] =	vst v0  }
0x78: {  	v0 =	vld [tilespmem:$0x1500];
	_ =	sdelay $0x4  }
0x79: {  	[tilespmem:s15+$0x2AA0] =	vst v0  }
0x7a: {  	v0 =	vld [tilespmem:$0x1580];
	_ =	sdelay $0x4  }
0x7b: {  	[tilespmem:s15+$0x2AB0] =	vst v0  }
0x7c: {  	v0 =	vld [tilespmem:$0x1600];
	_ =	sdelay $0x4  }
0x7d: {  	[tilespmem:s15+$0x2AC0] =	vst v0  }
0x7e: {  	v0 =	vld [tilespmem:$0x1680];
	_ =	sdelay $0x4  }
0x7f: {  	[tilespmem:s15+$0x2AD0] =	vst v0  }
0x80: {  	v0 =	vld [tilespmem:$0x1700];
	_ =	sdelay $0x4  }
0x81: {  	[tilespmem:s15+$0x2AE0] =	vst v0  }
0x82: {  	v0 =	vld [tilespmem:$0x1780];
	_ =	sdelay $0x4  }
0x83: {  	[tilespmem:s15+$0x2AF0] =	vst v0  }
0x84: {  	v0 =	vld [tilespmem:$0x1800];
	_ =	sdelay $0x4  }
0x85: {  	[tilespmem:s15+$0x2B00] =	vst v0  }
0x86: {  	v0 =	vld [tilespmem:$0x1880];
	_ =	sdelay $0x4  }
0x87: {  	[tilespmem:s15+$0x2B10] =	vst v0  }
0x88: {  	v0 =	vld [tilespmem:$0x1900];
	_ =	sdelay $0x4  }
0x89: {  	[tilespmem:s15+$0x2B20] =	vst v0  }
0x8a: {  	v0 =	vld [tilespmem:$0x1980];
	_ =	sdelay $0x4  }
0x8b: {  	[tilespmem:s15+$0x2B30] =	vst v0  }
0x8c: {  	v0 =	vld [tilespmem:$0x1A00];
	_ =	sdelay $0x4  }
0x8d: {  	[tilespmem:s15+$0x2B40] =	vst v0  }
0x8e: {  	v0 =	vld [tilespmem:$0x1A80];
	_ =	sdelay $0x4  }
0x8f: {  	[tilespmem:s15+$0x2B50] =	vst v0  }
0x90: {  	v0 =	vld [tilespmem:$0x1B00];
	_ =	sdelay $0x4  }
0x91: {  	[tilespmem:s15+$0x2B60] =	vst v0  }
0x92: {  	v0 =	vld [tilespmem:$0x1B80];
	_ =	sdelay $0x4  }
0x93: {  	[tilespmem:s15+$0x2B70] =	vst v0  }
0x94: {  	v0 =	vld [tilespmem:$0x1C00];
	_ =	sdelay $0x4  }
0x95: {  	[tilespmem:s15+$0x2B80] =	vst v0  }
0x96: {  	v0 =	vld [tilespmem:$0x1C80];
	_ =	sdelay $0x4  }
0x97: {  	[tilespmem:s15+$0x2B90] =	vst v0  }
0x98: {  	v0 =	vld [tilespmem:$0x1D00];
	_ =	sdelay $0x4  }
0x99: {  	[tilespmem:s15+$0x2BA0] =	vst v0  }
0x9a: {  	v0 =	vld [tilespmem:$0x1D80];
	_ =	sdelay $0x4  }
0x9b: {  	[tilespmem:s15+$0x2BB0] =	vst v0  }
0x9c: {  	v0 =	vld [tilespmem:$0x1E00];
	_ =	sdelay $0x4  }
0x9d: {  	[tilespmem:s15+$0x2BC0] =	vst v0  }
0x9e: {  	v0 =	vld [tilespmem:$0x1E80];
	_ =	sdelay $0x4  }
0x9f: {  	[tilespmem:s15+$0x2BD0] =	vst v0  }
0xa0: {  	v0 =	vld [tilespmem:$0x1F00];
	_ =	sdelay $0x4  }
0xa1: {  	[tilespmem:s15+$0x2BE0] =	vst v0  }
0xa2: {  	v0 =	vld [tilespmem:$0x1F80];
	_ =	sdelay $0x4  }
0xa3: {  	[tilespmem:s15+$0x2BF0] =	vst v0  }
0xa4: {  	v0 =	vld [tilespmem:$0x2000];
	_ =	sdelay $0x4  }
0xa5: {  	[tilespmem:s15+$0x2C00] =	vst v0  }
0xa6: {  	v0 =	vld [tilespmem:$0x2080];
	_ =	sdelay $0x4  }
0xa7: {  	[tilespmem:s15+$0x2C10] =	vst v0  }
0xa8: {  	v0 =	vld [tilespmem:$0x2100];
	_ =	sdelay $0x4  }
0xa9: {  	[tilespmem:s15+$0x2C20] =	vst v0  }
0xaa: {  	v0 =	vld [tilespmem:$0x2180];
	_ =	sdelay $0x4  }
0xab: {  	[tilespmem:s15+$0x2C30] =	vst v0  }
0xac: {  	v0 =	vld [tilespmem:$0x2200];
	_ =	sdelay $0x4  }
0xad: {  	[tilespmem:s15+$0x2C40] =	vst v0  }
0xae: {  	v0 =	vld [tilespmem:$0x2280];
	_ =	sdelay $0x4  }
0xaf: {  	[tilespmem:s15+$0x2C50] =	vst v0  }
0xb0: {  	v0 =	vld [tilespmem:$0x2300];
	_ =	sdelay $0x4  }
0xb1: {  	[tilespmem:s15+$0x2C60] =	vst v0  }
0xb2: {  	v0 =	vld [tilespmem:$0x2380];
	_ =	sdelay $0x4  }
0xb3: {  	[tilespmem:s15+$0x2C70] =	vst v0  }
0xb4: {  	v0 =	vld [tilespmem:$0x2400];
	_ =	sdelay $0x4  }
0xb5: {  	[tilespmem:s15+$0x2C80] =	vst v0  }
0xb6: {  	v0 =	vld [tilespmem:$0x2480];
	_ =	sdelay $0x4  }
0xb7: {  	[tilespmem:s15+$0x2C90] =	vst v0  }
0xb8: {  	v0 =	vld [tilespmem:$0x2500];
	_ =	sdelay $0x4  }
0xb9: {  	[tilespmem:s15+$0x2CA0] =	vst v0  }
0xba: {  	v0 =	vld [tilespmem:$0x2580];
	_ =	sdelay $0x4  }
0xbb: {  	[tilespmem:s15+$0x2CB0] =	vst v0  }
0xbc: {  	v0 =	vld [tilespmem:$0x2600];
	_ =	sdelay $0x4  }
0xbd: {  	[tilespmem:s15+$0x2CC0] =	vst v0  }
0xbe: {  	v0 =	vld [tilespmem:$0x2680];
	_ =	sdelay $0x4  }
0xbf: {  	[tilespmem:s15+$0x2CD0] =	vst v0  }
0xc0: {  	v0 =	vld [tilespmem:$0x2700];
	_ =	sdelay $0x4  }
0xc1: {  	[tilespmem:s15+$0x2CE0] =	vst v0  }
0xc2: {  	p2 =	por p1, p1;
	v0 =	vld [tilespmem:$0x2780]  }
.Ltmp0:
0xc3: {  	_ = 	snop;
	(pc) =	sbr.rel @p2 .LBB2_2-.Ltmp0, $2  }
0xc4: {  	_ =	sdelay $0x2  }
0xc5: {  	p1 =	por $0x0, $0x0;
	[tilespmem:s15+$0x2CF0] =	vst v0;
	s15 =	simm.s32 $0x1  }
0xc6: {  	s15 =	simm.s32 $0x2800  }
0xc7: {  	[tilespmem:s16], [sflag:$0x1] =	stream.indirect.gather [spmem:s2], $0x40, s15, s14, $0xb8;
	[tilespmem:$0x14E40] =	vst v63  }
0xc8: {  	s17 =	simm.s32 $0x2880  }
0xc9: {  	[tilespmem:s18], [sflag:$0x2] =	stream.indirect.gather [spmem:s2], $0x40, s17, s14, $0xb8;
	[tilespmem:$0x14E40] =	vst v63  }
0xca: {  	s19 =	simm.s32 $0x2900  }
0xcb: {  	[tilespmem:s20], [sflag:$0x3] =	stream.indirect.gather [spmem:s2], $0x40, s19, s14, $0xb8;
	[tilespmem:$0x14E40] =	vst v63  }
0xcc: {  	s21 =	simm.s32 $0x2980  }
0xcd: {  	[tilespmem:s22], [sflag:$0x4] =	stream.indirect.gather [spmem:s2], $0x40, s21, s14, $0xb8;
	[tilespmem:$0x14E40] =	vst v63  }
0xce: {  	_ =	swait.ge [sflag:s23], $0x2000  }
0xcf: {  	[sflag:s23] =	ssyncset.done $0x0  }
0xd0: {  	s17 =	sadd.s32 $0xFFFFF7F8, s11;
	[sflag:s23] =	ssyncadd.s32 $0xFFFFE000  }
0xd1: {  	[hbm4b:s17+s24] =	stream.strided.scatter [tilespmem:s16], [sflag:$0x5], $0x2000, s14, s24, $0x38;
	[tilespmem:$0x14E40] =	vst v63  }
0xd2: {  	_ =	swait.ge [sflag:s25], $0x2000  }
0xd3: {  	[sflag:s25] =	ssyncset.done $0x0  }
0xd4: {  	s19 =	sadd.s32 $0xFFFFF800, s11;
	[sflag:s25] =	ssyncadd.s32 $0xFFFFE000  }
0xd5: {  	[hbm4b:s19+s24] =	stream.strided.scatter [tilespmem:s18], [sflag:$0x6], $0x2000, s14, s24, $0x38;
	[tilespmem:$0x14E40] =	vst v63  }
0xd6: {  	_ =	swait.ge [sflag:s26], $0x2000  }
0xd7: {  	[sflag:s26] =	ssyncset.done $0x0  }
0xd8: {  	s21 =	sadd.s32 $0xFFFFFFF8, s11;
	[sflag:s26] =	ssyncadd.s32 $0xFFFFE000  }
0xd9: {  	[hbm4b:s21+s24] =	stream.strided.scatter [tilespmem:s20], [sflag:$0x7], $0x2000, s14, s24, $0x38;
	[tilespmem:$0x14E40] =	vst v63  }
0xda: {  	_ =	swait.ge [sflag:s28], $0x2000  }
0xdb: {  	[sflag:s28] =	ssyncset.done $0x0  }
0xdc: {  	[sflag:s28] =	ssyncadd.s32 $0xFFFFE000  }
0xdd: {  	[hbm4b:s11+s24] =	stream.strided.scatter [tilespmem:s22], [sflag:$0x8], $0x2000, s14, s24, $0x38;
	[tilespmem:$0x14E40] =	vst v63  }
0xde: {  	_ =	swait.ge [sflag:s29], $0x2000  }
0xdf: {  	[sflag:s29] =	ssyncset.done $0x0  }
0xe0: {  	s17 =	simm.s32 $0x2A00;
	[sflag:s29] =	ssyncadd.s32 $0xFFFFE000  }
0xe1: {  	[tilespmem:s16], [sflag:$0x1] =	stream.indirect.gather [spmem:s2], $0x40, s17, s14, $0xb8;
	[tilespmem:$0x14E40] =	vst v63  }
0xe2: {  	_ =	swait.ge [sflag:s30], $0x2000  }
0xe3: {  	[sflag:s30] =	ssyncset.done $0x0  }
0xe4: {  	s19 =	simm.s32 $0x2A80;
	[sflag:s30] =	ssyncadd.s32 $0xFFFFE000  }
0xe5: {  	[tilespmem:s18], [sflag:$0x2] =	stream.indirect.gather [spmem:s2], $0x40, s19, s14, $0xb8;
	[tilespmem:$0x14E40] =	vst v63  }
0xe6: {  	_ =	swait.ge [sflag:s31], $0x2000  }
0xe7: {  	[sflag:s31] =	ssyncset.done $0x0  }
0xe8: {  	s21 =	simm.s32 $0x2B00;
	[sflag:s31] =	ssyncadd.s32 $0xFFFFE000  }
0xe9: {  	[tilespmem:s20], [sflag:$0x3] =	stream.indirect.gather [spmem:s2], $0x40, s21, s14, $0xb8;
	[tilespmem:$0x14E40] =	vst v63  }
0xea: {  	_ =	swait.ge [sflag:s0], $0x2000  }
0xeb: {  	s15 =	simm.s32 $0x800;
	[sflag:s0] =	ssyncset.done $0x0  }
0xec: {  	s17 =	sadd.s32 $0x1000, s11;
	s19 =	simm.s32 $0x2B80;
	[sflag:s0] =	ssyncadd.s32 $0xFFFFE000  }
.LBB2_4:
0xed: {  	[tilespmem:s22], [sflag:$0x4] =	stream.indirect.gather [spmem:s2], $0x40, s19, s14, $0xb8;
	[tilespmem:$0x14E40] =	vst v63  }
0xee: {  	s19 =	smov.u32 s15  }
0xef: {  	p1 =	sne.s32 s15, $0x1800;
	s15 =	sadd.s32 $0x800, s15;
	_ =	swait.ge [sflag:s23], $0x2000  }
0xf0: {  	[sflag:s23] =	ssyncset.done $0x0  }
0xf1: {  	s21 =	sadd.s32 $0xFFFFF7F8, s17;
	[sflag:s23] =	ssyncadd.s32 $0xFFFFE000  }
0xf2: {  	[hbm4b:s21+s24] =	stream.strided.scatter [tilespmem:s16], [sflag:$0x5], $0x2000, s14, s24, $0x38;
	[tilespmem:$0x14E40] =	vst v63  }
0xf3: {  	_ =	swait.ge [sflag:s25], $0x2000  }
0xf4: {  	[sflag:s25] =	ssyncset.done $0x0  }
0xf5: {  	s21 =	sadd.s32 $0xFFFFF800, s17;
	[sflag:s25] =	ssyncadd.s32 $0xFFFFE000  }
0xf6: {  	[hbm4b:s21+s24] =	stream.strided.scatter [tilespmem:s18], [sflag:$0x6], $0x2000, s14, s24, $0x38;
	[tilespmem:$0x14E40] =	vst v63  }
0xf7: {  	_ =	swait.ge [sflag:s26], $0x2000  }
0xf8: {  	[sflag:s26] =	ssyncset.done $0x0  }
0xf9: {  	s21 =	sadd.s32 $0xFFFFFFF8, s17;
	[sflag:s26] =	ssyncadd.s32 $0xFFFFE000  }
0xfa: {  	[hbm4b:s21+s24] =	stream.strided.scatter [tilespmem:s20], [sflag:$0x7], $0x2000, s14, s24, $0x38;
	[tilespmem:$0x14E40] =	vst v63  }
0xfb: {  	_ =	swait.ge [sflag:s28], $0x2000  }
0xfc: {  	[sflag:s28] =	ssyncset.done $0x0  }
0xfd: {  	[sflag:s28] =	ssyncadd.s32 $0xFFFFE000  }
0xfe: {  	[hbm4b:s17+s24] =	stream.strided.scatter [tilespmem:s22], [sflag:$0x8], $0x2000, s14, s24, $0x38;
	[tilespmem:$0x14E40] =	vst v63  }
0xff: {  	_ =	swait.ge [sflag:s29], $0x2000  }
0x100: {  	s19 =	sshra.s32 s19, $0x2;
	[sflag:s29] =	ssyncset.done $0x0  }
0x101: {  	s21 =	sadd.s32 $0x2A00, s19;
	[sflag:s29] =	ssyncadd.s32 $0xFFFFE000  }
0x102: {  	[tilespmem:s16], [sflag:$0x1] =	stream.indirect.gather [spmem:s2], $0x40, s21, s14, $0xb8;
	[tilespmem:$0x14E40] =	vst v63  }
0x103: {  	_ =	swait.ge [sflag:s30], $0x2000  }
0x104: {  	[sflag:s30] =	ssyncset.done $0x0  }
0x105: {  	s21 =	sadd.s32 $0x2A80, s19;
	[sflag:s30] =	ssyncadd.s32 $0xFFFFE000  }
0x106: {  	[tilespmem:s18], [sflag:$0x2] =	stream.indirect.gather [spmem:s2], $0x40, s21, s14, $0xb8;
	[tilespmem:$0x14E40] =	vst v63  }
0x107: {  	_ =	swait.ge [sflag:s31], $0x2000  }
0x108: {  	[sflag:s31] =	ssyncset.done $0x0  }
.Ltmp1:
0x109: {  	s21 =	sadd.s32 $0x2B00, s19;
	[sflag:s31] =	ssyncadd.s32 $0xFFFFE000;
	(pc) =	sbr.rel @p1 .LBB2_4-.Ltmp1, $4  }
0x10a: {  	[tilespmem:s20], [sflag:$0x3] =	stream.indirect.gather [spmem:s2], $0x40, s21, s14, $0xb8;
	[tilespmem:$0x14E40] =	vst v63  }
0x10b: {  	_ =	swait.ge [sflag:s0], $0x2000  }
0x10c: {  	[sflag:s0] =	ssyncset.done $0x0  }
0x10d: {  	s17 =	sadd.s32 $0x1000, s17;
	s19 =	sadd.s32 $0x2B80, s19;
	[sflag:s0] =	ssyncadd.s32 $0xFFFFE000  }
0x10e: {  	[tilespmem:s22], [sflag:$0x4] =	stream.indirect.gather [spmem:s2], $0x40, s19, s14, $0xb8;
	[tilespmem:$0x14E40] =	vst v63  }
0x10f: {  	_ =	swait.ge [sflag:s23], $0x2000  }
0x110: {  	[sflag:s23] =	ssyncset.done $0x0  }
0x111: {  	[sflag:s23] =	ssyncadd.s32 $0xFFFFE000  }
0x112: {  	[hbm4b:s6+s24] =	stream.strided.scatter [tilespmem:s16], [sflag:$0x5], $0x2000, s14, s24, $0x38;
	[tilespmem:$0x14E40] =	vst v63  }
0x113: {  	_ =	swait.ge [sflag:s25], $0x2000  }
0x114: {  	[sflag:s25] =	ssyncset.done $0x0  }
0x115: {  	[sflag:s25] =	ssyncadd.s32 $0xFFFFE000  }
0x116: {  	[hbm4b:s7+s24] =	stream.strided.scatter [tilespmem:s18], [sflag:$0x6], $0x2000, s14, s24, $0x38;
	[tilespmem:$0x14E40] =	vst v63  }
0x117: {  	_ =	swait.ge [sflag:s26], $0x2000  }
0x118: {  	[sflag:s26] =	ssyncset.done $0x0  }
0x119: {  	[sflag:s26] =	ssyncadd.s32 $0xFFFFE000  }
0x11a: {  	[hbm4b:s8+s24] =	stream.strided.scatter [tilespmem:s20], [sflag:$0x7], $0x2000, s14, s24, $0x38;
	[tilespmem:$0x14E40] =	vst v63  }
0x11b: {  	_ =	swait.ge [sflag:s28], $0x2000  }
0x11c: {  	[sflag:s28] =	ssyncset.done $0x0  }
0x11d: {  	[sflag:s28] =	ssyncadd.s32 $0xFFFFE000  }
0x11e: {  	[hbm4b:s9+s24] =	stream.strided.scatter [tilespmem:s22], [sflag:$0x8], $0x2000, s14, s24, $0x38;
	[tilespmem:$0x14E40] =	vst v63  }
0x11f: {  	_ =	swait.ge [sflag:s29], $0x2000  }
0x120: {  	[sflag:s29] =	ssyncset.done $0x0  }
0x121: {  	[sflag:s29] =	ssyncadd.s32 $0xFFFFE000  }
0x122: {  	_ =	swait.ge [sflag:s30], $0x2000  }
0x123: {  	[sflag:s30] =	ssyncset.done $0x0  }
0x124: {  	s1 =	sadd.s32 $0x1, s1;
	[sflag:s30] =	ssyncadd.s32 $0xFFFFE000  }
0x125: {  	p1 =	sne.s32 s1, s10;
	_ =	swait.ge [sflag:s31], $0x2000  }
.Ltmp2:
0x126: {  	[sflag:s31] =	ssyncset.done $0x0;
	(pc) =	sbr.rel @p1 .LBB2_1-.Ltmp2, $4  }
0x127: {  	[sflag:s31] =	ssyncadd.s32 $0xFFFFE000  }
0x128: {  	_ =	swait.ge [sflag:s0], $0x2000  }
0x129: {  	[sflag:s0] =	ssyncset.done $0x0  }
0x12a: {  	[sflag:s0] =	ssyncadd.s32 $0xFFFFE000  }
0x12b: {  	_ =	sfence.sel $0x180000  }
0x12c: {  	[bflag:$0x0] =	sbarrier.arrive $0xFFFF  }
0x12d: {  	_ =	strace $0x9000004A  }
0x12e: {  	[bflag:$0x2] =	sbarrier.arrive $0xFFFF  }
0x12f: {  	s0 =	rddreg [dreg:$0x3]  }
0x130: {  	s0 =	sadd.s32 @!p0 $0x100000, s0  }
0x131: {  	[sflag:s0] =	ssyncadd.tile.s32 @!p0 $0x1;
	_ =	shalt  }
.Lfunc_end2:
_tile_overlayer_lowered:
.L_overlay_start_2:
0x132: {  	(tag) =	ssettag $0x2  }
0x133: {  	s0 =	rddreg [dreg:$0x0];
	s2 =	stileid.u32  }
0x134: {  	s1 =	rddreg [dreg:$0x1];
	p0 =	sne.s32 s2, $0x0  }
0x135: {  	s3 =	rddreg [dreg:$0x2];
	[bflag:$0x3] =	sbarrier.arrive $0xFFFF;
	s2 =	simm.s32 @!p0 $0x1C09  }
0x136: {  	[timem:s3], [sflag:s2] =	dma.local @!p0 [hbm:s0], s1  }
0x137: {  	s0 =	simm.s32 @!p0 $0x9  }
0x138: {  	_ =	swait.ge @!p0 [sflag:s0], s1  }
0x139: {  	s1 =	ssub.s32 @!p0 $0x0, s1;
	[sflag:s0] =	ssyncset.done @!p0 $0x0  }
0x13a: {  	[sflag:s0] =	ssyncadd.s32 @!p0 s1  }
0x13b: {  	[bflag:$0x3] =	sbarrier.arrive $0xFFFF  }
0x13c: {  	_ =	shalt  }

</sc_bundles>
